<compile_context>
chip_gen: v7x
topology: tpu7x:2x2x1
jax: 0.10.2.dev20260603
libtpu: 0.0.44.dev20260713+nightly
codegen_flags: <defaults>
</compile_context>

<pallas_src>
import functools

import numpy as np

import jax
import jax.numpy as jnp
from jax import lax
from jax.experimental import pallas as pl
from jax.experimental.pallas import tpu as pltpu
from jax.experimental.pallas import tpu_sc as plsc

_NIN = 256
_NOU = 128
_ET = 4
_N = 10000
_K = 16
_D = _NOU * _ET
_DG = _D // 2
_DGE = _NOU // 2

_PERM = np.concatenate([np.arange(0, _NOU, 2), np.arange(1, _NOU, 2)])
_PERM512 = (np.arange(_ET)[:, None] * _NOU + _PERM[None, :]).reshape(-1)
_INV_PERM = np.argsort(_PERM)

_NB_MM = 2000


def _mm_body(x_ref, wn_ref, we_ref, efa_ref, efb_ref, s_ref):
    xb = x_ref[...]
    dn = (((1,), (0,)), ((), ()))
    nf = lax.dot_general(xb, wn_ref[...], dn, preferred_element_type=jnp.float32)
    ef = lax.dot_general(xb, we_ref[...], dn, preferred_element_type=jnp.float32)
    def rne(v):
        b = lax.bitcast_convert_type(v, jnp.int32)
        return b + 0x7FFF + ((b >> 16) & 1)

    for e in range(_ET):
        lo = (rne(ef[:, e * _NOU:e * _NOU + _DGE]) >> 16) & 0xFFFF
        hi = rne(ef[:, e * _NOU + _DGE:(e + 1) * _NOU]) & jnp.int32(-65536)
        ref = efa_ref if e < 2 else efb_ref
        ref[:, (e % 2) * _DGE:((e % 2) + 1) * _DGE] = lo | hi
    s_ref[...] = nf + ef


def _matmul(x, wn, we):
    return pl.pallas_call(
        _mm_body,
        grid=(_N // _NB_MM,),
        in_specs=[
            pl.BlockSpec((_NB_MM, _NIN), lambda i: (i, 0)),
            pl.BlockSpec((_NIN, _D), lambda i: (0, 0)),
            pl.BlockSpec((_NIN, _D), lambda i: (0, 0)),
        ],
        out_specs=[
            pl.BlockSpec((_NB_MM, _NOU), lambda i: (i, 0)),
            pl.BlockSpec((_NB_MM, _NOU), lambda i: (i, 0)),
            pl.BlockSpec((_NB_MM, _D), lambda i: (i, 0)),
        ],
        out_shape=[
            jax.ShapeDtypeStruct((_N, _NOU), jnp.int32),
            jax.ShapeDtypeStruct((_N, _NOU), jnp.int32),
            jax.ShapeDtypeStruct((_N, _D), jnp.float32),
        ],
    )(x, wn, we)


_NC = 2
_NS = 16
_NW = _NC * _NS
_KH = _K // 2
_CH = 120
_NCHUNK = 21
_NOUTER = _NCHUNK // 3
_BPW = _CH * _NCHUNK
_EPH = _BPW * _NW
_NPAD = _EPH // _KH


def _make_gather():
    mesh = plsc.VectorSubcoreMesh(core_axis_name="c", subcore_axis_name="s")

    @functools.partial(
        pl.kernel,
        mesh=mesh,
        out_type=[
            jax.ShapeDtypeStruct((_EPH, _NOU), jnp.int32),
            jax.ShapeDtypeStruct((_EPH, _NOU), jnp.int32),
        ],
        scratch_types=[
            pltpu.VMEM((_BPW,), jnp.int32),
            pltpu.VMEM((3, _CH, _NOU), jnp.int32),
            pltpu.VMEM((3, _CH, _NOU), jnp.int32),
            pltpu.SemaphoreType.DMA((3,)),
            pltpu.SemaphoreType.DMA((3,)),
        ],
    )
    def gather_k(ta_hbm, tb_hbm, idx_hbm, oa_hbm, ob_hbm, idx_v, ra_v, rb_v, gsem, wsem):
        wid = lax.axis_index("s") * _NC + lax.axis_index("c")
        base = wid * _BPW
        pltpu.sync_copy(idx_hbm.at[pl.ds(base, _BPW)], idx_v)

        def fire_gather(g, slot):
            sl = idx_v.at[pl.ds(g * _CH, _CH)]
            pltpu.async_copy(ta_hbm.at[sl], ra_v.at[slot], gsem.at[slot])
            pltpu.async_copy(tb_hbm.at[sl], rb_v.at[slot], gsem.at[slot])

        def wait_gather(g, slot):
            sl = idx_v.at[pl.ds(g * _CH, _CH)]
            pltpu.make_async_copy(ta_hbm.at[sl], ra_v.at[slot], gsem.at[slot]).wait()
            pltpu.make_async_copy(tb_hbm.at[sl], rb_v.at[slot], gsem.at[slot]).wait()

        def fire_write(g, slot):
            dst = pl.ds(base + g * _CH, _CH)
            pltpu.async_copy(ra_v.at[slot], oa_hbm.at[dst], wsem.at[slot])
            pltpu.async_copy(rb_v.at[slot], ob_hbm.at[dst], wsem.at[slot])

        def wait_write(slot):
            pltpu.make_async_copy(
                ra_v.at[slot], oa_hbm.at[pl.ds(0, _CH)], wsem.at[slot]
            ).wait()
            pltpu.make_async_copy(
                rb_v.at[slot], ob_hbm.at[pl.ds(0, _CH)], wsem.at[slot]
            ).wait()

        fire_gather(0, 0)
        fire_gather(1, 1)

        def outer(g3, carry):
            for b in range(3):
                g = g3 * 3 + b
                wait_gather(g, b)
                fire_write(g, b)
                nxt = (b + 2) % 3
                if b == 0:
                    @pl.when(g3 >= 1)
                    def _():
                        wait_write(nxt)
                    fire_gather(g + 2, nxt)
                else:
                    @pl.when(g3 < _NOUTER - 1)
                    def _():
                        wait_write(nxt)
                        fire_gather(g + 2, nxt)
            return carry

        lax.fori_loop(0, _NOUTER, outer, 0)
        for b in range(3):
            wait_write(b)

    return gather_k


_gather_cache = []


def _gather(table_a, table_b, idx):
    if not _gather_cache:
        _gather_cache.append(_make_gather())
    return _gather_cache[0](table_a, table_b, idx)


_NB_E = 200


def _edge_body(koff, s_ref, pa_ref, pb_ref, et_ref, bias_ref, out_ref):
    s = s_ref[...]
    et4 = et_ref[0]
    m_lo = m_hi = None
    for k in range(_KH):
        pka = pa_ref[k]
        pkb = pb_ref[k]
        t_lo = jnp.zeros((_NB_E, _DGE), jnp.float32)
        t_hi = jnp.zeros((_NB_E, _DGE), jnp.float32)
        for e in range(_ET):
            w = et4[e, :, koff + k:koff + k + 1]
            pk = pka if e < 2 else pkb
            word = pk[:, (e % 2) * _DGE:((e % 2) + 1) * _DGE]
            lo = lax.bitcast_convert_type(word << 16, jnp.float32)
            hi = lax.bitcast_convert_type(word & jnp.int32(-65536), jnp.float32)
            t_lo = t_lo + w * (s[:, e * _NOU:e * _NOU + _DGE] - lo)
            t_hi = t_hi + w * (s[:, e * _NOU + _DGE:(e + 1) * _NOU] - hi)
        if m_lo is None:
            m_lo, m_hi = t_lo, t_hi
        else:
            m_lo = jnp.maximum(m_lo, t_lo)
            m_hi = jnp.maximum(m_hi, t_hi)
    b = bias_ref[...]
    out_ref[:, :_DGE] = m_lo + b[:, :_DGE]
    out_ref[:, _DGE:] = m_hi + b[:, _DGE:]


def _edge(s, pts_a, pts_b, etype, bias2d, koff):
    return pl.pallas_call(
        functools.partial(_edge_body, koff),
        grid=(_N // _NB_E,),
        in_specs=[
            pl.BlockSpec((_NB_E, _D), lambda i: (i, 0)),
            pl.BlockSpec((_KH, _NB_E, _NOU), lambda i: (0, i, 0)),
            pl.BlockSpec((_KH, _NB_E, _NOU), lambda i: (0, i, 0)),
            pl.BlockSpec((1, _ET, _NB_E, _K), lambda i: (0, 0, i, 0)),
            pl.BlockSpec((1, _NOU), lambda i: (0, 0)),
        ],
        out_specs=pl.BlockSpec((_NB_E, _NOU), lambda i: (i, 0)),
        out_shape=jax.ShapeDtypeStruct((_N, _NOU), jnp.float32),
    )(s, pts_a, pts_b, etype, bias2d)


def _bn_body(o1_ref, o2_ref, g_ref, b_ref, out_ref):
    o = jnp.maximum(o1_ref[...], o2_ref[...])
    mean = jnp.mean(o, axis=0, keepdims=True)
    ctr = o - mean
    var = jnp.mean(ctr * ctr, axis=0, keepdims=True)
    y = ctr * lax.rsqrt(var + 1e-5) * g_ref[...] + b_ref[...]
    out_ref[...] = jnp.maximum(y, 0.0).T


def _bn(o1, o2, g, b):
    return pl.pallas_call(
        _bn_body,
        out_shape=jax.ShapeDtypeStruct((_NOU, _N), jnp.float32),
    )(o1, o2, g, b)


def kernel(x, nn_idx, etype, filters1, filters2, bias, bn_gamma, bn_beta):
    wn = jnp.transpose(filters1, (0, 2, 1)).reshape(_NIN, _D)[:, _PERM512]
    we = jnp.transpose(filters2, (0, 2, 1)).reshape(_NIN, _D)[:, _PERM512]
    ef_a, ef_b, s = _matmul(jnp.transpose(x.reshape(_NIN, _N)), wn, we)

    pad = (jnp.arange(_K * (_NPAD - _N), dtype=jnp.int32) * 7) % _N
    idx_km = jnp.concatenate(
        [
            jnp.transpose(nn_idx.reshape(_N, _K)).astype(jnp.int32),
            pad.reshape(_K, _NPAD - _N),
        ],
        axis=1,
    )
    bias_p = bias[_PERM].reshape(1, _NOU)

    p1a, p1b = _gather(ef_a, ef_b, idx_km[:_KH].reshape(-1))
    p2a, p2b = _gather(ef_a, ef_b, idx_km[_KH:].reshape(-1))
    sh = (_KH, _NPAD, _NOU)
    o1 = _edge(s, p1a.reshape(sh), p1b.reshape(sh), etype, bias_p, 0)
    o2 = _edge(s, p2a.reshape(sh), p2b.reshape(sh), etype, bias_p, _KH)
    out = _bn(
        o1,
        o2,
        bn_gamma[_PERM].reshape(1, _NOU),
        bn_beta[_PERM].reshape(1, _NOU),
    )
    return out[_INV_PERM, :].reshape(1, _NOU, _N, 1)

# --- scband reference (transcript-rebuilt; emitter-appended) ---
"""Pipeline reference for scband-pw-gnn-op-35914516529846 (READ-ONLY COPY).

The authoritative reference and input builder live on the scoring server;
editing this copy changes nothing except your own understanding.
"""

import jax, jax.numpy as jnp
import numpy as np

NIN = 256
NOU = 128
ET = 4
B = 1
N = 10000
K = 16

def setup_inputs(seed: int = 0) -> dict:
    key = jax.random.key(seed)
    ks = jax.random.split(key, 8)
    x = jax.random.normal(ks[0], (B, NIN, N, 1), dtype=jnp.float32)
    nn_idx = jax.random.randint(ks[1], (B, N, K), 0, N, dtype=jnp.int64)
    etype = jax.random.uniform(ks[2], (B, ET, N, K), dtype=jnp.float32)
    filters1 = jax.random.uniform(ks[3], (NIN, NOU, ET), minval=-0.01, maxval=0.01, dtype=jnp.float32)
    filters2 = jax.random.uniform(ks[4], (NIN, NOU, ET), minval=-0.01, maxval=0.01, dtype=jnp.float32)
    bias = jax.random.uniform(ks[5], (NOU,), minval=0.0, maxval=0.05, dtype=jnp.float32)
    bn_gamma = jnp.ones((NOU,), dtype=jnp.float32)
    bn_beta = jnp.zeros((NOU,), dtype=jnp.float32)
    return {"x": x, "nn_idx": nn_idx, "etype": etype, "filters1": filters1, "filters2": filters2, "bias": bias, "bn_gamma": bn_gamma, "bn_beta": bn_beta}

def reference(x, nn_idx, etype, filters1, filters2, bias, bn_gamma, bn_beta):
    batch_size = x.shape[0]
    nin = x.shape[1]
    nnodes = x.shape[2]
    k = nn_idx.shape[2]
    nou = filters1.shape[1]
    net = filters1.shape[2]
    # etype -> [B*N*k, ET, 1]
    nedge_type = jnp.transpose(etype, (0, 2, 3, 1)).reshape(-1, net, 1)
    # node features -> [B*N, nin]
    node_feature = jnp.transpose(x, (0, 2, 3, 1)).reshape(batch_size * nnodes, nin)
    nfeat = (node_feature @ filters1.reshape(nin, nou * net)).reshape(batch_size, nnodes, 1, nou * net)
    efeat = (node_feature @ filters2.reshape(nin, nou * net)).reshape(batch_size, nnodes, 1, nou * net)
    # to_edge_feature: gather neighbor features
    ef_sq = efeat.reshape(batch_size, nnodes, nou * net)
    nidx = nn_idx.reshape(batch_size, -1)  # [B, N*k]
    pts_knn = jnp.take_along_axis(ef_sq, nidx[:, :, None], axis=1).reshape(batch_size, nnodes, k, nou * net)
    # ORIG_WITH_DIFF extension
    edge_feature = nfeat + efeat - pts_knn  # [B, N, k, nou*ET]
    edge_feature = jnp.matmul(edge_feature.reshape(-1, nou, net), nedge_type).reshape(batch_size, nnodes, k, nou)
    out = jnp.transpose(edge_feature, (0, 3, 1, 2))  # [B, nou, N, k]
    out = out + bias.reshape(1, nou, 1, 1)
    out = jnp.max(out, axis=3, keepdims=True)  # [B, nou, N, 1]
    # BatchNorm2d (training-mode batch statistics, eps=1e-5)
    mean = jnp.mean(out, axis=(0, 2, 3), keepdims=True)
    var = jnp.var(out, axis=(0, 2, 3), keepdims=True)
    out = (out - mean) / jnp.sqrt(var + 1e-5)
    out = out * bn_gamma.reshape(1, nou, 1, 1) + bn_beta.reshape(1, nou, 1, 1)
    return jax.nn.relu(out)

if __name__ == "__main__":
    import jax
    _d = setup_inputs()
    print(jax.jit(kernel)(*tuple(_d.values())))

</pallas_src>

<mosaic_0001>
#map = affine_map<(d0, d1) -> (0, 0)>
#map1 = affine_map<(d0, d1) -> (0)>
module attributes {stable_mosaic.version = 14 : i64} {
  func.func @gather_k(%arg0: i32, %arg1: i32, %arg2: memref<10000x128xi32, #tpu.memory_space<hbm>>, %arg3: memref<10000x128xi32, #tpu.memory_space<hbm>>, %arg4: memref<80640xi32, #tpu.memory_space<hbm>>, %arg5: memref<80640x128xi32, #tpu.memory_space<hbm>>, %arg6: memref<80640x128xi32, #tpu.memory_space<hbm>>, %arg7: memref<2520xi32, #tpu.memory_space<vmem>>, %arg8: memref<3x120x128xi32, #tpu.memory_space<vmem>>, %arg9: memref<3x120x128xi32, #tpu.memory_space<vmem>>, %arg10: memref<3x!tpu.dma_semaphore, #tpu.memory_space<semaphore_mem>>, %arg11: memref<3x!tpu.dma_semaphore, #tpu.memory_space<semaphore_mem>>) attributes {dimension_semantics = [#tpu.dimension_semantics<core_parallel>, #tpu.dimension_semantics<subcore_parallel>], iteration_bounds = array<i64: 2, 16>, scalar_prefetch = 0 : i64, scratch_operands = 5 : i64, tpu.core_type = #tpu.core_type<sc_vector_subcore>, window_params = [{transform_indices = #map}, {transform_indices = #map}, {transform_indices = #map1}, {transform_indices = #map}, {transform_indices = #map}]} {
    %mul3A = arith.constant 2 : i32
    %mul3A_0 = arith.muli %arg1, %mul3A : i32
    %add3A = arith.addi %mul3A_0, %arg0 : i32
    %mul3A_1 = arith.constant 2520 : i32
    %mul3A_2 = arith.muli %add3A, %mul3A_1 : i32
    "tpu.region"() ({
      %run_scoped3A = tpu.sem_alloc : memref<!tpu.dma_semaphore, #tpu.memory_space<semaphore_mem>>
      %dma_start3A_166 = tpu.memref_slice %arg4[%mul3A_2] : memref<80640xi32, #tpu.memory_space<hbm>> -> memref<2520xi32, #tpu.memory_space<hbm>>
      %dma_start3A_167 = tpu.memref_slice %arg4[%mul3A_2] : memref<80640xi32, #tpu.memory_space<hbm>> -> memref<2520xi32, #tpu.memory_space<hbm>>
      tpu.enqueue_dma source(%dma_start3A_167 : memref<2520xi32, #tpu.memory_space<hbm>>) target(%arg7 : memref<2520xi32, #tpu.memory_space<vmem>>) target_semaphore(%run_scoped3A : memref<!tpu.dma_semaphore, #tpu.memory_space<semaphore_mem>>)
      %dma_wait3A_168 = tpu.memref_slice %arg4[%mul3A_2] : memref<80640xi32, #tpu.memory_space<hbm>> -> memref<2520xi32, #tpu.memory_space<hbm>>
      %dma_wait3A_169 = tpu.memref_slice %arg4[%mul3A_2] : memref<80640xi32, #tpu.memory_space<hbm>> -> memref<2520xi32, #tpu.memory_space<hbm>>
      tpu.wait_dma2 semaphore(%run_scoped3A : memref<!tpu.dma_semaphore, #tpu.memory_space<semaphore_mem>>) src(%dma_wait3A_169 : memref<2520xi32, #tpu.memory_space<hbm>>) dst(%arg7 : memref<2520xi32, #tpu.memory_space<vmem>>)
      tpu.yield
    }) : () -> ()
    %dma_start3A = arith.constant 0 : i32
    %dma_start3A_3 = arith.constant 0 : i32
    %dma_start3A_4 = arith.constant 0 : i32
    %dma_start3A_5 = arith.constant 0 : i32
    %dma_start3A_6 = tpu.memref_slice %arg8[%dma_start3A, %dma_start3A_4, %dma_start3A_5] : memref<3x120x128xi32, #tpu.memory_space<vmem>> -> memref<1x120x128xi32, #tpu.memory_space<vmem>>
    %dma_start3A_7 = tpu.memref_squeeze %dma_start3A_6 : memref<1x120x128xi32, #tpu.memory_space<vmem>> -> memref<120x128xi32, #tpu.memory_space<vmem>>
    %dma_start3A_8 = arith.constant 0 : i32
    %dma_start3A_9 = tpu.memref_slice %arg7[%dma_start3A_8] : memref<2520xi32, #tpu.memory_space<vmem>> -> memref<120xi32, #tpu.memory_space<vmem>>
    %dma_start3A_10 = arith.constant 0 : i32
    %dma_start3A_11 = arith.constant 0 : i32
    %dma_start3A_12 = tpu.memref_slice %arg2[%dma_start3A_10, %dma_start3A_11] : memref<10000x128xi32, #tpu.memory_space<hbm>> -> memref<10000x128xi32, #tpu.memory_space<hbm>>
    %dma_start3A_13 = tpu.memref_slice %arg10[%dma_start3A_3] : memref<3x!tpu.dma_semaphore, #tpu.memory_space<semaphore_mem>> -> memref<1x!tpu.dma_semaphore, #tpu.memory_space<semaphore_mem>>
    %dma_start3A_14 = tpu.memref_squeeze %dma_start3A_13 : memref<1x!tpu.dma_semaphore, #tpu.memory_space<semaphore_mem>> -> memref<!tpu.dma_semaphore, #tpu.memory_space<semaphore_mem>>
    tpu.enqueue_indirect_dma source(%dma_start3A_12 : memref<10000x128xi32, #tpu.memory_space<hbm>>) target(%dma_start3A_7 : memref<120x128xi32, #tpu.memory_space<vmem>>) offsets(%dma_start3A_9 : memref<120xi32, #tpu.memory_space<vmem>>) semaphore(%dma_start3A_14 : memref<!tpu.dma_semaphore, #tpu.memory_space<semaphore_mem>>)
    %dma_start3A_15 = arith.constant 0 : i32
    %dma_start3A_16 = arith.constant 0 : i32
    %dma_start3A_17 = arith.constant 0 : i32
    %dma_start3A_18 = arith.constant 0 : i32
    %dma_start3A_19 = tpu.memref_slice %arg9[%dma_start3A_15, %dma_start3A_17, %dma_start3A_18] : memref<3x120x128xi32, #tpu.memory_space<vmem>> -> memref<1x120x128xi32, #tpu.memory_space<vmem>>
    %dma_start3A_20 = tpu.memref_squeeze %dma_start3A_19 : memref<1x120x128xi32, #tpu.memory_space<vmem>> -> memref<120x128xi32, #tpu.memory_space<vmem>>
    %dma_start3A_21 = arith.constant 0 : i32
    %dma_start3A_22 = tpu.memref_slice %arg7[%dma_start3A_21] : memref<2520xi32, #tpu.memory_space<vmem>> -> memref<120xi32, #tpu.memory_space<vmem>>
    %dma_start3A_23 = arith.constant 0 : i32
    %dma_start3A_24 = arith.constant 0 : i32
    %dma_start3A_25 = tpu.memref_slice %arg3[%dma_start3A_23, %dma_start3A_24] : memref<10000x128xi32, #tpu.memory_space<hbm>> -> memref<10000x128xi32, #tpu.memory_space<hbm>>
    %dma_start3A_26 = tpu.memref_slice %arg10[%dma_start3A_16] : memref<3x!tpu.dma_semaphore, #tpu.memory_space<semaphore_mem>> -> memref<1x!tpu.dma_semaphore, #tpu.memory_space<semaphore_mem>>
    %dma_start3A_27 = tpu.memref_squeeze %dma_start3A_26 : memref<1x!tpu.dma_semaphore, #tpu.memory_space<semaphore_mem>> -> memref<!tpu.dma_semaphore, #tpu.memory_space<semaphore_mem>>
    tpu.enqueue_indirect_dma source(%dma_start3A_25 : memref<10000x128xi32, #tpu.memory_space<hbm>>) target(%dma_start3A_20 : memref<120x128xi32, #tpu.memory_space<vmem>>) offsets(%dma_start3A_22 : memref<120xi32, #tpu.memory_space<vmem>>) semaphore(%dma_start3A_27 : memref<!tpu.dma_semaphore, #tpu.memory_space<semaphore_mem>>)
    %dma_start3A_28 = arith.constant 1 : i32
    %dma_start3A_29 = arith.constant 1 : i32
    %dma_start3A_30 = arith.constant 0 : i32
    %dma_start3A_31 = arith.constant 0 : i32
    %dma_start3A_32 = tpu.memref_slice %arg8[%dma_start3A_28, %dma_start3A_30, %dma_start3A_31] : memref<3x120x128xi32, #tpu.memory_space<vmem>> -> memref<1x120x128xi32, #tpu.memory_space<vmem>>
    %dma_start3A_33 = tpu.memref_squeeze %dma_start3A_32 : memref<1x120x128xi32, #tpu.memory_space<vmem>> -> memref<120x128xi32, #tpu.memory_space<vmem>>
    %dma_start3A_34 = arith.constant 120 : i32
    %dma_start3A_35 = tpu.memref_slice %arg7[%dma_start3A_34] : memref<2520xi32, #tpu.memory_space<vmem>> -> memref<120xi32, #tpu.memory_space<vmem>>
    %dma_start3A_36 = arith.constant 0 : i32
    %dma_start3A_37 = arith.constant 0 : i32
    %dma_start3A_38 = tpu.memref_slice %arg2[%dma_start3A_36, %dma_start3A_37] : memref<10000x128xi32, #tpu.memory_space<hbm>> -> memref<10000x128xi32, #tpu.memory_space<hbm>>
    %dma_start3A_39 = tpu.memref_slice %arg10[%dma_start3A_29] : memref<3x!tpu.dma_semaphore, #tpu.memory_space<semaphore_mem>> -> memref<1x!tpu.dma_semaphore, #tpu.memory_space<semaphore_mem>>
    %dma_start3A_40 = tpu.memref_squeeze %dma_start3A_39 : memref<1x!tpu.dma_semaphore, #tpu.memory_space<semaphore_mem>> -> memref<!tpu.dma_semaphore, #tpu.memory_space<semaphore_mem>>
    tpu.enqueue_indirect_dma source(%dma_start3A_38 : memref<10000x128xi32, #tpu.memory_space<hbm>>) target(%dma_start3A_33 : memref<120x128xi32, #tpu.memory_space<vmem>>) offsets(%dma_start3A_35 : memref<120xi32, #tpu.memory_space<vmem>>) semaphore(%dma_start3A_40 : memref<!tpu.dma_semaphore, #tpu.memory_space<semaphore_mem>>)
    %dma_start3A_41 = arith.constant 1 : i32
    %dma_start3A_42 = arith.constant 1 : i32
    %dma_start3A_43 = arith.constant 0 : i32
    %dma_start3A_44 = arith.constant 0 : i32
    %dma_start3A_45 = tpu.memref_slice %arg9[%dma_start3A_41, %dma_start3A_43, %dma_start3A_44] : memref<3x120x128xi32, #tpu.memory_space<vmem>> -> memref<1x120x128xi32, #tpu.memory_space<vmem>>
    %dma_start3A_46 = tpu.memref_squeeze %dma_start3A_45 : memref<1x120x128xi32, #tpu.memory_space<vmem>> -> memref<120x128xi32, #tpu.memory_space<vmem>>
    %dma_start3A_47 = arith.constant 120 : i32
    %dma_start3A_48 = tpu.memref_slice %arg7[%dma_start3A_47] : memref<2520xi32, #tpu.memory_space<vmem>> -> memref<120xi32, #tpu.memory_space<vmem>>
    %dma_start3A_49 = arith.constant 0 : i32
    %dma_start3A_50 = arith.constant 0 : i32
    %dma_start3A_51 = tpu.memref_slice %arg3[%dma_start3A_49, %dma_start3A_50] : memref<10000x128xi32, #tpu.memory_space<hbm>> -> memref<10000x128xi32, #tpu.memory_space<hbm>>
    %dma_start3A_52 = tpu.memref_slice %arg10[%dma_start3A_42] : memref<3x!tpu.dma_semaphore, #tpu.memory_space<semaphore_mem>> -> memref<1x!tpu.dma_semaphore, #tpu.memory_space<semaphore_mem>>
    %dma_start3A_53 = tpu.memref_squeeze %dma_start3A_52 : memref<1x!tpu.dma_semaphore, #tpu.memory_space<semaphore_mem>> -> memref<!tpu.dma_semaphore, #tpu.memory_space<semaphore_mem>>
    tpu.enqueue_indirect_dma source(%dma_start3A_51 : memref<10000x128xi32, #tpu.memory_space<hbm>>) target(%dma_start3A_46 : memref<120x128xi32, #tpu.memory_space<vmem>>) offsets(%dma_start3A_48 : memref<120xi32, #tpu.memory_space<vmem>>) semaphore(%dma_start3A_53 : memref<!tpu.dma_semaphore, #tpu.memory_space<semaphore_mem>>)
    %scan3A = arith.constant 0 : i32
    %scan3A_54 = arith.constant 0 : i32
    %scan3A_55 = arith.constant 7 : i32
    %scan3A_56 = arith.addi %scan3A_54, %scan3A_55 : i32
    %scan3A_57 = arith.constant 1 : i32
    scf.for %scan3A_166 = %scan3A_54 to %scan3A_56 step %scan3A_57  : i32 {
      %mul3A_167 = arith.constant 3 : i32
      %mul3A_168 = arith.muli %scan3A_166, %mul3A_167 : i32
      %add3A_169 = arith.constant 0 : i32
      %add3A_170 = arith.addi %mul3A_168, %add3A_169 : i32
      %mul3A_171 = arith.constant 120 : i32
      %mul3A_172 = arith.muli %add3A_170, %mul3A_171 : i32
      %dma_wait3A_173 = arith.constant 0 : i32
      %dma_wait3A_174 = arith.constant 0 : i32
      %dma_wait3A_175 = arith.constant 0 : i32
      %dma_wait3A_176 = arith.constant 0 : i32
      %dma_wait3A_177 = tpu.memref_slice %arg8[%dma_wait3A_173, %dma_wait3A_175, %dma_wait3A_176] : memref<3x120x128xi32, #tpu.memory_space<vmem>> -> memref<1x120x128xi32, #tpu.memory_space<vmem>>
      %dma_wait3A_178 = tpu.memref_squeeze %dma_wait3A_177 : memref<1x120x128xi32, #tpu.memory_space<vmem>> -> memref<120x128xi32, #tpu.memory_space<vmem>>
      %dma_wait3A_179 = tpu.memref_slice %arg7[%mul3A_172] : memref<2520xi32, #tpu.memory_space<vmem>> -> memref<120xi32, #tpu.memory_space<vmem>>
      %dma_wait3A_180 = arith.constant 0 : i32
      %dma_wait3A_181 = arith.constant 0 : i32
      %dma_wait3A_182 = tpu.memref_slice %arg2[%dma_wait3A_180, %dma_wait3A_181] : memref<10000x128xi32, #tpu.memory_space<hbm>> -> memref<10000x128xi32, #tpu.memory_space<hbm>>
      %dma_wait3A_183 = tpu.memref_slice %arg10[%dma_wait3A_174] : memref<3x!tpu.dma_semaphore, #tpu.memory_space<semaphore_mem>> -> memref<1x!tpu.dma_semaphore, #tpu.memory_space<semaphore_mem>>
      %dma_wait3A_184 = tpu.memref_squeeze %dma_wait3A_183 : memref<1x!tpu.dma_semaphore, #tpu.memory_space<semaphore_mem>> -> memref<!tpu.dma_semaphore, #tpu.memory_space<semaphore_mem>>
      tpu.wait_indirect_dma semaphore(%dma_wait3A_184 : memref<!tpu.dma_semaphore, #tpu.memory_space<semaphore_mem>>) src(%dma_wait3A_182 : memref<10000x128xi32, #tpu.memory_space<hbm>>) dst(%dma_wait3A_178 : memref<120x128xi32, #tpu.memory_space<vmem>>)
      %dma_wait3A_185 = arith.constant 0 : i32
      %dma_wait3A_186 = arith.constant 0 : i32
      %dma_wait3A_187 = arith.constant 0 : i32
      %dma_wait3A_188 = arith.constant 0 : i32
      %dma_wait3A_189 = tpu.memref_slice %arg9[%dma_wait3A_185, %dma_wait3A_187, %dma_wait3A_188] : memref<3x120x128xi32, #tpu.memory_space<vmem>> -> memref<1x120x128xi32, #tpu.memory_space<vmem>>
      %dma_wait3A_190 = tpu.memref_squeeze %dma_wait3A_189 : memref<1x120x128xi32, #tpu.memory_space<vmem>> -> memref<120x128xi32, #tpu.memory_space<vmem>>
      %dma_wait3A_191 = tpu.memref_slice %arg7[%mul3A_172] : memref<2520xi32, #tpu.memory_space<vmem>> -> memref<120xi32, #tpu.memory_space<vmem>>
      %dma_wait3A_192 = arith.constant 0 : i32
      %dma_wait3A_193 = arith.constant 0 : i32
      %dma_wait3A_194 = tpu.memref_slice %arg3[%dma_wait3A_192, %dma_wait3A_193] : memref<10000x128xi32, #tpu.memory_space<hbm>> -> memref<10000x128xi32, #tpu.memory_space<hbm>>
      %dma_wait3A_195 = tpu.memref_slice %arg10[%dma_wait3A_186] : memref<3x!tpu.dma_semaphore, #tpu.memory_space<semaphore_mem>> -> memref<1x!tpu.dma_semaphore, #tpu.memory_space<semaphore_mem>>
      %dma_wait3A_196 = tpu.memref_squeeze %dma_wait3A_195 : memref<1x!tpu.dma_semaphore, #tpu.memory_space<semaphore_mem>> -> memref<!tpu.dma_semaphore, #tpu.memory_space<semaphore_mem>>
      tpu.wait_indirect_dma semaphore(%dma_wait3A_196 : memref<!tpu.dma_semaphore, #tpu.memory_space<semaphore_mem>>) src(%dma_wait3A_194 : memref<10000x128xi32, #tpu.memory_space<hbm>>) dst(%dma_wait3A_190 : memref<120x128xi32, #tpu.memory_space<vmem>>)
      %mul3A_197 = arith.constant 120 : i32
      %mul3A_198 = arith.muli %add3A_170, %mul3A_197 : i32
      %add3A_199 = arith.addi %mul3A_2, %mul3A_198 : i32
      %dma_start3A_200 = arith.constant 0 : i32
      %dma_start3A_201 = arith.constant 0 : i32
      %dma_start3A_202 = arith.constant 0 : i32
      %dma_start3A_203 = arith.constant 0 : i32
      %dma_start3A_204 = tpu.memref_slice %arg8[%dma_start3A_200, %dma_start3A_202, %dma_start3A_203] : memref<3x120x128xi32, #tpu.memory_space<vmem>> -> memref<1x120x128xi32, #tpu.memory_space<vmem>>
      %dma_start3A_205 = tpu.memref_squeeze %dma_start3A_204 : memref<1x120x128xi32, #tpu.memory_space<vmem>> -> memref<120x128xi32, #tpu.memory_space<vmem>>
      %dma_start3A_206 = arith.constant 0 : i32
      %dma_start3A_207 = tpu.memref_slice %arg5[%add3A_199, %dma_start3A_206] : memref<80640x128xi32, #tpu.memory_space<hbm>> -> memref<120x128xi32, #tpu.memory_space<hbm>>
      %dma_start3A_208 = tpu.memref_slice %arg11[%dma_start3A_201] : memref<3x!tpu.dma_semaphore, #tpu.memory_space<semaphore_mem>> -> memref<1x!tpu.dma_semaphore, #tpu.memory_space<semaphore_mem>>
      %dma_start3A_209 = tpu.memref_squeeze %dma_start3A_208 : memref<1x!tpu.dma_semaphore, #tpu.memory_space<semaphore_mem>> -> memref<!tpu.dma_semaphore, #tpu.memory_space<semaphore_mem>>
      %dma_start3A_210 = arith.constant 0 : i32
      %dma_start3A_211 = tpu.memref_slice %arg5[%add3A_199, %dma_start3A_210] : memref<80640x128xi32, #tpu.memory_space<hbm>> -> memref<120x128xi32, #tpu.memory_space<hbm>>
      %dma_start3A_212 = arith.constant 0 : i32
      %dma_start3A_213 = arith.constant 0 : i32
      %dma_start3A_214 = tpu.memref_slice %arg8[%dma_start3A_200, %dma_start3A_212, %dma_start3A_213] : memref<3x120x128xi32, #tpu.memory_space<vmem>> -> memref<1x120x128xi32, #tpu.memory_space<vmem>>
      %dma_start3A_215 = tpu.memref_squeeze %dma_start3A_214 : memref<1x120x128xi32, #tpu.memory_space<vmem>> -> memref<120x128xi32, #tpu.memory_space<vmem>>
      tpu.enqueue_dma source(%dma_start3A_215 : memref<120x128xi32, #tpu.memory_space<vmem>>) target(%dma_start3A_211 : memref<120x128xi32, #tpu.memory_space<hbm>>) target_semaphore(%dma_start3A_209 : memref<!tpu.dma_semaphore, #tpu.memory_space<semaphore_mem>>)
      %dma_start3A_216 = arith.constant 0 : i32
      %dma_start3A_217 = arith.constant 0 : i32
      %dma_start3A_218 = arith.constant 0 : i32
      %dma_start3A_219 = arith.constant 0 : i32
      %dma_start3A_220 = tpu.memref_slice %arg9[%dma_start3A_216, %dma_start3A_218, %dma_start3A_219] : memref<3x120x128xi32, #tpu.memory_space<vmem>> -> memref<1x120x128xi32, #tpu.memory_space<vmem>>
      %dma_start3A_221 = tpu.memref_squeeze %dma_start3A_220 : memref<1x120x128xi32, #tpu.memory_space<vmem>> -> memref<120x128xi32, #tpu.memory_space<vmem>>
      %dma_start3A_222 = arith.constant 0 : i32
      %dma_start3A_223 = tpu.memref_slice %arg6[%add3A_199, %dma_start3A_222] : memref<80640x128xi32, #tpu.memory_space<hbm>> -> memref<120x128xi32, #tpu.memory_space<hbm>>
      %dma_start3A_224 = tpu.memref_slice %arg11[%dma_start3A_217] : memref<3x!tpu.dma_semaphore, #tpu.memory_space<semaphore_mem>> -> memref<1x!tpu.dma_semaphore, #tpu.memory_space<semaphore_mem>>
      %dma_start3A_225 = tpu.memref_squeeze %dma_start3A_224 : memref<1x!tpu.dma_semaphore, #tpu.memory_space<semaphore_mem>> -> memref<!tpu.dma_semaphore, #tpu.memory_space<semaphore_mem>>
      %dma_start3A_226 = arith.constant 0 : i32
      %dma_start3A_227 = tpu.memref_slice %arg6[%add3A_199, %dma_start3A_226] : memref<80640x128xi32, #tpu.memory_space<hbm>> -> memref<120x128xi32, #tpu.memory_space<hbm>>
      %dma_start3A_228 = arith.constant 0 : i32
      %dma_start3A_229 = arith.constant 0 : i32
      %dma_start3A_230 = tpu.memref_slice %arg9[%dma_start3A_216, %dma_start3A_228, %dma_start3A_229] : memref<3x120x128xi32, #tpu.memory_space<vmem>> -> memref<1x120x128xi32, #tpu.memory_space<vmem>>
      %dma_start3A_231 = tpu.memref_squeeze %dma_start3A_230 : memref<1x120x128xi32, #tpu.memory_space<vmem>> -> memref<120x128xi32, #tpu.memory_space<vmem>>
      tpu.enqueue_dma source(%dma_start3A_231 : memref<120x128xi32, #tpu.memory_space<vmem>>) target(%dma_start3A_227 : memref<120x128xi32, #tpu.memory_space<hbm>>) target_semaphore(%dma_start3A_225 : memref<!tpu.dma_semaphore, #tpu.memory_space<semaphore_mem>>)
      %ge3A = arith.constant 1 : i32
      %ge3A_232 = arith.cmpi sge, %scan3A_166, %ge3A : i32
      %convert_element_type3A = arith.extui %ge3A_232 : i1 to i32
      %cond3A = arith.constant 0 : i32
      %cond3A_233 = arith.cmpi ne, %convert_element_type3A, %cond3A : i32
      scf.if %cond3A_233 {
        %dma_wait3A_401 = arith.constant 2 : i32
        %dma_wait3A_402 = arith.constant 2 : i32
        %dma_wait3A_403 = arith.constant 0 : i32
        %dma_wait3A_404 = arith.constant 0 : i32
        %dma_wait3A_405 = tpu.memref_slice %arg8[%dma_wait3A_401, %dma_wait3A_403, %dma_wait3A_404] : memref<3x120x128xi32, #tpu.memory_space<vmem>> -> memref<1x120x128xi32, #tpu.memory_space<vmem>>
        %dma_wait3A_406 = tpu.memref_squeeze %dma_wait3A_405 : memref<1x120x128xi32, #tpu.memory_space<vmem>> -> memref<120x128xi32, #tpu.memory_space<vmem>>
        %dma_wait3A_407 = arith.constant 0 : i32
        %dma_wait3A_408 = arith.constant 0 : i32
        %dma_wait3A_409 = tpu.memref_slice %arg5[%dma_wait3A_407, %dma_wait3A_408] : memref<80640x128xi32, #tpu.memory_space<hbm>> -> memref<120x128xi32, #tpu.memory_space<hbm>>
        %dma_wait3A_410 = tpu.memref_slice %arg11[%dma_wait3A_402] : memref<3x!tpu.dma_semaphore, #tpu.memory_space<semaphore_mem>> -> memref<1x!tpu.dma_semaphore, #tpu.memory_space<semaphore_mem>>
        %dma_wait3A_411 = tpu.memref_squeeze %dma_wait3A_410 : memref<1x!tpu.dma_semaphore, #tpu.memory_space<semaphore_mem>> -> memref<!tpu.dma_semaphore, #tpu.memory_space<semaphore_mem>>
        %dma_wait3A_412 = arith.constant 0 : i32
        %dma_wait3A_413 = arith.constant 0 : i32
        %dma_wait3A_414 = tpu.memref_slice %arg5[%dma_wait3A_412, %dma_wait3A_413] : memref<80640x128xi32, #tpu.memory_space<hbm>> -> memref<120x128xi32, #tpu.memory_space<hbm>>
        %dma_wait3A_415 = arith.constant 0 : i32
        %dma_wait3A_416 = arith.constant 0 : i32
        %dma_wait3A_417 = tpu.memref_slice %arg8[%dma_wait3A_401, %dma_wait3A_415, %dma_wait3A_416] : memref<3x120x128xi32, #tpu.memory_space<vmem>> -> memref<1x120x128xi32, #tpu.memory_space<vmem>>
        %dma_wait3A_418 = tpu.memref_squeeze %dma_wait3A_417 : memref<1x120x128xi32, #tpu.memory_space<vmem>> -> memref<120x128xi32, #tpu.memory_space<vmem>>
        tpu.wait_dma2 semaphore(%dma_wait3A_411 : memref<!tpu.dma_semaphore, #tpu.memory_space<semaphore_mem>>) src(%dma_wait3A_418 : memref<120x128xi32, #tpu.memory_space<vmem>>) dst(%dma_wait3A_414 : memref<120x128xi32, #tpu.memory_space<hbm>>)
        %dma_wait3A_419 = arith.constant 2 : i32
        %dma_wait3A_420 = arith.constant 2 : i32
        %dma_wait3A_421 = arith.constant 0 : i32
        %dma_wait3A_422 = arith.constant 0 : i32
        %dma_wait3A_423 = tpu.memref_slice %arg9[%dma_wait3A_419, %dma_wait3A_421, %dma_wait3A_422] : memref<3x120x128xi32, #tpu.memory_space<vmem>> -> memref<1x120x128xi32, #tpu.memory_space<vmem>>
        %dma_wait3A_424 = tpu.memref_squeeze %dma_wait3A_423 : memref<1x120x128xi32, #tpu.memory_space<vmem>> -> memref<120x128xi32, #tpu.memory_space<vmem>>
        %dma_wait3A_425 = arith.constant 0 : i32
        %dma_wait3A_426 = arith.constant 0 : i32
        %dma_wait3A_427 = tpu.memref_slice %arg6[%dma_wait3A_425, %dma_wait3A_426] : memref<80640x128xi32, #tpu.memory_space<hbm>> -> memref<120x128xi32, #tpu.memory_space<hbm>>
        %dma_wait3A_428 = tpu.memref_slice %arg11[%dma_wait3A_420] : memref<3x!tpu.dma_semaphore, #tpu.memory_space<semaphore_mem>> -> memref<1x!tpu.dma_semaphore, #tpu.memory_space<semaphore_mem>>
        %dma_wait3A_429 = tpu.memref_squeeze %dma_wait3A_428 : memref<1x!tpu.dma_semaphore, #tpu.memory_space<semaphore_mem>> -> memref<!tpu.dma_semaphore, #tpu.memory_space<semaphore_mem>>
        %dma_wait3A_430 = arith.constant 0 : i32
        %dma_wait3A_431 = arith.constant 0 : i32
        %dma_wait3A_432 = tpu.memref_slice %arg6[%dma_wait3A_430, %dma_wait3A_431] : memref<80640x128xi32, #tpu.memory_space<hbm>> -> memref<120x128xi32, #tpu.memory_space<hbm>>
        %dma_wait3A_433 = arith.constant 0 : i32
        %dma_wait3A_434 = arith.constant 0 : i32
        %dma_wait3A_435 = tpu.memref_slice %arg9[%dma_wait3A_419, %dma_wait3A_433, %dma_wait3A_434] : memref<3x120x128xi32, #tpu.memory_space<vmem>> -> memref<1x120x128xi32, #tpu.memory_space<vmem>>
        %dma_wait3A_436 = tpu.memref_squeeze %dma_wait3A_435 : memref<1x120x128xi32, #tpu.memory_space<vmem>> -> memref<120x128xi32, #tpu.memory_space<vmem>>
        tpu.wait_dma2 semaphore(%dma_wait3A_429 : memref<!tpu.dma_semaphore, #tpu.memory_space<semaphore_mem>>) src(%dma_wait3A_436 : memref<120x128xi32, #tpu.memory_space<vmem>>) dst(%dma_wait3A_432 : memref<120x128xi32, #tpu.memory_space<hbm>>)
      } else {
      }
      %add3A_234 = arith.constant 2 : i32
      %add3A_235 = arith.addi %add3A_170, %add3A_234 : i32
      %mul3A_236 = arith.constant 120 : i32
      %mul3A_237 = arith.muli %add3A_235, %mul3A_236 : i32
      %dma_start3A_238 = arith.constant 2 : i32
      %dma_start3A_239 = arith.constant 2 : i32
      %dma_start3A_240 = arith.constant 0 : i32
      %dma_start3A_241 = arith.constant 0 : i32
      %dma_start3A_242 = tpu.memref_slice %arg8[%dma_start3A_238, %dma_start3A_240, %dma_start3A_241] : memref<3x120x128xi32, #tpu.memory_space<vmem>> -> memref<1x120x128xi32, #tpu.memory_space<vmem>>
      %dma_start3A_243 = tpu.memref_squeeze %dma_start3A_242 : memref<1x120x128xi32, #tpu.memory_space<vmem>> -> memref<120x128xi32, #tpu.memory_space<vmem>>
      %dma_start3A_244 = tpu.memref_slice %arg7[%mul3A_237] : memref<2520xi32, #tpu.memory_space<vmem>> -> memref<120xi32, #tpu.memory_space<vmem>>
      %dma_start3A_245 = arith.constant 0 : i32
      %dma_start3A_246 = arith.constant 0 : i32
      %dma_start3A_247 = tpu.memref_slice %arg2[%dma_start3A_245, %dma_start3A_246] : memref<10000x128xi32, #tpu.memory_space<hbm>> -> memref<10000x128xi32, #tpu.memory_space<hbm>>
      %dma_start3A_248 = tpu.memref_slice %arg10[%dma_start3A_239] : memref<3x!tpu.dma_semaphore, #tpu.memory_space<semaphore_mem>> -> memref<1x!tpu.dma_semaphore, #tpu.memory_space<semaphore_mem>>
      %dma_start3A_249 = tpu.memref_squeeze %dma_start3A_248 : memref<1x!tpu.dma_semaphore, #tpu.memory_space<semaphore_mem>> -> memref<!tpu.dma_semaphore, #tpu.memory_space<semaphore_mem>>
      tpu.enqueue_indirect_dma source(%dma_start3A_247 : memref<10000x128xi32, #tpu.memory_space<hbm>>) target(%dma_start3A_243 : memref<120x128xi32, #tpu.memory_space<vmem>>) offsets(%dma_start3A_244 : memref<120xi32, #tpu.memory_space<vmem>>) semaphore(%dma_start3A_249 : memref<!tpu.dma_semaphore, #tpu.memory_space<semaphore_mem>>)
      %dma_start3A_250 = arith.constant 2 : i32
      %dma_start3A_251 = arith.constant 2 : i32
      %dma_start3A_252 = arith.constant 0 : i32
      %dma_start3A_253 = arith.constant 0 : i32
      %dma_start3A_254 = tpu.memref_slice %arg9[%dma_start3A_250, %dma_start3A_252, %dma_start3A_253] : memref<3x120x128xi32, #tpu.memory_space<vmem>> -> memref<1x120x128xi32, #tpu.memory_space<vmem>>
      %dma_start3A_255 = tpu.memref_squeeze %dma_start3A_254 : memref<1x120x128xi32, #tpu.memory_space<vmem>> -> memref<120x128xi32, #tpu.memory_space<vmem>>
      %dma_start3A_256 = tpu.memref_slice %arg7[%mul3A_237] : memref<2520xi32, #tpu.memory_space<vmem>> -> memref<120xi32, #tpu.memory_space<vmem>>
      %dma_start3A_257 = arith.constant 0 : i32
      %dma_start3A_258 = arith.constant 0 : i32
      %dma_start3A_259 = tpu.memref_slice %arg3[%dma_start3A_257, %dma_start3A_258] : memref<10000x128xi32, #tpu.memory_space<hbm>> -> memref<10000x128xi32, #tpu.memory_space<hbm>>
      %dma_start3A_260 = tpu.memref_slice %arg10[%dma_start3A_251] : memref<3x!tpu.dma_semaphore, #tpu.memory_space<semaphore_mem>> -> memref<1x!tpu.dma_semaphore, #tpu.memory_space<semaphore_mem>>
      %dma_start3A_261 = tpu.memref_squeeze %dma_start3A_260 : memref<1x!tpu.dma_semaphore, #tpu.memory_space<semaphore_mem>> -> memref<!tpu.dma_semaphore, #tpu.memory_space<semaphore_mem>>
      tpu.enqueue_indirect_dma source(%dma_start3A_259 : memref<10000x128xi32, #tpu.memory_space<hbm>>) target(%dma_start3A_255 : memref<120x128xi32, #tpu.memory_space<vmem>>) offsets(%dma_start3A_256 : memref<120xi32, #tpu.memory_space<vmem>>) semaphore(%dma_start3A_261 : memref<!tpu.dma_semaphore, #tpu.memory_space<semaphore_mem>>)
      %mul3A_262 = arith.constant 3 : i32
      %mul3A_263 = arith.muli %scan3A_166, %mul3A_262 : i32
      %add3A_264 = arith.constant 1 : i32
      %add3A_265 = arith.addi %mul3A_263, %add3A_264 : i32
      %mul3A_266 = arith.constant 120 : i32
      %mul3A_267 = arith.muli %add3A_265, %mul3A_266 : i32
      %dma_wait3A_268 = arith.constant 1 : i32
      %dma_wait3A_269 = arith.constant 1 : i32
      %dma_wait3A_270 = arith.constant 0 : i32
      %dma_wait3A_271 = arith.constant 0 : i32
      %dma_wait3A_272 = tpu.memref_slice %arg8[%dma_wait3A_268, %dma_wait3A_270, %dma_wait3A_271] : memref<3x120x128xi32, #tpu.memory_space<vmem>> -> memref<1x120x128xi32, #tpu.memory_space<vmem>>
      %dma_wait3A_273 = tpu.memref_squeeze %dma_wait3A_272 : memref<1x120x128xi32, #tpu.memory_space<vmem>> -> memref<120x128xi32, #tpu.memory_space<vmem>>
      %dma_wait3A_274 = tpu.memref_slice %arg7[%mul3A_267] : memref<2520xi32, #tpu.memory_space<vmem>> -> memref<120xi32, #tpu.memory_space<vmem>>
      %dma_wait3A_275 = arith.constant 0 : i32
      %dma_wait3A_276 = arith.constant 0 : i32
      %dma_wait3A_277 = tpu.memref_slice %arg2[%dma_wait3A_275, %dma_wait3A_276] : memref<10000x128xi32, #tpu.memory_space<hbm>> -> memref<10000x128xi32, #tpu.memory_space<hbm>>
      %dma_wait3A_278 = tpu.memref_slice %arg10[%dma_wait3A_269] : memref<3x!tpu.dma_semaphore, #tpu.memory_space<semaphore_mem>> -> memref<1x!tpu.dma_semaphore, #tpu.memory_space<semaphore_mem>>
      %dma_wait3A_279 = tpu.memref_squeeze %dma_wait3A_278 : memref<1x!tpu.dma_semaphore, #tpu.memory_space<semaphore_mem>> -> memref<!tpu.dma_semaphore, #tpu.memory_space<semaphore_mem>>
      tpu.wait_indirect_dma semaphore(%dma_wait3A_279 : memref<!tpu.dma_semaphore, #tpu.memory_space<semaphore_mem>>) src(%dma_wait3A_277 : memref<10000x128xi32, #tpu.memory_space<hbm>>) dst(%dma_wait3A_273 : memref<120x128xi32, #tpu.memory_space<vmem>>)
      %dma_wait3A_280 = arith.constant 1 : i32
      %dma_wait3A_281 = arith.constant 1 : i32
      %dma_wait3A_282 = arith.constant 0 : i32
      %dma_wait3A_283 = arith.constant 0 : i32
      %dma_wait3A_284 = tpu.memref_slice %arg9[%dma_wait3A_280, %dma_wait3A_282, %dma_wait3A_283] : memref<3x120x128xi32, #tpu.memory_space<vmem>> -> memref<1x120x128xi32, #tpu.memory_space<vmem>>
      %dma_wait3A_285 = tpu.memref_squeeze %dma_wait3A_284 : memref<1x120x128xi32, #tpu.memory_space<vmem>> -> memref<120x128xi32, #tpu.memory_space<vmem>>
      %dma_wait3A_286 = tpu.memref_slice %arg7[%mul3A_267] : memref<2520xi32, #tpu.memory_space<vmem>> -> memref<120xi32, #tpu.memory_space<vmem>>
      %dma_wait3A_287 = arith.constant 0 : i32
      %dma_wait3A_288 = arith.constant 0 : i32
      %dma_wait3A_289 = tpu.memref_slice %arg3[%dma_wait3A_287, %dma_wait3A_288] : memref<10000x128xi32, #tpu.memory_space<hbm>> -> memref<10000x128xi32, #tpu.memory_space<hbm>>
      %dma_wait3A_290 = tpu.memref_slice %arg10[%dma_wait3A_281] : memref<3x!tpu.dma_semaphore, #tpu.memory_space<semaphore_mem>> -> memref<1x!tpu.dma_semaphore, #tpu.memory_space<semaphore_mem>>
      %dma_wait3A_291 = tpu.memref_squeeze %dma_wait3A_290 : memref<1x!tpu.dma_semaphore, #tpu.memory_space<semaphore_mem>> -> memref<!tpu.dma_semaphore, #tpu.memory_space<semaphore_mem>>
      tpu.wait_indirect_dma semaphore(%dma_wait3A_291 : memref<!tpu.dma_semaphore, #tpu.memory_space<semaphore_mem>>) src(%dma_wait3A_289 : memref<10000x128xi32, #tpu.memory_space<hbm>>) dst(%dma_wait3A_285 : memref<120x128xi32, #tpu.memory_space<vmem>>)
      %mul3A_292 = arith.constant 120 : i32
      %mul3A_293 = arith.muli %add3A_265, %mul3A_292 : i32
      %add3A_294 = arith.addi %mul3A_2, %mul3A_293 : i32
      %dma_start3A_295 = arith.constant 1 : i32
      %dma_start3A_296 = arith.constant 1 : i32
      %dma_start3A_297 = arith.constant 0 : i32
      %dma_start3A_298 = arith.constant 0 : i32
      %dma_start3A_299 = tpu.memref_slice %arg8[%dma_start3A_295, %dma_start3A_297, %dma_start3A_298] : memref<3x120x128xi32, #tpu.memory_space<vmem>> -> memref<1x120x128xi32, #tpu.memory_space<vmem>>
      %dma_start3A_300 = tpu.memref_squeeze %dma_start3A_299 : memref<1x120x128xi32, #tpu.memory_space<vmem>> -> memref<120x128xi32, #tpu.memory_space<vmem>>
      %dma_start3A_301 = arith.constant 0 : i32
      %dma_start3A_302 = tpu.memref_slice %arg5[%add3A_294, %dma_start3A_301] : memref<80640x128xi32, #tpu.memory_space<hbm>> -> memref<120x128xi32, #tpu.memory_space<hbm>>
      %dma_start3A_303 = tpu.memref_slice %arg11[%dma_start3A_296] : memref<3x!tpu.dma_semaphore, #tpu.memory_space<semaphore_mem>> -> memref<1x!tpu.dma_semaphore, #tpu.memory_space<semaphore_mem>>
      %dma_start3A_304 = tpu.memref_squeeze %dma_start3A_303 : memref<1x!tpu.dma_semaphore, #tpu.memory_space<semaphore_mem>> -> memref<!tpu.dma_semaphore, #tpu.memory_space<semaphore_mem>>
      %dma_start3A_305 = arith.constant 0 : i32
      %dma_start3A_306 = tpu.memref_slice %arg5[%add3A_294, %dma_start3A_305] : memref<80640x128xi32, #tpu.memory_space<hbm>> -> memref<120x128xi32, #tpu.memory_space<hbm>>
      %dma_start3A_307 = arith.constant 0 : i32
      %dma_start3A_308 = arith.constant 0 : i32
      %dma_start3A_309 = tpu.memref_slice %arg8[%dma_start3A_295, %dma_start3A_307, %dma_start3A_308] : memref<3x120x128xi32, #tpu.memory_space<vmem>> -> memref<1x120x128xi32, #tpu.memory_space<vmem>>
      %dma_start3A_310 = tpu.memref_squeeze %dma_start3A_309 : memref<1x120x128xi32, #tpu.memory_space<vmem>> -> memref<120x128xi32, #tpu.memory_space<vmem>>
      tpu.enqueue_dma source(%dma_start3A_310 : memref<120x128xi32, #tpu.memory_space<vmem>>) target(%dma_start3A_306 : memref<120x128xi32, #tpu.memory_space<hbm>>) target_semaphore(%dma_start3A_304 : memref<!tpu.dma_semaphore, #tpu.memory_space<semaphore_mem>>)
      %dma_start3A_311 = arith.constant 1 : i32
      %dma_start3A_312 = arith.constant 1 : i32
      %dma_start3A_313 = arith.constant 0 : i32
      %dma_start3A_314 = arith.constant 0 : i32
      %dma_start3A_315 = tpu.memref_slice %arg9[%dma_start3A_311, %dma_start3A_313, %dma_start3A_314] : memref<3x120x128xi32, #tpu.memory_space<vmem>> -> memref<1x120x128xi32, #tpu.memory_space<vmem>>
      %dma_start3A_316 = tpu.memref_squeeze %dma_start3A_315 : memref<1x120x128xi32, #tpu.memory_space<vmem>> -> memref<120x128xi32, #tpu.memory_space<vmem>>
      %dma_start3A_317 = arith.constant 0 : i32
      %dma_start3A_318 = tpu.memref_slice %arg6[%add3A_294, %dma_start3A_317] : memref<80640x128xi32, #tpu.memory_space<hbm>> -> memref<120x128xi32, #tpu.memory_space<hbm>>
      %dma_start3A_319 = tpu.memref_slice %arg11[%dma_start3A_312] : memref<3x!tpu.dma_semaphore, #tpu.memory_space<semaphore_mem>> -> memref<1x!tpu.dma_semaphore, #tpu.memory_space<semaphore_mem>>
      %dma_start3A_320 = tpu.memref_squeeze %dma_start3A_319 : memref<1x!tpu.dma_semaphore, #tpu.memory_space<semaphore_mem>> -> memref<!tpu.dma_semaphore, #tpu.memory_space<semaphore_mem>>
      %dma_start3A_321 = arith.constant 0 : i32
      %dma_start3A_322 = tpu.memref_slice %arg6[%add3A_294, %dma_start3A_321] : memref<80640x128xi32, #tpu.memory_space<hbm>> -> memref<120x128xi32, #tpu.memory_space<hbm>>
      %dma_start3A_323 = arith.constant 0 : i32
      %dma_start3A_324 = arith.constant 0 : i32
      %dma_start3A_325 = tpu.memref_slice %arg9[%dma_start3A_311, %dma_start3A_323, %dma_start3A_324] : memref<3x120x128xi32, #tpu.memory_space<vmem>> -> memref<1x120x128xi32, #tpu.memory_space<vmem>>
      %dma_start3A_326 = tpu.memref_squeeze %dma_start3A_325 : memref<1x120x128xi32, #tpu.memory_space<vmem>> -> memref<120x128xi32, #tpu.memory_space<vmem>>
      tpu.enqueue_dma source(%dma_start3A_326 : memref<120x128xi32, #tpu.memory_space<vmem>>) target(%dma_start3A_322 : memref<120x128xi32, #tpu.memory_space<hbm>>) target_semaphore(%dma_start3A_320 : memref<!tpu.dma_semaphore, #tpu.memory_space<semaphore_mem>>)
      %lt3A = arith.constant 6 : i32
      %lt3A_327 = arith.cmpi slt, %scan3A_166, %lt3A : i32
      %convert_element_type3A_328 = arith.extui %lt3A_327 : i1 to i32
      %cond3A_329 = arith.constant 0 : i32
      %cond3A_330 = arith.cmpi ne, %convert_element_type3A_328, %cond3A_329 : i32
      scf.if %cond3A_330 {
        %dma_wait3A_401 = arith.constant 0 : i32
        %dma_wait3A_402 = arith.constant 0 : i32
        %dma_wait3A_403 = arith.constant 0 : i32
        %dma_wait3A_404 = arith.constant 0 : i32
        %dma_wait3A_405 = tpu.memref_slice %arg8[%dma_wait3A_401, %dma_wait3A_403, %dma_wait3A_404] : memref<3x120x128xi32, #tpu.memory_space<vmem>> -> memref<1x120x128xi32, #tpu.memory_space<vmem>>
        %dma_wait3A_406 = tpu.memref_squeeze %dma_wait3A_405 : memref<1x120x128xi32, #tpu.memory_space<vmem>> -> memref<120x128xi32, #tpu.memory_space<vmem>>
        %dma_wait3A_407 = arith.constant 0 : i32
        %dma_wait3A_408 = arith.constant 0 : i32
        %dma_wait3A_409 = tpu.memref_slice %arg5[%dma_wait3A_407, %dma_wait3A_408] : memref<80640x128xi32, #tpu.memory_space<hbm>> -> memref<120x128xi32, #tpu.memory_space<hbm>>
        %dma_wait3A_410 = tpu.memref_slice %arg11[%dma_wait3A_402] : memref<3x!tpu.dma_semaphore, #tpu.memory_space<semaphore_mem>> -> memref<1x!tpu.dma_semaphore, #tpu.memory_space<semaphore_mem>>
        %dma_wait3A_411 = tpu.memref_squeeze %dma_wait3A_410 : memref<1x!tpu.dma_semaphore, #tpu.memory_space<semaphore_mem>> -> memref<!tpu.dma_semaphore, #tpu.memory_space<semaphore_mem>>
        %dma_wait3A_412 = arith.constant 0 : i32
        %dma_wait3A_413 = arith.constant 0 : i32
        %dma_wait3A_414 = tpu.memref_slice %arg5[%dma_wait3A_412, %dma_wait3A_413] : memref<80640x128xi32, #tpu.memory_space<hbm>> -> memref<120x128xi32, #tpu.memory_space<hbm>>
        %dma_wait3A_415 = arith.constant 0 : i32
        %dma_wait3A_416 = arith.constant 0 : i32
        %dma_wait3A_417 = tpu.memref_slice %arg8[%dma_wait3A_401, %dma_wait3A_415, %dma_wait3A_416] : memref<3x120x128xi32, #tpu.memory_space<vmem>> -> memref<1x120x128xi32, #tpu.memory_space<vmem>>
        %dma_wait3A_418 = tpu.memref_squeeze %dma_wait3A_417 : memref<1x120x128xi32, #tpu.memory_space<vmem>> -> memref<120x128xi32, #tpu.memory_space<vmem>>
        tpu.wait_dma2 semaphore(%dma_wait3A_411 : memref<!tpu.dma_semaphore, #tpu.memory_space<semaphore_mem>>) src(%dma_wait3A_418 : memref<120x128xi32, #tpu.memory_space<vmem>>) dst(%dma_wait3A_414 : memref<120x128xi32, #tpu.memory_space<hbm>>)
        %dma_wait3A_419 = arith.constant 0 : i32
        %dma_wait3A_420 = arith.constant 0 : i32
        %dma_wait3A_421 = arith.constant 0 : i32
        %dma_wait3A_422 = arith.constant 0 : i32
        %dma_wait3A_423 = tpu.memref_slice %arg9[%dma_wait3A_419, %dma_wait3A_421, %dma_wait3A_422] : memref<3x120x128xi32, #tpu.memory_space<vmem>> -> memref<1x120x128xi32, #tpu.memory_space<vmem>>
        %dma_wait3A_424 = tpu.memref_squeeze %dma_wait3A_423 : memref<1x120x128xi32, #tpu.memory_space<vmem>> -> memref<120x128xi32, #tpu.memory_space<vmem>>
        %dma_wait3A_425 = arith.constant 0 : i32
        %dma_wait3A_426 = arith.constant 0 : i32
        %dma_wait3A_427 = tpu.memref_slice %arg6[%dma_wait3A_425, %dma_wait3A_426] : memref<80640x128xi32, #tpu.memory_space<hbm>> -> memref<120x128xi32, #tpu.memory_space<hbm>>
        %dma_wait3A_428 = tpu.memref_slice %arg11[%dma_wait3A_420] : memref<3x!tpu.dma_semaphore, #tpu.memory_space<semaphore_mem>> -> memref<1x!tpu.dma_semaphore, #tpu.memory_space<semaphore_mem>>
        %dma_wait3A_429 = tpu.memref_squeeze %dma_wait3A_428 : memref<1x!tpu.dma_semaphore, #tpu.memory_space<semaphore_mem>> -> memref<!tpu.dma_semaphore, #tpu.memory_space<semaphore_mem>>
        %dma_wait3A_430 = arith.constant 0 : i32
        %dma_wait3A_431 = arith.constant 0 : i32
        %dma_wait3A_432 = tpu.memref_slice %arg6[%dma_wait3A_430, %dma_wait3A_431] : memref<80640x128xi32, #tpu.memory_space<hbm>> -> memref<120x128xi32, #tpu.memory_space<hbm>>
        %dma_wait3A_433 = arith.constant 0 : i32
        %dma_wait3A_434 = arith.constant 0 : i32
        %dma_wait3A_435 = tpu.memref_slice %arg9[%dma_wait3A_419, %dma_wait3A_433, %dma_wait3A_434] : memref<3x120x128xi32, #tpu.memory_space<vmem>> -> memref<1x120x128xi32, #tpu.memory_space<vmem>>
        %dma_wait3A_436 = tpu.memref_squeeze %dma_wait3A_435 : memref<1x120x128xi32, #tpu.memory_space<vmem>> -> memref<120x128xi32, #tpu.memory_space<vmem>>
        tpu.wait_dma2 semaphore(%dma_wait3A_429 : memref<!tpu.dma_semaphore, #tpu.memory_space<semaphore_mem>>) src(%dma_wait3A_436 : memref<120x128xi32, #tpu.memory_space<vmem>>) dst(%dma_wait3A_432 : memref<120x128xi32, #tpu.memory_space<hbm>>)
        %add3A_437 = arith.constant 2 : i32
        %add3A_438 = arith.addi %add3A_265, %add3A_437 : i32
        %mul3A_439 = arith.constant 120 : i32
        %mul3A_440 = arith.muli %add3A_438, %mul3A_439 : i32
        %dma_start3A_441 = arith.constant 0 : i32
        %dma_start3A_442 = arith.constant 0 : i32
        %dma_start3A_443 = arith.constant 0 : i32
        %dma_start3A_444 = arith.constant 0 : i32
        %dma_start3A_445 = tpu.memref_slice %arg8[%dma_start3A_441, %dma_start3A_443, %dma_start3A_444] : memref<3x120x128xi32, #tpu.memory_space<vmem>> -> memref<1x120x128xi32, #tpu.memory_space<vmem>>
        %dma_start3A_446 = tpu.memref_squeeze %dma_start3A_445 : memref<1x120x128xi32, #tpu.memory_space<vmem>> -> memref<120x128xi32, #tpu.memory_space<vmem>>
        %dma_start3A_447 = tpu.memref_slice %arg7[%mul3A_440] : memref<2520xi32, #tpu.memory_space<vmem>> -> memref<120xi32, #tpu.memory_space<vmem>>
        %dma_start3A_448 = arith.constant 0 : i32
        %dma_start3A_449 = arith.constant 0 : i32
        %dma_start3A_450 = tpu.memref_slice %arg2[%dma_start3A_448, %dma_start3A_449] : memref<10000x128xi32, #tpu.memory_space<hbm>> -> memref<10000x128xi32, #tpu.memory_space<hbm>>
        %dma_start3A_451 = tpu.memref_slice %arg10[%dma_start3A_442] : memref<3x!tpu.dma_semaphore, #tpu.memory_space<semaphore_mem>> -> memref<1x!tpu.dma_semaphore, #tpu.memory_space<semaphore_mem>>
        %dma_start3A_452 = tpu.memref_squeeze %dma_start3A_451 : memref<1x!tpu.dma_semaphore, #tpu.memory_space<semaphore_mem>> -> memref<!tpu.dma_semaphore, #tpu.memory_space<semaphore_mem>>
        tpu.enqueue_indirect_dma source(%dma_start3A_450 : memref<10000x128xi32, #tpu.memory_space<hbm>>) target(%dma_start3A_446 : memref<120x128xi32, #tpu.memory_space<vmem>>) offsets(%dma_start3A_447 : memref<120xi32, #tpu.memory_space<vmem>>) semaphore(%dma_start3A_452 : memref<!tpu.dma_semaphore, #tpu.memory_space<semaphore_mem>>)
        %dma_start3A_453 = arith.constant 0 : i32
        %dma_start3A_454 = arith.constant 0 : i32
        %dma_start3A_455 = arith.constant 0 : i32
        %dma_start3A_456 = arith.constant 0 : i32
        %dma_start3A_457 = tpu.memref_slice %arg9[%dma_start3A_453, %dma_start3A_455, %dma_start3A_456] : memref<3x120x128xi32, #tpu.memory_space<vmem>> -> memref<1x120x128xi32, #tpu.memory_space<vmem>>
        %dma_start3A_458 = tpu.memref_squeeze %dma_start3A_457 : memref<1x120x128xi32, #tpu.memory_space<vmem>> -> memref<120x128xi32, #tpu.memory_space<vmem>>
        %dma_start3A_459 = tpu.memref_slice %arg7[%mul3A_440] : memref<2520xi32, #tpu.memory_space<vmem>> -> memref<120xi32, #tpu.memory_space<vmem>>
        %dma_start3A_460 = arith.constant 0 : i32
        %dma_start3A_461 = arith.constant 0 : i32
        %dma_start3A_462 = tpu.memref_slice %arg3[%dma_start3A_460, %dma_start3A_461] : memref<10000x128xi32, #tpu.memory_space<hbm>> -> memref<10000x128xi32, #tpu.memory_space<hbm>>
        %dma_start3A_463 = tpu.memref_slice %arg10[%dma_start3A_454] : memref<3x!tpu.dma_semaphore, #tpu.memory_space<semaphore_mem>> -> memref<1x!tpu.dma_semaphore, #tpu.memory_space<semaphore_mem>>
        %dma_start3A_464 = tpu.memref_squeeze %dma_start3A_463 : memref<1x!tpu.dma_semaphore, #tpu.memory_space<semaphore_mem>> -> memref<!tpu.dma_semaphore, #tpu.memory_space<semaphore_mem>>
        tpu.enqueue_indirect_dma source(%dma_start3A_462 : memref<10000x128xi32, #tpu.memory_space<hbm>>) target(%dma_start3A_458 : memref<120x128xi32, #tpu.memory_space<vmem>>) offsets(%dma_start3A_459 : memref<120xi32, #tpu.memory_space<vmem>>) semaphore(%dma_start3A_464 : memref<!tpu.dma_semaphore, #tpu.memory_space<semaphore_mem>>)
      } else {
      }
      %mul3A_331 = arith.constant 3 : i32
      %mul3A_332 = arith.muli %scan3A_166, %mul3A_331 : i32
      %add3A_333 = arith.constant 2 : i32
      %add3A_334 = arith.addi %mul3A_332, %add3A_333 : i32
      %mul3A_335 = arith.constant 120 : i32
      %mul3A_336 = arith.muli %add3A_334, %mul3A_335 : i32
      %dma_wait3A_337 = arith.constant 2 : i32
      %dma_wait3A_338 = arith.constant 2 : i32
      %dma_wait3A_339 = arith.constant 0 : i32
      %dma_wait3A_340 = arith.constant 0 : i32
      %dma_wait3A_341 = tpu.memref_slice %arg8[%dma_wait3A_337, %dma_wait3A_339, %dma_wait3A_340] : memref<3x120x128xi32, #tpu.memory_space<vmem>> -> memref<1x120x128xi32, #tpu.memory_space<vmem>>
      %dma_wait3A_342 = tpu.memref_squeeze %dma_wait3A_341 : memref<1x120x128xi32, #tpu.memory_space<vmem>> -> memref<120x128xi32, #tpu.memory_space<vmem>>
      %dma_wait3A_343 = tpu.memref_slice %arg7[%mul3A_336] : memref<2520xi32, #tpu.memory_space<vmem>> -> memref<120xi32, #tpu.memory_space<vmem>>
      %dma_wait3A_344 = arith.constant 0 : i32
      %dma_wait3A_345 = arith.constant 0 : i32
      %dma_wait3A_346 = tpu.memref_slice %arg2[%dma_wait3A_344, %dma_wait3A_345] : memref<10000x128xi32, #tpu.memory_space<hbm>> -> memref<10000x128xi32, #tpu.memory_space<hbm>>
      %dma_wait3A_347 = tpu.memref_slice %arg10[%dma_wait3A_338] : memref<3x!tpu.dma_semaphore, #tpu.memory_space<semaphore_mem>> -> memref<1x!tpu.dma_semaphore, #tpu.memory_space<semaphore_mem>>
      %dma_wait3A_348 = tpu.memref_squeeze %dma_wait3A_347 : memref<1x!tpu.dma_semaphore, #tpu.memory_space<semaphore_mem>> -> memref<!tpu.dma_semaphore, #tpu.memory_space<semaphore_mem>>
      tpu.wait_indirect_dma semaphore(%dma_wait3A_348 : memref<!tpu.dma_semaphore, #tpu.memory_space<semaphore_mem>>) src(%dma_wait3A_346 : memref<10000x128xi32, #tpu.memory_space<hbm>>) dst(%dma_wait3A_342 : memref<120x128xi32, #tpu.memory_space<vmem>>)
      %dma_wait3A_349 = arith.constant 2 : i32
      %dma_wait3A_350 = arith.constant 2 : i32
      %dma_wait3A_351 = arith.constant 0 : i32
      %dma_wait3A_352 = arith.constant 0 : i32
      %dma_wait3A_353 = tpu.memref_slice %arg9[%dma_wait3A_349, %dma_wait3A_351, %dma_wait3A_352] : memref<3x120x128xi32, #tpu.memory_space<vmem>> -> memref<1x120x128xi32, #tpu.memory_space<vmem>>
      %dma_wait3A_354 = tpu.memref_squeeze %dma_wait3A_353 : memref<1x120x128xi32, #tpu.memory_space<vmem>> -> memref<120x128xi32, #tpu.memory_space<vmem>>
      %dma_wait3A_355 = tpu.memref_slice %arg7[%mul3A_336] : memref<2520xi32, #tpu.memory_space<vmem>> -> memref<120xi32, #tpu.memory_space<vmem>>
      %dma_wait3A_356 = arith.constant 0 : i32
      %dma_wait3A_357 = arith.constant 0 : i32
      %dma_wait3A_358 = tpu.memref_slice %arg3[%dma_wait3A_356, %dma_wait3A_357] : memref<10000x128xi32, #tpu.memory_space<hbm>> -> memref<10000x128xi32, #tpu.memory_space<hbm>>
      %dma_wait3A_359 = tpu.memref_slice %arg10[%dma_wait3A_350] : memref<3x!tpu.dma_semaphore, #tpu.memory_space<semaphore_mem>> -> memref<1x!tpu.dma_semaphore, #tpu.memory_space<semaphore_mem>>
      %dma_wait3A_360 = tpu.memref_squeeze %dma_wait3A_359 : memref<1x!tpu.dma_semaphore, #tpu.memory_space<semaphore_mem>> -> memref<!tpu.dma_semaphore, #tpu.memory_space<semaphore_mem>>
      tpu.wait_indirect_dma semaphore(%dma_wait3A_360 : memref<!tpu.dma_semaphore, #tpu.memory_space<semaphore_mem>>) src(%dma_wait3A_358 : memref<10000x128xi32, #tpu.memory_space<hbm>>) dst(%dma_wait3A_354 : memref<120x128xi32, #tpu.memory_space<vmem>>)
      %mul3A_361 = arith.constant 120 : i32
      %mul3A_362 = arith.muli %add3A_334, %mul3A_361 : i32
      %add3A_363 = arith.addi %mul3A_2, %mul3A_362 : i32
      %dma_start3A_364 = arith.constant 2 : i32
      %dma_start3A_365 = arith.constant 2 : i32
      %dma_start3A_366 = arith.constant 0 : i32
      %dma_start3A_367 = arith.constant 0 : i32
      %dma_start3A_368 = tpu.memref_slice %arg8[%dma_start3A_364, %dma_start3A_366, %dma_start3A_367] : memref<3x120x128xi32, #tpu.memory_space<vmem>> -> memref<1x120x128xi32, #tpu.memory_space<vmem>>
      %dma_start3A_369 = tpu.memref_squeeze %dma_start3A_368 : memref<1x120x128xi32, #tpu.memory_space<vmem>> -> memref<120x128xi32, #tpu.memory_space<vmem>>
      %dma_start3A_370 = arith.constant 0 : i32
      %dma_start3A_371 = tpu.memref_slice %arg5[%add3A_363, %dma_start3A_370] : memref<80640x128xi32, #tpu.memory_space<hbm>> -> memref<120x128xi32, #tpu.memory_space<hbm>>
      %dma_start3A_372 = tpu.memref_slice %arg11[%dma_start3A_365] : memref<3x!tpu.dma_semaphore, #tpu.memory_space<semaphore_mem>> -> memref<1x!tpu.dma_semaphore, #tpu.memory_space<semaphore_mem>>
      %dma_start3A_373 = tpu.memref_squeeze %dma_start3A_372 : memref<1x!tpu.dma_semaphore, #tpu.memory_space<semaphore_mem>> -> memref<!tpu.dma_semaphore, #tpu.memory_space<semaphore_mem>>
      %dma_start3A_374 = arith.constant 0 : i32
      %dma_start3A_375 = tpu.memref_slice %arg5[%add3A_363, %dma_start3A_374] : memref<80640x128xi32, #tpu.memory_space<hbm>> -> memref<120x128xi32, #tpu.memory_space<hbm>>
      %dma_start3A_376 = arith.constant 0 : i32
      %dma_start3A_377 = arith.constant 0 : i32
      %dma_start3A_378 = tpu.memref_slice %arg8[%dma_start3A_364, %dma_start3A_376, %dma_start3A_377] : memref<3x120x128xi32, #tpu.memory_space<vmem>> -> memref<1x120x128xi32, #tpu.memory_space<vmem>>
      %dma_start3A_379 = tpu.memref_squeeze %dma_start3A_378 : memref<1x120x128xi32, #tpu.memory_space<vmem>> -> memref<120x128xi32, #tpu.memory_space<vmem>>
      tpu.enqueue_dma source(%dma_start3A_379 : memref<120x128xi32, #tpu.memory_space<vmem>>) target(%dma_start3A_375 : memref<120x128xi32, #tpu.memory_space<hbm>>) target_semaphore(%dma_start3A_373 : memref<!tpu.dma_semaphore, #tpu.memory_space<semaphore_mem>>)
      %dma_start3A_380 = arith.constant 2 : i32
      %dma_start3A_381 = arith.constant 2 : i32
      %dma_start3A_382 = arith.constant 0 : i32
      %dma_start3A_383 = arith.constant 0 : i32
      %dma_start3A_384 = tpu.memref_slice %arg9[%dma_start3A_380, %dma_start3A_382, %dma_start3A_383] : memref<3x120x128xi32, #tpu.memory_space<vmem>> -> memref<1x120x128xi32, #tpu.memory_space<vmem>>
      %dma_start3A_385 = tpu.memref_squeeze %dma_start3A_384 : memref<1x120x128xi32, #tpu.memory_space<vmem>> -> memref<120x128xi32, #tpu.memory_space<vmem>>
      %dma_start3A_386 = arith.constant 0 : i32
      %dma_start3A_387 = tpu.memref_slice %arg6[%add3A_363, %dma_start3A_386] : memref<80640x128xi32, #tpu.memory_space<hbm>> -> memref<120x128xi32, #tpu.memory_space<hbm>>
      %dma_start3A_388 = tpu.memref_slice %arg11[%dma_start3A_381] : memref<3x!tpu.dma_semaphore, #tpu.memory_space<semaphore_mem>> -> memref<1x!tpu.dma_semaphore, #tpu.memory_space<semaphore_mem>>
      %dma_start3A_389 = tpu.memref_squeeze %dma_start3A_388 : memref<1x!tpu.dma_semaphore, #tpu.memory_space<semaphore_mem>> -> memref<!tpu.dma_semaphore, #tpu.memory_space<semaphore_mem>>
      %dma_start3A_390 = arith.constant 0 : i32
      %dma_start3A_391 = tpu.memref_slice %arg6[%add3A_363, %dma_start3A_390] : memref<80640x128xi32, #tpu.memory_space<hbm>> -> memref<120x128xi32, #tpu.memory_space<hbm>>
      %dma_start3A_392 = arith.constant 0 : i32
      %dma_start3A_393 = arith.constant 0 : i32
      %dma_start3A_394 = tpu.memref_slice %arg9[%dma_start3A_380, %dma_start3A_392, %dma_start3A_393] : memref<3x120x128xi32, #tpu.memory_space<vmem>> -> memref<1x120x128xi32, #tpu.memory_space<vmem>>
      %dma_start3A_395 = tpu.memref_squeeze %dma_start3A_394 : memref<1x120x128xi32, #tpu.memory_space<vmem>> -> memref<120x128xi32, #tpu.memory_space<vmem>>
      tpu.enqueue_dma source(%dma_start3A_395 : memref<120x128xi32, #tpu.memory_space<vmem>>) target(%dma_start3A_391 : memref<120x128xi32, #tpu.memory_space<hbm>>) target_semaphore(%dma_start3A_389 : memref<!tpu.dma_semaphore, #tpu.memory_space<semaphore_mem>>)
      %lt3A_396 = arith.constant 6 : i32
      %lt3A_397 = arith.cmpi slt, %scan3A_166, %lt3A_396 : i32
      %convert_element_type3A_398 = arith.extui %lt3A_397 : i1 to i32
      %cond3A_399 = arith.constant 0 : i32
      %cond3A_400 = arith.cmpi ne, %convert_element_type3A_398, %cond3A_399 : i32
      scf.if %cond3A_400 {
        %dma_wait3A_401 = arith.constant 1 : i32
        %dma_wait3A_402 = arith.constant 1 : i32
        %dma_wait3A_403 = arith.constant 0 : i32
        %dma_wait3A_404 = arith.constant 0 : i32
        %dma_wait3A_405 = tpu.memref_slice %arg8[%dma_wait3A_401, %dma_wait3A_403, %dma_wait3A_404] : memref<3x120x128xi32, #tpu.memory_space<vmem>> -> memref<1x120x128xi32, #tpu.memory_space<vmem>>
        %dma_wait3A_406 = tpu.memref_squeeze %dma_wait3A_405 : memref<1x120x128xi32, #tpu.memory_space<vmem>> -> memref<120x128xi32, #tpu.memory_space<vmem>>
        %dma_wait3A_407 = arith.constant 0 : i32
        %dma_wait3A_408 = arith.constant 0 : i32
        %dma_wait3A_409 = tpu.memref_slice %arg5[%dma_wait3A_407, %dma_wait3A_408] : memref<80640x128xi32, #tpu.memory_space<hbm>> -> memref<120x128xi32, #tpu.memory_space<hbm>>
        %dma_wait3A_410 = tpu.memref_slice %arg11[%dma_wait3A_402] : memref<3x!tpu.dma_semaphore, #tpu.memory_space<semaphore_mem>> -> memref<1x!tpu.dma_semaphore, #tpu.memory_space<semaphore_mem>>
        %dma_wait3A_411 = tpu.memref_squeeze %dma_wait3A_410 : memref<1x!tpu.dma_semaphore, #tpu.memory_space<semaphore_mem>> -> memref<!tpu.dma_semaphore, #tpu.memory_space<semaphore_mem>>
        %dma_wait3A_412 = arith.constant 0 : i32
        %dma_wait3A_413 = arith.constant 0 : i32
        %dma_wait3A_414 = tpu.memref_slice %arg5[%dma_wait3A_412, %dma_wait3A_413] : memref<80640x128xi32, #tpu.memory_space<hbm>> -> memref<120x128xi32, #tpu.memory_space<hbm>>
        %dma_wait3A_415 = arith.constant 0 : i32
        %dma_wait3A_416 = arith.constant 0 : i32
        %dma_wait3A_417 = tpu.memref_slice %arg8[%dma_wait3A_401, %dma_wait3A_415, %dma_wait3A_416] : memref<3x120x128xi32, #tpu.memory_space<vmem>> -> memref<1x120x128xi32, #tpu.memory_space<vmem>>
        %dma_wait3A_418 = tpu.memref_squeeze %dma_wait3A_417 : memref<1x120x128xi32, #tpu.memory_space<vmem>> -> memref<120x128xi32, #tpu.memory_space<vmem>>
        tpu.wait_dma2 semaphore(%dma_wait3A_411 : memref<!tpu.dma_semaphore, #tpu.memory_space<semaphore_mem>>) src(%dma_wait3A_418 : memref<120x128xi32, #tpu.memory_space<vmem>>) dst(%dma_wait3A_414 : memref<120x128xi32, #tpu.memory_space<hbm>>)
        %dma_wait3A_419 = arith.constant 1 : i32
        %dma_wait3A_420 = arith.constant 1 : i32
        %dma_wait3A_421 = arith.constant 0 : i32
        %dma_wait3A_422 = arith.constant 0 : i32
        %dma_wait3A_423 = tpu.memref_slice %arg9[%dma_wait3A_419, %dma_wait3A_421, %dma_wait3A_422] : memref<3x120x128xi32, #tpu.memory_space<vmem>> -> memref<1x120x128xi32, #tpu.memory_space<vmem>>
        %dma_wait3A_424 = tpu.memref_squeeze %dma_wait3A_423 : memref<1x120x128xi32, #tpu.memory_space<vmem>> -> memref<120x128xi32, #tpu.memory_space<vmem>>
        %dma_wait3A_425 = arith.constant 0 : i32
        %dma_wait3A_426 = arith.constant 0 : i32
        %dma_wait3A_427 = tpu.memref_slice %arg6[%dma_wait3A_425, %dma_wait3A_426] : memref<80640x128xi32, #tpu.memory_space<hbm>> -> memref<120x128xi32, #tpu.memory_space<hbm>>
        %dma_wait3A_428 = tpu.memref_slice %arg11[%dma_wait3A_420] : memref<3x!tpu.dma_semaphore, #tpu.memory_space<semaphore_mem>> -> memref<1x!tpu.dma_semaphore, #tpu.memory_space<semaphore_mem>>
        %dma_wait3A_429 = tpu.memref_squeeze %dma_wait3A_428 : memref<1x!tpu.dma_semaphore, #tpu.memory_space<semaphore_mem>> -> memref<!tpu.dma_semaphore, #tpu.memory_space<semaphore_mem>>
        %dma_wait3A_430 = arith.constant 0 : i32
        %dma_wait3A_431 = arith.constant 0 : i32
        %dma_wait3A_432 = tpu.memref_slice %arg6[%dma_wait3A_430, %dma_wait3A_431] : memref<80640x128xi32, #tpu.memory_space<hbm>> -> memref<120x128xi32, #tpu.memory_space<hbm>>
        %dma_wait3A_433 = arith.constant 0 : i32
        %dma_wait3A_434 = arith.constant 0 : i32
        %dma_wait3A_435 = tpu.memref_slice %arg9[%dma_wait3A_419, %dma_wait3A_433, %dma_wait3A_434] : memref<3x120x128xi32, #tpu.memory_space<vmem>> -> memref<1x120x128xi32, #tpu.memory_space<vmem>>
        %dma_wait3A_436 = tpu.memref_squeeze %dma_wait3A_435 : memref<1x120x128xi32, #tpu.memory_space<vmem>> -> memref<120x128xi32, #tpu.memory_space<vmem>>
        tpu.wait_dma2 semaphore(%dma_wait3A_429 : memref<!tpu.dma_semaphore, #tpu.memory_space<semaphore_mem>>) src(%dma_wait3A_436 : memref<120x128xi32, #tpu.memory_space<vmem>>) dst(%dma_wait3A_432 : memref<120x128xi32, #tpu.memory_space<hbm>>)
        %add3A_437 = arith.constant 2 : i32
        %add3A_438 = arith.addi %add3A_334, %add3A_437 : i32
        %mul3A_439 = arith.constant 120 : i32
        %mul3A_440 = arith.muli %add3A_438, %mul3A_439 : i32
        %dma_start3A_441 = arith.constant 1 : i32
        %dma_start3A_442 = arith.constant 1 : i32
        %dma_start3A_443 = arith.constant 0 : i32
        %dma_start3A_444 = arith.constant 0 : i32
        %dma_start3A_445 = tpu.memref_slice %arg8[%dma_start3A_441, %dma_start3A_443, %dma_start3A_444] : memref<3x120x128xi32, #tpu.memory_space<vmem>> -> memref<1x120x128xi32, #tpu.memory_space<vmem>>
        %dma_start3A_446 = tpu.memref_squeeze %dma_start3A_445 : memref<1x120x128xi32, #tpu.memory_space<vmem>> -> memref<120x128xi32, #tpu.memory_space<vmem>>
        %dma_start3A_447 = tpu.memref_slice %arg7[%mul3A_440] : memref<2520xi32, #tpu.memory_space<vmem>> -> memref<120xi32, #tpu.memory_space<vmem>>
        %dma_start3A_448 = arith.constant 0 : i32
        %dma_start3A_449 = arith.constant 0 : i32
        %dma_start3A_450 = tpu.memref_slice %arg2[%dma_start3A_448, %dma_start3A_449] : memref<10000x128xi32, #tpu.memory_space<hbm>> -> memref<10000x128xi32, #tpu.memory_space<hbm>>
        %dma_start3A_451 = tpu.memref_slice %arg10[%dma_start3A_442] : memref<3x!tpu.dma_semaphore, #tpu.memory_space<semaphore_mem>> -> memref<1x!tpu.dma_semaphore, #tpu.memory_space<semaphore_mem>>
        %dma_start3A_452 = tpu.memref_squeeze %dma_start3A_451 : memref<1x!tpu.dma_semaphore, #tpu.memory_space<semaphore_mem>> -> memref<!tpu.dma_semaphore, #tpu.memory_space<semaphore_mem>>
        tpu.enqueue_indirect_dma source(%dma_start3A_450 : memref<10000x128xi32, #tpu.memory_space<hbm>>) target(%dma_start3A_446 : memref<120x128xi32, #tpu.memory_space<vmem>>) offsets(%dma_start3A_447 : memref<120xi32, #tpu.memory_space<vmem>>) semaphore(%dma_start3A_452 : memref<!tpu.dma_semaphore, #tpu.memory_space<semaphore_mem>>)
        %dma_start3A_453 = arith.constant 1 : i32
        %dma_start3A_454 = arith.constant 1 : i32
        %dma_start3A_455 = arith.constant 0 : i32
        %dma_start3A_456 = arith.constant 0 : i32
        %dma_start3A_457 = tpu.memref_slice %arg9[%dma_start3A_453, %dma_start3A_455, %dma_start3A_456] : memref<3x120x128xi32, #tpu.memory_space<vmem>> -> memref<1x120x128xi32, #tpu.memory_space<vmem>>
        %dma_start3A_458 = tpu.memref_squeeze %dma_start3A_457 : memref<1x120x128xi32, #tpu.memory_space<vmem>> -> memref<120x128xi32, #tpu.memory_space<vmem>>
        %dma_start3A_459 = tpu.memref_slice %arg7[%mul3A_440] : memref<2520xi32, #tpu.memory_space<vmem>> -> memref<120xi32, #tpu.memory_space<vmem>>
        %dma_start3A_460 = arith.constant 0 : i32
        %dma_start3A_461 = arith.constant 0 : i32
        %dma_start3A_462 = tpu.memref_slice %arg3[%dma_start3A_460, %dma_start3A_461] : memref<10000x128xi32, #tpu.memory_space<hbm>> -> memref<10000x128xi32, #tpu.memory_space<hbm>>
        %dma_start3A_463 = tpu.memref_slice %arg10[%dma_start3A_454] : memref<3x!tpu.dma_semaphore, #tpu.memory_space<semaphore_mem>> -> memref<1x!tpu.dma_semaphore, #tpu.memory_space<semaphore_mem>>
        %dma_start3A_464 = tpu.memref_squeeze %dma_start3A_463 : memref<1x!tpu.dma_semaphore, #tpu.memory_space<semaphore_mem>> -> memref<!tpu.dma_semaphore, #tpu.memory_space<semaphore_mem>>
        tpu.enqueue_indirect_dma source(%dma_start3A_462 : memref<10000x128xi32, #tpu.memory_space<hbm>>) target(%dma_start3A_458 : memref<120x128xi32, #tpu.memory_space<vmem>>) offsets(%dma_start3A_459 : memref<120xi32, #tpu.memory_space<vmem>>) semaphore(%dma_start3A_464 : memref<!tpu.dma_semaphore, #tpu.memory_space<semaphore_mem>>)
      } else {
      }
    }
    %scan3A_58 = arith.constant 7 : i32
    %dma_wait3A = arith.constant 0 : i32
    %dma_wait3A_59 = arith.constant 0 : i32
    %dma_wait3A_60 = arith.constant 0 : i32
    %dma_wait3A_61 = arith.constant 0 : i32
    %dma_wait3A_62 = tpu.memref_slice %arg8[%dma_wait3A, %dma_wait3A_60, %dma_wait3A_61] : memref<3x120x128xi32, #tpu.memory_space<vmem>> -> memref<1x120x128xi32, #tpu.memory_space<vmem>>
    %dma_wait3A_63 = tpu.memref_squeeze %dma_wait3A_62 : memref<1x120x128xi32, #tpu.memory_space<vmem>> -> memref<120x128xi32, #tpu.memory_space<vmem>>
    %dma_wait3A_64 = arith.constant 0 : i32
    %dma_wait3A_65 = arith.constant 0 : i32
    %dma_wait3A_66 = tpu.memref_slice %arg5[%dma_wait3A_64, %dma_wait3A_65] : memref<80640x128xi32, #tpu.memory_space<hbm>> -> memref<120x128xi32, #tpu.memory_space<hbm>>
    %dma_wait3A_67 = tpu.memref_slice %arg11[%dma_wait3A_59] : memref<3x!tpu.dma_semaphore, #tpu.memory_space<semaphore_mem>> -> memref<1x!tpu.dma_semaphore, #tpu.memory_space<semaphore_mem>>
    %dma_wait3A_68 = tpu.memref_squeeze %dma_wait3A_67 : memref<1x!tpu.dma_semaphore, #tpu.memory_space<semaphore_mem>> -> memref<!tpu.dma_semaphore, #tpu.memory_space<semaphore_mem>>
    %dma_wait3A_69 = arith.constant 0 : i32
    %dma_wait3A_70 = arith.constant 0 : i32
    %dma_wait3A_71 = tpu.memref_slice %arg5[%dma_wait3A_69, %dma_wait3A_70] : memref<80640x128xi32, #tpu.memory_space<hbm>> -> memref<120x128xi32, #tpu.memory_space<hbm>>
    %dma_wait3A_72 = arith.constant 0 : i32
    %dma_wait3A_73 = arith.constant 0 : i32
    %dma_wait3A_74 = tpu.memref_slice %arg8[%dma_wait3A, %dma_wait3A_72, %dma_wait3A_73] : memref<3x120x128xi32, #tpu.memory_space<vmem>> -> memref<1x120x128xi32, #tpu.memory_space<vmem>>
    %dma_wait3A_75 = tpu.memref_squeeze %dma_wait3A_74 : memref<1x120x128xi32, #tpu.memory_space<vmem>> -> memref<120x128xi32, #tpu.memory_space<vmem>>
    tpu.wait_dma2 semaphore(%dma_wait3A_68 : memref<!tpu.dma_semaphore, #tpu.memory_space<semaphore_mem>>) src(%dma_wait3A_75 : memref<120x128xi32, #tpu.memory_space<vmem>>) dst(%dma_wait3A_71 : memref<120x128xi32, #tpu.memory_space<hbm>>)
    %dma_wait3A_76 = arith.constant 0 : i32
    %dma_wait3A_77 = arith.constant 0 : i32
    %dma_wait3A_78 = arith.constant 0 : i32
    %dma_wait3A_79 = arith.constant 0 : i32
    %dma_wait3A_80 = tpu.memref_slice %arg9[%dma_wait3A_76, %dma_wait3A_78, %dma_wait3A_79] : memref<3x120x128xi32, #tpu.memory_space<vmem>> -> memref<1x120x128xi32, #tpu.memory_space<vmem>>
    %dma_wait3A_81 = tpu.memref_squeeze %dma_wait3A_80 : memref<1x120x128xi32, #tpu.memory_space<vmem>> -> memref<120x128xi32, #tpu.memory_space<vmem>>
    %dma_wait3A_82 = arith.constant 0 : i32
    %dma_wait3A_83 = arith.constant 0 : i32
    %dma_wait3A_84 = tpu.memref_slice %arg6[%dma_wait3A_82, %dma_wait3A_83] : memref<80640x128xi32, #tpu.memory_space<hbm>> -> memref<120x128xi32, #tpu.memory_space<hbm>>
    %dma_wait3A_85 = tpu.memref_slice %arg11[%dma_wait3A_77] : memref<3x!tpu.dma_semaphore, #tpu.memory_space<semaphore_mem>> -> memref<1x!tpu.dma_semaphore, #tpu.memory_space<semaphore_mem>>
    %dma_wait3A_86 = tpu.memref_squeeze %dma_wait3A_85 : memref<1x!tpu.dma_semaphore, #tpu.memory_space<semaphore_mem>> -> memref<!tpu.dma_semaphore, #tpu.memory_space<semaphore_mem>>
    %dma_wait3A_87 = arith.constant 0 : i32
    %dma_wait3A_88 = arith.constant 0 : i32
    %dma_wait3A_89 = tpu.memref_slice %arg6[%dma_wait3A_87, %dma_wait3A_88] : memref<80640x128xi32, #tpu.memory_space<hbm>> -> memref<120x128xi32, #tpu.memory_space<hbm>>
    %dma_wait3A_90 = arith.constant 0 : i32
    %dma_wait3A_91 = arith.constant 0 : i32
    %dma_wait3A_92 = tpu.memref_slice %arg9[%dma_wait3A_76, %dma_wait3A_90, %dma_wait3A_91] : memref<3x120x128xi32, #tpu.memory_space<vmem>> -> memref<1x120x128xi32, #tpu.memory_space<vmem>>
    %dma_wait3A_93 = tpu.memref_squeeze %dma_wait3A_92 : memref<1x120x128xi32, #tpu.memory_space<vmem>> -> memref<120x128xi32, #tpu.memory_space<vmem>>
    tpu.wait_dma2 semaphore(%dma_wait3A_86 : memref<!tpu.dma_semaphore, #tpu.memory_space<semaphore_mem>>) src(%dma_wait3A_93 : memref<120x128xi32, #tpu.memory_space<vmem>>) dst(%dma_wait3A_89 : memref<120x128xi32, #tpu.memory_space<hbm>>)
    %dma_wait3A_94 = arith.constant 1 : i32
    %dma_wait3A_95 = arith.constant 1 : i32
    %dma_wait3A_96 = arith.constant 0 : i32
    %dma_wait3A_97 = arith.constant 0 : i32
    %dma_wait3A_98 = tpu.memref_slice %arg8[%dma_wait3A_94, %dma_wait3A_96, %dma_wait3A_97] : memref<3x120x128xi32, #tpu.memory_space<vmem>> -> memref<1x120x128xi32, #tpu.memory_space<vmem>>
    %dma_wait3A_99 = tpu.memref_squeeze %dma_wait3A_98 : memref<1x120x128xi32, #tpu.memory_space<vmem>> -> memref<120x128xi32, #tpu.memory_space<vmem>>
    %dma_wait3A_100 = arith.constant 0 : i32
    %dma_wait3A_101 = arith.constant 0 : i32
    %dma_wait3A_102 = tpu.memref_slice %arg5[%dma_wait3A_100, %dma_wait3A_101] : memref<80640x128xi32, #tpu.memory_space<hbm>> -> memref<120x128xi32, #tpu.memory_space<hbm>>
    %dma_wait3A_103 = tpu.memref_slice %arg11[%dma_wait3A_95] : memref<3x!tpu.dma_semaphore, #tpu.memory_space<semaphore_mem>> -> memref<1x!tpu.dma_semaphore, #tpu.memory_space<semaphore_mem>>
    %dma_wait3A_104 = tpu.memref_squeeze %dma_wait3A_103 : memref<1x!tpu.dma_semaphore, #tpu.memory_space<semaphore_mem>> -> memref<!tpu.dma_semaphore, #tpu.memory_space<semaphore_mem>>
    %dma_wait3A_105 = arith.constant 0 : i32
    %dma_wait3A_106 = arith.constant 0 : i32
    %dma_wait3A_107 = tpu.memref_slice %arg5[%dma_wait3A_105, %dma_wait3A_106] : memref<80640x128xi32, #tpu.memory_space<hbm>> -> memref<120x128xi32, #tpu.memory_space<hbm>>
    %dma_wait3A_108 = arith.constant 0 : i32
    %dma_wait3A_109 = arith.constant 0 : i32
    %dma_wait3A_110 = tpu.memref_slice %arg8[%dma_wait3A_94, %dma_wait3A_108, %dma_wait3A_109] : memref<3x120x128xi32, #tpu.memory_space<vmem>> -> memref<1x120x128xi32, #tpu.memory_space<vmem>>
    %dma_wait3A_111 = tpu.memref_squeeze %dma_wait3A_110 : memref<1x120x128xi32, #tpu.memory_space<vmem>> -> memref<120x128xi32, #tpu.memory_space<vmem>>
    tpu.wait_dma2 semaphore(%dma_wait3A_104 : memref<!tpu.dma_semaphore, #tpu.memory_space<semaphore_mem>>) src(%dma_wait3A_111 : memref<120x128xi32, #tpu.memory_space<vmem>>) dst(%dma_wait3A_107 : memref<120x128xi32, #tpu.memory_space<hbm>>)
    %dma_wait3A_112 = arith.constant 1 : i32
    %dma_wait3A_113 = arith.constant 1 : i32
    %dma_wait3A_114 = arith.constant 0 : i32
    %dma_wait3A_115 = arith.constant 0 : i32
    %dma_wait3A_116 = tpu.memref_slice %arg9[%dma_wait3A_112, %dma_wait3A_114, %dma_wait3A_115] : memref<3x120x128xi32, #tpu.memory_space<vmem>> -> memref<1x120x128xi32, #tpu.memory_space<vmem>>
    %dma_wait3A_117 = tpu.memref_squeeze %dma_wait3A_116 : memref<1x120x128xi32, #tpu.memory_space<vmem>> -> memref<120x128xi32, #tpu.memory_space<vmem>>
    %dma_wait3A_118 = arith.constant 0 : i32
    %dma_wait3A_119 = arith.constant 0 : i32
    %dma_wait3A_120 = tpu.memref_slice %arg6[%dma_wait3A_118, %dma_wait3A_119] : memref<80640x128xi32, #tpu.memory_space<hbm>> -> memref<120x128xi32, #tpu.memory_space<hbm>>
    %dma_wait3A_121 = tpu.memref_slice %arg11[%dma_wait3A_113] : memref<3x!tpu.dma_semaphore, #tpu.memory_space<semaphore_mem>> -> memref<1x!tpu.dma_semaphore, #tpu.memory_space<semaphore_mem>>
    %dma_wait3A_122 = tpu.memref_squeeze %dma_wait3A_121 : memref<1x!tpu.dma_semaphore, #tpu.memory_space<semaphore_mem>> -> memref<!tpu.dma_semaphore, #tpu.memory_space<semaphore_mem>>
    %dma_wait3A_123 = arith.constant 0 : i32
    %dma_wait3A_124 = arith.constant 0 : i32
    %dma_wait3A_125 = tpu.memref_slice %arg6[%dma_wait3A_123, %dma_wait3A_124] : memref<80640x128xi32, #tpu.memory_space<hbm>> -> memref<120x128xi32, #tpu.memory_space<hbm>>
    %dma_wait3A_126 = arith.constant 0 : i32
    %dma_wait3A_127 = arith.constant 0 : i32
    %dma_wait3A_128 = tpu.memref_slice %arg9[%dma_wait3A_112, %dma_wait3A_126, %dma_wait3A_127] : memref<3x120x128xi32, #tpu.memory_space<vmem>> -> memref<1x120x128xi32, #tpu.memory_space<vmem>>
    %dma_wait3A_129 = tpu.memref_squeeze %dma_wait3A_128 : memref<1x120x128xi32, #tpu.memory_space<vmem>> -> memref<120x128xi32, #tpu.memory_space<vmem>>
    tpu.wait_dma2 semaphore(%dma_wait3A_122 : memref<!tpu.dma_semaphore, #tpu.memory_space<semaphore_mem>>) src(%dma_wait3A_129 : memref<120x128xi32, #tpu.memory_space<vmem>>) dst(%dma_wait3A_125 : memref<120x128xi32, #tpu.memory_space<hbm>>)
    %dma_wait3A_130 = arith.constant 2 : i32
    %dma_wait3A_131 = arith.constant 2 : i32
    %dma_wait3A_132 = arith.constant 0 : i32
    %dma_wait3A_133 = arith.constant 0 : i32
    %dma_wait3A_134 = tpu.memref_slice %arg8[%dma_wait3A_130, %dma_wait3A_132, %dma_wait3A_133] : memref<3x120x128xi32, #tpu.memory_space<vmem>> -> memref<1x120x128xi32, #tpu.memory_space<vmem>>
    %dma_wait3A_135 = tpu.memref_squeeze %dma_wait3A_134 : memref<1x120x128xi32, #tpu.memory_space<vmem>> -> memref<120x128xi32, #tpu.memory_space<vmem>>
    %dma_wait3A_136 = arith.constant 0 : i32
    %dma_wait3A_137 = arith.constant 0 : i32
    %dma_wait3A_138 = tpu.memref_slice %arg5[%dma_wait3A_136, %dma_wait3A_137] : memref<80640x128xi32, #tpu.memory_space<hbm>> -> memref<120x128xi32, #tpu.memory_space<hbm>>
    %dma_wait3A_139 = tpu.memref_slice %arg11[%dma_wait3A_131] : memref<3x!tpu.dma_semaphore, #tpu.memory_space<semaphore_mem>> -> memref<1x!tpu.dma_semaphore, #tpu.memory_space<semaphore_mem>>
    %dma_wait3A_140 = tpu.memref_squeeze %dma_wait3A_139 : memref<1x!tpu.dma_semaphore, #tpu.memory_space<semaphore_mem>> -> memref<!tpu.dma_semaphore, #tpu.memory_space<semaphore_mem>>
    %dma_wait3A_141 = arith.constant 0 : i32
    %dma_wait3A_142 = arith.constant 0 : i32
    %dma_wait3A_143 = tpu.memref_slice %arg5[%dma_wait3A_141, %dma_wait3A_142] : memref<80640x128xi32, #tpu.memory_space<hbm>> -> memref<120x128xi32, #tpu.memory_space<hbm>>
    %dma_wait3A_144 = arith.constant 0 : i32
    %dma_wait3A_145 = arith.constant 0 : i32
    %dma_wait3A_146 = tpu.memref_slice %arg8[%dma_wait3A_130, %dma_wait3A_144, %dma_wait3A_145] : memref<3x120x128xi32, #tpu.memory_space<vmem>> -> memref<1x120x128xi32, #tpu.memory_space<vmem>>
    %dma_wait3A_147 = tpu.memref_squeeze %dma_wait3A_146 : memref<1x120x128xi32, #tpu.memory_space<vmem>> -> memref<120x128xi32, #tpu.memory_space<vmem>>
    tpu.wait_dma2 semaphore(%dma_wait3A_140 : memref<!tpu.dma_semaphore, #tpu.memory_space<semaphore_mem>>) src(%dma_wait3A_147 : memref<120x128xi32, #tpu.memory_space<vmem>>) dst(%dma_wait3A_143 : memref<120x128xi32, #tpu.memory_space<hbm>>)
    %dma_wait3A_148 = arith.constant 2 : i32
    %dma_wait3A_149 = arith.constant 2 : i32
    %dma_wait3A_150 = arith.constant 0 : i32
    %dma_wait3A_151 = arith.constant 0 : i32
    %dma_wait3A_152 = tpu.memref_slice %arg9[%dma_wait3A_148, %dma_wait3A_150, %dma_wait3A_151] : memref<3x120x128xi32, #tpu.memory_space<vmem>> -> memref<1x120x128xi32, #tpu.memory_space<vmem>>
    %dma_wait3A_153 = tpu.memref_squeeze %dma_wait3A_152 : memref<1x120x128xi32, #tpu.memory_space<vmem>> -> memref<120x128xi32, #tpu.memory_space<vmem>>
    %dma_wait3A_154 = arith.constant 0 : i32
    %dma_wait3A_155 = arith.constant 0 : i32
    %dma_wait3A_156 = tpu.memref_slice %arg6[%dma_wait3A_154, %dma_wait3A_155] : memref<80640x128xi32, #tpu.memory_space<hbm>> -> memref<120x128xi32, #tpu.memory_space<hbm>>
    %dma_wait3A_157 = tpu.memref_slice %arg11[%dma_wait3A_149] : memref<3x!tpu.dma_semaphore, #tpu.memory_space<semaphore_mem>> -> memref<1x!tpu.dma_semaphore, #tpu.memory_space<semaphore_mem>>
    %dma_wait3A_158 = tpu.memref_squeeze %dma_wait3A_157 : memref<1x!tpu.dma_semaphore, #tpu.memory_space<semaphore_mem>> -> memref<!tpu.dma_semaphore, #tpu.memory_space<semaphore_mem>>
    %dma_wait3A_159 = arith.constant 0 : i32
    %dma_wait3A_160 = arith.constant 0 : i32
    %dma_wait3A_161 = tpu.memref_slice %arg6[%dma_wait3A_159, %dma_wait3A_160] : memref<80640x128xi32, #tpu.memory_space<hbm>> -> memref<120x128xi32, #tpu.memory_space<hbm>>
    %dma_wait3A_162 = arith.constant 0 : i32
    %dma_wait3A_163 = arith.constant 0 : i32
    %dma_wait3A_164 = tpu.memref_slice %arg9[%dma_wait3A_148, %dma_wait3A_162, %dma_wait3A_163] : memref<3x120x128xi32, #tpu.memory_space<vmem>> -> memref<1x120x128xi32, #tpu.memory_space<vmem>>
    %dma_wait3A_165 = tpu.memref_squeeze %dma_wait3A_164 : memref<1x120x128xi32, #tpu.memory_space<vmem>> -> memref<120x128xi32, #tpu.memory_space<vmem>>
    tpu.wait_dma2 semaphore(%dma_wait3A_158 : memref<!tpu.dma_semaphore, #tpu.memory_space<semaphore_mem>>) src(%dma_wait3A_165 : memref<120x128xi32, #tpu.memory_space<vmem>>) dst(%dma_wait3A_161 : memref<120x128xi32, #tpu.memory_space<hbm>>)
    return
  }
}

#map = affine_map<(d0, d1) -> (0, 0)>
#map1 = affine_map<(d0, d1) -> (0)>
module attributes {stable_mosaic.version = 14 : i64} {
  func.func @gather_k(%arg0: i32, %arg1: i32, %arg2: memref<10000x128xi32, #tpu.memory_space<hbm>>, %arg3: memref<10000x128xi32, #tpu.memory_space<hbm>>, %arg4: memref<80640xi32, #tpu.memory_space<hbm>>, %arg5: memref<80640x128xi32, #tpu.memory_space<hbm>>, %arg6: memref<80640x128xi32, #tpu.memory_space<hbm>>, %arg7: memref<2520xi32, #tpu.memory_space<vmem>>, %arg8: memref<3x120x128xi32, #tpu.memory_space<vmem>>, %arg9: memref<3x120x128xi32, #tpu.memory_space<vmem>>, %arg10: memref<3x!tpu.dma_semaphore, #tpu.memory_space<semaphore_mem>>, %arg11: memref<3x!tpu.dma_semaphore, #tpu.memory_space<semaphore_mem>>) attributes {dimension_semantics = [#tpu.dimension_semantics<core_parallel>, #tpu.dimension_semantics<subcore_parallel>], iteration_bounds = array<i64: 2, 16>, scalar_prefetch = 0 : i64, scratch_operands = 5 : i64, tpu.core_type = #tpu.core_type<sc_vector_subcore>, window_params = [{transform_indices = #map}, {transform_indices = #map}, {transform_indices = #map1}, {transform_indices = #map}, {transform_indices = #map}]} {
    %mul3A = arith.constant 2 : i32
    %mul3A_0 = arith.muli %arg1, %mul3A : i32
    %add3A = arith.addi %mul3A_0, %arg0 : i32
    %mul3A_1 = arith.constant 2520 : i32
    %mul3A_2 = arith.muli %add3A, %mul3A_1 : i32
    "tpu.region"() ({
      %run_scoped3A = tpu.sem_alloc : memref<!tpu.dma_semaphore, #tpu.memory_space<semaphore_mem>>
      %dma_start3A_166 = tpu.memref_slice %arg4[%mul3A_2] : memref<80640xi32, #tpu.memory_space<hbm>> -> memref<2520xi32, #tpu.memory_space<hbm>>
      %dma_start3A_167 = tpu.memref_slice %arg4[%mul3A_2] : memref<80640xi32, #tpu.memory_space<hbm>> -> memref<2520xi32, #tpu.memory_space<hbm>>
      tpu.enqueue_dma source(%dma_start3A_167 : memref<2520xi32, #tpu.memory_space<hbm>>) target(%arg7 : memref<2520xi32, #tpu.memory_space<vmem>>) target_semaphore(%run_scoped3A : memref<!tpu.dma_semaphore, #tpu.memory_space<semaphore_mem>>)
      %dma_wait3A_168 = tpu.memref_slice %arg4[%mul3A_2] : memref<80640xi32, #tpu.memory_space<hbm>> -> memref<2520xi32, #tpu.memory_space<hbm>>
      %dma_wait3A_169 = tpu.memref_slice %arg4[%mul3A_2] : memref<80640xi32, #tpu.memory_space<hbm>> -> memref<2520xi32, #tpu.memory_space<hbm>>
      tpu.wait_dma2 semaphore(%run_scoped3A : memref<!tpu.dma_semaphore, #tpu.memory_space<semaphore_mem>>) src(%dma_wait3A_169 : memref<2520xi32, #tpu.memory_space<hbm>>) dst(%arg7 : memref<2520xi32, #tpu.memory_space<vmem>>)
      tpu.yield
    }) : () -> ()
    %dma_start3A = arith.constant 0 : i32
    %dma_start3A_3 = arith.constant 0 : i32
    %dma_start3A_4 = arith.constant 0 : i32
    %dma_start3A_5 = arith.constant 0 : i32
    %dma_start3A_6 = tpu.memref_slice %arg8[%dma_start3A, %dma_start3A_4, %dma_start3A_5] : memref<3x120x128xi32, #tpu.memory_space<vmem>> -> memref<1x120x128xi32, #tpu.memory_space<vmem>>
    %dma_start3A_7 = tpu.memref_squeeze %dma_start3A_6 : memref<1x120x128xi32, #tpu.memory_space<vmem>> -> memref<120x128xi32, #tpu.memory_space<vmem>>
    %dma_start3A_8 = arith.constant 0 : i32
    %dma_start3A_9 = tpu.memref_slice %arg7[%dma_start3A_8] : memref<2520xi32, #tpu.memory_space<vmem>> -> memref<120xi32, #tpu.memory_space<vmem>>
    %dma_start3A_10 = arith.constant 0 : i32
    %dma_start3A_11 = arith.constant 0 : i32
    %dma_start3A_12 = tpu.memref_slice %arg2[%dma_start3A_10, %dma_start3A_11] : memref<10000x128xi32, #tpu.memory_space<hbm>> -> memref<10000x128xi32, #tpu.memory_space<hbm>>
    %dma_start3A_13 = tpu.memref_slice %arg10[%dma_start3A_3] : memref<3x!tpu.dma_semaphore, #tpu.memory_space<semaphore_mem>> -> memref<1x!tpu.dma_semaphore, #tpu.memory_space<semaphore_mem>>
    %dma_start3A_14 = tpu.memref_squeeze %dma_start3A_13 : memref<1x!tpu.dma_semaphore, #tpu.memory_space<semaphore_mem>> -> memref<!tpu.dma_semaphore, #tpu.memory_space<semaphore_mem>>
    tpu.enqueue_indirect_dma source(%dma_start3A_12 : memref<10000x128xi32, #tpu.memory_space<hbm>>) target(%dma_start3A_7 : memref<120x128xi32, #tpu.memory_space<vmem>>) offsets(%dma_start3A_9 : memref<120xi32, #tpu.memory_space<vmem>>) semaphore(%dma_start3A_14 : memref<!tpu.dma_semaphore, #tpu.memory_space<semaphore_mem>>)
    %dma_start3A_15 = arith.constant 0 : i32
    %dma_start3A_16 = arith.constant 0 : i32
    %dma_start3A_17 = arith.constant 0 : i32
    %dma_start3A_18 = arith.constant 0 : i32
    %dma_start3A_19 = tpu.memref_slice %arg9[%dma_start3A_15, %dma_start3A_17, %dma_start3A_18] : memref<3x120x128xi32, #tpu.memory_space<vmem>> -> memref<1x120x128xi32, #tpu.memory_space<vmem>>
    %dma_start3A_20 = tpu.memref_squeeze %dma_start3A_19 : memref<1x120x128xi32, #tpu.memory_space<vmem>> -> memref<120x128xi32, #tpu.memory_space<vmem>>
    %dma_start3A_21 = arith.constant 0 : i32
    %dma_start3A_22 = tpu.memref_slice %arg7[%dma_start3A_21] : memref<2520xi32, #tpu.memory_space<vmem>> -> memref<120xi32, #tpu.memory_space<vmem>>
    %dma_start3A_23 = arith.constant 0 : i32
    %dma_start3A_24 = arith.constant 0 : i32
    %dma_start3A_25 = tpu.memref_slice %arg3[%dma_start3A_23, %dma_start3A_24] : memref<10000x128xi32, #tpu.memory_space<hbm>> -> memref<10000x128xi32, #tpu.memory_space<hbm>>
    %dma_start3A_26 = tpu.memref_slice %arg10[%dma_start3A_16] : memref<3x!tpu.dma_semaphore, #tpu.memory_space<semaphore_mem>> -> memref<1x!tpu.dma_semaphore, #tpu.memory_space<semaphore_mem>>
    %dma_start3A_27 = tpu.memref_squeeze %dma_start3A_26 : memref<1x!tpu.dma_semaphore, #tpu.memory_space<semaphore_mem>> -> memref<!tpu.dma_semaphore, #tpu.memory_space<semaphore_mem>>
    tpu.enqueue_indirect_dma source(%dma_start3A_25 : memref<10000x128xi32, #tpu.memory_space<hbm>>) target(%dma_start3A_20 : memref<120x128xi32, #tpu.memory_space<vmem>>) offsets(%dma_start3A_22 : memref<120xi32, #tpu.memory_space<vmem>>) semaphore(%dma_start3A_27 : memref<!tpu.dma_semaphore, #tpu.memory_space<semaphore_mem>>)
    %dma_start3A_28 = arith.constant 1 : i32
    %dma_start3A_29 = arith.constant 1 : i32
    %dma_start3A_30 = arith.constant 0 : i32
    %dma_start3A_31 = arith.constant 0 : i32
    %dma_start3A_32 = tpu.memref_slice %arg8[%dma_start3A_28, %dma_start3A_30, %dma_start3A_31] : memref<3x120x128xi32, #tpu.memory_space<vmem>> -> memref<1x120x128xi32, #tpu.memory_space<vmem>>
    %dma_start3A_33 = tpu.memref_squeeze %dma_start3A_32 : memref<1x120x128xi32, #tpu.memory_space<vmem>> -> memref<120x128xi32, #tpu.memory_space<vmem>>
    %dma_start3A_34 = arith.constant 120 : i32
    %dma_start3A_35 = tpu.memref_slice %arg7[%dma_start3A_34] : memref<2520xi32, #tpu.memory_space<vmem>> -> memref<120xi32, #tpu.memory_space<vmem>>
    %dma_start3A_36 = arith.constant 0 : i32
    %dma_start3A_37 = arith.constant 0 : i32
    %dma_start3A_38 = tpu.memref_slice %arg2[%dma_start3A_36, %dma_start3A_37] : memref<10000x128xi32, #tpu.memory_space<hbm>> -> memref<10000x128xi32, #tpu.memory_space<hbm>>
    %dma_start3A_39 = tpu.memref_slice %arg10[%dma_start3A_29] : memref<3x!tpu.dma_semaphore, #tpu.memory_space<semaphore_mem>> -> memref<1x!tpu.dma_semaphore, #tpu.memory_space<semaphore_mem>>
    %dma_start3A_40 = tpu.memref_squeeze %dma_start3A_39 : memref<1x!tpu.dma_semaphore, #tpu.memory_space<semaphore_mem>> -> memref<!tpu.dma_semaphore, #tpu.memory_space<semaphore_mem>>
    tpu.enqueue_indirect_dma source(%dma_start3A_38 : memref<10000x128xi32, #tpu.memory_space<hbm>>) target(%dma_start3A_33 : memref<120x128xi32, #tpu.memory_space<vmem>>) offsets(%dma_start3A_35 : memref<120xi32, #tpu.memory_space<vmem>>) semaphore(%dma_start3A_40 : memref<!tpu.dma_semaphore, #tpu.memory_space<semaphore_mem>>)
    %dma_start3A_41 = arith.constant 1 : i32
    %dma_start3A_42 = arith.constant 1 : i32
    %dma_start3A_43 = arith.constant 0 : i32
    %dma_start3A_44 = arith.constant 0 : i32
    %dma_start3A_45 = tpu.memref_slice %arg9[%dma_start3A_41, %dma_start3A_43, %dma_start3A_44] : memref<3x120x128xi32, #tpu.memory_space<vmem>> -> memref<1x120x128xi32, #tpu.memory_space<vmem>>
    %dma_start3A_46 = tpu.memref_squeeze %dma_start3A_45 : memref<1x120x128xi32, #tpu.memory_space<vmem>> -> memref<120x128xi32, #tpu.memory_space<vmem>>
    %dma_start3A_47 = arith.constant 120 : i32
    %dma_start3A_48 = tpu.memref_slice %arg7[%dma_start3A_47] : memref<2520xi32, #tpu.memory_space<vmem>> -> memref<120xi32, #tpu.memory_space<vmem>>
    %dma_start3A_49 = arith.constant 0 : i32
    %dma_start3A_50 = arith.constant 0 : i32
    %dma_start3A_51 = tpu.memref_slice %arg3[%dma_start3A_49, %dma_start3A_50] : memref<10000x128xi32, #tpu.memory_space<hbm>> -> memref<10000x128xi32, #tpu.memory_space<hbm>>
    %dma_start3A_52 = tpu.memref_slice %arg10[%dma_start3A_42] : memref<3x!tpu.dma_semaphore, #tpu.memory_space<semaphore_mem>> -> memref<1x!tpu.dma_semaphore, #tpu.memory_space<semaphore_mem>>
    %dma_start3A_53 = tpu.memref_squeeze %dma_start3A_52 : memref<1x!tpu.dma_semaphore, #tpu.memory_space<semaphore_mem>> -> memref<!tpu.dma_semaphore, #tpu.memory_space<semaphore_mem>>
    tpu.enqueue_indirect_dma source(%dma_start3A_51 : memref<10000x128xi32, #tpu.memory_space<hbm>>) target(%dma_start3A_46 : memref<120x128xi32, #tpu.memory_space<vmem>>) offsets(%dma_start3A_48 : memref<120xi32, #tpu.memory_space<vmem>>) semaphore(%dma_start3A_53 : memref<!tpu.dma_semaphore, #tpu.memory_space<semaphore_mem>>)
    %scan3A = arith.constant 0 : i32
    %scan3A_54 = arith.constant 0 : i32
    %scan3A_55 = arith.constant 7 : i32
    %scan3A_56 = arith.addi %scan3A_54, %scan3A_55 : i32
    %scan3A_57 = arith.constant 1 : i32
    scf.for %scan3A_166 = %scan3A_54 to %scan3A_56 step %scan3A_57  : i32 {
      %mul3A_167 = arith.constant 3 : i32
      %mul3A_168 = arith.muli %scan3A_166, %mul3A_167 : i32
      %add3A_169 = arith.constant 0 : i32
      %add3A_170 = arith.addi %mul3A_168, %add3A_169 : i32
      %mul3A_171 = arith.constant 120 : i32
      %mul3A_172 = arith.muli %add3A_170, %mul3A_171 : i32
      %dma_wait3A_173 = arith.constant 0 : i32
      %dma_wait3A_174 = arith.constant 0 : i32
      %dma_wait3A_175 = arith.constant 0 : i32
      %dma_wait3A_176 = arith.constant 0 : i32
      %dma_wait3A_177 = tpu.memref_slice %arg8[%dma_wait3A_173, %dma_wait3A_175, %dma_wait3A_176] : memref<3x120x128xi32, #tpu.memory_space<vmem>> -> memref<1x120x128xi32, #tpu.memory_space<vmem>>
      %dma_wait3A_178 = tpu.memref_squeeze %dma_wait3A_177 : memref<1x120x128xi32, #tpu.memory_space<vmem>> -> memref<120x128xi32, #tpu.memory_space<vmem>>
      %dma_wait3A_179 = tpu.memref_slice %arg7[%mul3A_172] : memref<2520xi32, #tpu.memory_space<vmem>> -> memref<120xi32, #tpu.memory_space<vmem>>
      %dma_wait3A_180 = arith.constant 0 : i32
      %dma_wait3A_181 = arith.constant 0 : i32
      %dma_wait3A_182 = tpu.memref_slice %arg2[%dma_wait3A_180, %dma_wait3A_181] : memref<10000x128xi32, #tpu.memory_space<hbm>> -> memref<10000x128xi32, #tpu.memory_space<hbm>>
      %dma_wait3A_183 = tpu.memref_slice %arg10[%dma_wait3A_174] : memref<3x!tpu.dma_semaphore, #tpu.memory_space<semaphore_mem>> -> memref<1x!tpu.dma_semaphore, #tpu.memory_space<semaphore_mem>>
      %dma_wait3A_184 = tpu.memref_squeeze %dma_wait3A_183 : memref<1x!tpu.dma_semaphore, #tpu.memory_space<semaphore_mem>> -> memref<!tpu.dma_semaphore, #tpu.memory_space<semaphore_mem>>
      tpu.wait_indirect_dma semaphore(%dma_wait3A_184 : memref<!tpu.dma_semaphore, #tpu.memory_space<semaphore_mem>>) src(%dma_wait3A_182 : memref<10000x128xi32, #tpu.memory_space<hbm>>) dst(%dma_wait3A_178 : memref<120x128xi32, #tpu.memory_space<vmem>>)
      %dma_wait3A_185 = arith.constant 0 : i32
      %dma_wait3A_186 = arith.constant 0 : i32
      %dma_wait3A_187 = arith.constant 0 : i32
      %dma_wait3A_188 = arith.constant 0 : i32
      %dma_wait3A_189 = tpu.memref_slice %arg9[%dma_wait3A_185, %dma_wait3A_187, %dma_wait3A_188] : memref<3x120x128xi32, #tpu.memory_space<vmem>> -> memref<1x120x128xi32, #tpu.memory_space<vmem>>
      %dma_wait3A_190 = tpu.memref_squeeze %dma_wait3A_189 : memref<1x120x128xi32, #tpu.memory_space<vmem>> -> memref<120x128xi32, #tpu.memory_space<vmem>>
      %dma_wait3A_191 = tpu.memref_slice %arg7[%mul3A_172] : memref<2520xi32, #tpu.memory_space<vmem>> -> memref<120xi32, #tpu.memory_space<vmem>>
      %dma_wait3A_192 = arith.constant 0 : i32
      %dma_wait3A_193 = arith.constant 0 : i32
      %dma_wait3A_194 = tpu.memref_slice %arg3[%dma_wait3A_192, %dma_wait3A_193] : memref<10000x128xi32, #tpu.memory_space<hbm>> -> memref<10000x128xi32, #tpu.memory_space<hbm>>
      %dma_wait3A_195 = tpu.memref_slice %arg10[%dma_wait3A_186] : memref<3x!tpu.dma_semaphore, #tpu.memory_space<semaphore_mem>> -> memref<1x!tpu.dma_semaphore, #tpu.memory_space<semaphore_mem>>
      %dma_wait3A_196 = tpu.memref_squeeze %dma_wait3A_195 : memref<1x!tpu.dma_semaphore, #tpu.memory_space<semaphore_mem>> -> memref<!tpu.dma_semaphore, #tpu.memory_space<semaphore_mem>>
      tpu.wait_indirect_dma semaphore(%dma_wait3A_196 : memref<!tpu.dma_semaphore, #tpu.memory_space<semaphore_mem>>) src(%dma_wait3A_194 : memref<10000x128xi32, #tpu.memory_space<hbm>>) dst(%dma_wait3A_190 : memref<120x128xi32, #tpu.memory_space<vmem>>)
      %mul3A_197 = arith.constant 120 : i32
      %mul3A_198 = arith.muli %add3A_170, %mul3A_197 : i32
      %add3A_199 = arith.addi %mul3A_2, %mul3A_198 : i32
      %dma_start3A_200 = arith.constant 0 : i32
      %dma_start3A_201 = arith.constant 0 : i32
      %dma_start3A_202 = arith.constant 0 : i32
      %dma_start3A_203 = arith.constant 0 : i32
      %dma_start3A_204 = tpu.memref_slice %arg8[%dma_start3A_200, %dma_start3A_202, %dma_start3A_203] : memref<3x120x128xi32, #tpu.memory_space<vmem>> -> memref<1x120x128xi32, #tpu.memory_space<vmem>>
      %dma_start3A_205 = tpu.memref_squeeze %dma_start3A_204 : memref<1x120x128xi32, #tpu.memory_space<vmem>> -> memref<120x128xi32, #tpu.memory_space<vmem>>
      %dma_start3A_206 = arith.constant 0 : i32
      %dma_start3A_207 = tpu.memref_slice %arg5[%add3A_199, %dma_start3A_206] : memref<80640x128xi32, #tpu.memory_space<hbm>> -> memref<120x128xi32, #tpu.memory_space<hbm>>
      %dma_start3A_208 = tpu.memref_slice %arg11[%dma_start3A_201] : memref<3x!tpu.dma_semaphore, #tpu.memory_space<semaphore_mem>> -> memref<1x!tpu.dma_semaphore, #tpu.memory_space<semaphore_mem>>
      %dma_start3A_209 = tpu.memref_squeeze %dma_start3A_208 : memref<1x!tpu.dma_semaphore, #tpu.memory_space<semaphore_mem>> -> memref<!tpu.dma_semaphore, #tpu.memory_space<semaphore_mem>>
      %dma_start3A_210 = arith.constant 0 : i32
      %dma_start3A_211 = tpu.memref_slice %arg5[%add3A_199, %dma_start3A_210] : memref<80640x128xi32, #tpu.memory_space<hbm>> -> memref<120x128xi32, #tpu.memory_space<hbm>>
      %dma_start3A_212 = arith.constant 0 : i32
      %dma_start3A_213 = arith.constant 0 : i32
      %dma_start3A_214 = tpu.memref_slice %arg8[%dma_start3A_200, %dma_start3A_212, %dma_start3A_213] : memref<3x120x128xi32, #tpu.memory_space<vmem>> -> memref<1x120x128xi32, #tpu.memory_space<vmem>>
      %dma_start3A_215 = tpu.memref_squeeze %dma_start3A_214 : memref<1x120x128xi32, #tpu.memory_space<vmem>> -> memref<120x128xi32, #tpu.memory_space<vmem>>
      tpu.enqueue_dma source(%dma_start3A_215 : memref<120x128xi32, #tpu.memory_space<vmem>>) target(%dma_start3A_211 : memref<120x128xi32, #tpu.memory_space<hbm>>) target_semaphore(%dma_start3A_209 : memref<!tpu.dma_semaphore, #tpu.memory_space<semaphore_mem>>)
      %dma_start3A_216 = arith.constant 0 : i32
      %dma_start3A_217 = arith.constant 0 : i32
      %dma_start3A_218 = arith.constant 0 : i32
      %dma_start3A_219 = arith.constant 0 : i32
      %dma_start3A_220 = tpu.memref_slice %arg9[%dma_start3A_216, %dma_start3A_218, %dma_start3A_219] : memref<3x120x128xi32, #tpu.memory_space<vmem>> -> memref<1x120x128xi32, #tpu.memory_space<vmem>>
      %dma_start3A_221 = tpu.memref_squeeze %dma_start3A_220 : memref<1x120x128xi32, #tpu.memory_space<vmem>> -> memref<120x128xi32, #tpu.memory_space<vmem>>
      %dma_start3A_222 = arith.constant 0 : i32
      %dma_start3A_223 = tpu.memref_slice %arg6[%add3A_199, %dma_start3A_222] : memref<80640x128xi32, #tpu.memory_space<hbm>> -> memref<120x128xi32, #tpu.memory_space<hbm>>
      %dma_start3A_224 = tpu.memref_slice %arg11[%dma_start3A_217] : memref<3x!tpu.dma_semaphore, #tpu.memory_space<semaphore_mem>> -> memref<1x!tpu.dma_semaphore, #tpu.memory_space<semaphore_mem>>
      %dma_start3A_225 = tpu.memref_squeeze %dma_start3A_224 : memref<1x!tpu.dma_semaphore, #tpu.memory_space<semaphore_mem>> -> memref<!tpu.dma_semaphore, #tpu.memory_space<semaphore_mem>>
      %dma_start3A_226 = arith.constant 0 : i32
      %dma_start3A_227 = tpu.memref_slice %arg6[%add3A_199, %dma_start3A_226] : memref<80640x128xi32, #tpu.memory_space<hbm>> -> memref<120x128xi32, #tpu.memory_space<hbm>>
      %dma_start3A_228 = arith.constant 0 : i32
      %dma_start3A_229 = arith.constant 0 : i32
      %dma_start3A_230 = tpu.memref_slice %arg9[%dma_start3A_216, %dma_start3A_228, %dma_start3A_229] : memref<3x120x128xi32, #tpu.memory_space<vmem>> -> memref<1x120x128xi32, #tpu.memory_space<vmem>>
      %dma_start3A_231 = tpu.memref_squeeze %dma_start3A_230 : memref<1x120x128xi32, #tpu.memory_space<vmem>> -> memref<120x128xi32, #tpu.memory_space<vmem>>
      tpu.enqueue_dma source(%dma_start3A_231 : memref<120x128xi32, #tpu.memory_space<vmem>>) target(%dma_start3A_227 : memref<120x128xi32, #tpu.memory_space<hbm>>) target_semaphore(%dma_start3A_225 : memref<!tpu.dma_semaphore, #tpu.memory_space<semaphore_mem>>)
      %ge3A = arith.constant 1 : i32
      %ge3A_232 = arith.cmpi sge, %scan3A_166, %ge3A : i32
      %convert_element_type3A = arith.extui %ge3A_232 : i1 to i32
      %cond3A = arith.constant 0 : i32
      %cond3A_233 = arith.cmpi ne, %convert_element_type3A, %cond3A : i32
      scf.if %cond3A_233 {
        %dma_wait3A_401 = arith.constant 2 : i32
        %dma_wait3A_402 = arith.constant 2 : i32
        %dma_wait3A_403 = arith.constant 0 : i32
        %dma_wait3A_404 = arith.constant 0 : i32
        %dma_wait3A_405 = tpu.memref_slice %arg8[%dma_wait3A_401, %dma_wait3A_403, %dma_wait3A_404] : memref<3x120x128xi32, #tpu.memory_space<vmem>> -> memref<1x120x128xi32, #tpu.memory_space<vmem>>
        %dma_wait3A_406 = tpu.memref_squeeze %dma_wait3A_405 : memref<1x120x128xi32, #tpu.memory_space<vmem>> -> memref<120x128xi32, #tpu.memory_space<vmem>>
        %dma_wait3A_407 = arith.constant 0 : i32
        %dma_wait3A_408 = arith.constant 0 : i32
        %dma_wait3A_409 = tpu.memref_slice %arg5[%dma_wait3A_407, %dma_wait3A_408] : memref<80640x128xi32, #tpu.memory_space<hbm>> -> memref<120x128xi32, #tpu.memory_space<hbm>>
        %dma_wait3A_410 = tpu.memref_slice %arg11[%dma_wait3A_402] : memref<3x!tpu.dma_semaphore, #tpu.memory_space<semaphore_mem>> -> memref<1x!tpu.dma_semaphore, #tpu.memory_space<semaphore_mem>>
        %dma_wait3A_411 = tpu.memref_squeeze %dma_wait3A_410 : memref<1x!tpu.dma_semaphore, #tpu.memory_space<semaphore_mem>> -> memref<!tpu.dma_semaphore, #tpu.memory_space<semaphore_mem>>
        %dma_wait3A_412 = arith.constant 0 : i32
        %dma_wait3A_413 = arith.constant 0 : i32
        %dma_wait3A_414 = tpu.memref_slice %arg5[%dma_wait3A_412, %dma_wait3A_413] : memref<80640x128xi32, #tpu.memory_space<hbm>> -> memref<120x128xi32, #tpu.memory_space<hbm>>
        %dma_wait3A_415 = arith.constant 0 : i32
        %dma_wait3A_416 = arith.constant 0 : i32
        %dma_wait3A_417 = tpu.memref_slice %arg8[%dma_wait3A_401, %dma_wait3A_415, %dma_wait3A_416] : memref<3x120x128xi32, #tpu.memory_space<vmem>> -> memref<1x120x128xi32, #tpu.memory_space<vmem>>
        %dma_wait3A_418 = tpu.memref_squeeze %dma_wait3A_417 : memref<1x120x128xi32, #tpu.memory_space<vmem>> -> memref<120x128xi32, #tpu.memory_space<vmem>>
        tpu.wait_dma2 semaphore(%dma_wait3A_411 : memref<!tpu.dma_semaphore, #tpu.memory_space<semaphore_mem>>) src(%dma_wait3A_418 : memref<120x128xi32, #tpu.memory_space<vmem>>) dst(%dma_wait3A_414 : memref<120x128xi32, #tpu.memory_space<hbm>>)
        %dma_wait3A_419 = arith.constant 2 : i32
        %dma_wait3A_420 = arith.constant 2 : i32
        %dma_wait3A_421 = arith.constant 0 : i32
        %dma_wait3A_422 = arith.constant 0 : i32
        %dma_wait3A_423 = tpu.memref_slice %arg9[%dma_wait3A_419, %dma_wait3A_421, %dma_wait3A_422] : memref<3x120x128xi32, #tpu.memory_space<vmem>> -> memref<1x120x128xi32, #tpu.memory_space<vmem>>
        %dma_wait3A_424 = tpu.memref_squeeze %dma_wait3A_423 : memref<1x120x128xi32, #tpu.memory_space<vmem>> -> memref<120x128xi32, #tpu.memory_space<vmem>>
        %dma_wait3A_425 = arith.constant 0 : i32
        %dma_wait3A_426 = arith.constant 0 : i32
        %dma_wait3A_427 = tpu.memref_slice %arg6[%dma_wait3A_425, %dma_wait3A_426] : memref<80640x128xi32, #tpu.memory_space<hbm>> -> memref<120x128xi32, #tpu.memory_space<hbm>>
        %dma_wait3A_428 = tpu.memref_slice %arg11[%dma_wait3A_420] : memref<3x!tpu.dma_semaphore, #tpu.memory_space<semaphore_mem>> -> memref<1x!tpu.dma_semaphore, #tpu.memory_space<semaphore_mem>>
        %dma_wait3A_429 = tpu.memref_squeeze %dma_wait3A_428 : memref<1x!tpu.dma_semaphore, #tpu.memory_space<semaphore_mem>> -> memref<!tpu.dma_semaphore, #tpu.memory_space<semaphore_mem>>
        %dma_wait3A_430 = arith.constant 0 : i32
        %dma_wait3A_431 = arith.constant 0 : i32
        %dma_wait3A_432 = tpu.memref_slice %arg6[%dma_wait3A_430, %dma_wait3A_431] : memref<80640x128xi32, #tpu.memory_space<hbm>> -> memref<120x128xi32, #tpu.memory_space<hbm>>
        %dma_wait3A_433 = arith.constant 0 : i32
        %dma_wait3A_434 = arith.constant 0 : i32
        %dma_wait3A_435 = tpu.memref_slice %arg9[%dma_wait3A_419, %dma_wait3A_433, %dma_wait3A_434] : memref<3x120x128xi32, #tpu.memory_space<vmem>> -> memref<1x120x128xi32, #tpu.memory_space<vmem>>
        %dma_wait3A_436 = tpu.memref_squeeze %dma_wait3A_435 : memref<1x120x128xi32, #tpu.memory_space<vmem>> -> memref<120x128xi32, #tpu.memory_space<vmem>>
        tpu.wait_dma2 semaphore(%dma_wait3A_429 : memref<!tpu.dma_semaphore, #tpu.memory_space<semaphore_mem>>) src(%dma_wait3A_436 : memref<120x128xi32, #tpu.memory_space<vmem>>) dst(%dma_wait3A_432 : memref<120x128xi32, #tpu.memory_space<hbm>>)
      } else {
      }
      %add3A_234 = arith.constant 2 : i32
      %add3A_235 = arith.addi %add3A_170, %add3A_234 : i32
      %mul3A_236 = arith.constant 120 : i32
      %mul3A_237 = arith.muli %add3A_235, %mul3A_236 : i32
      %dma_start3A_238 = arith.constant 2 : i32
      %dma_start3A_239 = arith.constant 2 : i32
      %dma_start3A_240 = arith.constant 0 : i32
      %dma_start3A_241 = arith.constant 0 : i32
      %dma_start3A_242 = tpu.memref_slice %arg8[%dma_start3A_238, %dma_start3A_240, %dma_start3A_241] : memref<3x120x128xi32, #tpu.memory_space<vmem>> -> memref<1x120x128xi32, #tpu.memory_space<vmem>>
      %dma_start3A_243 = tpu.memref_squeeze %dma_start3A_242 : memref<1x120x128xi32, #tpu.memory_space<vmem>> -> memref<120x128xi32, #tpu.memory_space<vmem>>
      %dma_start3A_244 = tpu.memref_slice %arg7[%mul3A_237] : memref<2520xi32, #tpu.memory_space<vmem>> -> memref<120xi32, #tpu.memory_space<vmem>>
      %dma_start3A_245 = arith.constant 0 : i32
      %dma_start3A_246 = arith.constant 0 : i32
      %dma_start3A_247 = tpu.memref_slice %arg2[%dma_start3A_245, %dma_start3A_246] : memref<10000x128xi32, #tpu.memory_space<hbm>> -> memref<10000x128xi32, #tpu.memory_space<hbm>>
      %dma_start3A_248 = tpu.memref_slice %arg10[%dma_start3A_239] : memref<3x!tpu.dma_semaphore, #tpu.memory_space<semaphore_mem>> -> memref<1x!tpu.dma_semaphore, #tpu.memory_space<semaphore_mem>>
      %dma_start3A_249 = tpu.memref_squeeze %dma_start3A_248 : memref<1x!tpu.dma_semaphore, #tpu.memory_space<semaphore_mem>> -> memref<!tpu.dma_semaphore, #tpu.memory_space<semaphore_mem>>
      tpu.enqueue_indirect_dma source(%dma_start3A_247 : memref<10000x128xi32, #tpu.memory_space<hbm>>) target(%dma_start3A_243 : memref<120x128xi32, #tpu.memory_space<vmem>>) offsets(%dma_start3A_244 : memref<120xi32, #tpu.memory_space<vmem>>) semaphore(%dma_start3A_249 : memref<!tpu.dma_semaphore, #tpu.memory_space<semaphore_mem>>)
      %dma_start3A_250 = arith.constant 2 : i32
      %dma_start3A_251 = arith.constant 2 : i32
      %dma_start3A_252 = arith.constant 0 : i32
      %dma_start3A_253 = arith.constant 0 : i32
      %dma_start3A_254 = tpu.memref_slice %arg9[%dma_start3A_250, %dma_start3A_252, %dma_start3A_253] : memref<3x120x128xi32, #tpu.memory_space<vmem>> -> memref<1x120x128xi32, #tpu.memory_space<vmem>>
      %dma_start3A_255 = tpu.memref_squeeze %dma_start3A_254 : memref<1x120x128xi32, #tpu.memory_space<vmem>> -> memref<120x128xi32, #tpu.memory_space<vmem>>
      %dma_start3A_256 = tpu.memref_slice %arg7[%mul3A_237] : memref<2520xi32, #tpu.memory_space<vmem>> -> memref<120xi32, #tpu.memory_space<vmem>>
      %dma_start3A_257 = arith.constant 0 : i32
      %dma_start3A_258 = arith.constant 0 : i32
      %dma_start3A_259 = tpu.memref_slice %arg3[%dma_start3A_257, %dma_start3A_258] : memref<10000x128xi32, #tpu.memory_space<hbm>> -> memref<10000x128xi32, #tpu.memory_space<hbm>>
      %dma_start3A_260 = tpu.memref_slice %arg10[%dma_start3A_251] : memref<3x!tpu.dma_semaphore, #tpu.memory_space<semaphore_mem>> -> memref<1x!tpu.dma_semaphore, #tpu.memory_space<semaphore_mem>>
      %dma_start3A_261 = tpu.memref_squeeze %dma_start3A_260 : memref<1x!tpu.dma_semaphore, #tpu.memory_space<semaphore_mem>> -> memref<!tpu.dma_semaphore, #tpu.memory_space<semaphore_mem>>
      tpu.enqueue_indirect_dma source(%dma_start3A_259 : memref<10000x128xi32, #tpu.memory_space<hbm>>) target(%dma_start3A_255 : memref<120x128xi32, #tpu.memory_space<vmem>>) offsets(%dma_start3A_256 : memref<120xi32, #tpu.memory_space<vmem>>) semaphore(%dma_start3A_261 : memref<!tpu.dma_semaphore, #tpu.memory_space<semaphore_mem>>)
      %mul3A_262 = arith.constant 3 : i32
      %mul3A_263 = arith.muli %scan3A_166, %mul3A_262 : i32
      %add3A_264 = arith.constant 1 : i32
      %add3A_265 = arith.addi %mul3A_263, %add3A_264 : i32
      %mul3A_266 = arith.constant 120 : i32
      %mul3A_267 = arith.muli %add3A_265, %mul3A_266 : i32
      %dma_wait3A_268 = arith.constant 1 : i32
      %dma_wait3A_269 = arith.constant 1 : i32
      %dma_wait3A_270 = arith.constant 0 : i32
      %dma_wait3A_271 = arith.constant 0 : i32
      %dma_wait3A_272 = tpu.memref_slice %arg8[%dma_wait3A_268, %dma_wait3A_270, %dma_wait3A_271] : memref<3x120x128xi32, #tpu.memory_space<vmem>> -> memref<1x120x128xi32, #tpu.memory_space<vmem>>
      %dma_wait3A_273 = tpu.memref_squeeze %dma_wait3A_272 : memref<1x120x128xi32, #tpu.memory_space<vmem>> -> memref<120x128xi32, #tpu.memory_space<vmem>>
      %dma_wait3A_274 = tpu.memref_slice %arg7[%mul3A_267] : memref<2520xi32, #tpu.memory_space<vmem>> -> memref<120xi32, #tpu.memory_space<vmem>>
      %dma_wait3A_275 = arith.constant 0 : i32
      %dma_wait3A_276 = arith.constant 0 : i32
      %dma_wait3A_277 = tpu.memref_slice %arg2[%dma_wait3A_275, %dma_wait3A_276] : memref<10000x128xi32, #tpu.memory_space<hbm>> -> memref<10000x128xi32, #tpu.memory_space<hbm>>
      %dma_wait3A_278 = tpu.memref_slice %arg10[%dma_wait3A_269] : memref<3x!tpu.dma_semaphore, #tpu.memory_space<semaphore_mem>> -> memref<1x!tpu.dma_semaphore, #tpu.memory_space<semaphore_mem>>
      %dma_wait3A_279 = tpu.memref_squeeze %dma_wait3A_278 : memref<1x!tpu.dma_semaphore, #tpu.memory_space<semaphore_mem>> -> memref<!tpu.dma_semaphore, #tpu.memory_space<semaphore_mem>>
      tpu.wait_indirect_dma semaphore(%dma_wait3A_279 : memref<!tpu.dma_semaphore, #tpu.memory_space<semaphore_mem>>) src(%dma_wait3A_277 : memref<10000x128xi32, #tpu.memory_space<hbm>>) dst(%dma_wait3A_273 : memref<120x128xi32, #tpu.memory_space<vmem>>)
      %dma_wait3A_280 = arith.constant 1 : i32
      %dma_wait3A_281 = arith.constant 1 : i32
      %dma_wait3A_282 = arith.constant 0 : i32
      %dma_wait3A_283 = arith.constant 0 : i32
      %dma_wait3A_284 = tpu.memref_slice %arg9[%dma_wait3A_280, %dma_wait3A_282, %dma_wait3A_283] : memref<3x120x128xi32, #tpu.memory_space<vmem>> -> memref<1x120x128xi32, #tpu.memory_space<vmem>>
      %dma_wait3A_285 = tpu.memref_squeeze %dma_wait3A_284 : memref<1x120x128xi32, #tpu.memory_space<vmem>> -> memref<120x128xi32, #tpu.memory_space<vmem>>
      %dma_wait3A_286 = tpu.memref_slice %arg7[%mul3A_267] : memref<2520xi32, #tpu.memory_space<vmem>> -> memref<120xi32, #tpu.memory_space<vmem>>
      %dma_wait3A_287 = arith.constant 0 : i32
      %dma_wait3A_288 = arith.constant 0 : i32
      %dma_wait3A_289 = tpu.memref_slice %arg3[%dma_wait3A_287, %dma_wait3A_288] : memref<10000x128xi32, #tpu.memory_space<hbm>> -> memref<10000x128xi32, #tpu.memory_space<hbm>>
      %dma_wait3A_290 = tpu.memref_slice %arg10[%dma_wait3A_281] : memref<3x!tpu.dma_semaphore, #tpu.memory_space<semaphore_mem>> -> memref<1x!tpu.dma_semaphore, #tpu.memory_space<semaphore_mem>>
      %dma_wait3A_291 = tpu.memref_squeeze %dma_wait3A_290 : memref<1x!tpu.dma_semaphore, #tpu.memory_space<semaphore_mem>> -> memref<!tpu.dma_semaphore, #tpu.memory_space<semaphore_mem>>
      tpu.wait_indirect_dma semaphore(%dma_wait3A_291 : memref<!tpu.dma_semaphore, #tpu.memory_space<semaphore_mem>>) src(%dma_wait3A_289 : memref<10000x128xi32, #tpu.memory_space<hbm>>) dst(%dma_wait3A_285 : memref<120x128xi32, #tpu.memory_space<vmem>>)
      %mul3A_292 = arith.constant 120 : i32
      %mul3A_293 = arith.muli %add3A_265, %mul3A_292 : i32
      %add3A_294 = arith.addi %mul3A_2, %mul3A_293 : i32
      %dma_start3A_295 = arith.constant 1 : i32
      %dma_start3A_296 = arith.constant 1 : i32
      %dma_start3A_297 = arith.constant 0 : i32
      %dma_start3A_298 = arith.constant 0 : i32
      %dma_start3A_299 = tpu.memref_slice %arg8[%dma_start3A_295, %dma_start3A_297, %dma_start3A_298] : memref<3x120x128xi32, #tpu.memory_space<vmem>> -> memref<1x120x128xi32, #tpu.memory_space<vmem>>
      %dma_start3A_300 = tpu.memref_squeeze %dma_start3A_299 : memref<1x120x128xi32, #tpu.memory_space<vmem>> -> memref<120x128xi32, #tpu.memory_space<vmem>>
      %dma_start3A_301 = arith.constant 0 : i32
      %dma_start3A_302 = tpu.memref_slice %arg5[%add3A_294, %dma_start3A_301] : memref<80640x128xi32, #tpu.memory_space<hbm>> -> memref<120x128xi32, #tpu.memory_space<hbm>>
      %dma_start3A_303 = tpu.memref_slice %arg11[%dma_start3A_296] : memref<3x!tpu.dma_semaphore, #tpu.memory_space<semaphore_mem>> -> memref<1x!tpu.dma_semaphore, #tpu.memory_space<semaphore_mem>>
      %dma_start3A_304 = tpu.memref_squeeze %dma_start3A_303 : memref<1x!tpu.dma_semaphore, #tpu.memory_space<semaphore_mem>> -> memref<!tpu.dma_semaphore, #tpu.memory_space<semaphore_mem>>
      %dma_start3A_305 = arith.constant 0 : i32
      %dma_start3A_306 = tpu.memref_slice %arg5[%add3A_294, %dma_start3A_305] : memref<80640x128xi32, #tpu.memory_space<hbm>> -> memref<120x128xi32, #tpu.memory_space<hbm>>
      %dma_start3A_307 = arith.constant 0 : i32
      %dma_start3A_308 = arith.constant 0 : i32
      %dma_start3A_309 = tpu.memref_slice %arg8[%dma_start3A_295, %dma_start3A_307, %dma_start3A_308] : memref<3x120x128xi32, #tpu.memory_space<vmem>> -> memref<1x120x128xi32, #tpu.memory_space<vmem>>
      %dma_start3A_310 = tpu.memref_squeeze %dma_start3A_309 : memref<1x120x128xi32, #tpu.memory_space<vmem>> -> memref<120x128xi32, #tpu.memory_space<vmem>>
      tpu.enqueue_dma source(%dma_start3A_310 : memref<120x128xi32, #tpu.memory_space<vmem>>) target(%dma_start3A_306 : memref<120x128xi32, #tpu.memory_space<hbm>>) target_semaphore(%dma_start3A_304 : memref<!tpu.dma_semaphore, #tpu.memory_space<semaphore_mem>>)
      %dma_start3A_311 = arith.constant 1 : i32
      %dma_start3A_312 = arith.constant 1 : i32
      %dma_start3A_313 = arith.constant 0 : i32
      %dma_start3A_314 = arith.constant 0 : i32
      %dma_start3A_315 = tpu.memref_slice %arg9[%dma_start3A_311, %dma_start3A_313, %dma_start3A_314] : memref<3x120x128xi32, #tpu.memory_space<vmem>> -> memref<1x120x128xi32, #tpu.memory_space<vmem>>
      %dma_start3A_316 = tpu.memref_squeeze %dma_start3A_315 : memref<1x120x128xi32, #tpu.memory_space<vmem>> -> memref<120x128xi32, #tpu.memory_space<vmem>>
      %dma_start3A_317 = arith.constant 0 : i32
      %dma_start3A_318 = tpu.memref_slice %arg6[%add3A_294, %dma_start3A_317] : memref<80640x128xi32, #tpu.memory_space<hbm>> -> memref<120x128xi32, #tpu.memory_space<hbm>>
      %dma_start3A_319 = tpu.memref_slice %arg11[%dma_start3A_312] : memref<3x!tpu.dma_semaphore, #tpu.memory_space<semaphore_mem>> -> memref<1x!tpu.dma_semaphore, #tpu.memory_space<semaphore_mem>>
      %dma_start3A_320 = tpu.memref_squeeze %dma_start3A_319 : memref<1x!tpu.dma_semaphore, #tpu.memory_space<semaphore_mem>> -> memref<!tpu.dma_semaphore, #tpu.memory_space<semaphore_mem>>
      %dma_start3A_321 = arith.constant 0 : i32
      %dma_start3A_322 = tpu.memref_slice %arg6[%add3A_294, %dma_start3A_321] : memref<80640x128xi32, #tpu.memory_space<hbm>> -> memref<120x128xi32, #tpu.memory_space<hbm>>
      %dma_start3A_323 = arith.constant 0 : i32
      %dma_start3A_324 = arith.constant 0 : i32
      %dma_start3A_325 = tpu.memref_slice %arg9[%dma_start3A_311, %dma_start3A_323, %dma_start3A_324] : memref<3x120x128xi32, #tpu.memory_space<vmem>> -> memref<1x120x128xi32, #tpu.memory_space<vmem>>
      %dma_start3A_326 = tpu.memref_squeeze %dma_start3A_325 : memref<1x120x128xi32, #tpu.memory_space<vmem>> -> memref<120x128xi32, #tpu.memory_space<vmem>>
      tpu.enqueue_dma source(%dma_start3A_326 : memref<120x128xi32, #tpu.memory_space<vmem>>) target(%dma_start3A_322 : memref<120x128xi32, #tpu.memory_space<hbm>>) target_semaphore(%dma_start3A_320 : memref<!tpu.dma_semaphore, #tpu.memory_space<semaphore_mem>>)
      %lt3A = arith.constant 6 : i32
      %lt3A_327 = arith.cmpi slt, %scan3A_166, %lt3A : i32
      %convert_element_type3A_328 = arith.extui %lt3A_327 : i1 to i32
      %cond3A_329 = arith.constant 0 : i32
      %cond3A_330 = arith.cmpi ne, %convert_element_type3A_328, %cond3A_329 : i32
      scf.if %cond3A_330 {
        %dma_wait3A_401 = arith.constant 0 : i32
        %dma_wait3A_402 = arith.constant 0 : i32
        %dma_wait3A_403 = arith.constant 0 : i32
        %dma_wait3A_404 = arith.constant 0 : i32
        %dma_wait3A_405 = tpu.memref_slice %arg8[%dma_wait3A_401, %dma_wait3A_403, %dma_wait3A_404] : memref<3x120x128xi32, #tpu.memory_space<vmem>> -> memref<1x120x128xi32, #tpu.memory_space<vmem>>
        %dma_wait3A_406 = tpu.memref_squeeze %dma_wait3A_405 : memref<1x120x128xi32, #tpu.memory_space<vmem>> -> memref<120x128xi32, #tpu.memory_space<vmem>>
        %dma_wait3A_407 = arith.constant 0 : i32
        %dma_wait3A_408 = arith.constant 0 : i32
        %dma_wait3A_409 = tpu.memref_slice %arg5[%dma_wait3A_407, %dma_wait3A_408] : memref<80640x128xi32, #tpu.memory_space<hbm>> -> memref<120x128xi32, #tpu.memory_space<hbm>>
        %dma_wait3A_410 = tpu.memref_slice %arg11[%dma_wait3A_402] : memref<3x!tpu.dma_semaphore, #tpu.memory_space<semaphore_mem>> -> memref<1x!tpu.dma_semaphore, #tpu.memory_space<semaphore_mem>>
        %dma_wait3A_411 = tpu.memref_squeeze %dma_wait3A_410 : memref<1x!tpu.dma_semaphore, #tpu.memory_space<semaphore_mem>> -> memref<!tpu.dma_semaphore, #tpu.memory_space<semaphore_mem>>
        %dma_wait3A_412 = arith.constant 0 : i32
        %dma_wait3A_413 = arith.constant 0 : i32
        %dma_wait3A_414 = tpu.memref_slice %arg5[%dma_wait3A_412, %dma_wait3A_413] : memref<80640x128xi32, #tpu.memory_space<hbm>> -> memref<120x128xi32, #tpu.memory_space<hbm>>
        %dma_wait3A_415 = arith.constant 0 : i32
        %dma_wait3A_416 = arith.constant 0 : i32
        %dma_wait3A_417 = tpu.memref_slice %arg8[%dma_wait3A_401, %dma_wait3A_415, %dma_wait3A_416] : memref<3x120x128xi32, #tpu.memory_space<vmem>> -> memref<1x120x128xi32, #tpu.memory_space<vmem>>
        %dma_wait3A_418 = tpu.memref_squeeze %dma_wait3A_417 : memref<1x120x128xi32, #tpu.memory_space<vmem>> -> memref<120x128xi32, #tpu.memory_space<vmem>>
        tpu.wait_dma2 semaphore(%dma_wait3A_411 : memref<!tpu.dma_semaphore, #tpu.memory_space<semaphore_mem>>) src(%dma_wait3A_418 : memref<120x128xi32, #tpu.memory_space<vmem>>) dst(%dma_wait3A_414 : memref<120x128xi32, #tpu.memory_space<hbm>>)
        %dma_wait3A_419 = arith.constant 0 : i32
        %dma_wait3A_420 = arith.constant 0 : i32
        %dma_wait3A_421 = arith.constant 0 : i32
        %dma_wait3A_422 = arith.constant 0 : i32
        %dma_wait3A_423 = tpu.memref_slice %arg9[%dma_wait3A_419, %dma_wait3A_421, %dma_wait3A_422] : memref<3x120x128xi32, #tpu.memory_space<vmem>> -> memref<1x120x128xi32, #tpu.memory_space<vmem>>
        %dma_wait3A_424 = tpu.memref_squeeze %dma_wait3A_423 : memref<1x120x128xi32, #tpu.memory_space<vmem>> -> memref<120x128xi32, #tpu.memory_space<vmem>>
        %dma_wait3A_425 = arith.constant 0 : i32
        %dma_wait3A_426 = arith.constant 0 : i32
        %dma_wait3A_427 = tpu.memref_slice %arg6[%dma_wait3A_425, %dma_wait3A_426] : memref<80640x128xi32, #tpu.memory_space<hbm>> -> memref<120x128xi32, #tpu.memory_space<hbm>>
        %dma_wait3A_428 = tpu.memref_slice %arg11[%dma_wait3A_420] : memref<3x!tpu.dma_semaphore, #tpu.memory_space<semaphore_mem>> -> memref<1x!tpu.dma_semaphore, #tpu.memory_space<semaphore_mem>>
        %dma_wait3A_429 = tpu.memref_squeeze %dma_wait3A_428 : memref<1x!tpu.dma_semaphore, #tpu.memory_space<semaphore_mem>> -> memref<!tpu.dma_semaphore, #tpu.memory_space<semaphore_mem>>
        %dma_wait3A_430 = arith.constant 0 : i32
        %dma_wait3A_431 = arith.constant 0 : i32
        %dma_wait3A_432 = tpu.memref_slice %arg6[%dma_wait3A_430, %dma_wait3A_431] : memref<80640x128xi32, #tpu.memory_space<hbm>> -> memref<120x128xi32, #tpu.memory_space<hbm>>
        %dma_wait3A_433 = arith.constant 0 : i32
        %dma_wait3A_434 = arith.constant 0 : i32
        %dma_wait3A_435 = tpu.memref_slice %arg9[%dma_wait3A_419, %dma_wait3A_433, %dma_wait3A_434] : memref<3x120x128xi32, #tpu.memory_space<vmem>> -> memref<1x120x128xi32, #tpu.memory_space<vmem>>
        %dma_wait3A_436 = tpu.memref_squeeze %dma_wait3A_435 : memref<1x120x128xi32, #tpu.memory_space<vmem>> -> memref<120x128xi32, #tpu.memory_space<vmem>>
        tpu.wait_dma2 semaphore(%dma_wait3A_429 : memref<!tpu.dma_semaphore, #tpu.memory_space<semaphore_mem>>) src(%dma_wait3A_436 : memref<120x128xi32, #tpu.memory_space<vmem>>) dst(%dma_wait3A_432 : memref<120x128xi32, #tpu.memory_space<hbm>>)
        %add3A_437 = arith.constant 2 : i32
        %add3A_438 = arith.addi %add3A_265, %add3A_437 : i32
        %mul3A_439 = arith.constant 120 : i32
        %mul3A_440 = arith.muli %add3A_438, %mul3A_439 : i32
        %dma_start3A_441 = arith.constant 0 : i32
        %dma_start3A_442 = arith.constant 0 : i32
        %dma_start3A_443 = arith.constant 0 : i32
        %dma_start3A_444 = arith.constant 0 : i32
        %dma_start3A_445 = tpu.memref_slice %arg8[%dma_start3A_441, %dma_start3A_443, %dma_start3A_444] : memref<3x120x128xi32, #tpu.memory_space<vmem>> -> memref<1x120x128xi32, #tpu.memory_space<vmem>>
        %dma_start3A_446 = tpu.memref_squeeze %dma_start3A_445 : memref<1x120x128xi32, #tpu.memory_space<vmem>> -> memref<120x128xi32, #tpu.memory_space<vmem>>
        %dma_start3A_447 = tpu.memref_slice %arg7[%mul3A_440] : memref<2520xi32, #tpu.memory_space<vmem>> -> memref<120xi32, #tpu.memory_space<vmem>>
        %dma_start3A_448 = arith.constant 0 : i32
        %dma_start3A_449 = arith.constant 0 : i32
        %dma_start3A_450 = tpu.memref_slice %arg2[%dma_start3A_448, %dma_start3A_449] : memref<10000x128xi32, #tpu.memory_space<hbm>> -> memref<10000x128xi32, #tpu.memory_space<hbm>>
        %dma_start3A_451 = tpu.memref_slice %arg10[%dma_start3A_442] : memref<3x!tpu.dma_semaphore, #tpu.memory_space<semaphore_mem>> -> memref<1x!tpu.dma_semaphore, #tpu.memory_space<semaphore_mem>>
        %dma_start3A_452 = tpu.memref_squeeze %dma_start3A_451 : memref<1x!tpu.dma_semaphore, #tpu.memory_space<semaphore_mem>> -> memref<!tpu.dma_semaphore, #tpu.memory_space<semaphore_mem>>
        tpu.enqueue_indirect_dma source(%dma_start3A_450 : memref<10000x128xi32, #tpu.memory_space<hbm>>) target(%dma_start3A_446 : memref<120x128xi32, #tpu.memory_space<vmem>>) offsets(%dma_start3A_447 : memref<120xi32, #tpu.memory_space<vmem>>) semaphore(%dma_start3A_452 : memref<!tpu.dma_semaphore, #tpu.memory_space<semaphore_mem>>)
        %dma_start3A_453 = arith.constant 0 : i32
        %dma_start3A_454 = arith.constant 0 : i32
        %dma_start3A_455 = arith.constant 0 : i32
        %dma_start3A_456 = arith.constant 0 : i32
        %dma_start3A_457 = tpu.memref_slice %arg9[%dma_start3A_453, %dma_start3A_455, %dma_start3A_456] : memref<3x120x128xi32, #tpu.memory_space<vmem>> -> memref<1x120x128xi32, #tpu.memory_space<vmem>>
        %dma_start3A_458 = tpu.memref_squeeze %dma_start3A_457 : memref<1x120x128xi32, #tpu.memory_space<vmem>> -> memref<120x128xi32, #tpu.memory_space<vmem>>
        %dma_start3A_459 = tpu.memref_slice %arg7[%mul3A_440] : memref<2520xi32, #tpu.memory_space<vmem>> -> memref<120xi32, #tpu.memory_space<vmem>>
        %dma_start3A_460 = arith.constant 0 : i32
        %dma_start3A_461 = arith.constant 0 : i32
        %dma_start3A_462 = tpu.memref_slice %arg3[%dma_start3A_460, %dma_start3A_461] : memref<10000x128xi32, #tpu.memory_space<hbm>> -> memref<10000x128xi32, #tpu.memory_space<hbm>>
        %dma_start3A_463 = tpu.memref_slice %arg10[%dma_start3A_454] : memref<3x!tpu.dma_semaphore, #tpu.memory_space<semaphore_mem>> -> memref<1x!tpu.dma_semaphore, #tpu.memory_space<semaphore_mem>>
        %dma_start3A_464 = tpu.memref_squeeze %dma_start3A_463 : memref<1x!tpu.dma_semaphore, #tpu.memory_space<semaphore_mem>> -> memref<!tpu.dma_semaphore, #tpu.memory_space<semaphore_mem>>
        tpu.enqueue_indirect_dma source(%dma_start3A_462 : memref<10000x128xi32, #tpu.memory_space<hbm>>) target(%dma_start3A_458 : memref<120x128xi32, #tpu.memory_space<vmem>>) offsets(%dma_start3A_459 : memref<120xi32, #tpu.memory_space<vmem>>) semaphore(%dma_start3A_464 : memref<!tpu.dma_semaphore, #tpu.memory_space<semaphore_mem>>)
      } else {
      }
      %mul3A_331 = arith.constant 3 : i32
      %mul3A_332 = arith.muli %scan3A_166, %mul3A_331 : i32
      %add3A_333 = arith.constant 2 : i32
      %add3A_334 = arith.addi %mul3A_332, %add3A_333 : i32
      %mul3A_335 = arith.constant 120 : i32
      %mul3A_336 = arith.muli %add3A_334, %mul3A_335 : i32
      %dma_wait3A_337 = arith.constant 2 : i32
      %dma_wait3A_338 = arith.constant 2 : i32
      %dma_wait3A_339 = arith.constant 0 : i32
      %dma_wait3A_340 = arith.constant 0 : i32
      %dma_wait3A_341 = tpu.memref_slice %arg8[%dma_wait3A_337, %dma_wait3A_339, %dma_wait3A_340] : memref<3x120x128xi32, #tpu.memory_space<vmem>> -> memref<1x120x128xi32, #tpu.memory_space<vmem>>
      %dma_wait3A_342 = tpu.memref_squeeze %dma_wait3A_341 : memref<1x120x128xi32, #tpu.memory_space<vmem>> -> memref<120x128xi32, #tpu.memory_space<vmem>>
      %dma_wait3A_343 = tpu.memref_slice %arg7[%mul3A_336] : memref<2520xi32, #tpu.memory_space<vmem>> -> memref<120xi32, #tpu.memory_space<vmem>>
      %dma_wait3A_344 = arith.constant 0 : i32
      %dma_wait3A_345 = arith.constant 0 : i32
      %dma_wait3A_346 = tpu.memref_slice %arg2[%dma_wait3A_344, %dma_wait3A_345] : memref<10000x128xi32, #tpu.memory_space<hbm>> -> memref<10000x128xi32, #tpu.memory_space<hbm>>
      %dma_wait3A_347 = tpu.memref_slice %arg10[%dma_wait3A_338] : memref<3x!tpu.dma_semaphore, #tpu.memory_space<semaphore_mem>> -> memref<1x!tpu.dma_semaphore, #tpu.memory_space<semaphore_mem>>
      %dma_wait3A_348 = tpu.memref_squeeze %dma_wait3A_347 : memref<1x!tpu.dma_semaphore, #tpu.memory_space<semaphore_mem>> -> memref<!tpu.dma_semaphore, #tpu.memory_space<semaphore_mem>>
      tpu.wait_indirect_dma semaphore(%dma_wait3A_348 : memref<!tpu.dma_semaphore, #tpu.memory_space<semaphore_mem>>) src(%dma_wait3A_346 : memref<10000x128xi32, #tpu.memory_space<hbm>>) dst(%dma_wait3A_342 : memref<120x128xi32, #tpu.memory_space<vmem>>)
      %dma_wait3A_349 = arith.constant 2 : i32
      %dma_wait3A_350 = arith.constant 2 : i32
      %dma_wait3A_351 = arith.constant 0 : i32
      %dma_wait3A_352 = arith.constant 0 : i32
      %dma_wait3A_353 = tpu.memref_slice %arg9[%dma_wait3A_349, %dma_wait3A_351, %dma_wait3A_352] : memref<3x120x128xi32, #tpu.memory_space<vmem>> -> memref<1x120x128xi32, #tpu.memory_space<vmem>>
      %dma_wait3A_354 = tpu.memref_squeeze %dma_wait3A_353 : memref<1x120x128xi32, #tpu.memory_space<vmem>> -> memref<120x128xi32, #tpu.memory_space<vmem>>
      %dma_wait3A_355 = tpu.memref_slice %arg7[%mul3A_336] : memref<2520xi32, #tpu.memory_space<vmem>> -> memref<120xi32, #tpu.memory_space<vmem>>
      %dma_wait3A_356 = arith.constant 0 : i32
      %dma_wait3A_357 = arith.constant 0 : i32
      %dma_wait3A_358 = tpu.memref_slice %arg3[%dma_wait3A_356, %dma_wait3A_357] : memref<10000x128xi32, #tpu.memory_space<hbm>> -> memref<10000x128xi32, #tpu.memory_space<hbm>>
      %dma_wait3A_359 = tpu.memref_slice %arg10[%dma_wait3A_350] : memref<3x!tpu.dma_semaphore, #tpu.memory_space<semaphore_mem>> -> memref<1x!tpu.dma_semaphore, #tpu.memory_space<semaphore_mem>>
      %dma_wait3A_360 = tpu.memref_squeeze %dma_wait3A_359 : memref<1x!tpu.dma_semaphore, #tpu.memory_space<semaphore_mem>> -> memref<!tpu.dma_semaphore, #tpu.memory_space<semaphore_mem>>
      tpu.wait_indirect_dma semaphore(%dma_wait3A_360 : memref<!tpu.dma_semaphore, #tpu.memory_space<semaphore_mem>>) src(%dma_wait3A_358 : memref<10000x128xi32, #tpu.memory_space<hbm>>) dst(%dma_wait3A_354 : memref<120x128xi32, #tpu.memory_space<vmem>>)
      %mul3A_361 = arith.constant 120 : i32
      %mul3A_362 = arith.muli %add3A_334, %mul3A_361 : i32
      %add3A_363 = arith.addi %mul3A_2, %mul3A_362 : i32
      %dma_start3A_364 = arith.constant 2 : i32
      %dma_start3A_365 = arith.constant 2 : i32
      %dma_start3A_366 = arith.constant 0 : i32
      %dma_start3A_367 = arith.constant 0 : i32
      %dma_start3A_368 = tpu.memref_slice %arg8[%dma_start3A_364, %dma_start3A_366, %dma_start3A_367] : memref<3x120x128xi32, #tpu.memory_space<vmem>> -> memref<1x120x128xi32, #tpu.memory_space<vmem>>
      %dma_start3A_369 = tpu.memref_squeeze %dma_start3A_368 : memref<1x120x128xi32, #tpu.memory_space<vmem>> -> memref<120x128xi32, #tpu.memory_space<vmem>>
      %dma_start3A_370 = arith.constant 0 : i32
      %dma_start3A_371 = tpu.memref_slice %arg5[%add3A_363, %dma_start3A_370] : memref<80640x128xi32, #tpu.memory_space<hbm>> -> memref<120x128xi32, #tpu.memory_space<hbm>>
      %dma_start3A_372 = tpu.memref_slice %arg11[%dma_start3A_365] : memref<3x!tpu.dma_semaphore, #tpu.memory_space<semaphore_mem>> -> memref<1x!tpu.dma_semaphore, #tpu.memory_space<semaphore_mem>>
      %dma_start3A_373 = tpu.memref_squeeze %dma_start3A_372 : memref<1x!tpu.dma_semaphore, #tpu.memory_space<semaphore_mem>> -> memref<!tpu.dma_semaphore, #tpu.memory_space<semaphore_mem>>
      %dma_start3A_374 = arith.constant 0 : i32
      %dma_start3A_375 = tpu.memref_slice %arg5[%add3A_363, %dma_start3A_374] : memref<80640x128xi32, #tpu.memory_space<hbm>> -> memref<120x128xi32, #tpu.memory_space<hbm>>
      %dma_start3A_376 = arith.constant 0 : i32
      %dma_start3A_377 = arith.constant 0 : i32
      %dma_start3A_378 = tpu.memref_slice %arg8[%dma_start3A_364, %dma_start3A_376, %dma_start3A_377] : memref<3x120x128xi32, #tpu.memory_space<vmem>> -> memref<1x120x128xi32, #tpu.memory_space<vmem>>
      %dma_start3A_379 = tpu.memref_squeeze %dma_start3A_378 : memref<1x120x128xi32, #tpu.memory_space<vmem>> -> memref<120x128xi32, #tpu.memory_space<vmem>>
      tpu.enqueue_dma source(%dma_start3A_379 : memref<120x128xi32, #tpu.memory_space<vmem>>) target(%dma_start3A_375 : memref<120x128xi32, #tpu.memory_space<hbm>>) target_semaphore(%dma_start3A_373 : memref<!tpu.dma_semaphore, #tpu.memory_space<semaphore_mem>>)
      %dma_start3A_380 = arith.constant 2 : i32
      %dma_start3A_381 = arith.constant 2 : i32
      %dma_start3A_382 = arith.constant 0 : i32
      %dma_start3A_383 = arith.constant 0 : i32
      %dma_start3A_384 = tpu.memref_slice %arg9[%dma_start3A_380, %dma_start3A_382, %dma_start3A_383] : memref<3x120x128xi32, #tpu.memory_space<vmem>> -> memref<1x120x128xi32, #tpu.memory_space<vmem>>
      %dma_start3A_385 = tpu.memref_squeeze %dma_start3A_384 : memref<1x120x128xi32, #tpu.memory_space<vmem>> -> memref<120x128xi32, #tpu.memory_space<vmem>>
      %dma_start3A_386 = arith.constant 0 : i32
      %dma_start3A_387 = tpu.memref_slice %arg6[%add3A_363, %dma_start3A_386] : memref<80640x128xi32, #tpu.memory_space<hbm>> -> memref<120x128xi32, #tpu.memory_space<hbm>>
      %dma_start3A_388 = tpu.memref_slice %arg11[%dma_start3A_381] : memref<3x!tpu.dma_semaphore, #tpu.memory_space<semaphore_mem>> -> memref<1x!tpu.dma_semaphore, #tpu.memory_space<semaphore_mem>>
      %dma_start3A_389 = tpu.memref_squeeze %dma_start3A_388 : memref<1x!tpu.dma_semaphore, #tpu.memory_space<semaphore_mem>> -> memref<!tpu.dma_semaphore, #tpu.memory_space<semaphore_mem>>
      %dma_start3A_390 = arith.constant 0 : i32
      %dma_start3A_391 = tpu.memref_slice %arg6[%add3A_363, %dma_start3A_390] : memref<80640x128xi32, #tpu.memory_space<hbm>> -> memref<120x128xi32, #tpu.memory_space<hbm>>
      %dma_start3A_392 = arith.constant 0 : i32
      %dma_start3A_393 = arith.constant 0 : i32
      %dma_start3A_394 = tpu.memref_slice %arg9[%dma_start3A_380, %dma_start3A_392, %dma_start3A_393] : memref<3x120x128xi32, #tpu.memory_space<vmem>> -> memref<1x120x128xi32, #tpu.memory_space<vmem>>
      %dma_start3A_395 = tpu.memref_squeeze %dma_start3A_394 : memref<1x120x128xi32, #tpu.memory_space<vmem>> -> memref<120x128xi32, #tpu.memory_space<vmem>>
      tpu.enqueue_dma source(%dma_start3A_395 : memref<120x128xi32, #tpu.memory_space<vmem>>) target(%dma_start3A_391 : memref<120x128xi32, #tpu.memory_space<hbm>>) target_semaphore(%dma_start3A_389 : memref<!tpu.dma_semaphore, #tpu.memory_space<semaphore_mem>>)
      %lt3A_396 = arith.constant 6 : i32
      %lt3A_397 = arith.cmpi slt, %scan3A_166, %lt3A_396 : i32
      %convert_element_type3A_398 = arith.extui %lt3A_397 : i1 to i32
      %cond3A_399 = arith.constant 0 : i32
      %cond3A_400 = arith.cmpi ne, %convert_element_type3A_398, %cond3A_399 : i32
      scf.if %cond3A_400 {
        %dma_wait3A_401 = arith.constant 1 : i32
        %dma_wait3A_402 = arith.constant 1 : i32
        %dma_wait3A_403 = arith.constant 0 : i32
        %dma_wait3A_404 = arith.constant 0 : i32
        %dma_wait3A_405 = tpu.memref_slice %arg8[%dma_wait3A_401, %dma_wait3A_403, %dma_wait3A_404] : memref<3x120x128xi32, #tpu.memory_space<vmem>> -> memref<1x120x128xi32, #tpu.memory_space<vmem>>
        %dma_wait3A_406 = tpu.memref_squeeze %dma_wait3A_405 : memref<1x120x128xi32, #tpu.memory_space<vmem>> -> memref<120x128xi32, #tpu.memory_space<vmem>>
        %dma_wait3A_407 = arith.constant 0 : i32
        %dma_wait3A_408 = arith.constant 0 : i32
        %dma_wait3A_409 = tpu.memref_slice %arg5[%dma_wait3A_407, %dma_wait3A_408] : memref<80640x128xi32, #tpu.memory_space<hbm>> -> memref<120x128xi32, #tpu.memory_space<hbm>>
        %dma_wait3A_410 = tpu.memref_slice %arg11[%dma_wait3A_402] : memref<3x!tpu.dma_semaphore, #tpu.memory_space<semaphore_mem>> -> memref<1x!tpu.dma_semaphore, #tpu.memory_space<semaphore_mem>>
        %dma_wait3A_411 = tpu.memref_squeeze %dma_wait3A_410 : memref<1x!tpu.dma_semaphore, #tpu.memory_space<semaphore_mem>> -> memref<!tpu.dma_semaphore, #tpu.memory_space<semaphore_mem>>
        %dma_wait3A_412 = arith.constant 0 : i32
        %dma_wait3A_413 = arith.constant 0 : i32
        %dma_wait3A_414 = tpu.memref_slice %arg5[%dma_wait3A_412, %dma_wait3A_413] : memref<80640x128xi32, #tpu.memory_space<hbm>> -> memref<120x128xi32, #tpu.memory_space<hbm>>
        %dma_wait3A_415 = arith.constant 0 : i32
        %dma_wait3A_416 = arith.constant 0 : i32
        %dma_wait3A_417 = tpu.memref_slice %arg8[%dma_wait3A_401, %dma_wait3A_415, %dma_wait3A_416] : memref<3x120x128xi32, #tpu.memory_space<vmem>> -> memref<1x120x128xi32, #tpu.memory_space<vmem>>
        %dma_wait3A_418 = tpu.memref_squeeze %dma_wait3A_417 : memref<1x120x128xi32, #tpu.memory_space<vmem>> -> memref<120x128xi32, #tpu.memory_space<vmem>>
        tpu.wait_dma2 semaphore(%dma_wait3A_411 : memref<!tpu.dma_semaphore, #tpu.memory_space<semaphore_mem>>) src(%dma_wait3A_418 : memref<120x128xi32, #tpu.memory_space<vmem>>) dst(%dma_wait3A_414 : memref<120x128xi32, #tpu.memory_space<hbm>>)
        %dma_wait3A_419 = arith.constant 1 : i32
        %dma_wait3A_420 = arith.constant 1 : i32
        %dma_wait3A_421 = arith.constant 0 : i32
        %dma_wait3A_422 = arith.constant 0 : i32
        %dma_wait3A_423 = tpu.memref_slice %arg9[%dma_wait3A_419, %dma_wait3A_421, %dma_wait3A_422] : memref<3x120x128xi32, #tpu.memory_space<vmem>> -> memref<1x120x128xi32, #tpu.memory_space<vmem>>
        %dma_wait3A_424 = tpu.memref_squeeze %dma_wait3A_423 : memref<1x120x128xi32, #tpu.memory_space<vmem>> -> memref<120x128xi32, #tpu.memory_space<vmem>>
        %dma_wait3A_425 = arith.constant 0 : i32
        %dma_wait3A_426 = arith.constant 0 : i32
        %dma_wait3A_427 = tpu.memref_slice %arg6[%dma_wait3A_425, %dma_wait3A_426] : memref<80640x128xi32, #tpu.memory_space<hbm>> -> memref<120x128xi32, #tpu.memory_space<hbm>>
        %dma_wait3A_428 = tpu.memref_slice %arg11[%dma_wait3A_420] : memref<3x!tpu.dma_semaphore, #tpu.memory_space<semaphore_mem>> -> memref<1x!tpu.dma_semaphore, #tpu.memory_space<semaphore_mem>>
        %dma_wait3A_429 = tpu.memref_squeeze %dma_wait3A_428 : memref<1x!tpu.dma_semaphore, #tpu.memory_space<semaphore_mem>> -> memref<!tpu.dma_semaphore, #tpu.memory_space<semaphore_mem>>
        %dma_wait3A_430 = arith.constant 0 : i32
        %dma_wait3A_431 = arith.constant 0 : i32
        %dma_wait3A_432 = tpu.memref_slice %arg6[%dma_wait3A_430, %dma_wait3A_431] : memref<80640x128xi32, #tpu.memory_space<hbm>> -> memref<120x128xi32, #tpu.memory_space<hbm>>
        %dma_wait3A_433 = arith.constant 0 : i32
        %dma_wait3A_434 = arith.constant 0 : i32
        %dma_wait3A_435 = tpu.memref_slice %arg9[%dma_wait3A_419, %dma_wait3A_433, %dma_wait3A_434] : memref<3x120x128xi32, #tpu.memory_space<vmem>> -> memref<1x120x128xi32, #tpu.memory_space<vmem>>
        %dma_wait3A_436 = tpu.memref_squeeze %dma_wait3A_435 : memref<1x120x128xi32, #tpu.memory_space<vmem>> -> memref<120x128xi32, #tpu.memory_space<vmem>>
        tpu.wait_dma2 semaphore(%dma_wait3A_429 : memref<!tpu.dma_semaphore, #tpu.memory_space<semaphore_mem>>) src(%dma_wait3A_436 : memref<120x128xi32, #tpu.memory_space<vmem>>) dst(%dma_wait3A_432 : memref<120x128xi32, #tpu.memory_space<hbm>>)
        %add3A_437 = arith.constant 2 : i32
        %add3A_438 = arith.addi %add3A_334, %add3A_437 : i32
        %mul3A_439 = arith.constant 120 : i32
        %mul3A_440 = arith.muli %add3A_438, %mul3A_439 : i32
        %dma_start3A_441 = arith.constant 1 : i32
        %dma_start3A_442 = arith.constant 1 : i32
        %dma_start3A_443 = arith.constant 0 : i32
        %dma_start3A_444 = arith.constant 0 : i32
        %dma_start3A_445 = tpu.memref_slice %arg8[%dma_start3A_441, %dma_start3A_443, %dma_start3A_444] : memref<3x120x128xi32, #tpu.memory_space<vmem>> -> memref<1x120x128xi32, #tpu.memory_space<vmem>>
        %dma_start3A_446 = tpu.memref_squeeze %dma_start3A_445 : memref<1x120x128xi32, #tpu.memory_space<vmem>> -> memref<120x128xi32, #tpu.memory_space<vmem>>
        %dma_start3A_447 = tpu.memref_slice %arg7[%mul3A_440] : memref<2520xi32, #tpu.memory_space<vmem>> -> memref<120xi32, #tpu.memory_space<vmem>>
        %dma_start3A_448 = arith.constant 0 : i32
        %dma_start3A_449 = arith.constant 0 : i32
        %dma_start3A_450 = tpu.memref_slice %arg2[%dma_start3A_448, %dma_start3A_449] : memref<10000x128xi32, #tpu.memory_space<hbm>> -> memref<10000x128xi32, #tpu.memory_space<hbm>>
        %dma_start3A_451 = tpu.memref_slice %arg10[%dma_start3A_442] : memref<3x!tpu.dma_semaphore, #tpu.memory_space<semaphore_mem>> -> memref<1x!tpu.dma_semaphore, #tpu.memory_space<semaphore_mem>>
        %dma_start3A_452 = tpu.memref_squeeze %dma_start3A_451 : memref<1x!tpu.dma_semaphore, #tpu.memory_space<semaphore_mem>> -> memref<!tpu.dma_semaphore, #tpu.memory_space<semaphore_mem>>
        tpu.enqueue_indirect_dma source(%dma_start3A_450 : memref<10000x128xi32, #tpu.memory_space<hbm>>) target(%dma_start3A_446 : memref<120x128xi32, #tpu.memory_space<vmem>>) offsets(%dma_start3A_447 : memref<120xi32, #tpu.memory_space<vmem>>) semaphore(%dma_start3A_452 : memref<!tpu.dma_semaphore, #tpu.memory_space<semaphore_mem>>)
        %dma_start3A_453 = arith.constant 1 : i32
        %dma_start3A_454 = arith.constant 1 : i32
        %dma_start3A_455 = arith.constant 0 : i32
        %dma_start3A_456 = arith.constant 0 : i32
        %dma_start3A_457 = tpu.memref_slice %arg9[%dma_start3A_453, %dma_start3A_455, %dma_start3A_456] : memref<3x120x128xi32, #tpu.memory_space<vmem>> -> memref<1x120x128xi32, #tpu.memory_space<vmem>>
        %dma_start3A_458 = tpu.memref_squeeze %dma_start3A_457 : memref<1x120x128xi32, #tpu.memory_space<vmem>> -> memref<120x128xi32, #tpu.memory_space<vmem>>
        %dma_start3A_459 = tpu.memref_slice %arg7[%mul3A_440] : memref<2520xi32, #tpu.memory_space<vmem>> -> memref<120xi32, #tpu.memory_space<vmem>>
        %dma_start3A_460 = arith.constant 0 : i32
        %dma_start3A_461 = arith.constant 0 : i32
        %dma_start3A_462 = tpu.memref_slice %arg3[%dma_start3A_460, %dma_start3A_461] : memref<10000x128xi32, #tpu.memory_space<hbm>> -> memref<10000x128xi32, #tpu.memory_space<hbm>>
        %dma_start3A_463 = tpu.memref_slice %arg10[%dma_start3A_454] : memref<3x!tpu.dma_semaphore, #tpu.memory_space<semaphore_mem>> -> memref<1x!tpu.dma_semaphore, #tpu.memory_space<semaphore_mem>>
        %dma_start3A_464 = tpu.memref_squeeze %dma_start3A_463 : memref<1x!tpu.dma_semaphore, #tpu.memory_space<semaphore_mem>> -> memref<!tpu.dma_semaphore, #tpu.memory_space<semaphore_mem>>
        tpu.enqueue_indirect_dma source(%dma_start3A_462 : memref<10000x128xi32, #tpu.memory_space<hbm>>) target(%dma_start3A_458 : memref<120x128xi32, #tpu.memory_space<vmem>>) offsets(%dma_start3A_459 : memref<120xi32, #tpu.memory_space<vmem>>) semaphore(%dma_start3A_464 : memref<!tpu.dma_semaphore, #tpu.memory_space<semaphore_mem>>)
      } else {
      }
    }
    %scan3A_58 = arith.constant 7 : i32
    %dma_wait3A = arith.constant 0 : i32
    %dma_wait3A_59 = arith.constant 0 : i32
    %dma_wait3A_60 = arith.constant 0 : i32
    %dma_wait3A_61 = arith.constant 0 : i32
    %dma_wait3A_62 = tpu.memref_slice %arg8[%dma_wait3A, %dma_wait3A_60, %dma_wait3A_61] : memref<3x120x128xi32, #tpu.memory_space<vmem>> -> memref<1x120x128xi32, #tpu.memory_space<vmem>>
    %dma_wait3A_63 = tpu.memref_squeeze %dma_wait3A_62 : memref<1x120x128xi32, #tpu.memory_space<vmem>> -> memref<120x128xi32, #tpu.memory_space<vmem>>
    %dma_wait3A_64 = arith.constant 0 : i32
    %dma_wait3A_65 = arith.constant 0 : i32
    %dma_wait3A_66 = tpu.memref_slice %arg5[%dma_wait3A_64, %dma_wait3A_65] : memref<80640x128xi32, #tpu.memory_space<hbm>> -> memref<120x128xi32, #tpu.memory_space<hbm>>
    %dma_wait3A_67 = tpu.memref_slice %arg11[%dma_wait3A_59] : memref<3x!tpu.dma_semaphore, #tpu.memory_space<semaphore_mem>> -> memref<1x!tpu.dma_semaphore, #tpu.memory_space<semaphore_mem>>
    %dma_wait3A_68 = tpu.memref_squeeze %dma_wait3A_67 : memref<1x!tpu.dma_semaphore, #tpu.memory_space<semaphore_mem>> -> memref<!tpu.dma_semaphore, #tpu.memory_space<semaphore_mem>>
    %dma_wait3A_69 = arith.constant 0 : i32
    %dma_wait3A_70 = arith.constant 0 : i32
    %dma_wait3A_71 = tpu.memref_slice %arg5[%dma_wait3A_69, %dma_wait3A_70] : memref<80640x128xi32, #tpu.memory_space<hbm>> -> memref<120x128xi32, #tpu.memory_space<hbm>>
    %dma_wait3A_72 = arith.constant 0 : i32
    %dma_wait3A_73 = arith.constant 0 : i32
    %dma_wait3A_74 = tpu.memref_slice %arg8[%dma_wait3A, %dma_wait3A_72, %dma_wait3A_73] : memref<3x120x128xi32, #tpu.memory_space<vmem>> -> memref<1x120x128xi32, #tpu.memory_space<vmem>>
    %dma_wait3A_75 = tpu.memref_squeeze %dma_wait3A_74 : memref<1x120x128xi32, #tpu.memory_space<vmem>> -> memref<120x128xi32, #tpu.memory_space<vmem>>
    tpu.wait_dma2 semaphore(%dma_wait3A_68 : memref<!tpu.dma_semaphore, #tpu.memory_space<semaphore_mem>>) src(%dma_wait3A_75 : memref<120x128xi32, #tpu.memory_space<vmem>>) dst(%dma_wait3A_71 : memref<120x128xi32, #tpu.memory_space<hbm>>)
    %dma_wait3A_76 = arith.constant 0 : i32
    %dma_wait3A_77 = arith.constant 0 : i32
    %dma_wait3A_78 = arith.constant 0 : i32
    %dma_wait3A_79 = arith.constant 0 : i32
    %dma_wait3A_80 = tpu.memref_slice %arg9[%dma_wait3A_76, %dma_wait3A_78, %dma_wait3A_79] : memref<3x120x128xi32, #tpu.memory_space<vmem>> -> memref<1x120x128xi32, #tpu.memory_space<vmem>>
    %dma_wait3A_81 = tpu.memref_squeeze %dma_wait3A_80 : memref<1x120x128xi32, #tpu.memory_space<vmem>> -> memref<120x128xi32, #tpu.memory_space<vmem>>
    %dma_wait3A_82 = arith.constant 0 : i32
    %dma_wait3A_83 = arith.constant 0 : i32
    %dma_wait3A_84 = tpu.memref_slice %arg6[%dma_wait3A_82, %dma_wait3A_83] : memref<80640x128xi32, #tpu.memory_space<hbm>> -> memref<120x128xi32, #tpu.memory_space<hbm>>
    %dma_wait3A_85 = tpu.memref_slice %arg11[%dma_wait3A_77] : memref<3x!tpu.dma_semaphore, #tpu.memory_space<semaphore_mem>> -> memref<1x!tpu.dma_semaphore, #tpu.memory_space<semaphore_mem>>
    %dma_wait3A_86 = tpu.memref_squeeze %dma_wait3A_85 : memref<1x!tpu.dma_semaphore, #tpu.memory_space<semaphore_mem>> -> memref<!tpu.dma_semaphore, #tpu.memory_space<semaphore_mem>>
    %dma_wait3A_87 = arith.constant 0 : i32
    %dma_wait3A_88 = arith.constant 0 : i32
    %dma_wait3A_89 = tpu.memref_slice %arg6[%dma_wait3A_87, %dma_wait3A_88] : memref<80640x128xi32, #tpu.memory_space<hbm>> -> memref<120x128xi32, #tpu.memory_space<hbm>>
    %dma_wait3A_90 = arith.constant 0 : i32
    %dma_wait3A_91 = arith.constant 0 : i32
    %dma_wait3A_92 = tpu.memref_slice %arg9[%dma_wait3A_76, %dma_wait3A_90, %dma_wait3A_91] : memref<3x120x128xi32, #tpu.memory_space<vmem>> -> memref<1x120x128xi32, #tpu.memory_space<vmem>>
    %dma_wait3A_93 = tpu.memref_squeeze %dma_wait3A_92 : memref<1x120x128xi32, #tpu.memory_space<vmem>> -> memref<120x128xi32, #tpu.memory_space<vmem>>
    tpu.wait_dma2 semaphore(%dma_wait3A_86 : memref<!tpu.dma_semaphore, #tpu.memory_space<semaphore_mem>>) src(%dma_wait3A_93 : memref<120x128xi32, #tpu.memory_space<vmem>>) dst(%dma_wait3A_89 : memref<120x128xi32, #tpu.memory_space<hbm>>)
    %dma_wait3A_94 = arith.constant 1 : i32
    %dma_wait3A_95 = arith.constant 1 : i32
    %dma_wait3A_96 = arith.constant 0 : i32
    %dma_wait3A_97 = arith.constant 0 : i32
    %dma_wait3A_98 = tpu.memref_slice %arg8[%dma_wait3A_94, %dma_wait3A_96, %dma_wait3A_97] : memref<3x120x128xi32, #tpu.memory_space<vmem>> -> memref<1x120x128xi32, #tpu.memory_space<vmem>>
    %dma_wait3A_99 = tpu.memref_squeeze %dma_wait3A_98 : memref<1x120x128xi32, #tpu.memory_space<vmem>> -> memref<120x128xi32, #tpu.memory_space<vmem>>
    %dma_wait3A_100 = arith.constant 0 : i32
    %dma_wait3A_101 = arith.constant 0 : i32
    %dma_wait3A_102 = tpu.memref_slice %arg5[%dma_wait3A_100, %dma_wait3A_101] : memref<80640x128xi32, #tpu.memory_space<hbm>> -> memref<120x128xi32, #tpu.memory_space<hbm>>
    %dma_wait3A_103 = tpu.memref_slice %arg11[%dma_wait3A_95] : memref<3x!tpu.dma_semaphore, #tpu.memory_space<semaphore_mem>> -> memref<1x!tpu.dma_semaphore, #tpu.memory_space<semaphore_mem>>
    %dma_wait3A_104 = tpu.memref_squeeze %dma_wait3A_103 : memref<1x!tpu.dma_semaphore, #tpu.memory_space<semaphore_mem>> -> memref<!tpu.dma_semaphore, #tpu.memory_space<semaphore_mem>>
    %dma_wait3A_105 = arith.constant 0 : i32
    %dma_wait3A_106 = arith.constant 0 : i32
    %dma_wait3A_107 = tpu.memref_slice %arg5[%dma_wait3A_105, %dma_wait3A_106] : memref<80640x128xi32, #tpu.memory_space<hbm>> -> memref<120x128xi32, #tpu.memory_space<hbm>>
    %dma_wait3A_108 = arith.constant 0 : i32
    %dma_wait3A_109 = arith.constant 0 : i32
    %dma_wait3A_110 = tpu.memref_slice %arg8[%dma_wait3A_94, %dma_wait3A_108, %dma_wait3A_109] : memref<3x120x128xi32, #tpu.memory_space<vmem>> -> memref<1x120x128xi32, #tpu.memory_space<vmem>>
    %dma_wait3A_111 = tpu.memref_squeeze %dma_wait3A_110 : memref<1x120x128xi32, #tpu.memory_space<vmem>> -> memref<120x128xi32, #tpu.memory_space<vmem>>
    tpu.wait_dma2 semaphore(%dma_wait3A_104 : memref<!tpu.dma_semaphore, #tpu.memory_space<semaphore_mem>>) src(%dma_wait3A_111 : memref<120x128xi32, #tpu.memory_space<vmem>>) dst(%dma_wait3A_107 : memref<120x128xi32, #tpu.memory_space<hbm>>)
    %dma_wait3A_112 = arith.constant 1 : i32
    %dma_wait3A_113 = arith.constant 1 : i32
    %dma_wait3A_114 = arith.constant 0 : i32
    %dma_wait3A_115 = arith.constant 0 : i32
    %dma_wait3A_116 = tpu.memref_slice %arg9[%dma_wait3A_112, %dma_wait3A_114, %dma_wait3A_115] : memref<3x120x128xi32, #tpu.memory_space<vmem>> -> memref<1x120x128xi32, #tpu.memory_space<vmem>>
    %dma_wait3A_117 = tpu.memref_squeeze %dma_wait3A_116 : memref<1x120x128xi32, #tpu.memory_space<vmem>> -> memref<120x128xi32, #tpu.memory_space<vmem>>
    %dma_wait3A_118 = arith.constant 0 : i32
    %dma_wait3A_119 = arith.constant 0 : i32
    %dma_wait3A_120 = tpu.memref_slice %arg6[%dma_wait3A_118, %dma_wait3A_119] : memref<80640x128xi32, #tpu.memory_space<hbm>> -> memref<120x128xi32, #tpu.memory_space<hbm>>
    %dma_wait3A_121 = tpu.memref_slice %arg11[%dma_wait3A_113] : memref<3x!tpu.dma_semaphore, #tpu.memory_space<semaphore_mem>> -> memref<1x!tpu.dma_semaphore, #tpu.memory_space<semaphore_mem>>
    %dma_wait3A_122 = tpu.memref_squeeze %dma_wait3A_121 : memref<1x!tpu.dma_semaphore, #tpu.memory_space<semaphore_mem>> -> memref<!tpu.dma_semaphore, #tpu.memory_space<semaphore_mem>>
    %dma_wait3A_123 = arith.constant 0 : i32
    %dma_wait3A_124 = arith.constant 0 : i32
    %dma_wait3A_125 = tpu.memref_slice %arg6[%dma_wait3A_123, %dma_wait3A_124] : memref<80640x128xi32, #tpu.memory_space<hbm>> -> memref<120x128xi32, #tpu.memory_space<hbm>>
    %dma_wait3A_126 = arith.constant 0 : i32
    %dma_wait3A_127 = arith.constant 0 : i32
    %dma_wait3A_128 = tpu.memref_slice %arg9[%dma_wait3A_112, %dma_wait3A_126, %dma_wait3A_127] : memref<3x120x128xi32, #tpu.memory_space<vmem>> -> memref<1x120x128xi32, #tpu.memory_space<vmem>>
    %dma_wait3A_129 = tpu.memref_squeeze %dma_wait3A_128 : memref<1x120x128xi32, #tpu.memory_space<vmem>> -> memref<120x128xi32, #tpu.memory_space<vmem>>
    tpu.wait_dma2 semaphore(%dma_wait3A_122 : memref<!tpu.dma_semaphore, #tpu.memory_space<semaphore_mem>>) src(%dma_wait3A_129 : memref<120x128xi32, #tpu.memory_space<vmem>>) dst(%dma_wait3A_125 : memref<120x128xi32, #tpu.memory_space<hbm>>)
    %dma_wait3A_130 = arith.constant 2 : i32
    %dma_wait3A_131 = arith.constant 2 : i32
    %dma_wait3A_132 = arith.constant 0 : i32
    %dma_wait3A_133 = arith.constant 0 : i32
    %dma_wait3A_134 = tpu.memref_slice %arg8[%dma_wait3A_130, %dma_wait3A_132, %dma_wait3A_133] : memref<3x120x128xi32, #tpu.memory_space<vmem>> -> memref<1x120x128xi32, #tpu.memory_space<vmem>>
    %dma_wait3A_135 = tpu.memref_squeeze %dma_wait3A_134 : memref<1x120x128xi32, #tpu.memory_space<vmem>> -> memref<120x128xi32, #tpu.memory_space<vmem>>
    %dma_wait3A_136 = arith.constant 0 : i32
    %dma_wait3A_137 = arith.constant 0 : i32
    %dma_wait3A_138 = tpu.memref_slice %arg5[%dma_wait3A_136, %dma_wait3A_137] : memref<80640x128xi32, #tpu.memory_space<hbm>> -> memref<120x128xi32, #tpu.memory_space<hbm>>
    %dma_wait3A_139 = tpu.memref_slice %arg11[%dma_wait3A_131] : memref<3x!tpu.dma_semaphore, #tpu.memory_space<semaphore_mem>> -> memref<1x!tpu.dma_semaphore, #tpu.memory_space<semaphore_mem>>
    %dma_wait3A_140 = tpu.memref_squeeze %dma_wait3A_139 : memref<1x!tpu.dma_semaphore, #tpu.memory_space<semaphore_mem>> -> memref<!tpu.dma_semaphore, #tpu.memory_space<semaphore_mem>>
    %dma_wait3A_141 = arith.constant 0 : i32
    %dma_wait3A_142 = arith.constant 0 : i32
    %dma_wait3A_143 = tpu.memref_slice %arg5[%dma_wait3A_141, %dma_wait3A_142] : memref<80640x128xi32, #tpu.memory_space<hbm>> -> memref<120x128xi32, #tpu.memory_space<hbm>>
    %dma_wait3A_144 = arith.constant 0 : i32
    %dma_wait3A_145 = arith.constant 0 : i32
    %dma_wait3A_146 = tpu.memref_slice %arg8[%dma_wait3A_130, %dma_wait3A_144, %dma_wait3A_145] : memref<3x120x128xi32, #tpu.memory_space<vmem>> -> memref<1x120x128xi32, #tpu.memory_space<vmem>>
    %dma_wait3A_147 = tpu.memref_squeeze %dma_wait3A_146 : memref<1x120x128xi32, #tpu.memory_space<vmem>> -> memref<120x128xi32, #tpu.memory_space<vmem>>
    tpu.wait_dma2 semaphore(%dma_wait3A_140 : memref<!tpu.dma_semaphore, #tpu.memory_space<semaphore_mem>>) src(%dma_wait3A_147 : memref<120x128xi32, #tpu.memory_space<vmem>>) dst(%dma_wait3A_143 : memref<120x128xi32, #tpu.memory_space<hbm>>)
    %dma_wait3A_148 = arith.constant 2 : i32
    %dma_wait3A_149 = arith.constant 2 : i32
    %dma_wait3A_150 = arith.constant 0 : i32
    %dma_wait3A_151 = arith.constant 0 : i32
    %dma_wait3A_152 = tpu.memref_slice %arg9[%dma_wait3A_148, %dma_wait3A_150, %dma_wait3A_151] : memref<3x120x128xi32, #tpu.memory_space<vmem>> -> memref<1x120x128xi32, #tpu.memory_space<vmem>>
    %dma_wait3A_153 = tpu.memref_squeeze %dma_wait3A_152 : memref<1x120x128xi32, #tpu.memory_space<vmem>> -> memref<120x128xi32, #tpu.memory_space<vmem>>
    %dma_wait3A_154 = arith.constant 0 : i32
    %dma_wait3A_155 = arith.constant 0 : i32
    %dma_wait3A_156 = tpu.memref_slice %arg6[%dma_wait3A_154, %dma_wait3A_155] : memref<80640x128xi32, #tpu.memory_space<hbm>> -> memref<120x128xi32, #tpu.memory_space<hbm>>
    %dma_wait3A_157 = tpu.memref_slice %arg11[%dma_wait3A_149] : memref<3x!tpu.dma_semaphore, #tpu.memory_space<semaphore_mem>> -> memref<1x!tpu.dma_semaphore, #tpu.memory_space<semaphore_mem>>
    %dma_wait3A_158 = tpu.memref_squeeze %dma_wait3A_157 : memref<1x!tpu.dma_semaphore, #tpu.memory_space<semaphore_mem>> -> memref<!tpu.dma_semaphore, #tpu.memory_space<semaphore_mem>>
    %dma_wait3A_159 = arith.constant 0 : i32
    %dma_wait3A_160 = arith.constant 0 : i32
    %dma_wait3A_161 = tpu.memref_slice %arg6[%dma_wait3A_159, %dma_wait3A_160] : memref<80640x128xi32, #tpu.memory_space<hbm>> -> memref<120x128xi32, #tpu.memory_space<hbm>>
    %dma_wait3A_162 = arith.constant 0 : i32
    %dma_wait3A_163 = arith.constant 0 : i32
    %dma_wait3A_164 = tpu.memref_slice %arg9[%dma_wait3A_148, %dma_wait3A_162, %dma_wait3A_163] : memref<3x120x128xi32, #tpu.memory_space<vmem>> -> memref<1x120x128xi32, #tpu.memory_space<vmem>>
    %dma_wait3A_165 = tpu.memref_squeeze %dma_wait3A_164 : memref<1x120x128xi32, #tpu.memory_space<vmem>> -> memref<120x128xi32, #tpu.memory_space<vmem>>
    tpu.wait_dma2 semaphore(%dma_wait3A_158 : memref<!tpu.dma_semaphore, #tpu.memory_space<semaphore_mem>>) src(%dma_wait3A_165 : memref<120x128xi32, #tpu.memory_space<vmem>>) dst(%dma_wait3A_161 : memref<120x128xi32, #tpu.memory_space<hbm>>)
    return
  }
}

module attributes {stable_mosaic.version = 14 : i64} {
  func.func @_mm_body(%arg0: i32, %arg1: memref<2000x256xf32, #tpu.memory_space<vmem>>, %arg2: memref<256x512xf32, #tpu.memory_space<vmem>>, %arg3: memref<256x512xf32, #tpu.memory_space<vmem>>, %arg4: memref<2000x128xi32, #tpu.memory_space<vmem>>, %arg5: memref<2000x128xi32, #tpu.memory_space<vmem>>, %arg6: memref<2000x512xf32, #tpu.memory_space<vmem>>) attributes {dimension_semantics = [#tpu.dimension_semantics<arbitrary>], iteration_bounds = array<i64: 5>, scalar_prefetch = 0 : i64, scratch_operands = 0 : i64, tpu.core_type = #tpu.core_type<tc>, window_params = [{transform_indices = @transform_0, window_bounds = array<i64: 2000, 256>}, {pipeline_mode = #tpu.pipeline_mode<synchronous>, transform_indices = @transform_1, window_bounds = array<i64: 256, 512>}, {pipeline_mode = #tpu.pipeline_mode<synchronous>, transform_indices = @transform_2, window_bounds = array<i64: 256, 512>}, {transform_indices = @transform_3, window_bounds = array<i64: 2000, 128>}, {transform_indices = @transform_4, window_bounds = array<i64: 2000, 128>}, {transform_indices = @transform_5, window_bounds = array<i64: 2000, 512>}]} {
    %get3A = arith.constant 0 : index
    %get3A_0 = arith.constant 0 : index
    %get3A_1 = vector.load %arg1[%get3A, %get3A_0] : memref<2000x256xf32, #tpu.memory_space<vmem>>, vector<2000x256xf32>
    %get3A_2 = arith.constant 0 : index
    %get3A_3 = arith.constant 0 : index
    %get3A_4 = vector.load %arg2[%get3A_2, %get3A_3] : memref<256x512xf32, #tpu.memory_space<vmem>>, vector<256x512xf32>
    %dot_general3A = arith.constant dense<0.000000e+00> : vector<2000x512xf32>
    %dot_general3A_5 = tpu.matmul %get3A_1, %get3A_4, %dot_general3A {dimension_numbers = #tpu.dot_dimension_numbers<[1], [0], [0], [1], [0, 0, 1, 1], [], []>, transpose_lhs_hint = false} : vector<2000x256xf32>, vector<256x512xf32>, vector<2000x512xf32> -> vector<2000x512xf32>
    %get3A_6 = arith.constant 0 : index
    %get3A_7 = arith.constant 0 : index
    %get3A_8 = vector.load %arg3[%get3A_6, %get3A_7] : memref<256x512xf32, #tpu.memory_space<vmem>>, vector<256x512xf32>
    %dot_general3A_9 = arith.constant dense<0.000000e+00> : vector<2000x512xf32>
    %dot_general3A_10 = tpu.matmul %get3A_1, %get3A_8, %dot_general3A_9 {dimension_numbers = #tpu.dot_dimension_numbers<[1], [0], [0], [1], [0, 0, 1, 1], [], []>, transpose_lhs_hint = false} : vector<2000x256xf32>, vector<256x512xf32>, vector<2000x512xf32> -> vector<2000x512xf32>
    %slice3A = vector.extract_strided_slice %dot_general3A_10 {offsets = [0, 0], sizes = [2000, 64], strides = [1, 1]} : vector<2000x512xf32> to vector<2000x64xf32>
    %bitcast_convert_type3A = tpu.bitcast %slice3A : vector<2000x64xf32> -> vector<2000x64xi32>
    %add3A = arith.constant 32767 : i32
    %add3A_11 = vector.broadcast %add3A : i32 to vector<2000x64xi32>
    %add3A_12 = arith.addi %bitcast_convert_type3A, %add3A_11 : vector<2000x64xi32>
    %shift_right_arithmetic3A = arith.constant 16 : i32
    %shift_right_arithmetic3A_13 = vector.broadcast %shift_right_arithmetic3A : i32 to vector<2000x64xi32>
    %shift_right_arithmetic3A_14 = arith.shrsi %bitcast_convert_type3A, %shift_right_arithmetic3A_13 : vector<2000x64xi32>
    %and3A = arith.constant 1 : i32
    %and3A_15 = vector.broadcast %and3A : i32 to vector<2000x64xi32>
    %and3A_16 = arith.andi %shift_right_arithmetic3A_14, %and3A_15 : vector<2000x64xi32>
    %add3A_17 = arith.addi %add3A_12, %and3A_16 : vector<2000x64xi32>
    %shift_right_arithmetic3A_18 = arith.constant 16 : i32
    %shift_right_arithmetic3A_19 = vector.broadcast %shift_right_arithmetic3A_18 : i32 to vector<2000x64xi32>
    %shift_right_arithmetic3A_20 = arith.shrsi %add3A_17, %shift_right_arithmetic3A_19 : vector<2000x64xi32>
    %and3A_21 = arith.constant 65535 : i32
    %and3A_22 = vector.broadcast %and3A_21 : i32 to vector<2000x64xi32>
    %and3A_23 = arith.andi %shift_right_arithmetic3A_20, %and3A_22 : vector<2000x64xi32>
    %slice3A_24 = vector.extract_strided_slice %dot_general3A_10 {offsets = [0, 64], sizes = [2000, 64], strides = [1, 1]} : vector<2000x512xf32> to vector<2000x64xf32>
    %bitcast_convert_type3A_25 = tpu.bitcast %slice3A_24 : vector<2000x64xf32> -> vector<2000x64xi32>
    %add3A_26 = arith.constant 32767 : i32
    %add3A_27 = vector.broadcast %add3A_26 : i32 to vector<2000x64xi32>
    %add3A_28 = arith.addi %bitcast_convert_type3A_25, %add3A_27 : vector<2000x64xi32>
    %shift_right_arithmetic3A_29 = arith.constant 16 : i32
    %shift_right_arithmetic3A_30 = vector.broadcast %shift_right_arithmetic3A_29 : i32 to vector<2000x64xi32>
    %shift_right_arithmetic3A_31 = arith.shrsi %bitcast_convert_type3A_25, %shift_right_arithmetic3A_30 : vector<2000x64xi32>
    %and3A_32 = arith.constant 1 : i32
    %and3A_33 = vector.broadcast %and3A_32 : i32 to vector<2000x64xi32>
    %and3A_34 = arith.andi %shift_right_arithmetic3A_31, %and3A_33 : vector<2000x64xi32>
    %add3A_35 = arith.addi %add3A_28, %and3A_34 : vector<2000x64xi32>
    %and3A_36 = arith.constant -65536 : i32
    %and3A_37 = vector.broadcast %and3A_36 : i32 to vector<2000x64xi32>
    %and3A_38 = arith.andi %add3A_35, %and3A_37 : vector<2000x64xi32>
    %or3A = arith.ori %and3A_23, %and3A_38 : vector<2000x64xi32>
    %swap3A = arith.constant 0 : index
    %swap3A_39 = arith.constant 0 : index
    %swap3A_40 = vector.load %arg4[%swap3A, %swap3A_39] : memref<2000x128xi32, #tpu.memory_space<vmem>>, vector<2000x64xi32>
    tpu.vector_store %arg4[%swap3A, %swap3A_39], %or3A {strides = array<i32>} : memref<2000x128xi32, #tpu.memory_space<vmem>>, vector<2000x64xi32>,
    %slice3A_41 = vector.extract_strided_slice %dot_general3A_10 {offsets = [0, 128], sizes = [2000, 64], strides = [1, 1]} : vector<2000x512xf32> to vector<2000x64xf32>
    %bitcast_convert_type3A_42 = tpu.bitcast %slice3A_41 : vector<2000x64xf32> -> vector<2000x64xi32>
    %add3A_43 = arith.constant 32767 : i32
    %add3A_44 = vector.broadcast %add3A_43 : i32 to vector<2000x64xi32>
    %add3A_45 = arith.addi %bitcast_convert_type3A_42, %add3A_44 : vector<2000x64xi32>
    %shift_right_arithmetic3A_46 = arith.constant 16 : i32
    %shift_right_arithmetic3A_47 = vector.broadcast %shift_right_arithmetic3A_46 : i32 to vector<2000x64xi32>
    %shift_right_arithmetic3A_48 = arith.shrsi %bitcast_convert_type3A_42, %shift_right_arithmetic3A_47 : vector<2000x64xi32>
    %and3A_49 = arith.constant 1 : i32
    %and3A_50 = vector.broadcast %and3A_49 : i32 to vector<2000x64xi32>
    %and3A_51 = arith.andi %shift_right_arithmetic3A_48, %and3A_50 : vector<2000x64xi32>
    %add3A_52 = arith.addi %add3A_45, %and3A_51 : vector<2000x64xi32>
    %shift_right_arithmetic3A_53 = arith.constant 16 : i32
    %shift_right_arithmetic3A_54 = vector.broadcast %shift_right_arithmetic3A_53 : i32 to vector<2000x64xi32>
    %shift_right_arithmetic3A_55 = arith.shrsi %add3A_52, %shift_right_arithmetic3A_54 : vector<2000x64xi32>
    %and3A_56 = arith.constant 65535 : i32
    %and3A_57 = vector.broadcast %and3A_56 : i32 to vector<2000x64xi32>
    %and3A_58 = arith.andi %shift_right_arithmetic3A_55, %and3A_57 : vector<2000x64xi32>
    %slice3A_59 = vector.extract_strided_slice %dot_general3A_10 {offsets = [0, 192], sizes = [2000, 64], strides = [1, 1]} : vector<2000x512xf32> to vector<2000x64xf32>
    %bitcast_convert_type3A_60 = tpu.bitcast %slice3A_59 : vector<2000x64xf32> -> vector<2000x64xi32>
    %add3A_61 = arith.constant 32767 : i32
    %add3A_62 = vector.broadcast %add3A_61 : i32 to vector<2000x64xi32>
    %add3A_63 = arith.addi %bitcast_convert_type3A_60, %add3A_62 : vector<2000x64xi32>
    %shift_right_arithmetic3A_64 = arith.constant 16 : i32
    %shift_right_arithmetic3A_65 = vector.broadcast %shift_right_arithmetic3A_64 : i32 to vector<2000x64xi32>
    %shift_right_arithmetic3A_66 = arith.shrsi %bitcast_convert_type3A_60, %shift_right_arithmetic3A_65 : vector<2000x64xi32>
    %and3A_67 = arith.constant 1 : i32
    %and3A_68 = vector.broadcast %and3A_67 : i32 to vector<2000x64xi32>
    %and3A_69 = arith.andi %shift_right_arithmetic3A_66, %and3A_68 : vector<2000x64xi32>
    %add3A_70 = arith.addi %add3A_63, %and3A_69 : vector<2000x64xi32>
    %and3A_71 = arith.constant -65536 : i32
    %and3A_72 = vector.broadcast %and3A_71 : i32 to vector<2000x64xi32>
    %and3A_73 = arith.andi %add3A_70, %and3A_72 : vector<2000x64xi32>
    %or3A_74 = arith.ori %and3A_58, %and3A_73 : vector<2000x64xi32>
    %swap3A_75 = arith.constant 0 : index
    %swap3A_76 = arith.constant 64 : index
    %swap3A_77 = vector.load %arg4[%swap3A_75, %swap3A_76] : memref<2000x128xi32, #tpu.memory_space<vmem>>, vector<2000x64xi32>
    tpu.vector_store %arg4[%swap3A_75, %swap3A_76], %or3A_74 {strides = array<i32>} : memref<2000x128xi32, #tpu.memory_space<vmem>>, vector<2000x64xi32>,
    %slice3A_78 = vector.extract_strided_slice %dot_general3A_10 {offsets = [0, 256], sizes = [2000, 64], strides = [1, 1]} : vector<2000x512xf32> to vector<2000x64xf32>
    %bitcast_convert_type3A_79 = tpu.bitcast %slice3A_78 : vector<2000x64xf32> -> vector<2000x64xi32>
    %add3A_80 = arith.constant 32767 : i32
    %add3A_81 = vector.broadcast %add3A_80 : i32 to vector<2000x64xi32>
    %add3A_82 = arith.addi %bitcast_convert_type3A_79, %add3A_81 : vector<2000x64xi32>
    %shift_right_arithmetic3A_83 = arith.constant 16 : i32
    %shift_right_arithmetic3A_84 = vector.broadcast %shift_right_arithmetic3A_83 : i32 to vector<2000x64xi32>
    %shift_right_arithmetic3A_85 = arith.shrsi %bitcast_convert_type3A_79, %shift_right_arithmetic3A_84 : vector<2000x64xi32>
    %and3A_86 = arith.constant 1 : i32
    %and3A_87 = vector.broadcast %and3A_86 : i32 to vector<2000x64xi32>
    %and3A_88 = arith.andi %shift_right_arithmetic3A_85, %and3A_87 : vector<2000x64xi32>
    %add3A_89 = arith.addi %add3A_82, %and3A_88 : vector<2000x64xi32>
    %shift_right_arithmetic3A_90 = arith.constant 16 : i32
    %shift_right_arithmetic3A_91 = vector.broadcast %shift_right_arithmetic3A_90 : i32 to vector<2000x64xi32>
    %shift_right_arithmetic3A_92 = arith.shrsi %add3A_89, %shift_right_arithmetic3A_91 : vector<2000x64xi32>
    %and3A_93 = arith.constant 65535 : i32
    %and3A_94 = vector.broadcast %and3A_93 : i32 to vector<2000x64xi32>
    %and3A_95 = arith.andi %shift_right_arithmetic3A_92, %and3A_94 : vector<2000x64xi32>
    %slice3A_96 = vector.extract_strided_slice %dot_general3A_10 {offsets = [0, 320], sizes = [2000, 64], strides = [1, 1]} : vector<2000x512xf32> to vector<2000x64xf32>
    %bitcast_convert_type3A_97 = tpu.bitcast %slice3A_96 : vector<2000x64xf32> -> vector<2000x64xi32>
    %add3A_98 = arith.constant 32767 : i32
    %add3A_99 = vector.broadcast %add3A_98 : i32 to vector<2000x64xi32>
    %add3A_100 = arith.addi %bitcast_convert_type3A_97, %add3A_99 : vector<2000x64xi32>
    %shift_right_arithmetic3A_101 = arith.constant 16 : i32
    %shift_right_arithmetic3A_102 = vector.broadcast %shift_right_arithmetic3A_101 : i32 to vector<2000x64xi32>
    %shift_right_arithmetic3A_103 = arith.shrsi %bitcast_convert_type3A_97, %shift_right_arithmetic3A_102 : vector<2000x64xi32>
    %and3A_104 = arith.constant 1 : i32
    %and3A_105 = vector.broadcast %and3A_104 : i32 to vector<2000x64xi32>
    %and3A_106 = arith.andi %shift_right_arithmetic3A_103, %and3A_105 : vector<2000x64xi32>
    %add3A_107 = arith.addi %add3A_100, %and3A_106 : vector<2000x64xi32>
    %and3A_108 = arith.constant -65536 : i32
    %and3A_109 = vector.broadcast %and3A_108 : i32 to vector<2000x64xi32>
    %and3A_110 = arith.andi %add3A_107, %and3A_109 : vector<2000x64xi32>
    %or3A_111 = arith.ori %and3A_95, %and3A_110 : vector<2000x64xi32>
    %swap3A_112 = arith.constant 0 : index
    %swap3A_113 = arith.constant 0 : index
    %swap3A_114 = vector.load %arg5[%swap3A_112, %swap3A_113] : memref<2000x128xi32, #tpu.memory_space<vmem>>, vector<2000x64xi32>
    tpu.vector_store %arg5[%swap3A_112, %swap3A_113], %or3A_111 {strides = array<i32>} : memref<2000x128xi32, #tpu.memory_space<vmem>>, vector<2000x64xi32>,
    %slice3A_115 = vector.extract_strided_slice %dot_general3A_10 {offsets = [0, 384], sizes = [2000, 64], strides = [1, 1]} : vector<2000x512xf32> to vector<2000x64xf32>
    %bitcast_convert_type3A_116 = tpu.bitcast %slice3A_115 : vector<2000x64xf32> -> vector<2000x64xi32>
    %add3A_117 = arith.constant 32767 : i32
    %add3A_118 = vector.broadcast %add3A_117 : i32 to vector<2000x64xi32>
    %add3A_119 = arith.addi %bitcast_convert_type3A_116, %add3A_118 : vector<2000x64xi32>
    %shift_right_arithmetic3A_120 = arith.constant 16 : i32
    %shift_right_arithmetic3A_121 = vector.broadcast %shift_right_arithmetic3A_120 : i32 to vector<2000x64xi32>
    %shift_right_arithmetic3A_122 = arith.shrsi %bitcast_convert_type3A_116, %shift_right_arithmetic3A_121 : vector<2000x64xi32>
    %and3A_123 = arith.constant 1 : i32
    %and3A_124 = vector.broadcast %and3A_123 : i32 to vector<2000x64xi32>
    %and3A_125 = arith.andi %shift_right_arithmetic3A_122, %and3A_124 : vector<2000x64xi32>
    %add3A_126 = arith.addi %add3A_119, %and3A_125 : vector<2000x64xi32>
    %shift_right_arithmetic3A_127 = arith.constant 16 : i32
    %shift_right_arithmetic3A_128 = vector.broadcast %shift_right_arithmetic3A_127 : i32 to vector<2000x64xi32>
    %shift_right_arithmetic3A_129 = arith.shrsi %add3A_126, %shift_right_arithmetic3A_128 : vector<2000x64xi32>
    %and3A_130 = arith.constant 65535 : i32
    %and3A_131 = vector.broadcast %and3A_130 : i32 to vector<2000x64xi32>
    %and3A_132 = arith.andi %shift_right_arithmetic3A_129, %and3A_131 : vector<2000x64xi32>
    %slice3A_133 = vector.extract_strided_slice %dot_general3A_10 {offsets = [0, 448], sizes = [2000, 64], strides = [1, 1]} : vector<2000x512xf32> to vector<2000x64xf32>
    %bitcast_convert_type3A_134 = tpu.bitcast %slice3A_133 : vector<2000x64xf32> -> vector<2000x64xi32>
    %add3A_135 = arith.constant 32767 : i32
    %add3A_136 = vector.broadcast %add3A_135 : i32 to vector<2000x64xi32>
    %add3A_137 = arith.addi %bitcast_convert_type3A_134, %add3A_136 : vector<2000x64xi32>
    %shift_right_arithmetic3A_138 = arith.constant 16 : i32
    %shift_right_arithmetic3A_139 = vector.broadcast %shift_right_arithmetic3A_138 : i32 to vector<2000x64xi32>
    %shift_right_arithmetic3A_140 = arith.shrsi %bitcast_convert_type3A_134, %shift_right_arithmetic3A_139 : vector<2000x64xi32>
    %and3A_141 = arith.constant 1 : i32
    %and3A_142 = vector.broadcast %and3A_141 : i32 to vector<2000x64xi32>
    %and3A_143 = arith.andi %shift_right_arithmetic3A_140, %and3A_142 : vector<2000x64xi32>
    %add3A_144 = arith.addi %add3A_137, %and3A_143 : vector<2000x64xi32>
    %and3A_145 = arith.constant -65536 : i32
    %and3A_146 = vector.broadcast %and3A_145 : i32 to vector<2000x64xi32>
    %and3A_147 = arith.andi %add3A_144, %and3A_146 : vector<2000x64xi32>
    %or3A_148 = arith.ori %and3A_132, %and3A_147 : vector<2000x64xi32>
    %swap3A_149 = arith.constant 0 : index
    %swap3A_150 = arith.constant 64 : index
    %swap3A_151 = vector.load %arg5[%swap3A_149, %swap3A_150] : memref<2000x128xi32, #tpu.memory_space<vmem>>, vector<2000x64xi32>
    tpu.vector_store %arg5[%swap3A_149, %swap3A_150], %or3A_148 {strides = array<i32>} : memref<2000x128xi32, #tpu.memory_space<vmem>>, vector<2000x64xi32>,
    %add3A_152 = arith.addf %dot_general3A_5, %dot_general3A_10 : vector<2000x512xf32>
    %swap3A_153 = arith.constant 0 : index
    %swap3A_154 = arith.constant 0 : index
    %swap3A_155 = vector.load %arg6[%swap3A_153, %swap3A_154] : memref<2000x512xf32, #tpu.memory_space<vmem>>, vector<2000x512xf32>
    tpu.vector_store %arg6[%swap3A_153, %swap3A_154], %add3A_152 {strides = array<i32>} : memref<2000x512xf32, #tpu.memory_space<vmem>>, vector<2000x512xf32>,
    return
  }
  func.func @transform_0(%arg0: i32) -> (i32, i32) {
    %c0_i32 = arith.constant 0 : i32
    %c0_i32_0 = arith.constant 0 : i32
    return %arg0, %c0_i32 : i32, i32
  }
  func.func @transform_1(%arg0: i32) -> (i32, i32) {
    %c0_i32 = arith.constant 0 : i32
    %c0_i32_0 = arith.constant 0 : i32
    %c0_i32_1 = arith.constant 0 : i32
    return %c0_i32, %c0_i32_0 : i32, i32
  }
  func.func @transform_2(%arg0: i32) -> (i32, i32) {
    %c0_i32 = arith.constant 0 : i32
    %c0_i32_0 = arith.constant 0 : i32
    %c0_i32_1 = arith.constant 0 : i32
    return %c0_i32, %c0_i32_0 : i32, i32
  }
  func.func @transform_3(%arg0: i32) -> (i32, i32) {
    %c0_i32 = arith.constant 0 : i32
    %c0_i32_0 = arith.constant 0 : i32
    return %arg0, %c0_i32 : i32, i32
  }
  func.func @transform_4(%arg0: i32) -> (i32, i32) {
    %c0_i32 = arith.constant 0 : i32
    %c0_i32_0 = arith.constant 0 : i32
    return %arg0, %c0_i32 : i32, i32
  }
  func.func @transform_5(%arg0: i32) -> (i32, i32) {
    %c0_i32 = arith.constant 0 : i32
    %c0_i32_0 = arith.constant 0 : i32
    return %arg0, %c0_i32 : i32, i32
  }
}

module attributes {stable_mosaic.version = 14 : i64} {
  func.func @_edge_body(%arg0: i32, %arg1: memref<200x512xf32, #tpu.memory_space<vmem>>, %arg2: memref<8x200x128xi32, #tpu.memory_space<vmem>>, %arg3: memref<8x200x128xi32, #tpu.memory_space<vmem>>, %arg4: memref<1x4x200x16xf32, #tpu.memory_space<vmem>>, %arg5: memref<1x128xf32, #tpu.memory_space<vmem>>, %arg6: memref<200x128xf32, #tpu.memory_space<vmem>>) attributes {dimension_semantics = [#tpu.dimension_semantics<arbitrary>], iteration_bounds = array<i64: 50>, scalar_prefetch = 0 : i64, scratch_operands = 0 : i64, tpu.core_type = #tpu.core_type<tc>, window_params = [{transform_indices = @transform_0, window_bounds = array<i64: 200, 512>}, {transform_indices = @transform_1, window_bounds = array<i64: 8, 200, 128>}, {transform_indices = @transform_2, window_bounds = array<i64: 8, 200, 128>}, {transform_indices = @transform_3, window_bounds = array<i64: 1, 4, 200, 16>}, {pipeline_mode = #tpu.pipeline_mode<synchronous>, transform_indices = @transform_4, window_bounds = array<i64: 1, 128>}, {transform_indices = @transform_5, window_bounds = array<i64: 200, 128>}]} {
    %get3A = arith.constant 0 : index
    %get3A_0 = arith.constant 0 : index
    %get3A_1 = vector.load %arg1[%get3A, %get3A_0] : memref<200x512xf32, #tpu.memory_space<vmem>>, vector<200x512xf32>
    %get3A_2 = arith.constant 0 : index
    %get3A_3 = arith.constant 0 : index
    %get3A_4 = arith.constant 0 : index
    %get3A_5 = arith.constant 0 : index
    %get3A_6 = vector.load %arg4[%get3A_2, %get3A_3, %get3A_4, %get3A_5] : memref<1x4x200x16xf32, #tpu.memory_space<vmem>>, vector<1x4x200x16xf32>
    %get3A_7 = vector.shape_cast %get3A_6 : vector<1x4x200x16xf32> to vector<4x200x16xf32>
    %get3A_8 = arith.constant 0 : index
    %get3A_9 = arith.constant 0 : index
    %get3A_10 = arith.constant 0 : index
    %get3A_11 = vector.load %arg2[%get3A_8, %get3A_9, %get3A_10] : memref<8x200x128xi32, #tpu.memory_space<vmem>>, vector<1x200x128xi32>
    %get3A_12 = vector.shape_cast %get3A_11 : vector<1x200x128xi32> to vector<200x128xi32>
    %get3A_13 = arith.constant 0 : index
    %get3A_14 = arith.constant 0 : index
    %get3A_15 = arith.constant 0 : index
    %get3A_16 = vector.load %arg3[%get3A_13, %get3A_14, %get3A_15] : memref<8x200x128xi32, #tpu.memory_space<vmem>>, vector<1x200x128xi32>
    %get3A_17 = vector.shape_cast %get3A_16 : vector<1x200x128xi32> to vector<200x128xi32>
    %broadcast_in_dim3A = arith.constant 0.000000e+00 : f32
    %broadcast_in_dim3A_18 = vector.broadcast %broadcast_in_dim3A : f32 to vector<200x64xf32>
    %broadcast_in_dim3A_19 = arith.constant 0.000000e+00 : f32
    %broadcast_in_dim3A_20 = vector.broadcast %broadcast_in_dim3A_19 : f32 to vector<200x64xf32>
    %slice3A = vector.extract_strided_slice %get3A_7 {offsets = [0, 0, 8], sizes = [1, 200, 1], strides = [1, 1, 1]} : vector<4x200x16xf32> to vector<1x200x1xf32>
    %squeeze3A = vector.shape_cast %slice3A : vector<1x200x1xf32> to vector<200x1xf32>
    %slice3A_21 = vector.extract_strided_slice %get3A_12 {offsets = [0, 0], sizes = [200, 64], strides = [1, 1]} : vector<200x128xi32> to vector<200x64xi32>
    %shift_left3A = arith.constant 16 : i32
    %shift_left3A_22 = vector.broadcast %shift_left3A : i32 to vector<200x64xi32>
    %shift_left3A_23 = arith.shli %slice3A_21, %shift_left3A_22 : vector<200x64xi32>
    %bitcast_convert_type3A = tpu.bitcast %shift_left3A_23 : vector<200x64xi32> -> vector<200x64xf32>
    %and3A = arith.constant -65536 : i32
    %and3A_24 = vector.broadcast %and3A : i32 to vector<200x64xi32>
    %and3A_25 = arith.andi %slice3A_21, %and3A_24 : vector<200x64xi32>
    %bitcast_convert_type3A_26 = tpu.bitcast %and3A_25 : vector<200x64xi32> -> vector<200x64xf32>
    %slice3A_27 = vector.extract_strided_slice %get3A_1 {offsets = [0, 0], sizes = [200, 64], strides = [1, 1]} : vector<200x512xf32> to vector<200x64xf32>
    %sub3A = arith.subf %slice3A_27, %bitcast_convert_type3A : vector<200x64xf32>
    %mul3A = vector.broadcast %squeeze3A : vector<200x1xf32> to vector<200x64xf32>
    %mul3A_28 = arith.mulf %mul3A, %sub3A : vector<200x64xf32>
    %add3A = arith.addf %broadcast_in_dim3A_18, %mul3A_28 : vector<200x64xf32>
    %slice3A_29 = vector.extract_strided_slice %get3A_1 {offsets = [0, 64], sizes = [200, 64], strides = [1, 1]} : vector<200x512xf32> to vector<200x64xf32>
    %sub3A_30 = arith.subf %slice3A_29, %bitcast_convert_type3A_26 : vector<200x64xf32>
    %mul3A_31 = vector.broadcast %squeeze3A : vector<200x1xf32> to vector<200x64xf32>
    %mul3A_32 = arith.mulf %mul3A_31, %sub3A_30 : vector<200x64xf32>
    %add3A_33 = arith.addf %broadcast_in_dim3A_20, %mul3A_32 : vector<200x64xf32>
    %slice3A_34 = vector.extract_strided_slice %get3A_7 {offsets = [1, 0, 8], sizes = [1, 200, 1], strides = [1, 1, 1]} : vector<4x200x16xf32> to vector<1x200x1xf32>
    %squeeze3A_35 = vector.shape_cast %slice3A_34 : vector<1x200x1xf32> to vector<200x1xf32>
    %slice3A_36 = vector.extract_strided_slice %get3A_12 {offsets = [0, 64], sizes = [200, 64], strides = [1, 1]} : vector<200x128xi32> to vector<200x64xi32>
    %shift_left3A_37 = arith.constant 16 : i32
    %shift_left3A_38 = vector.broadcast %shift_left3A_37 : i32 to vector<200x64xi32>
    %shift_left3A_39 = arith.shli %slice3A_36, %shift_left3A_38 : vector<200x64xi32>
    %bitcast_convert_type3A_40 = tpu.bitcast %shift_left3A_39 : vector<200x64xi32> -> vector<200x64xf32>
    %and3A_41 = arith.constant -65536 : i32
    %and3A_42 = vector.broadcast %and3A_41 : i32 to vector<200x64xi32>
    %and3A_43 = arith.andi %slice3A_36, %and3A_42 : vector<200x64xi32>
    %bitcast_convert_type3A_44 = tpu.bitcast %and3A_43 : vector<200x64xi32> -> vector<200x64xf32>
    %slice3A_45 = vector.extract_strided_slice %get3A_1 {offsets = [0, 128], sizes = [200, 64], strides = [1, 1]} : vector<200x512xf32> to vector<200x64xf32>
    %sub3A_46 = arith.subf %slice3A_45, %bitcast_convert_type3A_40 : vector<200x64xf32>
    %mul3A_47 = vector.broadcast %squeeze3A_35 : vector<200x1xf32> to vector<200x64xf32>
    %mul3A_48 = arith.mulf %mul3A_47, %sub3A_46 : vector<200x64xf32>
    %add3A_49 = arith.addf %add3A, %mul3A_48 : vector<200x64xf32>
    %slice3A_50 = vector.extract_strided_slice %get3A_1 {offsets = [0, 192], sizes = [200, 64], strides = [1, 1]} : vector<200x512xf32> to vector<200x64xf32>
    %sub3A_51 = arith.subf %slice3A_50, %bitcast_convert_type3A_44 : vector<200x64xf32>
    %mul3A_52 = vector.broadcast %squeeze3A_35 : vector<200x1xf32> to vector<200x64xf32>
    %mul3A_53 = arith.mulf %mul3A_52, %sub3A_51 : vector<200x64xf32>
    %add3A_54 = arith.addf %add3A_33, %mul3A_53 : vector<200x64xf32>
    %slice3A_55 = vector.extract_strided_slice %get3A_7 {offsets = [2, 0, 8], sizes = [1, 200, 1], strides = [1, 1, 1]} : vector<4x200x16xf32> to vector<1x200x1xf32>
    %squeeze3A_56 = vector.shape_cast %slice3A_55 : vector<1x200x1xf32> to vector<200x1xf32>
    %slice3A_57 = vector.extract_strided_slice %get3A_17 {offsets = [0, 0], sizes = [200, 64], strides = [1, 1]} : vector<200x128xi32> to vector<200x64xi32>
    %shift_left3A_58 = arith.constant 16 : i32
    %shift_left3A_59 = vector.broadcast %shift_left3A_58 : i32 to vector<200x64xi32>
    %shift_left3A_60 = arith.shli %slice3A_57, %shift_left3A_59 : vector<200x64xi32>
    %bitcast_convert_type3A_61 = tpu.bitcast %shift_left3A_60 : vector<200x64xi32> -> vector<200x64xf32>
    %and3A_62 = arith.constant -65536 : i32
    %and3A_63 = vector.broadcast %and3A_62 : i32 to vector<200x64xi32>
    %and3A_64 = arith.andi %slice3A_57, %and3A_63 : vector<200x64xi32>
    %bitcast_convert_type3A_65 = tpu.bitcast %and3A_64 : vector<200x64xi32> -> vector<200x64xf32>
    %slice3A_66 = vector.extract_strided_slice %get3A_1 {offsets = [0, 256], sizes = [200, 64], strides = [1, 1]} : vector<200x512xf32> to vector<200x64xf32>
    %sub3A_67 = arith.subf %slice3A_66, %bitcast_convert_type3A_61 : vector<200x64xf32>
    %mul3A_68 = vector.broadcast %squeeze3A_56 : vector<200x1xf32> to vector<200x64xf32>
    %mul3A_69 = arith.mulf %mul3A_68, %sub3A_67 : vector<200x64xf32>
    %add3A_70 = arith.addf %add3A_49, %mul3A_69 : vector<200x64xf32>
    %slice3A_71 = vector.extract_strided_slice %get3A_1 {offsets = [0, 320], sizes = [200, 64], strides = [1, 1]} : vector<200x512xf32> to vector<200x64xf32>
    %sub3A_72 = arith.subf %slice3A_71, %bitcast_convert_type3A_65 : vector<200x64xf32>
    %mul3A_73 = vector.broadcast %squeeze3A_56 : vector<200x1xf32> to vector<200x64xf32>
    %mul3A_74 = arith.mulf %mul3A_73, %sub3A_72 : vector<200x64xf32>
    %add3A_75 = arith.addf %add3A_54, %mul3A_74 : vector<200x64xf32>
    %slice3A_76 = vector.extract_strided_slice %get3A_7 {offsets = [3, 0, 8], sizes = [1, 200, 1], strides = [1, 1, 1]} : vector<4x200x16xf32> to vector<1x200x1xf32>
    %squeeze3A_77 = vector.shape_cast %slice3A_76 : vector<1x200x1xf32> to vector<200x1xf32>
    %slice3A_78 = vector.extract_strided_slice %get3A_17 {offsets = [0, 64], sizes = [200, 64], strides = [1, 1]} : vector<200x128xi32> to vector<200x64xi32>
    %shift_left3A_79 = arith.constant 16 : i32
    %shift_left3A_80 = vector.broadcast %shift_left3A_79 : i32 to vector<200x64xi32>
    %shift_left3A_81 = arith.shli %slice3A_78, %shift_left3A_80 : vector<200x64xi32>
    %bitcast_convert_type3A_82 = tpu.bitcast %shift_left3A_81 : vector<200x64xi32> -> vector<200x64xf32>
    %and3A_83 = arith.constant -65536 : i32
    %and3A_84 = vector.broadcast %and3A_83 : i32 to vector<200x64xi32>
    %and3A_85 = arith.andi %slice3A_78, %and3A_84 : vector<200x64xi32>
    %bitcast_convert_type3A_86 = tpu.bitcast %and3A_85 : vector<200x64xi32> -> vector<200x64xf32>
    %slice3A_87 = vector.extract_strided_slice %get3A_1 {offsets = [0, 384], sizes = [200, 64], strides = [1, 1]} : vector<200x512xf32> to vector<200x64xf32>
    %sub3A_88 = arith.subf %slice3A_87, %bitcast_convert_type3A_82 : vector<200x64xf32>
    %mul3A_89 = vector.broadcast %squeeze3A_77 : vector<200x1xf32> to vector<200x64xf32>
    %mul3A_90 = arith.mulf %mul3A_89, %sub3A_88 : vector<200x64xf32>
    %add3A_91 = arith.addf %add3A_70, %mul3A_90 : vector<200x64xf32>
    %slice3A_92 = vector.extract_strided_slice %get3A_1 {offsets = [0, 448], sizes = [200, 64], strides = [1, 1]} : vector<200x512xf32> to vector<200x64xf32>
    %sub3A_93 = arith.subf %slice3A_92, %bitcast_convert_type3A_86 : vector<200x64xf32>
    %mul3A_94 = vector.broadcast %squeeze3A_77 : vector<200x1xf32> to vector<200x64xf32>
    %mul3A_95 = arith.mulf %mul3A_94, %sub3A_93 : vector<200x64xf32>
    %add3A_96 = arith.addf %add3A_75, %mul3A_95 : vector<200x64xf32>
    %get3A_97 = arith.constant 1 : index
    %get3A_98 = arith.constant 0 : index
    %get3A_99 = arith.constant 0 : index
    %get3A_100 = vector.load %arg2[%get3A_97, %get3A_98, %get3A_99] : memref<8x200x128xi32, #tpu.memory_space<vmem>>, vector<1x200x128xi32>
    %get3A_101 = vector.shape_cast %get3A_100 : vector<1x200x128xi32> to vector<200x128xi32>
    %get3A_102 = arith.constant 1 : index
    %get3A_103 = arith.constant 0 : index
    %get3A_104 = arith.constant 0 : index
    %get3A_105 = vector.load %arg3[%get3A_102, %get3A_103, %get3A_104] : memref<8x200x128xi32, #tpu.memory_space<vmem>>, vector<1x200x128xi32>
    %get3A_106 = vector.shape_cast %get3A_105 : vector<1x200x128xi32> to vector<200x128xi32>
    %broadcast_in_dim3A_107 = arith.constant 0.000000e+00 : f32
    %broadcast_in_dim3A_108 = vector.broadcast %broadcast_in_dim3A_107 : f32 to vector<200x64xf32>
    %broadcast_in_dim3A_109 = arith.constant 0.000000e+00 : f32
    %broadcast_in_dim3A_110 = vector.broadcast %broadcast_in_dim3A_109 : f32 to vector<200x64xf32>
    %slice3A_111 = vector.extract_strided_slice %get3A_7 {offsets = [0, 0, 9], sizes = [1, 200, 1], strides = [1, 1, 1]} : vector<4x200x16xf32> to vector<1x200x1xf32>
    %squeeze3A_112 = vector.shape_cast %slice3A_111 : vector<1x200x1xf32> to vector<200x1xf32>
    %slice3A_113 = vector.extract_strided_slice %get3A_101 {offsets = [0, 0], sizes = [200, 64], strides = [1, 1]} : vector<200x128xi32> to vector<200x64xi32>
    %shift_left3A_114 = arith.constant 16 : i32
    %shift_left3A_115 = vector.broadcast %shift_left3A_114 : i32 to vector<200x64xi32>
    %shift_left3A_116 = arith.shli %slice3A_113, %shift_left3A_115 : vector<200x64xi32>
    %bitcast_convert_type3A_117 = tpu.bitcast %shift_left3A_116 : vector<200x64xi32> -> vector<200x64xf32>
    %and3A_118 = arith.constant -65536 : i32
    %and3A_119 = vector.broadcast %and3A_118 : i32 to vector<200x64xi32>
    %and3A_120 = arith.andi %slice3A_113, %and3A_119 : vector<200x64xi32>
    %bitcast_convert_type3A_121 = tpu.bitcast %and3A_120 : vector<200x64xi32> -> vector<200x64xf32>
    %slice3A_122 = vector.extract_strided_slice %get3A_1 {offsets = [0, 0], sizes = [200, 64], strides = [1, 1]} : vector<200x512xf32> to vector<200x64xf32>
    %sub3A_123 = arith.subf %slice3A_122, %bitcast_convert_type3A_117 : vector<200x64xf32>
    %mul3A_124 = vector.broadcast %squeeze3A_112 : vector<200x1xf32> to vector<200x64xf32>
    %mul3A_125 = arith.mulf %mul3A_124, %sub3A_123 : vector<200x64xf32>
    %add3A_126 = arith.addf %broadcast_in_dim3A_108, %mul3A_125 : vector<200x64xf32>
    %slice3A_127 = vector.extract_strided_slice %get3A_1 {offsets = [0, 64], sizes = [200, 64], strides = [1, 1]} : vector<200x512xf32> to vector<200x64xf32>
    %sub3A_128 = arith.subf %slice3A_127, %bitcast_convert_type3A_121 : vector<200x64xf32>
    %mul3A_129 = vector.broadcast %squeeze3A_112 : vector<200x1xf32> to vector<200x64xf32>
    %mul3A_130 = arith.mulf %mul3A_129, %sub3A_128 : vector<200x64xf32>
    %add3A_131 = arith.addf %broadcast_in_dim3A_110, %mul3A_130 : vector<200x64xf32>
    %slice3A_132 = vector.extract_strided_slice %get3A_7 {offsets = [1, 0, 9], sizes = [1, 200, 1], strides = [1, 1, 1]} : vector<4x200x16xf32> to vector<1x200x1xf32>
    %squeeze3A_133 = vector.shape_cast %slice3A_132 : vector<1x200x1xf32> to vector<200x1xf32>
    %slice3A_134 = vector.extract_strided_slice %get3A_101 {offsets = [0, 64], sizes = [200, 64], strides = [1, 1]} : vector<200x128xi32> to vector<200x64xi32>
    %shift_left3A_135 = arith.constant 16 : i32
    %shift_left3A_136 = vector.broadcast %shift_left3A_135 : i32 to vector<200x64xi32>
    %shift_left3A_137 = arith.shli %slice3A_134, %shift_left3A_136 : vector<200x64xi32>
    %bitcast_convert_type3A_138 = tpu.bitcast %shift_left3A_137 : vector<200x64xi32> -> vector<200x64xf32>
    %and3A_139 = arith.constant -65536 : i32
    %and3A_140 = vector.broadcast %and3A_139 : i32 to vector<200x64xi32>
    %and3A_141 = arith.andi %slice3A_134, %and3A_140 : vector<200x64xi32>
    %bitcast_convert_type3A_142 = tpu.bitcast %and3A_141 : vector<200x64xi32> -> vector<200x64xf32>
    %slice3A_143 = vector.extract_strided_slice %get3A_1 {offsets = [0, 128], sizes = [200, 64], strides = [1, 1]} : vector<200x512xf32> to vector<200x64xf32>
    %sub3A_144 = arith.subf %slice3A_143, %bitcast_convert_type3A_138 : vector<200x64xf32>
    %mul3A_145 = vector.broadcast %squeeze3A_133 : vector<200x1xf32> to vector<200x64xf32>
    %mul3A_146 = arith.mulf %mul3A_145, %sub3A_144 : vector<200x64xf32>
    %add3A_147 = arith.addf %add3A_126, %mul3A_146 : vector<200x64xf32>
    %slice3A_148 = vector.extract_strided_slice %get3A_1 {offsets = [0, 192], sizes = [200, 64], strides = [1, 1]} : vector<200x512xf32> to vector<200x64xf32>
    %sub3A_149 = arith.subf %slice3A_148, %bitcast_convert_type3A_142 : vector<200x64xf32>
    %mul3A_150 = vector.broadcast %squeeze3A_133 : vector<200x1xf32> to vector<200x64xf32>
    %mul3A_151 = arith.mulf %mul3A_150, %sub3A_149 : vector<200x64xf32>
    %add3A_152 = arith.addf %add3A_131, %mul3A_151 : vector<200x64xf32>
    %slice3A_153 = vector.extract_strided_slice %get3A_7 {offsets = [2, 0, 9], sizes = [1, 200, 1], strides = [1, 1, 1]} : vector<4x200x16xf32> to vector<1x200x1xf32>
    %squeeze3A_154 = vector.shape_cast %slice3A_153 : vector<1x200x1xf32> to vector<200x1xf32>
    %slice3A_155 = vector.extract_strided_slice %get3A_106 {offsets = [0, 0], sizes = [200, 64], strides = [1, 1]} : vector<200x128xi32> to vector<200x64xi32>
    %shift_left3A_156 = arith.constant 16 : i32
    %shift_left3A_157 = vector.broadcast %shift_left3A_156 : i32 to vector<200x64xi32>
    %shift_left3A_158 = arith.shli %slice3A_155, %shift_left3A_157 : vector<200x64xi32>
    %bitcast_convert_type3A_159 = tpu.bitcast %shift_left3A_158 : vector<200x64xi32> -> vector<200x64xf32>
    %and3A_160 = arith.constant -65536 : i32
    %and3A_161 = vector.broadcast %and3A_160 : i32 to vector<200x64xi32>
    %and3A_162 = arith.andi %slice3A_155, %and3A_161 : vector<200x64xi32>
    %bitcast_convert_type3A_163 = tpu.bitcast %and3A_162 : vector<200x64xi32> -> vector<200x64xf32>
    %slice3A_164 = vector.extract_strided_slice %get3A_1 {offsets = [0, 256], sizes = [200, 64], strides = [1, 1]} : vector<200x512xf32> to vector<200x64xf32>
    %sub3A_165 = arith.subf %slice3A_164, %bitcast_convert_type3A_159 : vector<200x64xf32>
    %mul3A_166 = vector.broadcast %squeeze3A_154 : vector<200x1xf32> to vector<200x64xf32>
    %mul3A_167 = arith.mulf %mul3A_166, %sub3A_165 : vector<200x64xf32>
    %add3A_168 = arith.addf %add3A_147, %mul3A_167 : vector<200x64xf32>
    %slice3A_169 = vector.extract_strided_slice %get3A_1 {offsets = [0, 320], sizes = [200, 64], strides = [1, 1]} : vector<200x512xf32> to vector<200x64xf32>
    %sub3A_170 = arith.subf %slice3A_169, %bitcast_convert_type3A_163 : vector<200x64xf32>
    %mul3A_171 = vector.broadcast %squeeze3A_154 : vector<200x1xf32> to vector<200x64xf32>
    %mul3A_172 = arith.mulf %mul3A_171, %sub3A_170 : vector<200x64xf32>
    %add3A_173 = arith.addf %add3A_152, %mul3A_172 : vector<200x64xf32>
    %slice3A_174 = vector.extract_strided_slice %get3A_7 {offsets = [3, 0, 9], sizes = [1, 200, 1], strides = [1, 1, 1]} : vector<4x200x16xf32> to vector<1x200x1xf32>
    %squeeze3A_175 = vector.shape_cast %slice3A_174 : vector<1x200x1xf32> to vector<200x1xf32>
    %slice3A_176 = vector.extract_strided_slice %get3A_106 {offsets = [0, 64], sizes = [200, 64], strides = [1, 1]} : vector<200x128xi32> to vector<200x64xi32>
    %shift_left3A_177 = arith.constant 16 : i32
    %shift_left3A_178 = vector.broadcast %shift_left3A_177 : i32 to vector<200x64xi32>
    %shift_left3A_179 = arith.shli %slice3A_176, %shift_left3A_178 : vector<200x64xi32>
    %bitcast_convert_type3A_180 = tpu.bitcast %shift_left3A_179 : vector<200x64xi32> -> vector<200x64xf32>
    %and3A_181 = arith.constant -65536 : i32
    %and3A_182 = vector.broadcast %and3A_181 : i32 to vector<200x64xi32>
    %and3A_183 = arith.andi %slice3A_176, %and3A_182 : vector<200x64xi32>
    %bitcast_convert_type3A_184 = tpu.bitcast %and3A_183 : vector<200x64xi32> -> vector<200x64xf32>
    %slice3A_185 = vector.extract_strided_slice %get3A_1 {offsets = [0, 384], sizes = [200, 64], strides = [1, 1]} : vector<200x512xf32> to vector<200x64xf32>
    %sub3A_186 = arith.subf %slice3A_185, %bitcast_convert_type3A_180 : vector<200x64xf32>
    %mul3A_187 = vector.broadcast %squeeze3A_175 : vector<200x1xf32> to vector<200x64xf32>
    %mul3A_188 = arith.mulf %mul3A_187, %sub3A_186 : vector<200x64xf32>
    %add3A_189 = arith.addf %add3A_168, %mul3A_188 : vector<200x64xf32>
    %slice3A_190 = vector.extract_strided_slice %get3A_1 {offsets = [0, 448], sizes = [200, 64], strides = [1, 1]} : vector<200x512xf32> to vector<200x64xf32>
    %sub3A_191 = arith.subf %slice3A_190, %bitcast_convert_type3A_184 : vector<200x64xf32>
    %mul3A_192 = vector.broadcast %squeeze3A_175 : vector<200x1xf32> to vector<200x64xf32>
    %mul3A_193 = arith.mulf %mul3A_192, %sub3A_191 : vector<200x64xf32>
    %add3A_194 = arith.addf %add3A_173, %mul3A_193 : vector<200x64xf32>
    %max3A = arith.maximumf %add3A_91, %add3A_189 : vector<200x64xf32>
    %max3A_195 = arith.maximumf %add3A_96, %add3A_194 : vector<200x64xf32>
    %get3A_196 = arith.constant 2 : index
    %get3A_197 = arith.constant 0 : index
    %get3A_198 = arith.constant 0 : index
    %get3A_199 = vector.load %arg2[%get3A_196, %get3A_197, %get3A_198] : memref<8x200x128xi32, #tpu.memory_space<vmem>>, vector<1x200x128xi32>
    %get3A_200 = vector.shape_cast %get3A_199 : vector<1x200x128xi32> to vector<200x128xi32>
    %get3A_201 = arith.constant 2 : index
    %get3A_202 = arith.constant 0 : index
    %get3A_203 = arith.constant 0 : index
    %get3A_204 = vector.load %arg3[%get3A_201, %get3A_202, %get3A_203] : memref<8x200x128xi32, #tpu.memory_space<vmem>>, vector<1x200x128xi32>
    %get3A_205 = vector.shape_cast %get3A_204 : vector<1x200x128xi32> to vector<200x128xi32>
    %broadcast_in_dim3A_206 = arith.constant 0.000000e+00 : f32
    %broadcast_in_dim3A_207 = vector.broadcast %broadcast_in_dim3A_206 : f32 to vector<200x64xf32>
    %broadcast_in_dim3A_208 = arith.constant 0.000000e+00 : f32
    %broadcast_in_dim3A_209 = vector.broadcast %broadcast_in_dim3A_208 : f32 to vector<200x64xf32>
    %slice3A_210 = vector.extract_strided_slice %get3A_7 {offsets = [0, 0, 10], sizes = [1, 200, 1], strides = [1, 1, 1]} : vector<4x200x16xf32> to vector<1x200x1xf32>
    %squeeze3A_211 = vector.shape_cast %slice3A_210 : vector<1x200x1xf32> to vector<200x1xf32>
    %slice3A_212 = vector.extract_strided_slice %get3A_200 {offsets = [0, 0], sizes = [200, 64], strides = [1, 1]} : vector<200x128xi32> to vector<200x64xi32>
    %shift_left3A_213 = arith.constant 16 : i32
    %shift_left3A_214 = vector.broadcast %shift_left3A_213 : i32 to vector<200x64xi32>
    %shift_left3A_215 = arith.shli %slice3A_212, %shift_left3A_214 : vector<200x64xi32>
    %bitcast_convert_type3A_216 = tpu.bitcast %shift_left3A_215 : vector<200x64xi32> -> vector<200x64xf32>
    %and3A_217 = arith.constant -65536 : i32
    %and3A_218 = vector.broadcast %and3A_217 : i32 to vector<200x64xi32>
    %and3A_219 = arith.andi %slice3A_212, %and3A_218 : vector<200x64xi32>
    %bitcast_convert_type3A_220 = tpu.bitcast %and3A_219 : vector<200x64xi32> -> vector<200x64xf32>
    %slice3A_221 = vector.extract_strided_slice %get3A_1 {offsets = [0, 0], sizes = [200, 64], strides = [1, 1]} : vector<200x512xf32> to vector<200x64xf32>
    %sub3A_222 = arith.subf %slice3A_221, %bitcast_convert_type3A_216 : vector<200x64xf32>
    %mul3A_223 = vector.broadcast %squeeze3A_211 : vector<200x1xf32> to vector<200x64xf32>
    %mul3A_224 = arith.mulf %mul3A_223, %sub3A_222 : vector<200x64xf32>
    %add3A_225 = arith.addf %broadcast_in_dim3A_207, %mul3A_224 : vector<200x64xf32>
    %slice3A_226 = vector.extract_strided_slice %get3A_1 {offsets = [0, 64], sizes = [200, 64], strides = [1, 1]} : vector<200x512xf32> to vector<200x64xf32>
    %sub3A_227 = arith.subf %slice3A_226, %bitcast_convert_type3A_220 : vector<200x64xf32>
    %mul3A_228 = vector.broadcast %squeeze3A_211 : vector<200x1xf32> to vector<200x64xf32>
    %mul3A_229 = arith.mulf %mul3A_228, %sub3A_227 : vector<200x64xf32>
    %add3A_230 = arith.addf %broadcast_in_dim3A_209, %mul3A_229 : vector<200x64xf32>
    %slice3A_231 = vector.extract_strided_slice %get3A_7 {offsets = [1, 0, 10], sizes = [1, 200, 1], strides = [1, 1, 1]} : vector<4x200x16xf32> to vector<1x200x1xf32>
    %squeeze3A_232 = vector.shape_cast %slice3A_231 : vector<1x200x1xf32> to vector<200x1xf32>
    %slice3A_233 = vector.extract_strided_slice %get3A_200 {offsets = [0, 64], sizes = [200, 64], strides = [1, 1]} : vector<200x128xi32> to vector<200x64xi32>
    %shift_left3A_234 = arith.constant 16 : i32
    %shift_left3A_235 = vector.broadcast %shift_left3A_234 : i32 to vector<200x64xi32>
    %shift_left3A_236 = arith.shli %slice3A_233, %shift_left3A_235 : vector<200x64xi32>
    %bitcast_convert_type3A_237 = tpu.bitcast %shift_left3A_236 : vector<200x64xi32> -> vector<200x64xf32>
    %and3A_238 = arith.constant -65536 : i32
    %and3A_239 = vector.broadcast %and3A_238 : i32 to vector<200x64xi32>
    %and3A_240 = arith.andi %slice3A_233, %and3A_239 : vector<200x64xi32>
    %bitcast_convert_type3A_241 = tpu.bitcast %and3A_240 : vector<200x64xi32> -> vector<200x64xf32>
    %slice3A_242 = vector.extract_strided_slice %get3A_1 {offsets = [0, 128], sizes = [200, 64], strides = [1, 1]} : vector<200x512xf32> to vector<200x64xf32>
    %sub3A_243 = arith.subf %slice3A_242, %bitcast_convert_type3A_237 : vector<200x64xf32>
    %mul3A_244 = vector.broadcast %squeeze3A_232 : vector<200x1xf32> to vector<200x64xf32>
    %mul3A_245 = arith.mulf %mul3A_244, %sub3A_243 : vector<200x64xf32>
    %add3A_246 = arith.addf %add3A_225, %mul3A_245 : vector<200x64xf32>
    %slice3A_247 = vector.extract_strided_slice %get3A_1 {offsets = [0, 192], sizes = [200, 64], strides = [1, 1]} : vector<200x512xf32> to vector<200x64xf32>
    %sub3A_248 = arith.subf %slice3A_247, %bitcast_convert_type3A_241 : vector<200x64xf32>
    %mul3A_249 = vector.broadcast %squeeze3A_232 : vector<200x1xf32> to vector<200x64xf32>
    %mul3A_250 = arith.mulf %mul3A_249, %sub3A_248 : vector<200x64xf32>
    %add3A_251 = arith.addf %add3A_230, %mul3A_250 : vector<200x64xf32>
    %slice3A_252 = vector.extract_strided_slice %get3A_7 {offsets = [2, 0, 10], sizes = [1, 200, 1], strides = [1, 1, 1]} : vector<4x200x16xf32> to vector<1x200x1xf32>
    %squeeze3A_253 = vector.shape_cast %slice3A_252 : vector<1x200x1xf32> to vector<200x1xf32>
    %slice3A_254 = vector.extract_strided_slice %get3A_205 {offsets = [0, 0], sizes = [200, 64], strides = [1, 1]} : vector<200x128xi32> to vector<200x64xi32>
    %shift_left3A_255 = arith.constant 16 : i32
    %shift_left3A_256 = vector.broadcast %shift_left3A_255 : i32 to vector<200x64xi32>
    %shift_left3A_257 = arith.shli %slice3A_254, %shift_left3A_256 : vector<200x64xi32>
    %bitcast_convert_type3A_258 = tpu.bitcast %shift_left3A_257 : vector<200x64xi32> -> vector<200x64xf32>
    %and3A_259 = arith.constant -65536 : i32
    %and3A_260 = vector.broadcast %and3A_259 : i32 to vector<200x64xi32>
    %and3A_261 = arith.andi %slice3A_254, %and3A_260 : vector<200x64xi32>
    %bitcast_convert_type3A_262 = tpu.bitcast %and3A_261 : vector<200x64xi32> -> vector<200x64xf32>
    %slice3A_263 = vector.extract_strided_slice %get3A_1 {offsets = [0, 256], sizes = [200, 64], strides = [1, 1]} : vector<200x512xf32> to vector<200x64xf32>
    %sub3A_264 = arith.subf %slice3A_263, %bitcast_convert_type3A_258 : vector<200x64xf32>
    %mul3A_265 = vector.broadcast %squeeze3A_253 : vector<200x1xf32> to vector<200x64xf32>
    %mul3A_266 = arith.mulf %mul3A_265, %sub3A_264 : vector<200x64xf32>
    %add3A_267 = arith.addf %add3A_246, %mul3A_266 : vector<200x64xf32>
    %slice3A_268 = vector.extract_strided_slice %get3A_1 {offsets = [0, 320], sizes = [200, 64], strides = [1, 1]} : vector<200x512xf32> to vector<200x64xf32>
    %sub3A_269 = arith.subf %slice3A_268, %bitcast_convert_type3A_262 : vector<200x64xf32>
    %mul3A_270 = vector.broadcast %squeeze3A_253 : vector<200x1xf32> to vector<200x64xf32>
    %mul3A_271 = arith.mulf %mul3A_270, %sub3A_269 : vector<200x64xf32>
    %add3A_272 = arith.addf %add3A_251, %mul3A_271 : vector<200x64xf32>
    %slice3A_273 = vector.extract_strided_slice %get3A_7 {offsets = [3, 0, 10], sizes = [1, 200, 1], strides = [1, 1, 1]} : vector<4x200x16xf32> to vector<1x200x1xf32>
    %squeeze3A_274 = vector.shape_cast %slice3A_273 : vector<1x200x1xf32> to vector<200x1xf32>
    %slice3A_275 = vector.extract_strided_slice %get3A_205 {offsets = [0, 64], sizes = [200, 64], strides = [1, 1]} : vector<200x128xi32> to vector<200x64xi32>
    %shift_left3A_276 = arith.constant 16 : i32
    %shift_left3A_277 = vector.broadcast %shift_left3A_276 : i32 to vector<200x64xi32>
    %shift_left3A_278 = arith.shli %slice3A_275, %shift_left3A_277 : vector<200x64xi32>
    %bitcast_convert_type3A_279 = tpu.bitcast %shift_left3A_278 : vector<200x64xi32> -> vector<200x64xf32>
    %and3A_280 = arith.constant -65536 : i32
    %and3A_281 = vector.broadcast %and3A_280 : i32 to vector<200x64xi32>
    %and3A_282 = arith.andi %slice3A_275, %and3A_281 : vector<200x64xi32>
    %bitcast_convert_type3A_283 = tpu.bitcast %and3A_282 : vector<200x64xi32> -> vector<200x64xf32>
    %slice3A_284 = vector.extract_strided_slice %get3A_1 {offsets = [0, 384], sizes = [200, 64], strides = [1, 1]} : vector<200x512xf32> to vector<200x64xf32>
    %sub3A_285 = arith.subf %slice3A_284, %bitcast_convert_type3A_279 : vector<200x64xf32>
    %mul3A_286 = vector.broadcast %squeeze3A_274 : vector<200x1xf32> to vector<200x64xf32>
    %mul3A_287 = arith.mulf %mul3A_286, %sub3A_285 : vector<200x64xf32>
    %add3A_288 = arith.addf %add3A_267, %mul3A_287 : vector<200x64xf32>
    %slice3A_289 = vector.extract_strided_slice %get3A_1 {offsets = [0, 448], sizes = [200, 64], strides = [1, 1]} : vector<200x512xf32> to vector<200x64xf32>
    %sub3A_290 = arith.subf %slice3A_289, %bitcast_convert_type3A_283 : vector<200x64xf32>
    %mul3A_291 = vector.broadcast %squeeze3A_274 : vector<200x1xf32> to vector<200x64xf32>
    %mul3A_292 = arith.mulf %mul3A_291, %sub3A_290 : vector<200x64xf32>
    %add3A_293 = arith.addf %add3A_272, %mul3A_292 : vector<200x64xf32>
    %max3A_294 = arith.maximumf %max3A, %add3A_288 : vector<200x64xf32>
    %max3A_295 = arith.maximumf %max3A_195, %add3A_293 : vector<200x64xf32>
    %get3A_296 = arith.constant 3 : index
    %get3A_297 = arith.constant 0 : index
    %get3A_298 = arith.constant 0 : index
    %get3A_299 = vector.load %arg2[%get3A_296, %get3A_297, %get3A_298] : memref<8x200x128xi32, #tpu.memory_space<vmem>>, vector<1x200x128xi32>
    %get3A_300 = vector.shape_cast %get3A_299 : vector<1x200x128xi32> to vector<200x128xi32>
    %get3A_301 = arith.constant 3 : index
    %get3A_302 = arith.constant 0 : index
    %get3A_303 = arith.constant 0 : index
    %get3A_304 = vector.load %arg3[%get3A_301, %get3A_302, %get3A_303] : memref<8x200x128xi32, #tpu.memory_space<vmem>>, vector<1x200x128xi32>
    %get3A_305 = vector.shape_cast %get3A_304 : vector<1x200x128xi32> to vector<200x128xi32>
    %broadcast_in_dim3A_306 = arith.constant 0.000000e+00 : f32
    %broadcast_in_dim3A_307 = vector.broadcast %broadcast_in_dim3A_306 : f32 to vector<200x64xf32>
    %broadcast_in_dim3A_308 = arith.constant 0.000000e+00 : f32
    %broadcast_in_dim3A_309 = vector.broadcast %broadcast_in_dim3A_308 : f32 to vector<200x64xf32>
    %slice3A_310 = vector.extract_strided_slice %get3A_7 {offsets = [0, 0, 11], sizes = [1, 200, 1], strides = [1, 1, 1]} : vector<4x200x16xf32> to vector<1x200x1xf32>
    %squeeze3A_311 = vector.shape_cast %slice3A_310 : vector<1x200x1xf32> to vector<200x1xf32>
    %slice3A_312 = vector.extract_strided_slice %get3A_300 {offsets = [0, 0], sizes = [200, 64], strides = [1, 1]} : vector<200x128xi32> to vector<200x64xi32>
    %shift_left3A_313 = arith.constant 16 : i32
    %shift_left3A_314 = vector.broadcast %shift_left3A_313 : i32 to vector<200x64xi32>
    %shift_left3A_315 = arith.shli %slice3A_312, %shift_left3A_314 : vector<200x64xi32>
    %bitcast_convert_type3A_316 = tpu.bitcast %shift_left3A_315 : vector<200x64xi32> -> vector<200x64xf32>
    %and3A_317 = arith.constant -65536 : i32
    %and3A_318 = vector.broadcast %and3A_317 : i32 to vector<200x64xi32>
    %and3A_319 = arith.andi %slice3A_312, %and3A_318 : vector<200x64xi32>
    %bitcast_convert_type3A_320 = tpu.bitcast %and3A_319 : vector<200x64xi32> -> vector<200x64xf32>
    %slice3A_321 = vector.extract_strided_slice %get3A_1 {offsets = [0, 0], sizes = [200, 64], strides = [1, 1]} : vector<200x512xf32> to vector<200x64xf32>
    %sub3A_322 = arith.subf %slice3A_321, %bitcast_convert_type3A_316 : vector<200x64xf32>
    %mul3A_323 = vector.broadcast %squeeze3A_311 : vector<200x1xf32> to vector<200x64xf32>
    %mul3A_324 = arith.mulf %mul3A_323, %sub3A_322 : vector<200x64xf32>
    %add3A_325 = arith.addf %broadcast_in_dim3A_307, %mul3A_324 : vector<200x64xf32>
    %slice3A_326 = vector.extract_strided_slice %get3A_1 {offsets = [0, 64], sizes = [200, 64], strides = [1, 1]} : vector<200x512xf32> to vector<200x64xf32>
    %sub3A_327 = arith.subf %slice3A_326, %bitcast_convert_type3A_320 : vector<200x64xf32>
    %mul3A_328 = vector.broadcast %squeeze3A_311 : vector<200x1xf32> to vector<200x64xf32>
    %mul3A_329 = arith.mulf %mul3A_328, %sub3A_327 : vector<200x64xf32>
    %add3A_330 = arith.addf %broadcast_in_dim3A_309, %mul3A_329 : vector<200x64xf32>
    %slice3A_331 = vector.extract_strided_slice %get3A_7 {offsets = [1, 0, 11], sizes = [1, 200, 1], strides = [1, 1, 1]} : vector<4x200x16xf32> to vector<1x200x1xf32>
    %squeeze3A_332 = vector.shape_cast %slice3A_331 : vector<1x200x1xf32> to vector<200x1xf32>
    %slice3A_333 = vector.extract_strided_slice %get3A_300 {offsets = [0, 64], sizes = [200, 64], strides = [1, 1]} : vector<200x128xi32> to vector<200x64xi32>
    %shift_left3A_334 = arith.constant 16 : i32
    %shift_left3A_335 = vector.broadcast %shift_left3A_334 : i32 to vector<200x64xi32>
    %shift_left3A_336 = arith.shli %slice3A_333, %shift_left3A_335 : vector<200x64xi32>
    %bitcast_convert_type3A_337 = tpu.bitcast %shift_left3A_336 : vector<200x64xi32> -> vector<200x64xf32>
    %and3A_338 = arith.constant -65536 : i32
    %and3A_339 = vector.broadcast %and3A_338 : i32 to vector<200x64xi32>
    %and3A_340 = arith.andi %slice3A_333, %and3A_339 : vector<200x64xi32>
    %bitcast_convert_type3A_341 = tpu.bitcast %and3A_340 : vector<200x64xi32> -> vector<200x64xf32>
    %slice3A_342 = vector.extract_strided_slice %get3A_1 {offsets = [0, 128], sizes = [200, 64], strides = [1, 1]} : vector<200x512xf32> to vector<200x64xf32>
    %sub3A_343 = arith.subf %slice3A_342, %bitcast_convert_type3A_337 : vector<200x64xf32>
    %mul3A_344 = vector.broadcast %squeeze3A_332 : vector<200x1xf32> to vector<200x64xf32>
    %mul3A_345 = arith.mulf %mul3A_344, %sub3A_343 : vector<200x64xf32>
    %add3A_346 = arith.addf %add3A_325, %mul3A_345 : vector<200x64xf32>
    %slice3A_347 = vector.extract_strided_slice %get3A_1 {offsets = [0, 192], sizes = [200, 64], strides = [1, 1]} : vector<200x512xf32> to vector<200x64xf32>
    %sub3A_348 = arith.subf %slice3A_347, %bitcast_convert_type3A_341 : vector<200x64xf32>
    %mul3A_349 = vector.broadcast %squeeze3A_332 : vector<200x1xf32> to vector<200x64xf32>
    %mul3A_350 = arith.mulf %mul3A_349, %sub3A_348 : vector<200x64xf32>
    %add3A_351 = arith.addf %add3A_330, %mul3A_350 : vector<200x64xf32>
    %slice3A_352 = vector.extract_strided_slice %get3A_7 {offsets = [2, 0, 11], sizes = [1, 200, 1], strides = [1, 1, 1]} : vector<4x200x16xf32> to vector<1x200x1xf32>
    %squeeze3A_353 = vector.shape_cast %slice3A_352 : vector<1x200x1xf32> to vector<200x1xf32>
    %slice3A_354 = vector.extract_strided_slice %get3A_305 {offsets = [0, 0], sizes = [200, 64], strides = [1, 1]} : vector<200x128xi32> to vector<200x64xi32>
    %shift_left3A_355 = arith.constant 16 : i32
    %shift_left3A_356 = vector.broadcast %shift_left3A_355 : i32 to vector<200x64xi32>
    %shift_left3A_357 = arith.shli %slice3A_354, %shift_left3A_356 : vector<200x64xi32>
    %bitcast_convert_type3A_358 = tpu.bitcast %shift_left3A_357 : vector<200x64xi32> -> vector<200x64xf32>
    %and3A_359 = arith.constant -65536 : i32
    %and3A_360 = vector.broadcast %and3A_359 : i32 to vector<200x64xi32>
    %and3A_361 = arith.andi %slice3A_354, %and3A_360 : vector<200x64xi32>
    %bitcast_convert_type3A_362 = tpu.bitcast %and3A_361 : vector<200x64xi32> -> vector<200x64xf32>
    %slice3A_363 = vector.extract_strided_slice %get3A_1 {offsets = [0, 256], sizes = [200, 64], strides = [1, 1]} : vector<200x512xf32> to vector<200x64xf32>
    %sub3A_364 = arith.subf %slice3A_363, %bitcast_convert_type3A_358 : vector<200x64xf32>
    %mul3A_365 = vector.broadcast %squeeze3A_353 : vector<200x1xf32> to vector<200x64xf32>
    %mul3A_366 = arith.mulf %mul3A_365, %sub3A_364 : vector<200x64xf32>
    %add3A_367 = arith.addf %add3A_346, %mul3A_366 : vector<200x64xf32>
    %slice3A_368 = vector.extract_strided_slice %get3A_1 {offsets = [0, 320], sizes = [200, 64], strides = [1, 1]} : vector<200x512xf32> to vector<200x64xf32>
    %sub3A_369 = arith.subf %slice3A_368, %bitcast_convert_type3A_362 : vector<200x64xf32>
    %mul3A_370 = vector.broadcast %squeeze3A_353 : vector<200x1xf32> to vector<200x64xf32>
    %mul3A_371 = arith.mulf %mul3A_370, %sub3A_369 : vector<200x64xf32>
    %add3A_372 = arith.addf %add3A_351, %mul3A_371 : vector<200x64xf32>
    %slice3A_373 = vector.extract_strided_slice %get3A_7 {offsets = [3, 0, 11], sizes = [1, 200, 1], strides = [1, 1, 1]} : vector<4x200x16xf32> to vector<1x200x1xf32>
    %squeeze3A_374 = vector.shape_cast %slice3A_373 : vector<1x200x1xf32> to vector<200x1xf32>
    %slice3A_375 = vector.extract_strided_slice %get3A_305 {offsets = [0, 64], sizes = [200, 64], strides = [1, 1]} : vector<200x128xi32> to vector<200x64xi32>
    %shift_left3A_376 = arith.constant 16 : i32
    %shift_left3A_377 = vector.broadcast %shift_left3A_376 : i32 to vector<200x64xi32>
    %shift_left3A_378 = arith.shli %slice3A_375, %shift_left3A_377 : vector<200x64xi32>
    %bitcast_convert_type3A_379 = tpu.bitcast %shift_left3A_378 : vector<200x64xi32> -> vector<200x64xf32>
    %and3A_380 = arith.constant -65536 : i32
    %and3A_381 = vector.broadcast %and3A_380 : i32 to vector<200x64xi32>
    %and3A_382 = arith.andi %slice3A_375, %and3A_381 : vector<200x64xi32>
    %bitcast_convert_type3A_383 = tpu.bitcast %and3A_382 : vector<200x64xi32> -> vector<200x64xf32>
    %slice3A_384 = vector.extract_strided_slice %get3A_1 {offsets = [0, 384], sizes = [200, 64], strides = [1, 1]} : vector<200x512xf32> to vector<200x64xf32>
    %sub3A_385 = arith.subf %slice3A_384, %bitcast_convert_type3A_379 : vector<200x64xf32>
    %mul3A_386 = vector.broadcast %squeeze3A_374 : vector<200x1xf32> to vector<200x64xf32>
    %mul3A_387 = arith.mulf %mul3A_386, %sub3A_385 : vector<200x64xf32>
    %add3A_388 = arith.addf %add3A_367, %mul3A_387 : vector<200x64xf32>
    %slice3A_389 = vector.extract_strided_slice %get3A_1 {offsets = [0, 448], sizes = [200, 64], strides = [1, 1]} : vector<200x512xf32> to vector<200x64xf32>
    %sub3A_390 = arith.subf %slice3A_389, %bitcast_convert_type3A_383 : vector<200x64xf32>
    %mul3A_391 = vector.broadcast %squeeze3A_374 : vector<200x1xf32> to vector<200x64xf32>
    %mul3A_392 = arith.mulf %mul3A_391, %sub3A_390 : vector<200x64xf32>
    %add3A_393 = arith.addf %add3A_372, %mul3A_392 : vector<200x64xf32>
    %max3A_394 = arith.maximumf %max3A_294, %add3A_388 : vector<200x64xf32>
    %max3A_395 = arith.maximumf %max3A_295, %add3A_393 : vector<200x64xf32>
    %get3A_396 = arith.constant 4 : index
    %get3A_397 = arith.constant 0 : index
    %get3A_398 = arith.constant 0 : index
    %get3A_399 = vector.load %arg2[%get3A_396, %get3A_397, %get3A_398] : memref<8x200x128xi32, #tpu.memory_space<vmem>>, vector<1x200x128xi32>
    %get3A_400 = vector.shape_cast %get3A_399 : vector<1x200x128xi32> to vector<200x128xi32>
    %get3A_401 = arith.constant 4 : index
    %get3A_402 = arith.constant 0 : index
    %get3A_403 = arith.constant 0 : index
    %get3A_404 = vector.load %arg3[%get3A_401, %get3A_402, %get3A_403] : memref<8x200x128xi32, #tpu.memory_space<vmem>>, vector<1x200x128xi32>
    %get3A_405 = vector.shape_cast %get3A_404 : vector<1x200x128xi32> to vector<200x128xi32>
    %broadcast_in_dim3A_406 = arith.constant 0.000000e+00 : f32
    %broadcast_in_dim3A_407 = vector.broadcast %broadcast_in_dim3A_406 : f32 to vector<200x64xf32>
    %broadcast_in_dim3A_408 = arith.constant 0.000000e+00 : f32
    %broadcast_in_dim3A_409 = vector.broadcast %broadcast_in_dim3A_408 : f32 to vector<200x64xf32>
    %slice3A_410 = vector.extract_strided_slice %get3A_7 {offsets = [0, 0, 12], sizes = [1, 200, 1], strides = [1, 1, 1]} : vector<4x200x16xf32> to vector<1x200x1xf32>
    %squeeze3A_411 = vector.shape_cast %slice3A_410 : vector<1x200x1xf32> to vector<200x1xf32>
    %slice3A_412 = vector.extract_strided_slice %get3A_400 {offsets = [0, 0], sizes = [200, 64], strides = [1, 1]} : vector<200x128xi32> to vector<200x64xi32>
    %shift_left3A_413 = arith.constant 16 : i32
    %shift_left3A_414 = vector.broadcast %shift_left3A_413 : i32 to vector<200x64xi32>
    %shift_left3A_415 = arith.shli %slice3A_412, %shift_left3A_414 : vector<200x64xi32>
    %bitcast_convert_type3A_416 = tpu.bitcast %shift_left3A_415 : vector<200x64xi32> -> vector<200x64xf32>
    %and3A_417 = arith.constant -65536 : i32
    %and3A_418 = vector.broadcast %and3A_417 : i32 to vector<200x64xi32>
    %and3A_419 = arith.andi %slice3A_412, %and3A_418 : vector<200x64xi32>
    %bitcast_convert_type3A_420 = tpu.bitcast %and3A_419 : vector<200x64xi32> -> vector<200x64xf32>
    %slice3A_421 = vector.extract_strided_slice %get3A_1 {offsets = [0, 0], sizes = [200, 64], strides = [1, 1]} : vector<200x512xf32> to vector<200x64xf32>
    %sub3A_422 = arith.subf %slice3A_421, %bitcast_convert_type3A_416 : vector<200x64xf32>
    %mul3A_423 = vector.broadcast %squeeze3A_411 : vector<200x1xf32> to vector<200x64xf32>
    %mul3A_424 = arith.mulf %mul3A_423, %sub3A_422 : vector<200x64xf32>
    %add3A_425 = arith.addf %broadcast_in_dim3A_407, %mul3A_424 : vector<200x64xf32>
    %slice3A_426 = vector.extract_strided_slice %get3A_1 {offsets = [0, 64], sizes = [200, 64], strides = [1, 1]} : vector<200x512xf32> to vector<200x64xf32>
    %sub3A_427 = arith.subf %slice3A_426, %bitcast_convert_type3A_420 : vector<200x64xf32>
    %mul3A_428 = vector.broadcast %squeeze3A_411 : vector<200x1xf32> to vector<200x64xf32>
    %mul3A_429 = arith.mulf %mul3A_428, %sub3A_427 : vector<200x64xf32>
    %add3A_430 = arith.addf %broadcast_in_dim3A_409, %mul3A_429 : vector<200x64xf32>
    %slice3A_431 = vector.extract_strided_slice %get3A_7 {offsets = [1, 0, 12], sizes = [1, 200, 1], strides = [1, 1, 1]} : vector<4x200x16xf32> to vector<1x200x1xf32>
    %squeeze3A_432 = vector.shape_cast %slice3A_431 : vector<1x200x1xf32> to vector<200x1xf32>
    %slice3A_433 = vector.extract_strided_slice %get3A_400 {offsets = [0, 64], sizes = [200, 64], strides = [1, 1]} : vector<200x128xi32> to vector<200x64xi32>
    %shift_left3A_434 = arith.constant 16 : i32
    %shift_left3A_435 = vector.broadcast %shift_left3A_434 : i32 to vector<200x64xi32>
    %shift_left3A_436 = arith.shli %slice3A_433, %shift_left3A_435 : vector<200x64xi32>
    %bitcast_convert_type3A_437 = tpu.bitcast %shift_left3A_436 : vector<200x64xi32> -> vector<200x64xf32>
    %and3A_438 = arith.constant -65536 : i32
    %and3A_439 = vector.broadcast %and3A_438 : i32 to vector<200x64xi32>
    %and3A_440 = arith.andi %slice3A_433, %and3A_439 : vector<200x64xi32>
    %bitcast_convert_type3A_441 = tpu.bitcast %and3A_440 : vector<200x64xi32> -> vector<200x64xf32>
    %slice3A_442 = vector.extract_strided_slice %get3A_1 {offsets = [0, 128], sizes = [200, 64], strides = [1, 1]} : vector<200x512xf32> to vector<200x64xf32>
    %sub3A_443 = arith.subf %slice3A_442, %bitcast_convert_type3A_437 : vector<200x64xf32>
    %mul3A_444 = vector.broadcast %squeeze3A_432 : vector<200x1xf32> to vector<200x64xf32>
    %mul3A_445 = arith.mulf %mul3A_444, %sub3A_443 : vector<200x64xf32>
    %add3A_446 = arith.addf %add3A_425, %mul3A_445 : vector<200x64xf32>
    %slice3A_447 = vector.extract_strided_slice %get3A_1 {offsets = [0, 192], sizes = [200, 64], strides = [1, 1]} : vector<200x512xf32> to vector<200x64xf32>
    %sub3A_448 = arith.subf %slice3A_447, %bitcast_convert_type3A_441 : vector<200x64xf32>
    %mul3A_449 = vector.broadcast %squeeze3A_432 : vector<200x1xf32> to vector<200x64xf32>
    %mul3A_450 = arith.mulf %mul3A_449, %sub3A_448 : vector<200x64xf32>
    %add3A_451 = arith.addf %add3A_430, %mul3A_450 : vector<200x64xf32>
    %slice3A_452 = vector.extract_strided_slice %get3A_7 {offsets = [2, 0, 12], sizes = [1, 200, 1], strides = [1, 1, 1]} : vector<4x200x16xf32> to vector<1x200x1xf32>
    %squeeze3A_453 = vector.shape_cast %slice3A_452 : vector<1x200x1xf32> to vector<200x1xf32>
    %slice3A_454 = vector.extract_strided_slice %get3A_405 {offsets = [0, 0], sizes = [200, 64], strides = [1, 1]} : vector<200x128xi32> to vector<200x64xi32>
    %shift_left3A_455 = arith.constant 16 : i32
    %shift_left3A_456 = vector.broadcast %shift_left3A_455 : i32 to vector<200x64xi32>
    %shift_left3A_457 = arith.shli %slice3A_454, %shift_left3A_456 : vector<200x64xi32>
    %bitcast_convert_type3A_458 = tpu.bitcast %shift_left3A_457 : vector<200x64xi32> -> vector<200x64xf32>
    %and3A_459 = arith.constant -65536 : i32
    %and3A_460 = vector.broadcast %and3A_459 : i32 to vector<200x64xi32>
    %and3A_461 = arith.andi %slice3A_454, %and3A_460 : vector<200x64xi32>
    %bitcast_convert_type3A_462 = tpu.bitcast %and3A_461 : vector<200x64xi32> -> vector<200x64xf32>
    %slice3A_463 = vector.extract_strided_slice %get3A_1 {offsets = [0, 256], sizes = [200, 64], strides = [1, 1]} : vector<200x512xf32> to vector<200x64xf32>
    %sub3A_464 = arith.subf %slice3A_463, %bitcast_convert_type3A_458 : vector<200x64xf32>
    %mul3A_465 = vector.broadcast %squeeze3A_453 : vector<200x1xf32> to vector<200x64xf32>
    %mul3A_466 = arith.mulf %mul3A_465, %sub3A_464 : vector<200x64xf32>
    %add3A_467 = arith.addf %add3A_446, %mul3A_466 : vector<200x64xf32>
    %slice3A_468 = vector.extract_strided_slice %get3A_1 {offsets = [0, 320], sizes = [200, 64], strides = [1, 1]} : vector<200x512xf32> to vector<200x64xf32>
    %sub3A_469 = arith.subf %slice3A_468, %bitcast_convert_type3A_462 : vector<200x64xf32>
    %mul3A_470 = vector.broadcast %squeeze3A_453 : vector<200x1xf32> to vector<200x64xf32>
    %mul3A_471 = arith.mulf %mul3A_470, %sub3A_469 : vector<200x64xf32>
    %add3A_472 = arith.addf %add3A_451, %mul3A_471 : vector<200x64xf32>
    %slice3A_473 = vector.extract_strided_slice %get3A_7 {offsets = [3, 0, 12], sizes = [1, 200, 1], strides = [1, 1, 1]} : vector<4x200x16xf32> to vector<1x200x1xf32>
    %squeeze3A_474 = vector.shape_cast %slice3A_473 : vector<1x200x1xf32> to vector<200x1xf32>
    %slice3A_475 = vector.extract_strided_slice %get3A_405 {offsets = [0, 64], sizes = [200, 64], strides = [1, 1]} : vector<200x128xi32> to vector<200x64xi32>
    %shift_left3A_476 = arith.constant 16 : i32
    %shift_left3A_477 = vector.broadcast %shift_left3A_476 : i32 to vector<200x64xi32>
    %shift_left3A_478 = arith.shli %slice3A_475, %shift_left3A_477 : vector<200x64xi32>
    %bitcast_convert_type3A_479 = tpu.bitcast %shift_left3A_478 : vector<200x64xi32> -> vector<200x64xf32>
    %and3A_480 = arith.constant -65536 : i32
    %and3A_481 = vector.broadcast %and3A_480 : i32 to vector<200x64xi32>
    %and3A_482 = arith.andi %slice3A_475, %and3A_481 : vector<200x64xi32>
    %bitcast_convert_type3A_483 = tpu.bitcast %and3A_482 : vector<200x64xi32> -> vector<200x64xf32>
    %slice3A_484 = vector.extract_strided_slice %get3A_1 {offsets = [0, 384], sizes = [200, 64], strides = [1, 1]} : vector<200x512xf32> to vector<200x64xf32>
    %sub3A_485 = arith.subf %slice3A_484, %bitcast_convert_type3A_479 : vector<200x64xf32>
    %mul3A_486 = vector.broadcast %squeeze3A_474 : vector<200x1xf32> to vector<200x64xf32>
    %mul3A_487 = arith.mulf %mul3A_486, %sub3A_485 : vector<200x64xf32>
    %add3A_488 = arith.addf %add3A_467, %mul3A_487 : vector<200x64xf32>
    %slice3A_489 = vector.extract_strided_slice %get3A_1 {offsets = [0, 448], sizes = [200, 64], strides = [1, 1]} : vector<200x512xf32> to vector<200x64xf32>
    %sub3A_490 = arith.subf %slice3A_489, %bitcast_convert_type3A_483 : vector<200x64xf32>
    %mul3A_491 = vector.broadcast %squeeze3A_474 : vector<200x1xf32> to vector<200x64xf32>
    %mul3A_492 = arith.mulf %mul3A_491, %sub3A_490 : vector<200x64xf32>
    %add3A_493 = arith.addf %add3A_472, %mul3A_492 : vector<200x64xf32>
    %max3A_494 = arith.maximumf %max3A_394, %add3A_488 : vector<200x64xf32>
    %max3A_495 = arith.maximumf %max3A_395, %add3A_493 : vector<200x64xf32>
    %get3A_496 = arith.constant 5 : index
    %get3A_497 = arith.constant 0 : index
    %get3A_498 = arith.constant 0 : index
    %get3A_499 = vector.load %arg2[%get3A_496, %get3A_497, %get3A_498] : memref<8x200x128xi32, #tpu.memory_space<vmem>>, vector<1x200x128xi32>
    %get3A_500 = vector.shape_cast %get3A_499 : vector<1x200x128xi32> to vector<200x128xi32>
    %get3A_501 = arith.constant 5 : index
    %get3A_502 = arith.constant 0 : index
    %get3A_503 = arith.constant 0 : index
    %get3A_504 = vector.load %arg3[%get3A_501, %get3A_502, %get3A_503] : memref<8x200x128xi32, #tpu.memory_space<vmem>>, vector<1x200x128xi32>
    %get3A_505 = vector.shape_cast %get3A_504 : vector<1x200x128xi32> to vector<200x128xi32>
    %broadcast_in_dim3A_506 = arith.constant 0.000000e+00 : f32
    %broadcast_in_dim3A_507 = vector.broadcast %broadcast_in_dim3A_506 : f32 to vector<200x64xf32>
    %broadcast_in_dim3A_508 = arith.constant 0.000000e+00 : f32
    %broadcast_in_dim3A_509 = vector.broadcast %broadcast_in_dim3A_508 : f32 to vector<200x64xf32>
    %slice3A_510 = vector.extract_strided_slice %get3A_7 {offsets = [0, 0, 13], sizes = [1, 200, 1], strides = [1, 1, 1]} : vector<4x200x16xf32> to vector<1x200x1xf32>
    %squeeze3A_511 = vector.shape_cast %slice3A_510 : vector<1x200x1xf32> to vector<200x1xf32>
    %slice3A_512 = vector.extract_strided_slice %get3A_500 {offsets = [0, 0], sizes = [200, 64], strides = [1, 1]} : vector<200x128xi32> to vector<200x64xi32>
    %shift_left3A_513 = arith.constant 16 : i32
    %shift_left3A_514 = vector.broadcast %shift_left3A_513 : i32 to vector<200x64xi32>
    %shift_left3A_515 = arith.shli %slice3A_512, %shift_left3A_514 : vector<200x64xi32>
    %bitcast_convert_type3A_516 = tpu.bitcast %shift_left3A_515 : vector<200x64xi32> -> vector<200x64xf32>
    %and3A_517 = arith.constant -65536 : i32
    %and3A_518 = vector.broadcast %and3A_517 : i32 to vector<200x64xi32>
    %and3A_519 = arith.andi %slice3A_512, %and3A_518 : vector<200x64xi32>
    %bitcast_convert_type3A_520 = tpu.bitcast %and3A_519 : vector<200x64xi32> -> vector<200x64xf32>
    %slice3A_521 = vector.extract_strided_slice %get3A_1 {offsets = [0, 0], sizes = [200, 64], strides = [1, 1]} : vector<200x512xf32> to vector<200x64xf32>
    %sub3A_522 = arith.subf %slice3A_521, %bitcast_convert_type3A_516 : vector<200x64xf32>
    %mul3A_523 = vector.broadcast %squeeze3A_511 : vector<200x1xf32> to vector<200x64xf32>
    %mul3A_524 = arith.mulf %mul3A_523, %sub3A_522 : vector<200x64xf32>
    %add3A_525 = arith.addf %broadcast_in_dim3A_507, %mul3A_524 : vector<200x64xf32>
    %slice3A_526 = vector.extract_strided_slice %get3A_1 {offsets = [0, 64], sizes = [200, 64], strides = [1, 1]} : vector<200x512xf32> to vector<200x64xf32>
    %sub3A_527 = arith.subf %slice3A_526, %bitcast_convert_type3A_520 : vector<200x64xf32>
    %mul3A_528 = vector.broadcast %squeeze3A_511 : vector<200x1xf32> to vector<200x64xf32>
    %mul3A_529 = arith.mulf %mul3A_528, %sub3A_527 : vector<200x64xf32>
    %add3A_530 = arith.addf %broadcast_in_dim3A_509, %mul3A_529 : vector<200x64xf32>
    %slice3A_531 = vector.extract_strided_slice %get3A_7 {offsets = [1, 0, 13], sizes = [1, 200, 1], strides = [1, 1, 1]} : vector<4x200x16xf32> to vector<1x200x1xf32>
    %squeeze3A_532 = vector.shape_cast %slice3A_531 : vector<1x200x1xf32> to vector<200x1xf32>
    %slice3A_533 = vector.extract_strided_slice %get3A_500 {offsets = [0, 64], sizes = [200, 64], strides = [1, 1]} : vector<200x128xi32> to vector<200x64xi32>
    %shift_left3A_534 = arith.constant 16 : i32
    %shift_left3A_535 = vector.broadcast %shift_left3A_534 : i32 to vector<200x64xi32>
    %shift_left3A_536 = arith.shli %slice3A_533, %shift_left3A_535 : vector<200x64xi32>
    %bitcast_convert_type3A_537 = tpu.bitcast %shift_left3A_536 : vector<200x64xi32> -> vector<200x64xf32>
    %and3A_538 = arith.constant -65536 : i32
    %and3A_539 = vector.broadcast %and3A_538 : i32 to vector<200x64xi32>
    %and3A_540 = arith.andi %slice3A_533, %and3A_539 : vector<200x64xi32>
    %bitcast_convert_type3A_541 = tpu.bitcast %and3A_540 : vector<200x64xi32> -> vector<200x64xf32>
    %slice3A_542 = vector.extract_strided_slice %get3A_1 {offsets = [0, 128], sizes = [200, 64], strides = [1, 1]} : vector<200x512xf32> to vector<200x64xf32>
    %sub3A_543 = arith.subf %slice3A_542, %bitcast_convert_type3A_537 : vector<200x64xf32>
    %mul3A_544 = vector.broadcast %squeeze3A_532 : vector<200x1xf32> to vector<200x64xf32>
    %mul3A_545 = arith.mulf %mul3A_544, %sub3A_543 : vector<200x64xf32>
    %add3A_546 = arith.addf %add3A_525, %mul3A_545 : vector<200x64xf32>
    %slice3A_547 = vector.extract_strided_slice %get3A_1 {offsets = [0, 192], sizes = [200, 64], strides = [1, 1]} : vector<200x512xf32> to vector<200x64xf32>
    %sub3A_548 = arith.subf %slice3A_547, %bitcast_convert_type3A_541 : vector<200x64xf32>
    %mul3A_549 = vector.broadcast %squeeze3A_532 : vector<200x1xf32> to vector<200x64xf32>
    %mul3A_550 = arith.mulf %mul3A_549, %sub3A_548 : vector<200x64xf32>
    %add3A_551 = arith.addf %add3A_530, %mul3A_550 : vector<200x64xf32>
    %slice3A_552 = vector.extract_strided_slice %get3A_7 {offsets = [2, 0, 13], sizes = [1, 200, 1], strides = [1, 1, 1]} : vector<4x200x16xf32> to vector<1x200x1xf32>
    %squeeze3A_553 = vector.shape_cast %slice3A_552 : vector<1x200x1xf32> to vector<200x1xf32>
    %slice3A_554 = vector.extract_strided_slice %get3A_505 {offsets = [0, 0], sizes = [200, 64], strides = [1, 1]} : vector<200x128xi32> to vector<200x64xi32>
    %shift_left3A_555 = arith.constant 16 : i32
    %shift_left3A_556 = vector.broadcast %shift_left3A_555 : i32 to vector<200x64xi32>
    %shift_left3A_557 = arith.shli %slice3A_554, %shift_left3A_556 : vector<200x64xi32>
    %bitcast_convert_type3A_558 = tpu.bitcast %shift_left3A_557 : vector<200x64xi32> -> vector<200x64xf32>
    %and3A_559 = arith.constant -65536 : i32
    %and3A_560 = vector.broadcast %and3A_559 : i32 to vector<200x64xi32>
    %and3A_561 = arith.andi %slice3A_554, %and3A_560 : vector<200x64xi32>
    %bitcast_convert_type3A_562 = tpu.bitcast %and3A_561 : vector<200x64xi32> -> vector<200x64xf32>
    %slice3A_563 = vector.extract_strided_slice %get3A_1 {offsets = [0, 256], sizes = [200, 64], strides = [1, 1]} : vector<200x512xf32> to vector<200x64xf32>
    %sub3A_564 = arith.subf %slice3A_563, %bitcast_convert_type3A_558 : vector<200x64xf32>
    %mul3A_565 = vector.broadcast %squeeze3A_553 : vector<200x1xf32> to vector<200x64xf32>
    %mul3A_566 = arith.mulf %mul3A_565, %sub3A_564 : vector<200x64xf32>
    %add3A_567 = arith.addf %add3A_546, %mul3A_566 : vector<200x64xf32>
    %slice3A_568 = vector.extract_strided_slice %get3A_1 {offsets = [0, 320], sizes = [200, 64], strides = [1, 1]} : vector<200x512xf32> to vector<200x64xf32>
    %sub3A_569 = arith.subf %slice3A_568, %bitcast_convert_type3A_562 : vector<200x64xf32>
    %mul3A_570 = vector.broadcast %squeeze3A_553 : vector<200x1xf32> to vector<200x64xf32>
    %mul3A_571 = arith.mulf %mul3A_570, %sub3A_569 : vector<200x64xf32>
    %add3A_572 = arith.addf %add3A_551, %mul3A_571 : vector<200x64xf32>
    %slice3A_573 = vector.extract_strided_slice %get3A_7 {offsets = [3, 0, 13], sizes = [1, 200, 1], strides = [1, 1, 1]} : vector<4x200x16xf32> to vector<1x200x1xf32>
    %squeeze3A_574 = vector.shape_cast %slice3A_573 : vector<1x200x1xf32> to vector<200x1xf32>
    %slice3A_575 = vector.extract_strided_slice %get3A_505 {offsets = [0, 64], sizes = [200, 64], strides = [1, 1]} : vector<200x128xi32> to vector<200x64xi32>
    %shift_left3A_576 = arith.constant 16 : i32
    %shift_left3A_577 = vector.broadcast %shift_left3A_576 : i32 to vector<200x64xi32>
    %shift_left3A_578 = arith.shli %slice3A_575, %shift_left3A_577 : vector<200x64xi32>
    %bitcast_convert_type3A_579 = tpu.bitcast %shift_left3A_578 : vector<200x64xi32> -> vector<200x64xf32>
    %and3A_580 = arith.constant -65536 : i32
    %and3A_581 = vector.broadcast %and3A_580 : i32 to vector<200x64xi32>
    %and3A_582 = arith.andi %slice3A_575, %and3A_581 : vector<200x64xi32>
    %bitcast_convert_type3A_583 = tpu.bitcast %and3A_582 : vector<200x64xi32> -> vector<200x64xf32>
    %slice3A_584 = vector.extract_strided_slice %get3A_1 {offsets = [0, 384], sizes = [200, 64], strides = [1, 1]} : vector<200x512xf32> to vector<200x64xf32>
    %sub3A_585 = arith.subf %slice3A_584, %bitcast_convert_type3A_579 : vector<200x64xf32>
    %mul3A_586 = vector.broadcast %squeeze3A_574 : vector<200x1xf32> to vector<200x64xf32>
    %mul3A_587 = arith.mulf %mul3A_586, %sub3A_585 : vector<200x64xf32>
    %add3A_588 = arith.addf %add3A_567, %mul3A_587 : vector<200x64xf32>
    %slice3A_589 = vector.extract_strided_slice %get3A_1 {offsets = [0, 448], sizes = [200, 64], strides = [1, 1]} : vector<200x512xf32> to vector<200x64xf32>
    %sub3A_590 = arith.subf %slice3A_589, %bitcast_convert_type3A_583 : vector<200x64xf32>
    %mul3A_591 = vector.broadcast %squeeze3A_574 : vector<200x1xf32> to vector<200x64xf32>
    %mul3A_592 = arith.mulf %mul3A_591, %sub3A_590 : vector<200x64xf32>
    %add3A_593 = arith.addf %add3A_572, %mul3A_592 : vector<200x64xf32>
    %max3A_594 = arith.maximumf %max3A_494, %add3A_588 : vector<200x64xf32>
    %max3A_595 = arith.maximumf %max3A_495, %add3A_593 : vector<200x64xf32>
    %get3A_596 = arith.constant 6 : index
    %get3A_597 = arith.constant 0 : index
    %get3A_598 = arith.constant 0 : index
    %get3A_599 = vector.load %arg2[%get3A_596, %get3A_597, %get3A_598] : memref<8x200x128xi32, #tpu.memory_space<vmem>>, vector<1x200x128xi32>
    %get3A_600 = vector.shape_cast %get3A_599 : vector<1x200x128xi32> to vector<200x128xi32>
    %get3A_601 = arith.constant 6 : index
    %get3A_602 = arith.constant 0 : index
    %get3A_603 = arith.constant 0 : index
    %get3A_604 = vector.load %arg3[%get3A_601, %get3A_602, %get3A_603] : memref<8x200x128xi32, #tpu.memory_space<vmem>>, vector<1x200x128xi32>
    %get3A_605 = vector.shape_cast %get3A_604 : vector<1x200x128xi32> to vector<200x128xi32>
    %broadcast_in_dim3A_606 = arith.constant 0.000000e+00 : f32
    %broadcast_in_dim3A_607 = vector.broadcast %broadcast_in_dim3A_606 : f32 to vector<200x64xf32>
    %broadcast_in_dim3A_608 = arith.constant 0.000000e+00 : f32
    %broadcast_in_dim3A_609 = vector.broadcast %broadcast_in_dim3A_608 : f32 to vector<200x64xf32>
    %slice3A_610 = vector.extract_strided_slice %get3A_7 {offsets = [0, 0, 14], sizes = [1, 200, 1], strides = [1, 1, 1]} : vector<4x200x16xf32> to vector<1x200x1xf32>
    %squeeze3A_611 = vector.shape_cast %slice3A_610 : vector<1x200x1xf32> to vector<200x1xf32>
    %slice3A_612 = vector.extract_strided_slice %get3A_600 {offsets = [0, 0], sizes = [200, 64], strides = [1, 1]} : vector<200x128xi32> to vector<200x64xi32>
    %shift_left3A_613 = arith.constant 16 : i32
    %shift_left3A_614 = vector.broadcast %shift_left3A_613 : i32 to vector<200x64xi32>
    %shift_left3A_615 = arith.shli %slice3A_612, %shift_left3A_614 : vector<200x64xi32>
    %bitcast_convert_type3A_616 = tpu.bitcast %shift_left3A_615 : vector<200x64xi32> -> vector<200x64xf32>
    %and3A_617 = arith.constant -65536 : i32
    %and3A_618 = vector.broadcast %and3A_617 : i32 to vector<200x64xi32>
    %and3A_619 = arith.andi %slice3A_612, %and3A_618 : vector<200x64xi32>
    %bitcast_convert_type3A_620 = tpu.bitcast %and3A_619 : vector<200x64xi32> -> vector<200x64xf32>
    %slice3A_621 = vector.extract_strided_slice %get3A_1 {offsets = [0, 0], sizes = [200, 64], strides = [1, 1]} : vector<200x512xf32> to vector<200x64xf32>
    %sub3A_622 = arith.subf %slice3A_621, %bitcast_convert_type3A_616 : vector<200x64xf32>
    %mul3A_623 = vector.broadcast %squeeze3A_611 : vector<200x1xf32> to vector<200x64xf32>
    %mul3A_624 = arith.mulf %mul3A_623, %sub3A_622 : vector<200x64xf32>
    %add3A_625 = arith.addf %broadcast_in_dim3A_607, %mul3A_624 : vector<200x64xf32>
    %slice3A_626 = vector.extract_strided_slice %get3A_1 {offsets = [0, 64], sizes = [200, 64], strides = [1, 1]} : vector<200x512xf32> to vector<200x64xf32>
    %sub3A_627 = arith.subf %slice3A_626, %bitcast_convert_type3A_620 : vector<200x64xf32>
    %mul3A_628 = vector.broadcast %squeeze3A_611 : vector<200x1xf32> to vector<200x64xf32>
    %mul3A_629 = arith.mulf %mul3A_628, %sub3A_627 : vector<200x64xf32>
    %add3A_630 = arith.addf %broadcast_in_dim3A_609, %mul3A_629 : vector<200x64xf32>
    %slice3A_631 = vector.extract_strided_slice %get3A_7 {offsets = [1, 0, 14], sizes = [1, 200, 1], strides = [1, 1, 1]} : vector<4x200x16xf32> to vector<1x200x1xf32>
    %squeeze3A_632 = vector.shape_cast %slice3A_631 : vector<1x200x1xf32> to vector<200x1xf32>
    %slice3A_633 = vector.extract_strided_slice %get3A_600 {offsets = [0, 64], sizes = [200, 64], strides = [1, 1]} : vector<200x128xi32> to vector<200x64xi32>
    %shift_left3A_634 = arith.constant 16 : i32
    %shift_left3A_635 = vector.broadcast %shift_left3A_634 : i32 to vector<200x64xi32>
    %shift_left3A_636 = arith.shli %slice3A_633, %shift_left3A_635 : vector<200x64xi32>
    %bitcast_convert_type3A_637 = tpu.bitcast %shift_left3A_636 : vector<200x64xi32> -> vector<200x64xf32>
    %and3A_638 = arith.constant -65536 : i32
    %and3A_639 = vector.broadcast %and3A_638 : i32 to vector<200x64xi32>
    %and3A_640 = arith.andi %slice3A_633, %and3A_639 : vector<200x64xi32>
    %bitcast_convert_type3A_641 = tpu.bitcast %and3A_640 : vector<200x64xi32> -> vector<200x64xf32>
    %slice3A_642 = vector.extract_strided_slice %get3A_1 {offsets = [0, 128], sizes = [200, 64], strides = [1, 1]} : vector<200x512xf32> to vector<200x64xf32>
    %sub3A_643 = arith.subf %slice3A_642, %bitcast_convert_type3A_637 : vector<200x64xf32>
    %mul3A_644 = vector.broadcast %squeeze3A_632 : vector<200x1xf32> to vector<200x64xf32>
    %mul3A_645 = arith.mulf %mul3A_644, %sub3A_643 : vector<200x64xf32>
    %add3A_646 = arith.addf %add3A_625, %mul3A_645 : vector<200x64xf32>
    %slice3A_647 = vector.extract_strided_slice %get3A_1 {offsets = [0, 192], sizes = [200, 64], strides = [1, 1]} : vector<200x512xf32> to vector<200x64xf32>
    %sub3A_648 = arith.subf %slice3A_647, %bitcast_convert_type3A_641 : vector<200x64xf32>
    %mul3A_649 = vector.broadcast %squeeze3A_632 : vector<200x1xf32> to vector<200x64xf32>
    %mul3A_650 = arith.mulf %mul3A_649, %sub3A_648 : vector<200x64xf32>
    %add3A_651 = arith.addf %add3A_630, %mul3A_650 : vector<200x64xf32>
    %slice3A_652 = vector.extract_strided_slice %get3A_7 {offsets = [2, 0, 14], sizes = [1, 200, 1], strides = [1, 1, 1]} : vector<4x200x16xf32> to vector<1x200x1xf32>
    %squeeze3A_653 = vector.shape_cast %slice3A_652 : vector<1x200x1xf32> to vector<200x1xf32>
    %slice3A_654 = vector.extract_strided_slice %get3A_605 {offsets = [0, 0], sizes = [200, 64], strides = [1, 1]} : vector<200x128xi32> to vector<200x64xi32>
    %shift_left3A_655 = arith.constant 16 : i32
    %shift_left3A_656 = vector.broadcast %shift_left3A_655 : i32 to vector<200x64xi32>
    %shift_left3A_657 = arith.shli %slice3A_654, %shift_left3A_656 : vector<200x64xi32>
    %bitcast_convert_type3A_658 = tpu.bitcast %shift_left3A_657 : vector<200x64xi32> -> vector<200x64xf32>
    %and3A_659 = arith.constant -65536 : i32
    %and3A_660 = vector.broadcast %and3A_659 : i32 to vector<200x64xi32>
    %and3A_661 = arith.andi %slice3A_654, %and3A_660 : vector<200x64xi32>
    %bitcast_convert_type3A_662 = tpu.bitcast %and3A_661 : vector<200x64xi32> -> vector<200x64xf32>
    %slice3A_663 = vector.extract_strided_slice %get3A_1 {offsets = [0, 256], sizes = [200, 64], strides = [1, 1]} : vector<200x512xf32> to vector<200x64xf32>
    %sub3A_664 = arith.subf %slice3A_663, %bitcast_convert_type3A_658 : vector<200x64xf32>
    %mul3A_665 = vector.broadcast %squeeze3A_653 : vector<200x1xf32> to vector<200x64xf32>
    %mul3A_666 = arith.mulf %mul3A_665, %sub3A_664 : vector<200x64xf32>
    %add3A_667 = arith.addf %add3A_646, %mul3A_666 : vector<200x64xf32>
    %slice3A_668 = vector.extract_strided_slice %get3A_1 {offsets = [0, 320], sizes = [200, 64], strides = [1, 1]} : vector<200x512xf32> to vector<200x64xf32>
    %sub3A_669 = arith.subf %slice3A_668, %bitcast_convert_type3A_662 : vector<200x64xf32>
    %mul3A_670 = vector.broadcast %squeeze3A_653 : vector<200x1xf32> to vector<200x64xf32>
    %mul3A_671 = arith.mulf %mul3A_670, %sub3A_669 : vector<200x64xf32>
    %add3A_672 = arith.addf %add3A_651, %mul3A_671 : vector<200x64xf32>
    %slice3A_673 = vector.extract_strided_slice %get3A_7 {offsets = [3, 0, 14], sizes = [1, 200, 1], strides = [1, 1, 1]} : vector<4x200x16xf32> to vector<1x200x1xf32>
    %squeeze3A_674 = vector.shape_cast %slice3A_673 : vector<1x200x1xf32> to vector<200x1xf32>
    %slice3A_675 = vector.extract_strided_slice %get3A_605 {offsets = [0, 64], sizes = [200, 64], strides = [1, 1]} : vector<200x128xi32> to vector<200x64xi32>
    %shift_left3A_676 = arith.constant 16 : i32
    %shift_left3A_677 = vector.broadcast %shift_left3A_676 : i32 to vector<200x64xi32>
    %shift_left3A_678 = arith.shli %slice3A_675, %shift_left3A_677 : vector<200x64xi32>
    %bitcast_convert_type3A_679 = tpu.bitcast %shift_left3A_678 : vector<200x64xi32> -> vector<200x64xf32>
    %and3A_680 = arith.constant -65536 : i32
    %and3A_681 = vector.broadcast %and3A_680 : i32 to vector<200x64xi32>
    %and3A_682 = arith.andi %slice3A_675, %and3A_681 : vector<200x64xi32>
    %bitcast_convert_type3A_683 = tpu.bitcast %and3A_682 : vector<200x64xi32> -> vector<200x64xf32>
    %slice3A_684 = vector.extract_strided_slice %get3A_1 {offsets = [0, 384], sizes = [200, 64], strides = [1, 1]} : vector<200x512xf32> to vector<200x64xf32>
    %sub3A_685 = arith.subf %slice3A_684, %bitcast_convert_type3A_679 : vector<200x64xf32>
    %mul3A_686 = vector.broadcast %squeeze3A_674 : vector<200x1xf32> to vector<200x64xf32>
    %mul3A_687 = arith.mulf %mul3A_686, %sub3A_685 : vector<200x64xf32>
    %add3A_688 = arith.addf %add3A_667, %mul3A_687 : vector<200x64xf32>
    %slice3A_689 = vector.extract_strided_slice %get3A_1 {offsets = [0, 448], sizes = [200, 64], strides = [1, 1]} : vector<200x512xf32> to vector<200x64xf32>
    %sub3A_690 = arith.subf %slice3A_689, %bitcast_convert_type3A_683 : vector<200x64xf32>
    %mul3A_691 = vector.broadcast %squeeze3A_674 : vector<200x1xf32> to vector<200x64xf32>
    %mul3A_692 = arith.mulf %mul3A_691, %sub3A_690 : vector<200x64xf32>
    %add3A_693 = arith.addf %add3A_672, %mul3A_692 : vector<200x64xf32>
    %max3A_694 = arith.maximumf %max3A_594, %add3A_688 : vector<200x64xf32>
    %max3A_695 = arith.maximumf %max3A_595, %add3A_693 : vector<200x64xf32>
    %get3A_696 = arith.constant 7 : index
    %get3A_697 = arith.constant 0 : index
    %get3A_698 = arith.constant 0 : index
    %get3A_699 = vector.load %arg2[%get3A_696, %get3A_697, %get3A_698] : memref<8x200x128xi32, #tpu.memory_space<vmem>>, vector<1x200x128xi32>
    %get3A_700 = vector.shape_cast %get3A_699 : vector<1x200x128xi32> to vector<200x128xi32>
    %get3A_701 = arith.constant 7 : index
    %get3A_702 = arith.constant 0 : index
    %get3A_703 = arith.constant 0 : index
    %get3A_704 = vector.load %arg3[%get3A_701, %get3A_702, %get3A_703] : memref<8x200x128xi32, #tpu.memory_space<vmem>>, vector<1x200x128xi32>
    %get3A_705 = vector.shape_cast %get3A_704 : vector<1x200x128xi32> to vector<200x128xi32>
    %broadcast_in_dim3A_706 = arith.constant 0.000000e+00 : f32
    %broadcast_in_dim3A_707 = vector.broadcast %broadcast_in_dim3A_706 : f32 to vector<200x64xf32>
    %broadcast_in_dim3A_708 = arith.constant 0.000000e+00 : f32
    %broadcast_in_dim3A_709 = vector.broadcast %broadcast_in_dim3A_708 : f32 to vector<200x64xf32>
    %slice3A_710 = vector.extract_strided_slice %get3A_7 {offsets = [0, 0, 15], sizes = [1, 200, 1], strides = [1, 1, 1]} : vector<4x200x16xf32> to vector<1x200x1xf32>
    %squeeze3A_711 = vector.shape_cast %slice3A_710 : vector<1x200x1xf32> to vector<200x1xf32>
    %slice3A_712 = vector.extract_strided_slice %get3A_700 {offsets = [0, 0], sizes = [200, 64], strides = [1, 1]} : vector<200x128xi32> to vector<200x64xi32>
    %shift_left3A_713 = arith.constant 16 : i32
    %shift_left3A_714 = vector.broadcast %shift_left3A_713 : i32 to vector<200x64xi32>
    %shift_left3A_715 = arith.shli %slice3A_712, %shift_left3A_714 : vector<200x64xi32>
    %bitcast_convert_type3A_716 = tpu.bitcast %shift_left3A_715 : vector<200x64xi32> -> vector<200x64xf32>
    %and3A_717 = arith.constant -65536 : i32
    %and3A_718 = vector.broadcast %and3A_717 : i32 to vector<200x64xi32>
    %and3A_719 = arith.andi %slice3A_712, %and3A_718 : vector<200x64xi32>
    %bitcast_convert_type3A_720 = tpu.bitcast %and3A_719 : vector<200x64xi32> -> vector<200x64xf32>
    %slice3A_721 = vector.extract_strided_slice %get3A_1 {offsets = [0, 0], sizes = [200, 64], strides = [1, 1]} : vector<200x512xf32> to vector<200x64xf32>
    %sub3A_722 = arith.subf %slice3A_721, %bitcast_convert_type3A_716 : vector<200x64xf32>
    %mul3A_723 = vector.broadcast %squeeze3A_711 : vector<200x1xf32> to vector<200x64xf32>
    %mul3A_724 = arith.mulf %mul3A_723, %sub3A_722 : vector<200x64xf32>
    %add3A_725 = arith.addf %broadcast_in_dim3A_707, %mul3A_724 : vector<200x64xf32>
    %slice3A_726 = vector.extract_strided_slice %get3A_1 {offsets = [0, 64], sizes = [200, 64], strides = [1, 1]} : vector<200x512xf32> to vector<200x64xf32>
    %sub3A_727 = arith.subf %slice3A_726, %bitcast_convert_type3A_720 : vector<200x64xf32>
    %mul3A_728 = vector.broadcast %squeeze3A_711 : vector<200x1xf32> to vector<200x64xf32>
    %mul3A_729 = arith.mulf %mul3A_728, %sub3A_727 : vector<200x64xf32>
    %add3A_730 = arith.addf %broadcast_in_dim3A_709, %mul3A_729 : vector<200x64xf32>
    %slice3A_731 = vector.extract_strided_slice %get3A_7 {offsets = [1, 0, 15], sizes = [1, 200, 1], strides = [1, 1, 1]} : vector<4x200x16xf32> to vector<1x200x1xf32>
    %squeeze3A_732 = vector.shape_cast %slice3A_731 : vector<1x200x1xf32> to vector<200x1xf32>
    %slice3A_733 = vector.extract_strided_slice %get3A_700 {offsets = [0, 64], sizes = [200, 64], strides = [1, 1]} : vector<200x128xi32> to vector<200x64xi32>
    %shift_left3A_734 = arith.constant 16 : i32
    %shift_left3A_735 = vector.broadcast %shift_left3A_734 : i32 to vector<200x64xi32>
    %shift_left3A_736 = arith.shli %slice3A_733, %shift_left3A_735 : vector<200x64xi32>
    %bitcast_convert_type3A_737 = tpu.bitcast %shift_left3A_736 : vector<200x64xi32> -> vector<200x64xf32>
    %and3A_738 = arith.constant -65536 : i32
    %and3A_739 = vector.broadcast %and3A_738 : i32 to vector<200x64xi32>
    %and3A_740 = arith.andi %slice3A_733, %and3A_739 : vector<200x64xi32>
    %bitcast_convert_type3A_741 = tpu.bitcast %and3A_740 : vector<200x64xi32> -> vector<200x64xf32>
    %slice3A_742 = vector.extract_strided_slice %get3A_1 {offsets = [0, 128], sizes = [200, 64], strides = [1, 1]} : vector<200x512xf32> to vector<200x64xf32>
    %sub3A_743 = arith.subf %slice3A_742, %bitcast_convert_type3A_737 : vector<200x64xf32>
    %mul3A_744 = vector.broadcast %squeeze3A_732 : vector<200x1xf32> to vector<200x64xf32>
    %mul3A_745 = arith.mulf %mul3A_744, %sub3A_743 : vector<200x64xf32>
    %add3A_746 = arith.addf %add3A_725, %mul3A_745 : vector<200x64xf32>
    %slice3A_747 = vector.extract_strided_slice %get3A_1 {offsets = [0, 192], sizes = [200, 64], strides = [1, 1]} : vector<200x512xf32> to vector<200x64xf32>
    %sub3A_748 = arith.subf %slice3A_747, %bitcast_convert_type3A_741 : vector<200x64xf32>
    %mul3A_749 = vector.broadcast %squeeze3A_732 : vector<200x1xf32> to vector<200x64xf32>
    %mul3A_750 = arith.mulf %mul3A_749, %sub3A_748 : vector<200x64xf32>
    %add3A_751 = arith.addf %add3A_730, %mul3A_750 : vector<200x64xf32>
    %slice3A_752 = vector.extract_strided_slice %get3A_7 {offsets = [2, 0, 15], sizes = [1, 200, 1], strides = [1, 1, 1]} : vector<4x200x16xf32> to vector<1x200x1xf32>
    %squeeze3A_753 = vector.shape_cast %slice3A_752 : vector<1x200x1xf32> to vector<200x1xf32>
    %slice3A_754 = vector.extract_strided_slice %get3A_705 {offsets = [0, 0], sizes = [200, 64], strides = [1, 1]} : vector<200x128xi32> to vector<200x64xi32>
    %shift_left3A_755 = arith.constant 16 : i32
    %shift_left3A_756 = vector.broadcast %shift_left3A_755 : i32 to vector<200x64xi32>
    %shift_left3A_757 = arith.shli %slice3A_754, %shift_left3A_756 : vector<200x64xi32>
    %bitcast_convert_type3A_758 = tpu.bitcast %shift_left3A_757 : vector<200x64xi32> -> vector<200x64xf32>
    %and3A_759 = arith.constant -65536 : i32
    %and3A_760 = vector.broadcast %and3A_759 : i32 to vector<200x64xi32>
    %and3A_761 = arith.andi %slice3A_754, %and3A_760 : vector<200x64xi32>
    %bitcast_convert_type3A_762 = tpu.bitcast %and3A_761 : vector<200x64xi32> -> vector<200x64xf32>
    %slice3A_763 = vector.extract_strided_slice %get3A_1 {offsets = [0, 256], sizes = [200, 64], strides = [1, 1]} : vector<200x512xf32> to vector<200x64xf32>
    %sub3A_764 = arith.subf %slice3A_763, %bitcast_convert_type3A_758 : vector<200x64xf32>
    %mul3A_765 = vector.broadcast %squeeze3A_753 : vector<200x1xf32> to vector<200x64xf32>
    %mul3A_766 = arith.mulf %mul3A_765, %sub3A_764 : vector<200x64xf32>
    %add3A_767 = arith.addf %add3A_746, %mul3A_766 : vector<200x64xf32>
    %slice3A_768 = vector.extract_strided_slice %get3A_1 {offsets = [0, 320], sizes = [200, 64], strides = [1, 1]} : vector<200x512xf32> to vector<200x64xf32>
    %sub3A_769 = arith.subf %slice3A_768, %bitcast_convert_type3A_762 : vector<200x64xf32>
    %mul3A_770 = vector.broadcast %squeeze3A_753 : vector<200x1xf32> to vector<200x64xf32>
    %mul3A_771 = arith.mulf %mul3A_770, %sub3A_769 : vector<200x64xf32>
    %add3A_772 = arith.addf %add3A_751, %mul3A_771 : vector<200x64xf32>
    %slice3A_773 = vector.extract_strided_slice %get3A_7 {offsets = [3, 0, 15], sizes = [1, 200, 1], strides = [1, 1, 1]} : vector<4x200x16xf32> to vector<1x200x1xf32>
    %squeeze3A_774 = vector.shape_cast %slice3A_773 : vector<1x200x1xf32> to vector<200x1xf32>
    %slice3A_775 = vector.extract_strided_slice %get3A_705 {offsets = [0, 64], sizes = [200, 64], strides = [1, 1]} : vector<200x128xi32> to vector<200x64xi32>
    %shift_left3A_776 = arith.constant 16 : i32
    %shift_left3A_777 = vector.broadcast %shift_left3A_776 : i32 to vector<200x64xi32>
    %shift_left3A_778 = arith.shli %slice3A_775, %shift_left3A_777 : vector<200x64xi32>
    %bitcast_convert_type3A_779 = tpu.bitcast %shift_left3A_778 : vector<200x64xi32> -> vector<200x64xf32>
    %and3A_780 = arith.constant -65536 : i32
    %and3A_781 = vector.broadcast %and3A_780 : i32 to vector<200x64xi32>
    %and3A_782 = arith.andi %slice3A_775, %and3A_781 : vector<200x64xi32>
    %bitcast_convert_type3A_783 = tpu.bitcast %and3A_782 : vector<200x64xi32> -> vector<200x64xf32>
    %slice3A_784 = vector.extract_strided_slice %get3A_1 {offsets = [0, 384], sizes = [200, 64], strides = [1, 1]} : vector<200x512xf32> to vector<200x64xf32>
    %sub3A_785 = arith.subf %slice3A_784, %bitcast_convert_type3A_779 : vector<200x64xf32>
    %mul3A_786 = vector.broadcast %squeeze3A_774 : vector<200x1xf32> to vector<200x64xf32>
    %mul3A_787 = arith.mulf %mul3A_786, %sub3A_785 : vector<200x64xf32>
    %add3A_788 = arith.addf %add3A_767, %mul3A_787 : vector<200x64xf32>
    %slice3A_789 = vector.extract_strided_slice %get3A_1 {offsets = [0, 448], sizes = [200, 64], strides = [1, 1]} : vector<200x512xf32> to vector<200x64xf32>
    %sub3A_790 = arith.subf %slice3A_789, %bitcast_convert_type3A_783 : vector<200x64xf32>
    %mul3A_791 = vector.broadcast %squeeze3A_774 : vector<200x1xf32> to vector<200x64xf32>
    %mul3A_792 = arith.mulf %mul3A_791, %sub3A_790 : vector<200x64xf32>
    %add3A_793 = arith.addf %add3A_772, %mul3A_792 : vector<200x64xf32>
    %max3A_794 = arith.maximumf %max3A_694, %add3A_788 : vector<200x64xf32>
    %max3A_795 = arith.maximumf %max3A_695, %add3A_793 : vector<200x64xf32>
    %get3A_796 = arith.constant 0 : index
    %get3A_797 = arith.constant 0 : index
    %get3A_798 = vector.load %arg5[%get3A_796, %get3A_797] : memref<1x128xf32, #tpu.memory_space<vmem>>, vector<1x128xf32>
    %slice3A_799 = vector.extract_strided_slice %get3A_798 {offsets = [0, 0], sizes = [1, 64], strides = [1, 1]} : vector<1x128xf32> to vector<1x64xf32>
    %add3A_800 = vector.broadcast %slice3A_799 : vector<1x64xf32> to vector<200x64xf32>
    %add3A_801 = arith.addf %max3A_794, %add3A_800 : vector<200x64xf32>
    %swap3A = arith.constant 0 : index
    %swap3A_802 = arith.constant 0 : index
    %swap3A_803 = vector.load %arg6[%swap3A, %swap3A_802] : memref<200x128xf32, #tpu.memory_space<vmem>>, vector<200x64xf32>
    tpu.vector_store %arg6[%swap3A, %swap3A_802], %add3A_801 {strides = array<i32>} : memref<200x128xf32, #tpu.memory_space<vmem>>, vector<200x64xf32>,
    %slice3A_804 = vector.extract_strided_slice %get3A_798 {offsets = [0, 64], sizes = [1, 64], strides = [1, 1]} : vector<1x128xf32> to vector<1x64xf32>
    %add3A_805 = vector.broadcast %slice3A_804 : vector<1x64xf32> to vector<200x64xf32>
    %add3A_806 = arith.addf %max3A_795, %add3A_805 : vector<200x64xf32>
    %swap3A_807 = arith.constant 0 : index
    %swap3A_808 = arith.constant 64 : index
    %swap3A_809 = vector.load %arg6[%swap3A_807, %swap3A_808] : memref<200x128xf32, #tpu.memory_space<vmem>>, vector<200x64xf32>
    tpu.vector_store %arg6[%swap3A_807, %swap3A_808], %add3A_806 {strides = array<i32>} : memref<200x128xf32, #tpu.memory_space<vmem>>, vector<200x64xf32>,
    return
  }
  func.func @transform_0(%arg0: i32) -> (i32, i32) {
    %c0_i32 = arith.constant 0 : i32
    %c0_i32_0 = arith.constant 0 : i32
    return %arg0, %c0_i32 : i32, i32
  }
  func.func @transform_1(%arg0: i32) -> (i32, i32, i32) {
    %c0_i32 = arith.constant 0 : i32
    %c0_i32_0 = arith.constant 0 : i32
    %c0_i32_1 = arith.constant 0 : i32
    return %c0_i32, %arg0, %c0_i32_0 : i32, i32, i32
  }
  func.func @transform_2(%arg0: i32) -> (i32, i32, i32) {
    %c0_i32 = arith.constant 0 : i32
    %c0_i32_0 = arith.constant 0 : i32
    %c0_i32_1 = arith.constant 0 : i32
    return %c0_i32, %arg0, %c0_i32_0 : i32, i32, i32
  }
  func.func @transform_3(%arg0: i32) -> (i32, i32, i32, i32) {
    %c0_i32 = arith.constant 0 : i32
    %c0_i32_0 = arith.constant 0 : i32
    %c0_i32_1 = arith.constant 0 : i32
    %c0_i32_2 = arith.constant 0 : i32
    return %c0_i32, %c0_i32_0, %arg0, %c0_i32_1 : i32, i32, i32, i32
  }
  func.func @transform_4(%arg0: i32) -> (i32, i32) {
    %c0_i32 = arith.constant 0 : i32
    %c0_i32_0 = arith.constant 0 : i32
    %c0_i32_1 = arith.constant 0 : i32
    return %c0_i32, %c0_i32_0 : i32, i32
  }
  func.func @transform_5(%arg0: i32) -> (i32, i32) {
    %c0_i32 = arith.constant 0 : i32
    %c0_i32_0 = arith.constant 0 : i32
    return %arg0, %c0_i32 : i32, i32
  }
}

module attributes {stable_mosaic.version = 14 : i64} {
  func.func @_edge_body(%arg0: i32, %arg1: memref<200x512xf32, #tpu.memory_space<vmem>>, %arg2: memref<8x200x128xi32, #tpu.memory_space<vmem>>, %arg3: memref<8x200x128xi32, #tpu.memory_space<vmem>>, %arg4: memref<1x4x200x16xf32, #tpu.memory_space<vmem>>, %arg5: memref<1x128xf32, #tpu.memory_space<vmem>>, %arg6: memref<200x128xf32, #tpu.memory_space<vmem>>) attributes {dimension_semantics = [#tpu.dimension_semantics<arbitrary>], iteration_bounds = array<i64: 50>, scalar_prefetch = 0 : i64, scratch_operands = 0 : i64, tpu.core_type = #tpu.core_type<tc>, window_params = [{transform_indices = @transform_0, window_bounds = array<i64: 200, 512>}, {transform_indices = @transform_1, window_bounds = array<i64: 8, 200, 128>}, {transform_indices = @transform_2, window_bounds = array<i64: 8, 200, 128>}, {transform_indices = @transform_3, window_bounds = array<i64: 1, 4, 200, 16>}, {pipeline_mode = #tpu.pipeline_mode<synchronous>, transform_indices = @transform_4, window_bounds = array<i64: 1, 128>}, {transform_indices = @transform_5, window_bounds = array<i64: 200, 128>}]} {
    %get3A = arith.constant 0 : index
    %get3A_0 = arith.constant 0 : index
    %get3A_1 = vector.load %arg1[%get3A, %get3A_0] : memref<200x512xf32, #tpu.memory_space<vmem>>, vector<200x512xf32>
    %get3A_2 = arith.constant 0 : index
    %get3A_3 = arith.constant 0 : index
    %get3A_4 = arith.constant 0 : index
    %get3A_5 = arith.constant 0 : index
    %get3A_6 = vector.load %arg4[%get3A_2, %get3A_3, %get3A_4, %get3A_5] : memref<1x4x200x16xf32, #tpu.memory_space<vmem>>, vector<1x4x200x16xf32>
    %get3A_7 = vector.shape_cast %get3A_6 : vector<1x4x200x16xf32> to vector<4x200x16xf32>
    %get3A_8 = arith.constant 0 : index
    %get3A_9 = arith.constant 0 : index
    %get3A_10 = arith.constant 0 : index
    %get3A_11 = vector.load %arg2[%get3A_8, %get3A_9, %get3A_10] : memref<8x200x128xi32, #tpu.memory_space<vmem>>, vector<1x200x128xi32>
    %get3A_12 = vector.shape_cast %get3A_11 : vector<1x200x128xi32> to vector<200x128xi32>
    %get3A_13 = arith.constant 0 : index
    %get3A_14 = arith.constant 0 : index
    %get3A_15 = arith.constant 0 : index
    %get3A_16 = vector.load %arg3[%get3A_13, %get3A_14, %get3A_15] : memref<8x200x128xi32, #tpu.memory_space<vmem>>, vector<1x200x128xi32>
    %get3A_17 = vector.shape_cast %get3A_16 : vector<1x200x128xi32> to vector<200x128xi32>
    %broadcast_in_dim3A = arith.constant 0.000000e+00 : f32
    %broadcast_in_dim3A_18 = vector.broadcast %broadcast_in_dim3A : f32 to vector<200x64xf32>
    %broadcast_in_dim3A_19 = arith.constant 0.000000e+00 : f32
    %broadcast_in_dim3A_20 = vector.broadcast %broadcast_in_dim3A_19 : f32 to vector<200x64xf32>
    %slice3A = vector.extract_strided_slice %get3A_7 {offsets = [0, 0, 0], sizes = [1, 200, 1], strides = [1, 1, 1]} : vector<4x200x16xf32> to vector<1x200x1xf32>
    %squeeze3A = vector.shape_cast %slice3A : vector<1x200x1xf32> to vector<200x1xf32>
    %slice3A_21 = vector.extract_strided_slice %get3A_12 {offsets = [0, 0], sizes = [200, 64], strides = [1, 1]} : vector<200x128xi32> to vector<200x64xi32>
    %shift_left3A = arith.constant 16 : i32
    %shift_left3A_22 = vector.broadcast %shift_left3A : i32 to vector<200x64xi32>
    %shift_left3A_23 = arith.shli %slice3A_21, %shift_left3A_22 : vector<200x64xi32>
    %bitcast_convert_type3A = tpu.bitcast %shift_left3A_23 : vector<200x64xi32> -> vector<200x64xf32>
    %and3A = arith.constant -65536 : i32
    %and3A_24 = vector.broadcast %and3A : i32 to vector<200x64xi32>
    %and3A_25 = arith.andi %slice3A_21, %and3A_24 : vector<200x64xi32>
    %bitcast_convert_type3A_26 = tpu.bitcast %and3A_25 : vector<200x64xi32> -> vector<200x64xf32>
    %slice3A_27 = vector.extract_strided_slice %get3A_1 {offsets = [0, 0], sizes = [200, 64], strides = [1, 1]} : vector<200x512xf32> to vector<200x64xf32>
    %sub3A = arith.subf %slice3A_27, %bitcast_convert_type3A : vector<200x64xf32>
    %mul3A = vector.broadcast %squeeze3A : vector<200x1xf32> to vector<200x64xf32>
    %mul3A_28 = arith.mulf %mul3A, %sub3A : vector<200x64xf32>
    %add3A = arith.addf %broadcast_in_dim3A_18, %mul3A_28 : vector<200x64xf32>
    %slice3A_29 = vector.extract_strided_slice %get3A_1 {offsets = [0, 64], sizes = [200, 64], strides = [1, 1]} : vector<200x512xf32> to vector<200x64xf32>
    %sub3A_30 = arith.subf %slice3A_29, %bitcast_convert_type3A_26 : vector<200x64xf32>
    %mul3A_31 = vector.broadcast %squeeze3A : vector<200x1xf32> to vector<200x64xf32>
    %mul3A_32 = arith.mulf %mul3A_31, %sub3A_30 : vector<200x64xf32>
    %add3A_33 = arith.addf %broadcast_in_dim3A_20, %mul3A_32 : vector<200x64xf32>
    %slice3A_34 = vector.extract_strided_slice %get3A_7 {offsets = [1, 0, 0], sizes = [1, 200, 1], strides = [1, 1, 1]} : vector<4x200x16xf32> to vector<1x200x1xf32>
    %squeeze3A_35 = vector.shape_cast %slice3A_34 : vector<1x200x1xf32> to vector<200x1xf32>
    %slice3A_36 = vector.extract_strided_slice %get3A_12 {offsets = [0, 64], sizes = [200, 64], strides = [1, 1]} : vector<200x128xi32> to vector<200x64xi32>
    %shift_left3A_37 = arith.constant 16 : i32
    %shift_left3A_38 = vector.broadcast %shift_left3A_37 : i32 to vector<200x64xi32>
    %shift_left3A_39 = arith.shli %slice3A_36, %shift_left3A_38 : vector<200x64xi32>
    %bitcast_convert_type3A_40 = tpu.bitcast %shift_left3A_39 : vector<200x64xi32> -> vector<200x64xf32>
    %and3A_41 = arith.constant -65536 : i32
    %and3A_42 = vector.broadcast %and3A_41 : i32 to vector<200x64xi32>
    %and3A_43 = arith.andi %slice3A_36, %and3A_42 : vector<200x64xi32>
    %bitcast_convert_type3A_44 = tpu.bitcast %and3A_43 : vector<200x64xi32> -> vector<200x64xf32>
    %slice3A_45 = vector.extract_strided_slice %get3A_1 {offsets = [0, 128], sizes = [200, 64], strides = [1, 1]} : vector<200x512xf32> to vector<200x64xf32>
    %sub3A_46 = arith.subf %slice3A_45, %bitcast_convert_type3A_40 : vector<200x64xf32>
    %mul3A_47 = vector.broadcast %squeeze3A_35 : vector<200x1xf32> to vector<200x64xf32>
    %mul3A_48 = arith.mulf %mul3A_47, %sub3A_46 : vector<200x64xf32>
    %add3A_49 = arith.addf %add3A, %mul3A_48 : vector<200x64xf32>
    %slice3A_50 = vector.extract_strided_slice %get3A_1 {offsets = [0, 192], sizes = [200, 64], strides = [1, 1]} : vector<200x512xf32> to vector<200x64xf32>
    %sub3A_51 = arith.subf %slice3A_50, %bitcast_convert_type3A_44 : vector<200x64xf32>
    %mul3A_52 = vector.broadcast %squeeze3A_35 : vector<200x1xf32> to vector<200x64xf32>
    %mul3A_53 = arith.mulf %mul3A_52, %sub3A_51 : vector<200x64xf32>
    %add3A_54 = arith.addf %add3A_33, %mul3A_53 : vector<200x64xf32>
    %slice3A_55 = vector.extract_strided_slice %get3A_7 {offsets = [2, 0, 0], sizes = [1, 200, 1], strides = [1, 1, 1]} : vector<4x200x16xf32> to vector<1x200x1xf32>
    %squeeze3A_56 = vector.shape_cast %slice3A_55 : vector<1x200x1xf32> to vector<200x1xf32>
    %slice3A_57 = vector.extract_strided_slice %get3A_17 {offsets = [0, 0], sizes = [200, 64], strides = [1, 1]} : vector<200x128xi32> to vector<200x64xi32>
    %shift_left3A_58 = arith.constant 16 : i32
    %shift_left3A_59 = vector.broadcast %shift_left3A_58 : i32 to vector<200x64xi32>
    %shift_left3A_60 = arith.shli %slice3A_57, %shift_left3A_59 : vector<200x64xi32>
    %bitcast_convert_type3A_61 = tpu.bitcast %shift_left3A_60 : vector<200x64xi32> -> vector<200x64xf32>
    %and3A_62 = arith.constant -65536 : i32
    %and3A_63 = vector.broadcast %and3A_62 : i32 to vector<200x64xi32>
    %and3A_64 = arith.andi %slice3A_57, %and3A_63 : vector<200x64xi32>
    %bitcast_convert_type3A_65 = tpu.bitcast %and3A_64 : vector<200x64xi32> -> vector<200x64xf32>
    %slice3A_66 = vector.extract_strided_slice %get3A_1 {offsets = [0, 256], sizes = [200, 64], strides = [1, 1]} : vector<200x512xf32> to vector<200x64xf32>
    %sub3A_67 = arith.subf %slice3A_66, %bitcast_convert_type3A_61 : vector<200x64xf32>
    %mul3A_68 = vector.broadcast %squeeze3A_56 : vector<200x1xf32> to vector<200x64xf32>
    %mul3A_69 = arith.mulf %mul3A_68, %sub3A_67 : vector<200x64xf32>
    %add3A_70 = arith.addf %add3A_49, %mul3A_69 : vector<200x64xf32>
    %slice3A_71 = vector.extract_strided_slice %get3A_1 {offsets = [0, 320], sizes = [200, 64], strides = [1, 1]} : vector<200x512xf32> to vector<200x64xf32>
    %sub3A_72 = arith.subf %slice3A_71, %bitcast_convert_type3A_65 : vector<200x64xf32>
    %mul3A_73 = vector.broadcast %squeeze3A_56 : vector<200x1xf32> to vector<200x64xf32>
    %mul3A_74 = arith.mulf %mul3A_73, %sub3A_72 : vector<200x64xf32>
    %add3A_75 = arith.addf %add3A_54, %mul3A_74 : vector<200x64xf32>
    %slice3A_76 = vector.extract_strided_slice %get3A_7 {offsets = [3, 0, 0], sizes = [1, 200, 1], strides = [1, 1, 1]} : vector<4x200x16xf32> to vector<1x200x1xf32>
    %squeeze3A_77 = vector.shape_cast %slice3A_76 : vector<1x200x1xf32> to vector<200x1xf32>
    %slice3A_78 = vector.extract_strided_slice %get3A_17 {offsets = [0, 64], sizes = [200, 64], strides = [1, 1]} : vector<200x128xi32> to vector<200x64xi32>
    %shift_left3A_79 = arith.constant 16 : i32
    %shift_left3A_80 = vector.broadcast %shift_left3A_79 : i32 to vector<200x64xi32>
    %shift_left3A_81 = arith.shli %slice3A_78, %shift_left3A_80 : vector<200x64xi32>
    %bitcast_convert_type3A_82 = tpu.bitcast %shift_left3A_81 : vector<200x64xi32> -> vector<200x64xf32>
    %and3A_83 = arith.constant -65536 : i32
    %and3A_84 = vector.broadcast %and3A_83 : i32 to vector<200x64xi32>
    %and3A_85 = arith.andi %slice3A_78, %and3A_84 : vector<200x64xi32>
    %bitcast_convert_type3A_86 = tpu.bitcast %and3A_85 : vector<200x64xi32> -> vector<200x64xf32>
    %slice3A_87 = vector.extract_strided_slice %get3A_1 {offsets = [0, 384], sizes = [200, 64], strides = [1, 1]} : vector<200x512xf32> to vector<200x64xf32>
    %sub3A_88 = arith.subf %slice3A_87, %bitcast_convert_type3A_82 : vector<200x64xf32>
    %mul3A_89 = vector.broadcast %squeeze3A_77 : vector<200x1xf32> to vector<200x64xf32>
    %mul3A_90 = arith.mulf %mul3A_89, %sub3A_88 : vector<200x64xf32>
    %add3A_91 = arith.addf %add3A_70, %mul3A_90 : vector<200x64xf32>
    %slice3A_92 = vector.extract_strided_slice %get3A_1 {offsets = [0, 448], sizes = [200, 64], strides = [1, 1]} : vector<200x512xf32> to vector<200x64xf32>
    %sub3A_93 = arith.subf %slice3A_92, %bitcast_convert_type3A_86 : vector<200x64xf32>
    %mul3A_94 = vector.broadcast %squeeze3A_77 : vector<200x1xf32> to vector<200x64xf32>
    %mul3A_95 = arith.mulf %mul3A_94, %sub3A_93 : vector<200x64xf32>
    %add3A_96 = arith.addf %add3A_75, %mul3A_95 : vector<200x64xf32>
    %get3A_97 = arith.constant 1 : index
    %get3A_98 = arith.constant 0 : index
    %get3A_99 = arith.constant 0 : index
    %get3A_100 = vector.load %arg2[%get3A_97, %get3A_98, %get3A_99] : memref<8x200x128xi32, #tpu.memory_space<vmem>>, vector<1x200x128xi32>
    %get3A_101 = vector.shape_cast %get3A_100 : vector<1x200x128xi32> to vector<200x128xi32>
    %get3A_102 = arith.constant 1 : index
    %get3A_103 = arith.constant 0 : index
    %get3A_104 = arith.constant 0 : index
    %get3A_105 = vector.load %arg3[%get3A_102, %get3A_103, %get3A_104] : memref<8x200x128xi32, #tpu.memory_space<vmem>>, vector<1x200x128xi32>
    %get3A_106 = vector.shape_cast %get3A_105 : vector<1x200x128xi32> to vector<200x128xi32>
    %broadcast_in_dim3A_107 = arith.constant 0.000000e+00 : f32
    %broadcast_in_dim3A_108 = vector.broadcast %broadcast_in_dim3A_107 : f32 to vector<200x64xf32>
    %broadcast_in_dim3A_109 = arith.constant 0.000000e+00 : f32
    %broadcast_in_dim3A_110 = vector.broadcast %broadcast_in_dim3A_109 : f32 to vector<200x64xf32>
    %slice3A_111 = vector.extract_strided_slice %get3A_7 {offsets = [0, 0, 1], sizes = [1, 200, 1], strides = [1, 1, 1]} : vector<4x200x16xf32> to vector<1x200x1xf32>
    %squeeze3A_112 = vector.shape_cast %slice3A_111 : vector<1x200x1xf32> to vector<200x1xf32>
    %slice3A_113 = vector.extract_strided_slice %get3A_101 {offsets = [0, 0], sizes = [200, 64], strides = [1, 1]} : vector<200x128xi32> to vector<200x64xi32>
    %shift_left3A_114 = arith.constant 16 : i32
    %shift_left3A_115 = vector.broadcast %shift_left3A_114 : i32 to vector<200x64xi32>
    %shift_left3A_116 = arith.shli %slice3A_113, %shift_left3A_115 : vector<200x64xi32>
    %bitcast_convert_type3A_117 = tpu.bitcast %shift_left3A_116 : vector<200x64xi32> -> vector<200x64xf32>
    %and3A_118 = arith.constant -65536 : i32
    %and3A_119 = vector.broadcast %and3A_118 : i32 to vector<200x64xi32>
    %and3A_120 = arith.andi %slice3A_113, %and3A_119 : vector<200x64xi32>
    %bitcast_convert_type3A_121 = tpu.bitcast %and3A_120 : vector<200x64xi32> -> vector<200x64xf32>
    %slice3A_122 = vector.extract_strided_slice %get3A_1 {offsets = [0, 0], sizes = [200, 64], strides = [1, 1]} : vector<200x512xf32> to vector<200x64xf32>
    %sub3A_123 = arith.subf %slice3A_122, %bitcast_convert_type3A_117 : vector<200x64xf32>
    %mul3A_124 = vector.broadcast %squeeze3A_112 : vector<200x1xf32> to vector<200x64xf32>
    %mul3A_125 = arith.mulf %mul3A_124, %sub3A_123 : vector<200x64xf32>
    %add3A_126 = arith.addf %broadcast_in_dim3A_108, %mul3A_125 : vector<200x64xf32>
    %slice3A_127 = vector.extract_strided_slice %get3A_1 {offsets = [0, 64], sizes = [200, 64], strides = [1, 1]} : vector<200x512xf32> to vector<200x64xf32>
    %sub3A_128 = arith.subf %slice3A_127, %bitcast_convert_type3A_121 : vector<200x64xf32>
    %mul3A_129 = vector.broadcast %squeeze3A_112 : vector<200x1xf32> to vector<200x64xf32>
    %mul3A_130 = arith.mulf %mul3A_129, %sub3A_128 : vector<200x64xf32>
    %add3A_131 = arith.addf %broadcast_in_dim3A_110, %mul3A_130 : vector<200x64xf32>
    %slice3A_132 = vector.extract_strided_slice %get3A_7 {offsets = [1, 0, 1], sizes = [1, 200, 1], strides = [1, 1, 1]} : vector<4x200x16xf32> to vector<1x200x1xf32>
    %squeeze3A_133 = vector.shape_cast %slice3A_132 : vector<1x200x1xf32> to vector<200x1xf32>
    %slice3A_134 = vector.extract_strided_slice %get3A_101 {offsets = [0, 64], sizes = [200, 64], strides = [1, 1]} : vector<200x128xi32> to vector<200x64xi32>
    %shift_left3A_135 = arith.constant 16 : i32
    %shift_left3A_136 = vector.broadcast %shift_left3A_135 : i32 to vector<200x64xi32>
    %shift_left3A_137 = arith.shli %slice3A_134, %shift_left3A_136 : vector<200x64xi32>
    %bitcast_convert_type3A_138 = tpu.bitcast %shift_left3A_137 : vector<200x64xi32> -> vector<200x64xf32>
    %and3A_139 = arith.constant -65536 : i32
    %and3A_140 = vector.broadcast %and3A_139 : i32 to vector<200x64xi32>
    %and3A_141 = arith.andi %slice3A_134, %and3A_140 : vector<200x64xi32>
    %bitcast_convert_type3A_142 = tpu.bitcast %and3A_141 : vector<200x64xi32> -> vector<200x64xf32>
    %slice3A_143 = vector.extract_strided_slice %get3A_1 {offsets = [0, 128], sizes = [200, 64], strides = [1, 1]} : vector<200x512xf32> to vector<200x64xf32>
    %sub3A_144 = arith.subf %slice3A_143, %bitcast_convert_type3A_138 : vector<200x64xf32>
    %mul3A_145 = vector.broadcast %squeeze3A_133 : vector<200x1xf32> to vector<200x64xf32>
    %mul3A_146 = arith.mulf %mul3A_145, %sub3A_144 : vector<200x64xf32>
    %add3A_147 = arith.addf %add3A_126, %mul3A_146 : vector<200x64xf32>
    %slice3A_148 = vector.extract_strided_slice %get3A_1 {offsets = [0, 192], sizes = [200, 64], strides = [1, 1]} : vector<200x512xf32> to vector<200x64xf32>
    %sub3A_149 = arith.subf %slice3A_148, %bitcast_convert_type3A_142 : vector<200x64xf32>
    %mul3A_150 = vector.broadcast %squeeze3A_133 : vector<200x1xf32> to vector<200x64xf32>
    %mul3A_151 = arith.mulf %mul3A_150, %sub3A_149 : vector<200x64xf32>
    %add3A_152 = arith.addf %add3A_131, %mul3A_151 : vector<200x64xf32>
    %slice3A_153 = vector.extract_strided_slice %get3A_7 {offsets = [2, 0, 1], sizes = [1, 200, 1], strides = [1, 1, 1]} : vector<4x200x16xf32> to vector<1x200x1xf32>
    %squeeze3A_154 = vector.shape_cast %slice3A_153 : vector<1x200x1xf32> to vector<200x1xf32>
    %slice3A_155 = vector.extract_strided_slice %get3A_106 {offsets = [0, 0], sizes = [200, 64], strides = [1, 1]} : vector<200x128xi32> to vector<200x64xi32>
    %shift_left3A_156 = arith.constant 16 : i32
    %shift_left3A_157 = vector.broadcast %shift_left3A_156 : i32 to vector<200x64xi32>
    %shift_left3A_158 = arith.shli %slice3A_155, %shift_left3A_157 : vector<200x64xi32>
    %bitcast_convert_type3A_159 = tpu.bitcast %shift_left3A_158 : vector<200x64xi32> -> vector<200x64xf32>
    %and3A_160 = arith.constant -65536 : i32
    %and3A_161 = vector.broadcast %and3A_160 : i32 to vector<200x64xi32>
    %and3A_162 = arith.andi %slice3A_155, %and3A_161 : vector<200x64xi32>
    %bitcast_convert_type3A_163 = tpu.bitcast %and3A_162 : vector<200x64xi32> -> vector<200x64xf32>
    %slice3A_164 = vector.extract_strided_slice %get3A_1 {offsets = [0, 256], sizes = [200, 64], strides = [1, 1]} : vector<200x512xf32> to vector<200x64xf32>
    %sub3A_165 = arith.subf %slice3A_164, %bitcast_convert_type3A_159 : vector<200x64xf32>
    %mul3A_166 = vector.broadcast %squeeze3A_154 : vector<200x1xf32> to vector<200x64xf32>
    %mul3A_167 = arith.mulf %mul3A_166, %sub3A_165 : vector<200x64xf32>
    %add3A_168 = arith.addf %add3A_147, %mul3A_167 : vector<200x64xf32>
    %slice3A_169 = vector.extract_strided_slice %get3A_1 {offsets = [0, 320], sizes = [200, 64], strides = [1, 1]} : vector<200x512xf32> to vector<200x64xf32>
    %sub3A_170 = arith.subf %slice3A_169, %bitcast_convert_type3A_163 : vector<200x64xf32>
    %mul3A_171 = vector.broadcast %squeeze3A_154 : vector<200x1xf32> to vector<200x64xf32>
    %mul3A_172 = arith.mulf %mul3A_171, %sub3A_170 : vector<200x64xf32>
    %add3A_173 = arith.addf %add3A_152, %mul3A_172 : vector<200x64xf32>
    %slice3A_174 = vector.extract_strided_slice %get3A_7 {offsets = [3, 0, 1], sizes = [1, 200, 1], strides = [1, 1, 1]} : vector<4x200x16xf32> to vector<1x200x1xf32>
    %squeeze3A_175 = vector.shape_cast %slice3A_174 : vector<1x200x1xf32> to vector<200x1xf32>
    %slice3A_176 = vector.extract_strided_slice %get3A_106 {offsets = [0, 64], sizes = [200, 64], strides = [1, 1]} : vector<200x128xi32> to vector<200x64xi32>
    %shift_left3A_177 = arith.constant 16 : i32
    %shift_left3A_178 = vector.broadcast %shift_left3A_177 : i32 to vector<200x64xi32>
    %shift_left3A_179 = arith.shli %slice3A_176, %shift_left3A_178 : vector<200x64xi32>
    %bitcast_convert_type3A_180 = tpu.bitcast %shift_left3A_179 : vector<200x64xi32> -> vector<200x64xf32>
    %and3A_181 = arith.constant -65536 : i32
    %and3A_182 = vector.broadcast %and3A_181 : i32 to vector<200x64xi32>
    %and3A_183 = arith.andi %slice3A_176, %and3A_182 : vector<200x64xi32>
    %bitcast_convert_type3A_184 = tpu.bitcast %and3A_183 : vector<200x64xi32> -> vector<200x64xf32>
    %slice3A_185 = vector.extract_strided_slice %get3A_1 {offsets = [0, 384], sizes = [200, 64], strides = [1, 1]} : vector<200x512xf32> to vector<200x64xf32>
    %sub3A_186 = arith.subf %slice3A_185, %bitcast_convert_type3A_180 : vector<200x64xf32>
    %mul3A_187 = vector.broadcast %squeeze3A_175 : vector<200x1xf32> to vector<200x64xf32>
    %mul3A_188 = arith.mulf %mul3A_187, %sub3A_186 : vector<200x64xf32>
    %add3A_189 = arith.addf %add3A_168, %mul3A_188 : vector<200x64xf32>
    %slice3A_190 = vector.extract_strided_slice %get3A_1 {offsets = [0, 448], sizes = [200, 64], strides = [1, 1]} : vector<200x512xf32> to vector<200x64xf32>
    %sub3A_191 = arith.subf %slice3A_190, %bitcast_convert_type3A_184 : vector<200x64xf32>
    %mul3A_192 = vector.broadcast %squeeze3A_175 : vector<200x1xf32> to vector<200x64xf32>
    %mul3A_193 = arith.mulf %mul3A_192, %sub3A_191 : vector<200x64xf32>
    %add3A_194 = arith.addf %add3A_173, %mul3A_193 : vector<200x64xf32>
    %max3A = arith.maximumf %add3A_91, %add3A_189 : vector<200x64xf32>
    %max3A_195 = arith.maximumf %add3A_96, %add3A_194 : vector<200x64xf32>
    %get3A_196 = arith.constant 2 : index
    %get3A_197 = arith.constant 0 : index
    %get3A_198 = arith.constant 0 : index
    %get3A_199 = vector.load %arg2[%get3A_196, %get3A_197, %get3A_198] : memref<8x200x128xi32, #tpu.memory_space<vmem>>, vector<1x200x128xi32>
    %get3A_200 = vector.shape_cast %get3A_199 : vector<1x200x128xi32> to vector<200x128xi32>
    %get3A_201 = arith.constant 2 : index
    %get3A_202 = arith.constant 0 : index
    %get3A_203 = arith.constant 0 : index
    %get3A_204 = vector.load %arg3[%get3A_201, %get3A_202, %get3A_203] : memref<8x200x128xi32, #tpu.memory_space<vmem>>, vector<1x200x128xi32>
    %get3A_205 = vector.shape_cast %get3A_204 : vector<1x200x128xi32> to vector<200x128xi32>
    %broadcast_in_dim3A_206 = arith.constant 0.000000e+00 : f32
    %broadcast_in_dim3A_207 = vector.broadcast %broadcast_in_dim3A_206 : f32 to vector<200x64xf32>
    %broadcast_in_dim3A_208 = arith.constant 0.000000e+00 : f32
    %broadcast_in_dim3A_209 = vector.broadcast %broadcast_in_dim3A_208 : f32 to vector<200x64xf32>
    %slice3A_210 = vector.extract_strided_slice %get3A_7 {offsets = [0, 0, 2], sizes = [1, 200, 1], strides = [1, 1, 1]} : vector<4x200x16xf32> to vector<1x200x1xf32>
    %squeeze3A_211 = vector.shape_cast %slice3A_210 : vector<1x200x1xf32> to vector<200x1xf32>
    %slice3A_212 = vector.extract_strided_slice %get3A_200 {offsets = [0, 0], sizes = [200, 64], strides = [1, 1]} : vector<200x128xi32> to vector<200x64xi32>
    %shift_left3A_213 = arith.constant 16 : i32
    %shift_left3A_214 = vector.broadcast %shift_left3A_213 : i32 to vector<200x64xi32>
    %shift_left3A_215 = arith.shli %slice3A_212, %shift_left3A_214 : vector<200x64xi32>
    %bitcast_convert_type3A_216 = tpu.bitcast %shift_left3A_215 : vector<200x64xi32> -> vector<200x64xf32>
    %and3A_217 = arith.constant -65536 : i32
    %and3A_218 = vector.broadcast %and3A_217 : i32 to vector<200x64xi32>
    %and3A_219 = arith.andi %slice3A_212, %and3A_218 : vector<200x64xi32>
    %bitcast_convert_type3A_220 = tpu.bitcast %and3A_219 : vector<200x64xi32> -> vector<200x64xf32>
    %slice3A_221 = vector.extract_strided_slice %get3A_1 {offsets = [0, 0], sizes = [200, 64], strides = [1, 1]} : vector<200x512xf32> to vector<200x64xf32>
    %sub3A_222 = arith.subf %slice3A_221, %bitcast_convert_type3A_216 : vector<200x64xf32>
    %mul3A_223 = vector.broadcast %squeeze3A_211 : vector<200x1xf32> to vector<200x64xf32>
    %mul3A_224 = arith.mulf %mul3A_223, %sub3A_222 : vector<200x64xf32>
    %add3A_225 = arith.addf %broadcast_in_dim3A_207, %mul3A_224 : vector<200x64xf32>
    %slice3A_226 = vector.extract_strided_slice %get3A_1 {offsets = [0, 64], sizes = [200, 64], strides = [1, 1]} : vector<200x512xf32> to vector<200x64xf32>
    %sub3A_227 = arith.subf %slice3A_226, %bitcast_convert_type3A_220 : vector<200x64xf32>
    %mul3A_228 = vector.broadcast %squeeze3A_211 : vector<200x1xf32> to vector<200x64xf32>
    %mul3A_229 = arith.mulf %mul3A_228, %sub3A_227 : vector<200x64xf32>
    %add3A_230 = arith.addf %broadcast_in_dim3A_209, %mul3A_229 : vector<200x64xf32>
    %slice3A_231 = vector.extract_strided_slice %get3A_7 {offsets = [1, 0, 2], sizes = [1, 200, 1], strides = [1, 1, 1]} : vector<4x200x16xf32> to vector<1x200x1xf32>
    %squeeze3A_232 = vector.shape_cast %slice3A_231 : vector<1x200x1xf32> to vector<200x1xf32>
    %slice3A_233 = vector.extract_strided_slice %get3A_200 {offsets = [0, 64], sizes = [200, 64], strides = [1, 1]} : vector<200x128xi32> to vector<200x64xi32>
    %shift_left3A_234 = arith.constant 16 : i32
    %shift_left3A_235 = vector.broadcast %shift_left3A_234 : i32 to vector<200x64xi32>
    %shift_left3A_236 = arith.shli %slice3A_233, %shift_left3A_235 : vector<200x64xi32>
    %bitcast_convert_type3A_237 = tpu.bitcast %shift_left3A_236 : vector<200x64xi32> -> vector<200x64xf32>
    %and3A_238 = arith.constant -65536 : i32
    %and3A_239 = vector.broadcast %and3A_238 : i32 to vector<200x64xi32>
    %and3A_240 = arith.andi %slice3A_233, %and3A_239 : vector<200x64xi32>
    %bitcast_convert_type3A_241 = tpu.bitcast %and3A_240 : vector<200x64xi32> -> vector<200x64xf32>
    %slice3A_242 = vector.extract_strided_slice %get3A_1 {offsets = [0, 128], sizes = [200, 64], strides = [1, 1]} : vector<200x512xf32> to vector<200x64xf32>
    %sub3A_243 = arith.subf %slice3A_242, %bitcast_convert_type3A_237 : vector<200x64xf32>
    %mul3A_244 = vector.broadcast %squeeze3A_232 : vector<200x1xf32> to vector<200x64xf32>
    %mul3A_245 = arith.mulf %mul3A_244, %sub3A_243 : vector<200x64xf32>
    %add3A_246 = arith.addf %add3A_225, %mul3A_245 : vector<200x64xf32>
    %slice3A_247 = vector.extract_strided_slice %get3A_1 {offsets = [0, 192], sizes = [200, 64], strides = [1, 1]} : vector<200x512xf32> to vector<200x64xf32>
    %sub3A_248 = arith.subf %slice3A_247, %bitcast_convert_type3A_241 : vector<200x64xf32>
    %mul3A_249 = vector.broadcast %squeeze3A_232 : vector<200x1xf32> to vector<200x64xf32>
    %mul3A_250 = arith.mulf %mul3A_249, %sub3A_248 : vector<200x64xf32>
    %add3A_251 = arith.addf %add3A_230, %mul3A_250 : vector<200x64xf32>
    %slice3A_252 = vector.extract_strided_slice %get3A_7 {offsets = [2, 0, 2], sizes = [1, 200, 1], strides = [1, 1, 1]} : vector<4x200x16xf32> to vector<1x200x1xf32>
    %squeeze3A_253 = vector.shape_cast %slice3A_252 : vector<1x200x1xf32> to vector<200x1xf32>
    %slice3A_254 = vector.extract_strided_slice %get3A_205 {offsets = [0, 0], sizes = [200, 64], strides = [1, 1]} : vector<200x128xi32> to vector<200x64xi32>
    %shift_left3A_255 = arith.constant 16 : i32
    %shift_left3A_256 = vector.broadcast %shift_left3A_255 : i32 to vector<200x64xi32>
    %shift_left3A_257 = arith.shli %slice3A_254, %shift_left3A_256 : vector<200x64xi32>
    %bitcast_convert_type3A_258 = tpu.bitcast %shift_left3A_257 : vector<200x64xi32> -> vector<200x64xf32>
    %and3A_259 = arith.constant -65536 : i32
    %and3A_260 = vector.broadcast %and3A_259 : i32 to vector<200x64xi32>
    %and3A_261 = arith.andi %slice3A_254, %and3A_260 : vector<200x64xi32>
    %bitcast_convert_type3A_262 = tpu.bitcast %and3A_261 : vector<200x64xi32> -> vector<200x64xf32>
    %slice3A_263 = vector.extract_strided_slice %get3A_1 {offsets = [0, 256], sizes = [200, 64], strides = [1, 1]} : vector<200x512xf32> to vector<200x64xf32>
    %sub3A_264 = arith.subf %slice3A_263, %bitcast_convert_type3A_258 : vector<200x64xf32>
    %mul3A_265 = vector.broadcast %squeeze3A_253 : vector<200x1xf32> to vector<200x64xf32>
    %mul3A_266 = arith.mulf %mul3A_265, %sub3A_264 : vector<200x64xf32>
    %add3A_267 = arith.addf %add3A_246, %mul3A_266 : vector<200x64xf32>
    %slice3A_268 = vector.extract_strided_slice %get3A_1 {offsets = [0, 320], sizes = [200, 64], strides = [1, 1]} : vector<200x512xf32> to vector<200x64xf32>
    %sub3A_269 = arith.subf %slice3A_268, %bitcast_convert_type3A_262 : vector<200x64xf32>
    %mul3A_270 = vector.broadcast %squeeze3A_253 : vector<200x1xf32> to vector<200x64xf32>
    %mul3A_271 = arith.mulf %mul3A_270, %sub3A_269 : vector<200x64xf32>
    %add3A_272 = arith.addf %add3A_251, %mul3A_271 : vector<200x64xf32>
    %slice3A_273 = vector.extract_strided_slice %get3A_7 {offsets = [3, 0, 2], sizes = [1, 200, 1], strides = [1, 1, 1]} : vector<4x200x16xf32> to vector<1x200x1xf32>
    %squeeze3A_274 = vector.shape_cast %slice3A_273 : vector<1x200x1xf32> to vector<200x1xf32>
    %slice3A_275 = vector.extract_strided_slice %get3A_205 {offsets = [0, 64], sizes = [200, 64], strides = [1, 1]} : vector<200x128xi32> to vector<200x64xi32>
    %shift_left3A_276 = arith.constant 16 : i32
    %shift_left3A_277 = vector.broadcast %shift_left3A_276 : i32 to vector<200x64xi32>
    %shift_left3A_278 = arith.shli %slice3A_275, %shift_left3A_277 : vector<200x64xi32>
    %bitcast_convert_type3A_279 = tpu.bitcast %shift_left3A_278 : vector<200x64xi32> -> vector<200x64xf32>
    %and3A_280 = arith.constant -65536 : i32
    %and3A_281 = vector.broadcast %and3A_280 : i32 to vector<200x64xi32>
    %and3A_282 = arith.andi %slice3A_275, %and3A_281 : vector<200x64xi32>
    %bitcast_convert_type3A_283 = tpu.bitcast %and3A_282 : vector<200x64xi32> -> vector<200x64xf32>
    %slice3A_284 = vector.extract_strided_slice %get3A_1 {offsets = [0, 384], sizes = [200, 64], strides = [1, 1]} : vector<200x512xf32> to vector<200x64xf32>
    %sub3A_285 = arith.subf %slice3A_284, %bitcast_convert_type3A_279 : vector<200x64xf32>
    %mul3A_286 = vector.broadcast %squeeze3A_274 : vector<200x1xf32> to vector<200x64xf32>
    %mul3A_287 = arith.mulf %mul3A_286, %sub3A_285 : vector<200x64xf32>
    %add3A_288 = arith.addf %add3A_267, %mul3A_287 : vector<200x64xf32>
    %slice3A_289 = vector.extract_strided_slice %get3A_1 {offsets = [0, 448], sizes = [200, 64], strides = [1, 1]} : vector<200x512xf32> to vector<200x64xf32>
    %sub3A_290 = arith.subf %slice3A_289, %bitcast_convert_type3A_283 : vector<200x64xf32>
    %mul3A_291 = vector.broadcast %squeeze3A_274 : vector<200x1xf32> to vector<200x64xf32>
    %mul3A_292 = arith.mulf %mul3A_291, %sub3A_290 : vector<200x64xf32>
    %add3A_293 = arith.addf %add3A_272, %mul3A_292 : vector<200x64xf32>
    %max3A_294 = arith.maximumf %max3A, %add3A_288 : vector<200x64xf32>
    %max3A_295 = arith.maximumf %max3A_195, %add3A_293 : vector<200x64xf32>
    %get3A_296 = arith.constant 3 : index
    %get3A_297 = arith.constant 0 : index
    %get3A_298 = arith.constant 0 : index
    %get3A_299 = vector.load %arg2[%get3A_296, %get3A_297, %get3A_298] : memref<8x200x128xi32, #tpu.memory_space<vmem>>, vector<1x200x128xi32>
    %get3A_300 = vector.shape_cast %get3A_299 : vector<1x200x128xi32> to vector<200x128xi32>
    %get3A_301 = arith.constant 3 : index
    %get3A_302 = arith.constant 0 : index
    %get3A_303 = arith.constant 0 : index
    %get3A_304 = vector.load %arg3[%get3A_301, %get3A_302, %get3A_303] : memref<8x200x128xi32, #tpu.memory_space<vmem>>, vector<1x200x128xi32>
    %get3A_305 = vector.shape_cast %get3A_304 : vector<1x200x128xi32> to vector<200x128xi32>
    %broadcast_in_dim3A_306 = arith.constant 0.000000e+00 : f32
    %broadcast_in_dim3A_307 = vector.broadcast %broadcast_in_dim3A_306 : f32 to vector<200x64xf32>
    %broadcast_in_dim3A_308 = arith.constant 0.000000e+00 : f32
    %broadcast_in_dim3A_309 = vector.broadcast %broadcast_in_dim3A_308 : f32 to vector<200x64xf32>
    %slice3A_310 = vector.extract_strided_slice %get3A_7 {offsets = [0, 0, 3], sizes = [1, 200, 1], strides = [1, 1, 1]} : vector<4x200x16xf32> to vector<1x200x1xf32>
    %squeeze3A_311 = vector.shape_cast %slice3A_310 : vector<1x200x1xf32> to vector<200x1xf32>
    %slice3A_312 = vector.extract_strided_slice %get3A_300 {offsets = [0, 0], sizes = [200, 64], strides = [1, 1]} : vector<200x128xi32> to vector<200x64xi32>
    %shift_left3A_313 = arith.constant 16 : i32
    %shift_left3A_314 = vector.broadcast %shift_left3A_313 : i32 to vector<200x64xi32>
    %shift_left3A_315 = arith.shli %slice3A_312, %shift_left3A_314 : vector<200x64xi32>
    %bitcast_convert_type3A_316 = tpu.bitcast %shift_left3A_315 : vector<200x64xi32> -> vector<200x64xf32>
    %and3A_317 = arith.constant -65536 : i32
    %and3A_318 = vector.broadcast %and3A_317 : i32 to vector<200x64xi32>
    %and3A_319 = arith.andi %slice3A_312, %and3A_318 : vector<200x64xi32>
    %bitcast_convert_type3A_320 = tpu.bitcast %and3A_319 : vector<200x64xi32> -> vector<200x64xf32>
    %slice3A_321 = vector.extract_strided_slice %get3A_1 {offsets = [0, 0], sizes = [200, 64], strides = [1, 1]} : vector<200x512xf32> to vector<200x64xf32>
    %sub3A_322 = arith.subf %slice3A_321, %bitcast_convert_type3A_316 : vector<200x64xf32>
    %mul3A_323 = vector.broadcast %squeeze3A_311 : vector<200x1xf32> to vector<200x64xf32>
    %mul3A_324 = arith.mulf %mul3A_323, %sub3A_322 : vector<200x64xf32>
    %add3A_325 = arith.addf %broadcast_in_dim3A_307, %mul3A_324 : vector<200x64xf32>
    %slice3A_326 = vector.extract_strided_slice %get3A_1 {offsets = [0, 64], sizes = [200, 64], strides = [1, 1]} : vector<200x512xf32> to vector<200x64xf32>
    %sub3A_327 = arith.subf %slice3A_326, %bitcast_convert_type3A_320 : vector<200x64xf32>
    %mul3A_328 = vector.broadcast %squeeze3A_311 : vector<200x1xf32> to vector<200x64xf32>
    %mul3A_329 = arith.mulf %mul3A_328, %sub3A_327 : vector<200x64xf32>
    %add3A_330 = arith.addf %broadcast_in_dim3A_309, %mul3A_329 : vector<200x64xf32>
    %slice3A_331 = vector.extract_strided_slice %get3A_7 {offsets = [1, 0, 3], sizes = [1, 200, 1], strides = [1, 1, 1]} : vector<4x200x16xf32> to vector<1x200x1xf32>
    %squeeze3A_332 = vector.shape_cast %slice3A_331 : vector<1x200x1xf32> to vector<200x1xf32>
    %slice3A_333 = vector.extract_strided_slice %get3A_300 {offsets = [0, 64], sizes = [200, 64], strides = [1, 1]} : vector<200x128xi32> to vector<200x64xi32>
    %shift_left3A_334 = arith.constant 16 : i32
    %shift_left3A_335 = vector.broadcast %shift_left3A_334 : i32 to vector<200x64xi32>
    %shift_left3A_336 = arith.shli %slice3A_333, %shift_left3A_335 : vector<200x64xi32>
    %bitcast_convert_type3A_337 = tpu.bitcast %shift_left3A_336 : vector<200x64xi32> -> vector<200x64xf32>
    %and3A_338 = arith.constant -65536 : i32
    %and3A_339 = vector.broadcast %and3A_338 : i32 to vector<200x64xi32>
    %and3A_340 = arith.andi %slice3A_333, %and3A_339 : vector<200x64xi32>
    %bitcast_convert_type3A_341 = tpu.bitcast %and3A_340 : vector<200x64xi32> -> vector<200x64xf32>
    %slice3A_342 = vector.extract_strided_slice %get3A_1 {offsets = [0, 128], sizes = [200, 64], strides = [1, 1]} : vector<200x512xf32> to vector<200x64xf32>
    %sub3A_343 = arith.subf %slice3A_342, %bitcast_convert_type3A_337 : vector<200x64xf32>
    %mul3A_344 = vector.broadcast %squeeze3A_332 : vector<200x1xf32> to vector<200x64xf32>
    %mul3A_345 = arith.mulf %mul3A_344, %sub3A_343 : vector<200x64xf32>
    %add3A_346 = arith.addf %add3A_325, %mul3A_345 : vector<200x64xf32>
    %slice3A_347 = vector.extract_strided_slice %get3A_1 {offsets = [0, 192], sizes = [200, 64], strides = [1, 1]} : vector<200x512xf32> to vector<200x64xf32>
    %sub3A_348 = arith.subf %slice3A_347, %bitcast_convert_type3A_341 : vector<200x64xf32>
    %mul3A_349 = vector.broadcast %squeeze3A_332 : vector<200x1xf32> to vector<200x64xf32>
    %mul3A_350 = arith.mulf %mul3A_349, %sub3A_348 : vector<200x64xf32>
    %add3A_351 = arith.addf %add3A_330, %mul3A_350 : vector<200x64xf32>
    %slice3A_352 = vector.extract_strided_slice %get3A_7 {offsets = [2, 0, 3], sizes = [1, 200, 1], strides = [1, 1, 1]} : vector<4x200x16xf32> to vector<1x200x1xf32>
    %squeeze3A_353 = vector.shape_cast %slice3A_352 : vector<1x200x1xf32> to vector<200x1xf32>
    %slice3A_354 = vector.extract_strided_slice %get3A_305 {offsets = [0, 0], sizes = [200, 64], strides = [1, 1]} : vector<200x128xi32> to vector<200x64xi32>
    %shift_left3A_355 = arith.constant 16 : i32
    %shift_left3A_356 = vector.broadcast %shift_left3A_355 : i32 to vector<200x64xi32>
    %shift_left3A_357 = arith.shli %slice3A_354, %shift_left3A_356 : vector<200x64xi32>
    %bitcast_convert_type3A_358 = tpu.bitcast %shift_left3A_357 : vector<200x64xi32> -> vector<200x64xf32>
    %and3A_359 = arith.constant -65536 : i32
    %and3A_360 = vector.broadcast %and3A_359 : i32 to vector<200x64xi32>
    %and3A_361 = arith.andi %slice3A_354, %and3A_360 : vector<200x64xi32>
    %bitcast_convert_type3A_362 = tpu.bitcast %and3A_361 : vector<200x64xi32> -> vector<200x64xf32>
    %slice3A_363 = vector.extract_strided_slice %get3A_1 {offsets = [0, 256], sizes = [200, 64], strides = [1, 1]} : vector<200x512xf32> to vector<200x64xf32>
    %sub3A_364 = arith.subf %slice3A_363, %bitcast_convert_type3A_358 : vector<200x64xf32>
    %mul3A_365 = vector.broadcast %squeeze3A_353 : vector<200x1xf32> to vector<200x64xf32>
    %mul3A_366 = arith.mulf %mul3A_365, %sub3A_364 : vector<200x64xf32>
    %add3A_367 = arith.addf %add3A_346, %mul3A_366 : vector<200x64xf32>
    %slice3A_368 = vector.extract_strided_slice %get3A_1 {offsets = [0, 320], sizes = [200, 64], strides = [1, 1]} : vector<200x512xf32> to vector<200x64xf32>
    %sub3A_369 = arith.subf %slice3A_368, %bitcast_convert_type3A_362 : vector<200x64xf32>
    %mul3A_370 = vector.broadcast %squeeze3A_353 : vector<200x1xf32> to vector<200x64xf32>
    %mul3A_371 = arith.mulf %mul3A_370, %sub3A_369 : vector<200x64xf32>
    %add3A_372 = arith.addf %add3A_351, %mul3A_371 : vector<200x64xf32>
    %slice3A_373 = vector.extract_strided_slice %get3A_7 {offsets = [3, 0, 3], sizes = [1, 200, 1], strides = [1, 1, 1]} : vector<4x200x16xf32> to vector<1x200x1xf32>
    %squeeze3A_374 = vector.shape_cast %slice3A_373 : vector<1x200x1xf32> to vector<200x1xf32>
    %slice3A_375 = vector.extract_strided_slice %get3A_305 {offsets = [0, 64], sizes = [200, 64], strides = [1, 1]} : vector<200x128xi32> to vector<200x64xi32>
    %shift_left3A_376 = arith.constant 16 : i32
    %shift_left3A_377 = vector.broadcast %shift_left3A_376 : i32 to vector<200x64xi32>
    %shift_left3A_378 = arith.shli %slice3A_375, %shift_left3A_377 : vector<200x64xi32>
    %bitcast_convert_type3A_379 = tpu.bitcast %shift_left3A_378 : vector<200x64xi32> -> vector<200x64xf32>
    %and3A_380 = arith.constant -65536 : i32
    %and3A_381 = vector.broadcast %and3A_380 : i32 to vector<200x64xi32>
    %and3A_382 = arith.andi %slice3A_375, %and3A_381 : vector<200x64xi32>
    %bitcast_convert_type3A_383 = tpu.bitcast %and3A_382 : vector<200x64xi32> -> vector<200x64xf32>
    %slice3A_384 = vector.extract_strided_slice %get3A_1 {offsets = [0, 384], sizes = [200, 64], strides = [1, 1]} : vector<200x512xf32> to vector<200x64xf32>
    %sub3A_385 = arith.subf %slice3A_384, %bitcast_convert_type3A_379 : vector<200x64xf32>
    %mul3A_386 = vector.broadcast %squeeze3A_374 : vector<200x1xf32> to vector<200x64xf32>
    %mul3A_387 = arith.mulf %mul3A_386, %sub3A_385 : vector<200x64xf32>
    %add3A_388 = arith.addf %add3A_367, %mul3A_387 : vector<200x64xf32>
    %slice3A_389 = vector.extract_strided_slice %get3A_1 {offsets = [0, 448], sizes = [200, 64], strides = [1, 1]} : vector<200x512xf32> to vector<200x64xf32>
    %sub3A_390 = arith.subf %slice3A_389, %bitcast_convert_type3A_383 : vector<200x64xf32>
    %mul3A_391 = vector.broadcast %squeeze3A_374 : vector<200x1xf32> to vector<200x64xf32>
    %mul3A_392 = arith.mulf %mul3A_391, %sub3A_390 : vector<200x64xf32>
    %add3A_393 = arith.addf %add3A_372, %mul3A_392 : vector<200x64xf32>
    %max3A_394 = arith.maximumf %max3A_294, %add3A_388 : vector<200x64xf32>
    %max3A_395 = arith.maximumf %max3A_295, %add3A_393 : vector<200x64xf32>
    %get3A_396 = arith.constant 4 : index
    %get3A_397 = arith.constant 0 : index
    %get3A_398 = arith.constant 0 : index
    %get3A_399 = vector.load %arg2[%get3A_396, %get3A_397, %get3A_398] : memref<8x200x128xi32, #tpu.memory_space<vmem>>, vector<1x200x128xi32>
    %get3A_400 = vector.shape_cast %get3A_399 : vector<1x200x128xi32> to vector<200x128xi32>
    %get3A_401 = arith.constant 4 : index
    %get3A_402 = arith.constant 0 : index
    %get3A_403 = arith.constant 0 : index
    %get3A_404 = vector.load %arg3[%get3A_401, %get3A_402, %get3A_403] : memref<8x200x128xi32, #tpu.memory_space<vmem>>, vector<1x200x128xi32>
    %get3A_405 = vector.shape_cast %get3A_404 : vector<1x200x128xi32> to vector<200x128xi32>
    %broadcast_in_dim3A_406 = arith.constant 0.000000e+00 : f32
    %broadcast_in_dim3A_407 = vector.broadcast %broadcast_in_dim3A_406 : f32 to vector<200x64xf32>
    %broadcast_in_dim3A_408 = arith.constant 0.000000e+00 : f32
    %broadcast_in_dim3A_409 = vector.broadcast %broadcast_in_dim3A_408 : f32 to vector<200x64xf32>
    %slice3A_410 = vector.extract_strided_slice %get3A_7 {offsets = [0, 0, 4], sizes = [1, 200, 1], strides = [1, 1, 1]} : vector<4x200x16xf32> to vector<1x200x1xf32>
    %squeeze3A_411 = vector.shape_cast %slice3A_410 : vector<1x200x1xf32> to vector<200x1xf32>
    %slice3A_412 = vector.extract_strided_slice %get3A_400 {offsets = [0, 0], sizes = [200, 64], strides = [1, 1]} : vector<200x128xi32> to vector<200x64xi32>
    %shift_left3A_413 = arith.constant 16 : i32
    %shift_left3A_414 = vector.broadcast %shift_left3A_413 : i32 to vector<200x64xi32>
    %shift_left3A_415 = arith.shli %slice3A_412, %shift_left3A_414 : vector<200x64xi32>
    %bitcast_convert_type3A_416 = tpu.bitcast %shift_left3A_415 : vector<200x64xi32> -> vector<200x64xf32>
    %and3A_417 = arith.constant -65536 : i32
    %and3A_418 = vector.broadcast %and3A_417 : i32 to vector<200x64xi32>
    %and3A_419 = arith.andi %slice3A_412, %and3A_418 : vector<200x64xi32>
    %bitcast_convert_type3A_420 = tpu.bitcast %and3A_419 : vector<200x64xi32> -> vector<200x64xf32>
    %slice3A_421 = vector.extract_strided_slice %get3A_1 {offsets = [0, 0], sizes = [200, 64], strides = [1, 1]} : vector<200x512xf32> to vector<200x64xf32>
    %sub3A_422 = arith.subf %slice3A_421, %bitcast_convert_type3A_416 : vector<200x64xf32>
    %mul3A_423 = vector.broadcast %squeeze3A_411 : vector<200x1xf32> to vector<200x64xf32>
    %mul3A_424 = arith.mulf %mul3A_423, %sub3A_422 : vector<200x64xf32>
    %add3A_425 = arith.addf %broadcast_in_dim3A_407, %mul3A_424 : vector<200x64xf32>
    %slice3A_426 = vector.extract_strided_slice %get3A_1 {offsets = [0, 64], sizes = [200, 64], strides = [1, 1]} : vector<200x512xf32> to vector<200x64xf32>
    %sub3A_427 = arith.subf %slice3A_426, %bitcast_convert_type3A_420 : vector<200x64xf32>
    %mul3A_428 = vector.broadcast %squeeze3A_411 : vector<200x1xf32> to vector<200x64xf32>
    %mul3A_429 = arith.mulf %mul3A_428, %sub3A_427 : vector<200x64xf32>
    %add3A_430 = arith.addf %broadcast_in_dim3A_409, %mul3A_429 : vector<200x64xf32>
    %slice3A_431 = vector.extract_strided_slice %get3A_7 {offsets = [1, 0, 4], sizes = [1, 200, 1], strides = [1, 1, 1]} : vector<4x200x16xf32> to vector<1x200x1xf32>
    %squeeze3A_432 = vector.shape_cast %slice3A_431 : vector<1x200x1xf32> to vector<200x1xf32>
    %slice3A_433 = vector.extract_strided_slice %get3A_400 {offsets = [0, 64], sizes = [200, 64], strides = [1, 1]} : vector<200x128xi32> to vector<200x64xi32>
    %shift_left3A_434 = arith.constant 16 : i32
    %shift_left3A_435 = vector.broadcast %shift_left3A_434 : i32 to vector<200x64xi32>
    %shift_left3A_436 = arith.shli %slice3A_433, %shift_left3A_435 : vector<200x64xi32>
    %bitcast_convert_type3A_437 = tpu.bitcast %shift_left3A_436 : vector<200x64xi32> -> vector<200x64xf32>
    %and3A_438 = arith.constant -65536 : i32
    %and3A_439 = vector.broadcast %and3A_438 : i32 to vector<200x64xi32>
    %and3A_440 = arith.andi %slice3A_433, %and3A_439 : vector<200x64xi32>
    %bitcast_convert_type3A_441 = tpu.bitcast %and3A_440 : vector<200x64xi32> -> vector<200x64xf32>
    %slice3A_442 = vector.extract_strided_slice %get3A_1 {offsets = [0, 128], sizes = [200, 64], strides = [1, 1]} : vector<200x512xf32> to vector<200x64xf32>
    %sub3A_443 = arith.subf %slice3A_442, %bitcast_convert_type3A_437 : vector<200x64xf32>
    %mul3A_444 = vector.broadcast %squeeze3A_432 : vector<200x1xf32> to vector<200x64xf32>
    %mul3A_445 = arith.mulf %mul3A_444, %sub3A_443 : vector<200x64xf32>
    %add3A_446 = arith.addf %add3A_425, %mul3A_445 : vector<200x64xf32>
    %slice3A_447 = vector.extract_strided_slice %get3A_1 {offsets = [0, 192], sizes = [200, 64], strides = [1, 1]} : vector<200x512xf32> to vector<200x64xf32>
    %sub3A_448 = arith.subf %slice3A_447, %bitcast_convert_type3A_441 : vector<200x64xf32>
    %mul3A_449 = vector.broadcast %squeeze3A_432 : vector<200x1xf32> to vector<200x64xf32>
    %mul3A_450 = arith.mulf %mul3A_449, %sub3A_448 : vector<200x64xf32>
    %add3A_451 = arith.addf %add3A_430, %mul3A_450 : vector<200x64xf32>
    %slice3A_452 = vector.extract_strided_slice %get3A_7 {offsets = [2, 0, 4], sizes = [1, 200, 1], strides = [1, 1, 1]} : vector<4x200x16xf32> to vector<1x200x1xf32>
    %squeeze3A_453 = vector.shape_cast %slice3A_452 : vector<1x200x1xf32> to vector<200x1xf32>
    %slice3A_454 = vector.extract_strided_slice %get3A_405 {offsets = [0, 0], sizes = [200, 64], strides = [1, 1]} : vector<200x128xi32> to vector<200x64xi32>
    %shift_left3A_455 = arith.constant 16 : i32
    %shift_left3A_456 = vector.broadcast %shift_left3A_455 : i32 to vector<200x64xi32>
    %shift_left3A_457 = arith.shli %slice3A_454, %shift_left3A_456 : vector<200x64xi32>
    %bitcast_convert_type3A_458 = tpu.bitcast %shift_left3A_457 : vector<200x64xi32> -> vector<200x64xf32>
    %and3A_459 = arith.constant -65536 : i32
    %and3A_460 = vector.broadcast %and3A_459 : i32 to vector<200x64xi32>
    %and3A_461 = arith.andi %slice3A_454, %and3A_460 : vector<200x64xi32>
    %bitcast_convert_type3A_462 = tpu.bitcast %and3A_461 : vector<200x64xi32> -> vector<200x64xf32>
    %slice3A_463 = vector.extract_strided_slice %get3A_1 {offsets = [0, 256], sizes = [200, 64], strides = [1, 1]} : vector<200x512xf32> to vector<200x64xf32>
    %sub3A_464 = arith.subf %slice3A_463, %bitcast_convert_type3A_458 : vector<200x64xf32>
    %mul3A_465 = vector.broadcast %squeeze3A_453 : vector<200x1xf32> to vector<200x64xf32>
    %mul3A_466 = arith.mulf %mul3A_465, %sub3A_464 : vector<200x64xf32>
    %add3A_467 = arith.addf %add3A_446, %mul3A_466 : vector<200x64xf32>
    %slice3A_468 = vector.extract_strided_slice %get3A_1 {offsets = [0, 320], sizes = [200, 64], strides = [1, 1]} : vector<200x512xf32> to vector<200x64xf32>
    %sub3A_469 = arith.subf %slice3A_468, %bitcast_convert_type3A_462 : vector<200x64xf32>
    %mul3A_470 = vector.broadcast %squeeze3A_453 : vector<200x1xf32> to vector<200x64xf32>
    %mul3A_471 = arith.mulf %mul3A_470, %sub3A_469 : vector<200x64xf32>
    %add3A_472 = arith.addf %add3A_451, %mul3A_471 : vector<200x64xf32>
    %slice3A_473 = vector.extract_strided_slice %get3A_7 {offsets = [3, 0, 4], sizes = [1, 200, 1], strides = [1, 1, 1]} : vector<4x200x16xf32> to vector<1x200x1xf32>
    %squeeze3A_474 = vector.shape_cast %slice3A_473 : vector<1x200x1xf32> to vector<200x1xf32>
    %slice3A_475 = vector.extract_strided_slice %get3A_405 {offsets = [0, 64], sizes = [200, 64], strides = [1, 1]} : vector<200x128xi32> to vector<200x64xi32>
    %shift_left3A_476 = arith.constant 16 : i32
    %shift_left3A_477 = vector.broadcast %shift_left3A_476 : i32 to vector<200x64xi32>
    %shift_left3A_478 = arith.shli %slice3A_475, %shift_left3A_477 : vector<200x64xi32>
    %bitcast_convert_type3A_479 = tpu.bitcast %shift_left3A_478 : vector<200x64xi32> -> vector<200x64xf32>
    %and3A_480 = arith.constant -65536 : i32
    %and3A_481 = vector.broadcast %and3A_480 : i32 to vector<200x64xi32>
    %and3A_482 = arith.andi %slice3A_475, %and3A_481 : vector<200x64xi32>
    %bitcast_convert_type3A_483 = tpu.bitcast %and3A_482 : vector<200x64xi32> -> vector<200x64xf32>
    %slice3A_484 = vector.extract_strided_slice %get3A_1 {offsets = [0, 384], sizes = [200, 64], strides = [1, 1]} : vector<200x512xf32> to vector<200x64xf32>
    %sub3A_485 = arith.subf %slice3A_484, %bitcast_convert_type3A_479 : vector<200x64xf32>
    %mul3A_486 = vector.broadcast %squeeze3A_474 : vector<200x1xf32> to vector<200x64xf32>
    %mul3A_487 = arith.mulf %mul3A_486, %sub3A_485 : vector<200x64xf32>
    %add3A_488 = arith.addf %add3A_467, %mul3A_487 : vector<200x64xf32>
    %slice3A_489 = vector.extract_strided_slice %get3A_1 {offsets = [0, 448], sizes = [200, 64], strides = [1, 1]} : vector<200x512xf32> to vector<200x64xf32>
    %sub3A_490 = arith.subf %slice3A_489, %bitcast_convert_type3A_483 : vector<200x64xf32>
    %mul3A_491 = vector.broadcast %squeeze3A_474 : vector<200x1xf32> to vector<200x64xf32>
    %mul3A_492 = arith.mulf %mul3A_491, %sub3A_490 : vector<200x64xf32>
    %add3A_493 = arith.addf %add3A_472, %mul3A_492 : vector<200x64xf32>
    %max3A_494 = arith.maximumf %max3A_394, %add3A_488 : vector<200x64xf32>
    %max3A_495 = arith.maximumf %max3A_395, %add3A_493 : vector<200x64xf32>
    %get3A_496 = arith.constant 5 : index
    %get3A_497 = arith.constant 0 : index
    %get3A_498 = arith.constant 0 : index
    %get3A_499 = vector.load %arg2[%get3A_496, %get3A_497, %get3A_498] : memref<8x200x128xi32, #tpu.memory_space<vmem>>, vector<1x200x128xi32>
    %get3A_500 = vector.shape_cast %get3A_499 : vector<1x200x128xi32> to vector<200x128xi32>
    %get3A_501 = arith.constant 5 : index
    %get3A_502 = arith.constant 0 : index
    %get3A_503 = arith.constant 0 : index
    %get3A_504 = vector.load %arg3[%get3A_501, %get3A_502, %get3A_503] : memref<8x200x128xi32, #tpu.memory_space<vmem>>, vector<1x200x128xi32>
    %get3A_505 = vector.shape_cast %get3A_504 : vector<1x200x128xi32> to vector<200x128xi32>
    %broadcast_in_dim3A_506 = arith.constant 0.000000e+00 : f32
    %broadcast_in_dim3A_507 = vector.broadcast %broadcast_in_dim3A_506 : f32 to vector<200x64xf32>
    %broadcast_in_dim3A_508 = arith.constant 0.000000e+00 : f32
    %broadcast_in_dim3A_509 = vector.broadcast %broadcast_in_dim3A_508 : f32 to vector<200x64xf32>
    %slice3A_510 = vector.extract_strided_slice %get3A_7 {offsets = [0, 0, 5], sizes = [1, 200, 1], strides = [1, 1, 1]} : vector<4x200x16xf32> to vector<1x200x1xf32>
    %squeeze3A_511 = vector.shape_cast %slice3A_510 : vector<1x200x1xf32> to vector<200x1xf32>
    %slice3A_512 = vector.extract_strided_slice %get3A_500 {offsets = [0, 0], sizes = [200, 64], strides = [1, 1]} : vector<200x128xi32> to vector<200x64xi32>
    %shift_left3A_513 = arith.constant 16 : i32
    %shift_left3A_514 = vector.broadcast %shift_left3A_513 : i32 to vector<200x64xi32>
    %shift_left3A_515 = arith.shli %slice3A_512, %shift_left3A_514 : vector<200x64xi32>
    %bitcast_convert_type3A_516 = tpu.bitcast %shift_left3A_515 : vector<200x64xi32> -> vector<200x64xf32>
    %and3A_517 = arith.constant -65536 : i32
    %and3A_518 = vector.broadcast %and3A_517 : i32 to vector<200x64xi32>
    %and3A_519 = arith.andi %slice3A_512, %and3A_518 : vector<200x64xi32>
    %bitcast_convert_type3A_520 = tpu.bitcast %and3A_519 : vector<200x64xi32> -> vector<200x64xf32>
    %slice3A_521 = vector.extract_strided_slice %get3A_1 {offsets = [0, 0], sizes = [200, 64], strides = [1, 1]} : vector<200x512xf32> to vector<200x64xf32>
    %sub3A_522 = arith.subf %slice3A_521, %bitcast_convert_type3A_516 : vector<200x64xf32>
    %mul3A_523 = vector.broadcast %squeeze3A_511 : vector<200x1xf32> to vector<200x64xf32>
    %mul3A_524 = arith.mulf %mul3A_523, %sub3A_522 : vector<200x64xf32>
    %add3A_525 = arith.addf %broadcast_in_dim3A_507, %mul3A_524 : vector<200x64xf32>
    %slice3A_526 = vector.extract_strided_slice %get3A_1 {offsets = [0, 64], sizes = [200, 64], strides = [1, 1]} : vector<200x512xf32> to vector<200x64xf32>
    %sub3A_527 = arith.subf %slice3A_526, %bitcast_convert_type3A_520 : vector<200x64xf32>
    %mul3A_528 = vector.broadcast %squeeze3A_511 : vector<200x1xf32> to vector<200x64xf32>
    %mul3A_529 = arith.mulf %mul3A_528, %sub3A_527 : vector<200x64xf32>
    %add3A_530 = arith.addf %broadcast_in_dim3A_509, %mul3A_529 : vector<200x64xf32>
    %slice3A_531 = vector.extract_strided_slice %get3A_7 {offsets = [1, 0, 5], sizes = [1, 200, 1], strides = [1, 1, 1]} : vector<4x200x16xf32> to vector<1x200x1xf32>
    %squeeze3A_532 = vector.shape_cast %slice3A_531 : vector<1x200x1xf32> to vector<200x1xf32>
    %slice3A_533 = vector.extract_strided_slice %get3A_500 {offsets = [0, 64], sizes = [200, 64], strides = [1, 1]} : vector<200x128xi32> to vector<200x64xi32>
    %shift_left3A_534 = arith.constant 16 : i32
    %shift_left3A_535 = vector.broadcast %shift_left3A_534 : i32 to vector<200x64xi32>
    %shift_left3A_536 = arith.shli %slice3A_533, %shift_left3A_535 : vector<200x64xi32>
    %bitcast_convert_type3A_537 = tpu.bitcast %shift_left3A_536 : vector<200x64xi32> -> vector<200x64xf32>
    %and3A_538 = arith.constant -65536 : i32
    %and3A_539 = vector.broadcast %and3A_538 : i32 to vector<200x64xi32>
    %and3A_540 = arith.andi %slice3A_533, %and3A_539 : vector<200x64xi32>
    %bitcast_convert_type3A_541 = tpu.bitcast %and3A_540 : vector<200x64xi32> -> vector<200x64xf32>
    %slice3A_542 = vector.extract_strided_slice %get3A_1 {offsets = [0, 128], sizes = [200, 64], strides = [1, 1]} : vector<200x512xf32> to vector<200x64xf32>
    %sub3A_543 = arith.subf %slice3A_542, %bitcast_convert_type3A_537 : vector<200x64xf32>
    %mul3A_544 = vector.broadcast %squeeze3A_532 : vector<200x1xf32> to vector<200x64xf32>
    %mul3A_545 = arith.mulf %mul3A_544, %sub3A_543 : vector<200x64xf32>
    %add3A_546 = arith.addf %add3A_525, %mul3A_545 : vector<200x64xf32>
    %slice3A_547 = vector.extract_strided_slice %get3A_1 {offsets = [0, 192], sizes = [200, 64], strides = [1, 1]} : vector<200x512xf32> to vector<200x64xf32>
    %sub3A_548 = arith.subf %slice3A_547, %bitcast_convert_type3A_541 : vector<200x64xf32>
    %mul3A_549 = vector.broadcast %squeeze3A_532 : vector<200x1xf32> to vector<200x64xf32>
    %mul3A_550 = arith.mulf %mul3A_549, %sub3A_548 : vector<200x64xf32>
    %add3A_551 = arith.addf %add3A_530, %mul3A_550 : vector<200x64xf32>
    %slice3A_552 = vector.extract_strided_slice %get3A_7 {offsets = [2, 0, 5], sizes = [1, 200, 1], strides = [1, 1, 1]} : vector<4x200x16xf32> to vector<1x200x1xf32>
    %squeeze3A_553 = vector.shape_cast %slice3A_552 : vector<1x200x1xf32> to vector<200x1xf32>
    %slice3A_554 = vector.extract_strided_slice %get3A_505 {offsets = [0, 0], sizes = [200, 64], strides = [1, 1]} : vector<200x128xi32> to vector<200x64xi32>
    %shift_left3A_555 = arith.constant 16 : i32
    %shift_left3A_556 = vector.broadcast %shift_left3A_555 : i32 to vector<200x64xi32>
    %shift_left3A_557 = arith.shli %slice3A_554, %shift_left3A_556 : vector<200x64xi32>
    %bitcast_convert_type3A_558 = tpu.bitcast %shift_left3A_557 : vector<200x64xi32> -> vector<200x64xf32>
    %and3A_559 = arith.constant -65536 : i32
    %and3A_560 = vector.broadcast %and3A_559 : i32 to vector<200x64xi32>
    %and3A_561 = arith.andi %slice3A_554, %and3A_560 : vector<200x64xi32>
    %bitcast_convert_type3A_562 = tpu.bitcast %and3A_561 : vector<200x64xi32> -> vector<200x64xf32>
    %slice3A_563 = vector.extract_strided_slice %get3A_1 {offsets = [0, 256], sizes = [200, 64], strides = [1, 1]} : vector<200x512xf32> to vector<200x64xf32>
    %sub3A_564 = arith.subf %slice3A_563, %bitcast_convert_type3A_558 : vector<200x64xf32>
    %mul3A_565 = vector.broadcast %squeeze3A_553 : vector<200x1xf32> to vector<200x64xf32>
    %mul3A_566 = arith.mulf %mul3A_565, %sub3A_564 : vector<200x64xf32>
    %add3A_567 = arith.addf %add3A_546, %mul3A_566 : vector<200x64xf32>
    %slice3A_568 = vector.extract_strided_slice %get3A_1 {offsets = [0, 320], sizes = [200, 64], strides = [1, 1]} : vector<200x512xf32> to vector<200x64xf32>
    %sub3A_569 = arith.subf %slice3A_568, %bitcast_convert_type3A_562 : vector<200x64xf32>
    %mul3A_570 = vector.broadcast %squeeze3A_553 : vector<200x1xf32> to vector<200x64xf32>
    %mul3A_571 = arith.mulf %mul3A_570, %sub3A_569 : vector<200x64xf32>
    %add3A_572 = arith.addf %add3A_551, %mul3A_571 : vector<200x64xf32>
    %slice3A_573 = vector.extract_strided_slice %get3A_7 {offsets = [3, 0, 5], sizes = [1, 200, 1], strides = [1, 1, 1]} : vector<4x200x16xf32> to vector<1x200x1xf32>
    %squeeze3A_574 = vector.shape_cast %slice3A_573 : vector<1x200x1xf32> to vector<200x1xf32>
    %slice3A_575 = vector.extract_strided_slice %get3A_505 {offsets = [0, 64], sizes = [200, 64], strides = [1, 1]} : vector<200x128xi32> to vector<200x64xi32>
    %shift_left3A_576 = arith.constant 16 : i32
    %shift_left3A_577 = vector.broadcast %shift_left3A_576 : i32 to vector<200x64xi32>
    %shift_left3A_578 = arith.shli %slice3A_575, %shift_left3A_577 : vector<200x64xi32>
    %bitcast_convert_type3A_579 = tpu.bitcast %shift_left3A_578 : vector<200x64xi32> -> vector<200x64xf32>
    %and3A_580 = arith.constant -65536 : i32
    %and3A_581 = vector.broadcast %and3A_580 : i32 to vector<200x64xi32>
    %and3A_582 = arith.andi %slice3A_575, %and3A_581 : vector<200x64xi32>
    %bitcast_convert_type3A_583 = tpu.bitcast %and3A_582 : vector<200x64xi32> -> vector<200x64xf32>
    %slice3A_584 = vector.extract_strided_slice %get3A_1 {offsets = [0, 384], sizes = [200, 64], strides = [1, 1]} : vector<200x512xf32> to vector<200x64xf32>
    %sub3A_585 = arith.subf %slice3A_584, %bitcast_convert_type3A_579 : vector<200x64xf32>
    %mul3A_586 = vector.broadcast %squeeze3A_574 : vector<200x1xf32> to vector<200x64xf32>
    %mul3A_587 = arith.mulf %mul3A_586, %sub3A_585 : vector<200x64xf32>
    %add3A_588 = arith.addf %add3A_567, %mul3A_587 : vector<200x64xf32>
    %slice3A_589 = vector.extract_strided_slice %get3A_1 {offsets = [0, 448], sizes = [200, 64], strides = [1, 1]} : vector<200x512xf32> to vector<200x64xf32>
    %sub3A_590 = arith.subf %slice3A_589, %bitcast_convert_type3A_583 : vector<200x64xf32>
    %mul3A_591 = vector.broadcast %squeeze3A_574 : vector<200x1xf32> to vector<200x64xf32>
    %mul3A_592 = arith.mulf %mul3A_591, %sub3A_590 : vector<200x64xf32>
    %add3A_593 = arith.addf %add3A_572, %mul3A_592 : vector<200x64xf32>
    %max3A_594 = arith.maximumf %max3A_494, %add3A_588 : vector<200x64xf32>
    %max3A_595 = arith.maximumf %max3A_495, %add3A_593 : vector<200x64xf32>
    %get3A_596 = arith.constant 6 : index
    %get3A_597 = arith.constant 0 : index
    %get3A_598 = arith.constant 0 : index
    %get3A_599 = vector.load %arg2[%get3A_596, %get3A_597, %get3A_598] : memref<8x200x128xi32, #tpu.memory_space<vmem>>, vector<1x200x128xi32>
    %get3A_600 = vector.shape_cast %get3A_599 : vector<1x200x128xi32> to vector<200x128xi32>
    %get3A_601 = arith.constant 6 : index
    %get3A_602 = arith.constant 0 : index
    %get3A_603 = arith.constant 0 : index
    %get3A_604 = vector.load %arg3[%get3A_601, %get3A_602, %get3A_603] : memref<8x200x128xi32, #tpu.memory_space<vmem>>, vector<1x200x128xi32>
    %get3A_605 = vector.shape_cast %get3A_604 : vector<1x200x128xi32> to vector<200x128xi32>
    %broadcast_in_dim3A_606 = arith.constant 0.000000e+00 : f32
    %broadcast_in_dim3A_607 = vector.broadcast %broadcast_in_dim3A_606 : f32 to vector<200x64xf32>
    %broadcast_in_dim3A_608 = arith.constant 0.000000e+00 : f32
    %broadcast_in_dim3A_609 = vector.broadcast %broadcast_in_dim3A_608 : f32 to vector<200x64xf32>
    %slice3A_610 = vector.extract_strided_slice %get3A_7 {offsets = [0, 0, 6], sizes = [1, 200, 1], strides = [1, 1, 1]} : vector<4x200x16xf32> to vector<1x200x1xf32>
    %squeeze3A_611 = vector.shape_cast %slice3A_610 : vector<1x200x1xf32> to vector<200x1xf32>
    %slice3A_612 = vector.extract_strided_slice %get3A_600 {offsets = [0, 0], sizes = [200, 64], strides = [1, 1]} : vector<200x128xi32> to vector<200x64xi32>
    %shift_left3A_613 = arith.constant 16 : i32
    %shift_left3A_614 = vector.broadcast %shift_left3A_613 : i32 to vector<200x64xi32>
    %shift_left3A_615 = arith.shli %slice3A_612, %shift_left3A_614 : vector<200x64xi32>
    %bitcast_convert_type3A_616 = tpu.bitcast %shift_left3A_615 : vector<200x64xi32> -> vector<200x64xf32>
    %and3A_617 = arith.constant -65536 : i32
    %and3A_618 = vector.broadcast %and3A_617 : i32 to vector<200x64xi32>
    %and3A_619 = arith.andi %slice3A_612, %and3A_618 : vector<200x64xi32>
    %bitcast_convert_type3A_620 = tpu.bitcast %and3A_619 : vector<200x64xi32> -> vector<200x64xf32>
    %slice3A_621 = vector.extract_strided_slice %get3A_1 {offsets = [0, 0], sizes = [200, 64], strides = [1, 1]} : vector<200x512xf32> to vector<200x64xf32>
    %sub3A_622 = arith.subf %slice3A_621, %bitcast_convert_type3A_616 : vector<200x64xf32>
    %mul3A_623 = vector.broadcast %squeeze3A_611 : vector<200x1xf32> to vector<200x64xf32>
    %mul3A_624 = arith.mulf %mul3A_623, %sub3A_622 : vector<200x64xf32>
    %add3A_625 = arith.addf %broadcast_in_dim3A_607, %mul3A_624 : vector<200x64xf32>
    %slice3A_626 = vector.extract_strided_slice %get3A_1 {offsets = [0, 64], sizes = [200, 64], strides = [1, 1]} : vector<200x512xf32> to vector<200x64xf32>
    %sub3A_627 = arith.subf %slice3A_626, %bitcast_convert_type3A_620 : vector<200x64xf32>
    %mul3A_628 = vector.broadcast %squeeze3A_611 : vector<200x1xf32> to vector<200x64xf32>
    %mul3A_629 = arith.mulf %mul3A_628, %sub3A_627 : vector<200x64xf32>
    %add3A_630 = arith.addf %broadcast_in_dim3A_609, %mul3A_629 : vector<200x64xf32>
    %slice3A_631 = vector.extract_strided_slice %get3A_7 {offsets = [1, 0, 6], sizes = [1, 200, 1], strides = [1, 1, 1]} : vector<4x200x16xf32> to vector<1x200x1xf32>
    %squeeze3A_632 = vector.shape_cast %slice3A_631 : vector<1x200x1xf32> to vector<200x1xf32>
    %slice3A_633 = vector.extract_strided_slice %get3A_600 {offsets = [0, 64], sizes = [200, 64], strides = [1, 1]} : vector<200x128xi32> to vector<200x64xi32>
    %shift_left3A_634 = arith.constant 16 : i32
    %shift_left3A_635 = vector.broadcast %shift_left3A_634 : i32 to vector<200x64xi32>
    %shift_left3A_636 = arith.shli %slice3A_633, %shift_left3A_635 : vector<200x64xi32>
    %bitcast_convert_type3A_637 = tpu.bitcast %shift_left3A_636 : vector<200x64xi32> -> vector<200x64xf32>
    %and3A_638 = arith.constant -65536 : i32
    %and3A_639 = vector.broadcast %and3A_638 : i32 to vector<200x64xi32>
    %and3A_640 = arith.andi %slice3A_633, %and3A_639 : vector<200x64xi32>
    %bitcast_convert_type3A_641 = tpu.bitcast %and3A_640 : vector<200x64xi32> -> vector<200x64xf32>
    %slice3A_642 = vector.extract_strided_slice %get3A_1 {offsets = [0, 128], sizes = [200, 64], strides = [1, 1]} : vector<200x512xf32> to vector<200x64xf32>
    %sub3A_643 = arith.subf %slice3A_642, %bitcast_convert_type3A_637 : vector<200x64xf32>
    %mul3A_644 = vector.broadcast %squeeze3A_632 : vector<200x1xf32> to vector<200x64xf32>
    %mul3A_645 = arith.mulf %mul3A_644, %sub3A_643 : vector<200x64xf32>
    %add3A_646 = arith.addf %add3A_625, %mul3A_645 : vector<200x64xf32>
    %slice3A_647 = vector.extract_strided_slice %get3A_1 {offsets = [0, 192], sizes = [200, 64], strides = [1, 1]} : vector<200x512xf32> to vector<200x64xf32>
    %sub3A_648 = arith.subf %slice3A_647, %bitcast_convert_type3A_641 : vector<200x64xf32>
    %mul3A_649 = vector.broadcast %squeeze3A_632 : vector<200x1xf32> to vector<200x64xf32>
    %mul3A_650 = arith.mulf %mul3A_649, %sub3A_648 : vector<200x64xf32>
    %add3A_651 = arith.addf %add3A_630, %mul3A_650 : vector<200x64xf32>
    %slice3A_652 = vector.extract_strided_slice %get3A_7 {offsets = [2, 0, 6], sizes = [1, 200, 1], strides = [1, 1, 1]} : vector<4x200x16xf32> to vector<1x200x1xf32>
    %squeeze3A_653 = vector.shape_cast %slice3A_652 : vector<1x200x1xf32> to vector<200x1xf32>
    %slice3A_654 = vector.extract_strided_slice %get3A_605 {offsets = [0, 0], sizes = [200, 64], strides = [1, 1]} : vector<200x128xi32> to vector<200x64xi32>
    %shift_left3A_655 = arith.constant 16 : i32
    %shift_left3A_656 = vector.broadcast %shift_left3A_655 : i32 to vector<200x64xi32>
    %shift_left3A_657 = arith.shli %slice3A_654, %shift_left3A_656 : vector<200x64xi32>
    %bitcast_convert_type3A_658 = tpu.bitcast %shift_left3A_657 : vector<200x64xi32> -> vector<200x64xf32>
    %and3A_659 = arith.constant -65536 : i32
    %and3A_660 = vector.broadcast %and3A_659 : i32 to vector<200x64xi32>
    %and3A_661 = arith.andi %slice3A_654, %and3A_660 : vector<200x64xi32>
    %bitcast_convert_type3A_662 = tpu.bitcast %and3A_661 : vector<200x64xi32> -> vector<200x64xf32>
    %slice3A_663 = vector.extract_strided_slice %get3A_1 {offsets = [0, 256], sizes = [200, 64], strides = [1, 1]} : vector<200x512xf32> to vector<200x64xf32>
    %sub3A_664 = arith.subf %slice3A_663, %bitcast_convert_type3A_658 : vector<200x64xf32>
    %mul3A_665 = vector.broadcast %squeeze3A_653 : vector<200x1xf32> to vector<200x64xf32>
    %mul3A_666 = arith.mulf %mul3A_665, %sub3A_664 : vector<200x64xf32>
    %add3A_667 = arith.addf %add3A_646, %mul3A_666 : vector<200x64xf32>
    %slice3A_668 = vector.extract_strided_slice %get3A_1 {offsets = [0, 320], sizes = [200, 64], strides = [1, 1]} : vector<200x512xf32> to vector<200x64xf32>
    %sub3A_669 = arith.subf %slice3A_668, %bitcast_convert_type3A_662 : vector<200x64xf32>
    %mul3A_670 = vector.broadcast %squeeze3A_653 : vector<200x1xf32> to vector<200x64xf32>
    %mul3A_671 = arith.mulf %mul3A_670, %sub3A_669 : vector<200x64xf32>
    %add3A_672 = arith.addf %add3A_651, %mul3A_671 : vector<200x64xf32>
    %slice3A_673 = vector.extract_strided_slice %get3A_7 {offsets = [3, 0, 6], sizes = [1, 200, 1], strides = [1, 1, 1]} : vector<4x200x16xf32> to vector<1x200x1xf32>
    %squeeze3A_674 = vector.shape_cast %slice3A_673 : vector<1x200x1xf32> to vector<200x1xf32>
    %slice3A_675 = vector.extract_strided_slice %get3A_605 {offsets = [0, 64], sizes = [200, 64], strides = [1, 1]} : vector<200x128xi32> to vector<200x64xi32>
    %shift_left3A_676 = arith.constant 16 : i32
    %shift_left3A_677 = vector.broadcast %shift_left3A_676 : i32 to vector<200x64xi32>
    %shift_left3A_678 = arith.shli %slice3A_675, %shift_left3A_677 : vector<200x64xi32>
    %bitcast_convert_type3A_679 = tpu.bitcast %shift_left3A_678 : vector<200x64xi32> -> vector<200x64xf32>
    %and3A_680 = arith.constant -65536 : i32
    %and3A_681 = vector.broadcast %and3A_680 : i32 to vector<200x64xi32>
    %and3A_682 = arith.andi %slice3A_675, %and3A_681 : vector<200x64xi32>
    %bitcast_convert_type3A_683 = tpu.bitcast %and3A_682 : vector<200x64xi32> -> vector<200x64xf32>
    %slice3A_684 = vector.extract_strided_slice %get3A_1 {offsets = [0, 384], sizes = [200, 64], strides = [1, 1]} : vector<200x512xf32> to vector<200x64xf32>
    %sub3A_685 = arith.subf %slice3A_684, %bitcast_convert_type3A_679 : vector<200x64xf32>
    %mul3A_686 = vector.broadcast %squeeze3A_674 : vector<200x1xf32> to vector<200x64xf32>
    %mul3A_687 = arith.mulf %mul3A_686, %sub3A_685 : vector<200x64xf32>
    %add3A_688 = arith.addf %add3A_667, %mul3A_687 : vector<200x64xf32>
    %slice3A_689 = vector.extract_strided_slice %get3A_1 {offsets = [0, 448], sizes = [200, 64], strides = [1, 1]} : vector<200x512xf32> to vector<200x64xf32>
    %sub3A_690 = arith.subf %slice3A_689, %bitcast_convert_type3A_683 : vector<200x64xf32>
    %mul3A_691 = vector.broadcast %squeeze3A_674 : vector<200x1xf32> to vector<200x64xf32>
    %mul3A_692 = arith.mulf %mul3A_691, %sub3A_690 : vector<200x64xf32>
    %add3A_693 = arith.addf %add3A_672, %mul3A_692 : vector<200x64xf32>
    %max3A_694 = arith.maximumf %max3A_594, %add3A_688 : vector<200x64xf32>
    %max3A_695 = arith.maximumf %max3A_595, %add3A_693 : vector<200x64xf32>
    %get3A_696 = arith.constant 7 : index
    %get3A_697 = arith.constant 0 : index
    %get3A_698 = arith.constant 0 : index
    %get3A_699 = vector.load %arg2[%get3A_696, %get3A_697, %get3A_698] : memref<8x200x128xi32, #tpu.memory_space<vmem>>, vector<1x200x128xi32>
    %get3A_700 = vector.shape_cast %get3A_699 : vector<1x200x128xi32> to vector<200x128xi32>
    %get3A_701 = arith.constant 7 : index
    %get3A_702 = arith.constant 0 : index
    %get3A_703 = arith.constant 0 : index
    %get3A_704 = vector.load %arg3[%get3A_701, %get3A_702, %get3A_703] : memref<8x200x128xi32, #tpu.memory_space<vmem>>, vector<1x200x128xi32>
    %get3A_705 = vector.shape_cast %get3A_704 : vector<1x200x128xi32> to vector<200x128xi32>
    %broadcast_in_dim3A_706 = arith.constant 0.000000e+00 : f32
    %broadcast_in_dim3A_707 = vector.broadcast %broadcast_in_dim3A_706 : f32 to vector<200x64xf32>
    %broadcast_in_dim3A_708 = arith.constant 0.000000e+00 : f32
    %broadcast_in_dim3A_709 = vector.broadcast %broadcast_in_dim3A_708 : f32 to vector<200x64xf32>
    %slice3A_710 = vector.extract_strided_slice %get3A_7 {offsets = [0, 0, 7], sizes = [1, 200, 1], strides = [1, 1, 1]} : vector<4x200x16xf32> to vector<1x200x1xf32>
    %squeeze3A_711 = vector.shape_cast %slice3A_710 : vector<1x200x1xf32> to vector<200x1xf32>
    %slice3A_712 = vector.extract_strided_slice %get3A_700 {offsets = [0, 0], sizes = [200, 64], strides = [1, 1]} : vector<200x128xi32> to vector<200x64xi32>
    %shift_left3A_713 = arith.constant 16 : i32
    %shift_left3A_714 = vector.broadcast %shift_left3A_713 : i32 to vector<200x64xi32>
    %shift_left3A_715 = arith.shli %slice3A_712, %shift_left3A_714 : vector<200x64xi32>
    %bitcast_convert_type3A_716 = tpu.bitcast %shift_left3A_715 : vector<200x64xi32> -> vector<200x64xf32>
    %and3A_717 = arith.constant -65536 : i32
    %and3A_718 = vector.broadcast %and3A_717 : i32 to vector<200x64xi32>
    %and3A_719 = arith.andi %slice3A_712, %and3A_718 : vector<200x64xi32>
    %bitcast_convert_type3A_720 = tpu.bitcast %and3A_719 : vector<200x64xi32> -> vector<200x64xf32>
    %slice3A_721 = vector.extract_strided_slice %get3A_1 {offsets = [0, 0], sizes = [200, 64], strides = [1, 1]} : vector<200x512xf32> to vector<200x64xf32>
    %sub3A_722 = arith.subf %slice3A_721, %bitcast_convert_type3A_716 : vector<200x64xf32>
    %mul3A_723 = vector.broadcast %squeeze3A_711 : vector<200x1xf32> to vector<200x64xf32>
    %mul3A_724 = arith.mulf %mul3A_723, %sub3A_722 : vector<200x64xf32>
    %add3A_725 = arith.addf %broadcast_in_dim3A_707, %mul3A_724 : vector<200x64xf32>
    %slice3A_726 = vector.extract_strided_slice %get3A_1 {offsets = [0, 64], sizes = [200, 64], strides = [1, 1]} : vector<200x512xf32> to vector<200x64xf32>
    %sub3A_727 = arith.subf %slice3A_726, %bitcast_convert_type3A_720 : vector<200x64xf32>
    %mul3A_728 = vector.broadcast %squeeze3A_711 : vector<200x1xf32> to vector<200x64xf32>
    %mul3A_729 = arith.mulf %mul3A_728, %sub3A_727 : vector<200x64xf32>
    %add3A_730 = arith.addf %broadcast_in_dim3A_709, %mul3A_729 : vector<200x64xf32>
    %slice3A_731 = vector.extract_strided_slice %get3A_7 {offsets = [1, 0, 7], sizes = [1, 200, 1], strides = [1, 1, 1]} : vector<4x200x16xf32> to vector<1x200x1xf32>
    %squeeze3A_732 = vector.shape_cast %slice3A_731 : vector<1x200x1xf32> to vector<200x1xf32>
    %slice3A_733 = vector.extract_strided_slice %get3A_700 {offsets = [0, 64], sizes = [200, 64], strides = [1, 1]} : vector<200x128xi32> to vector<200x64xi32>
    %shift_left3A_734 = arith.constant 16 : i32
    %shift_left3A_735 = vector.broadcast %shift_left3A_734 : i32 to vector<200x64xi32>
    %shift_left3A_736 = arith.shli %slice3A_733, %shift_left3A_735 : vector<200x64xi32>
    %bitcast_convert_type3A_737 = tpu.bitcast %shift_left3A_736 : vector<200x64xi32> -> vector<200x64xf32>
    %and3A_738 = arith.constant -65536 : i32
    %and3A_739 = vector.broadcast %and3A_738 : i32 to vector<200x64xi32>
    %and3A_740 = arith.andi %slice3A_733, %and3A_739 : vector<200x64xi32>
    %bitcast_convert_type3A_741 = tpu.bitcast %and3A_740 : vector<200x64xi32> -> vector<200x64xf32>
    %slice3A_742 = vector.extract_strided_slice %get3A_1 {offsets = [0, 128], sizes = [200, 64], strides = [1, 1]} : vector<200x512xf32> to vector<200x64xf32>
    %sub3A_743 = arith.subf %slice3A_742, %bitcast_convert_type3A_737 : vector<200x64xf32>
    %mul3A_744 = vector.broadcast %squeeze3A_732 : vector<200x1xf32> to vector<200x64xf32>
    %mul3A_745 = arith.mulf %mul3A_744, %sub3A_743 : vector<200x64xf32>
    %add3A_746 = arith.addf %add3A_725, %mul3A_745 : vector<200x64xf32>
    %slice3A_747 = vector.extract_strided_slice %get3A_1 {offsets = [0, 192], sizes = [200, 64], strides = [1, 1]} : vector<200x512xf32> to vector<200x64xf32>
    %sub3A_748 = arith.subf %slice3A_747, %bitcast_convert_type3A_741 : vector<200x64xf32>
    %mul3A_749 = vector.broadcast %squeeze3A_732 : vector<200x1xf32> to vector<200x64xf32>
    %mul3A_750 = arith.mulf %mul3A_749, %sub3A_748 : vector<200x64xf32>
    %add3A_751 = arith.addf %add3A_730, %mul3A_750 : vector<200x64xf32>
    %slice3A_752 = vector.extract_strided_slice %get3A_7 {offsets = [2, 0, 7], sizes = [1, 200, 1], strides = [1, 1, 1]} : vector<4x200x16xf32> to vector<1x200x1xf32>
    %squeeze3A_753 = vector.shape_cast %slice3A_752 : vector<1x200x1xf32> to vector<200x1xf32>
    %slice3A_754 = vector.extract_strided_slice %get3A_705 {offsets = [0, 0], sizes = [200, 64], strides = [1, 1]} : vector<200x128xi32> to vector<200x64xi32>
    %shift_left3A_755 = arith.constant 16 : i32
    %shift_left3A_756 = vector.broadcast %shift_left3A_755 : i32 to vector<200x64xi32>
    %shift_left3A_757 = arith.shli %slice3A_754, %shift_left3A_756 : vector<200x64xi32>
    %bitcast_convert_type3A_758 = tpu.bitcast %shift_left3A_757 : vector<200x64xi32> -> vector<200x64xf32>
    %and3A_759 = arith.constant -65536 : i32
    %and3A_760 = vector.broadcast %and3A_759 : i32 to vector<200x64xi32>
    %and3A_761 = arith.andi %slice3A_754, %and3A_760 : vector<200x64xi32>
    %bitcast_convert_type3A_762 = tpu.bitcast %and3A_761 : vector<200x64xi32> -> vector<200x64xf32>
    %slice3A_763 = vector.extract_strided_slice %get3A_1 {offsets = [0, 256], sizes = [200, 64], strides = [1, 1]} : vector<200x512xf32> to vector<200x64xf32>
    %sub3A_764 = arith.subf %slice3A_763, %bitcast_convert_type3A_758 : vector<200x64xf32>
    %mul3A_765 = vector.broadcast %squeeze3A_753 : vector<200x1xf32> to vector<200x64xf32>
    %mul3A_766 = arith.mulf %mul3A_765, %sub3A_764 : vector<200x64xf32>
    %add3A_767 = arith.addf %add3A_746, %mul3A_766 : vector<200x64xf32>
    %slice3A_768 = vector.extract_strided_slice %get3A_1 {offsets = [0, 320], sizes = [200, 64], strides = [1, 1]} : vector<200x512xf32> to vector<200x64xf32>
    %sub3A_769 = arith.subf %slice3A_768, %bitcast_convert_type3A_762 : vector<200x64xf32>
    %mul3A_770 = vector.broadcast %squeeze3A_753 : vector<200x1xf32> to vector<200x64xf32>
    %mul3A_771 = arith.mulf %mul3A_770, %sub3A_769 : vector<200x64xf32>
    %add3A_772 = arith.addf %add3A_751, %mul3A_771 : vector<200x64xf32>
    %slice3A_773 = vector.extract_strided_slice %get3A_7 {offsets = [3, 0, 7], sizes = [1, 200, 1], strides = [1, 1, 1]} : vector<4x200x16xf32> to vector<1x200x1xf32>
    %squeeze3A_774 = vector.shape_cast %slice3A_773 : vector<1x200x1xf32> to vector<200x1xf32>
    %slice3A_775 = vector.extract_strided_slice %get3A_705 {offsets = [0, 64], sizes = [200, 64], strides = [1, 1]} : vector<200x128xi32> to vector<200x64xi32>
    %shift_left3A_776 = arith.constant 16 : i32
    %shift_left3A_777 = vector.broadcast %shift_left3A_776 : i32 to vector<200x64xi32>
    %shift_left3A_778 = arith.shli %slice3A_775, %shift_left3A_777 : vector<200x64xi32>
    %bitcast_convert_type3A_779 = tpu.bitcast %shift_left3A_778 : vector<200x64xi32> -> vector<200x64xf32>
    %and3A_780 = arith.constant -65536 : i32
    %and3A_781 = vector.broadcast %and3A_780 : i32 to vector<200x64xi32>
    %and3A_782 = arith.andi %slice3A_775, %and3A_781 : vector<200x64xi32>
    %bitcast_convert_type3A_783 = tpu.bitcast %and3A_782 : vector<200x64xi32> -> vector<200x64xf32>
    %slice3A_784 = vector.extract_strided_slice %get3A_1 {offsets = [0, 384], sizes = [200, 64], strides = [1, 1]} : vector<200x512xf32> to vector<200x64xf32>
    %sub3A_785 = arith.subf %slice3A_784, %bitcast_convert_type3A_779 : vector<200x64xf32>
    %mul3A_786 = vector.broadcast %squeeze3A_774 : vector<200x1xf32> to vector<200x64xf32>
    %mul3A_787 = arith.mulf %mul3A_786, %sub3A_785 : vector<200x64xf32>
    %add3A_788 = arith.addf %add3A_767, %mul3A_787 : vector<200x64xf32>
    %slice3A_789 = vector.extract_strided_slice %get3A_1 {offsets = [0, 448], sizes = [200, 64], strides = [1, 1]} : vector<200x512xf32> to vector<200x64xf32>
    %sub3A_790 = arith.subf %slice3A_789, %bitcast_convert_type3A_783 : vector<200x64xf32>
    %mul3A_791 = vector.broadcast %squeeze3A_774 : vector<200x1xf32> to vector<200x64xf32>
    %mul3A_792 = arith.mulf %mul3A_791, %sub3A_790 : vector<200x64xf32>
    %add3A_793 = arith.addf %add3A_772, %mul3A_792 : vector<200x64xf32>
    %max3A_794 = arith.maximumf %max3A_694, %add3A_788 : vector<200x64xf32>
    %max3A_795 = arith.maximumf %max3A_695, %add3A_793 : vector<200x64xf32>
    %get3A_796 = arith.constant 0 : index
    %get3A_797 = arith.constant 0 : index
    %get3A_798 = vector.load %arg5[%get3A_796, %get3A_797] : memref<1x128xf32, #tpu.memory_space<vmem>>, vector<1x128xf32>
    %slice3A_799 = vector.extract_strided_slice %get3A_798 {offsets = [0, 0], sizes = [1, 64], strides = [1, 1]} : vector<1x128xf32> to vector<1x64xf32>
    %add3A_800 = vector.broadcast %slice3A_799 : vector<1x64xf32> to vector<200x64xf32>
    %add3A_801 = arith.addf %max3A_794, %add3A_800 : vector<200x64xf32>
    %swap3A = arith.constant 0 : index
    %swap3A_802 = arith.constant 0 : index
    %swap3A_803 = vector.load %arg6[%swap3A, %swap3A_802] : memref<200x128xf32, #tpu.memory_space<vmem>>, vector<200x64xf32>
    tpu.vector_store %arg6[%swap3A, %swap3A_802], %add3A_801 {strides = array<i32>} : memref<200x128xf32, #tpu.memory_space<vmem>>, vector<200x64xf32>,
    %slice3A_804 = vector.extract_strided_slice %get3A_798 {offsets = [0, 64], sizes = [1, 64], strides = [1, 1]} : vector<1x128xf32> to vector<1x64xf32>
    %add3A_805 = vector.broadcast %slice3A_804 : vector<1x64xf32> to vector<200x64xf32>
    %add3A_806 = arith.addf %max3A_795, %add3A_805 : vector<200x64xf32>
    %swap3A_807 = arith.constant 0 : index
    %swap3A_808 = arith.constant 64 : index
    %swap3A_809 = vector.load %arg6[%swap3A_807, %swap3A_808] : memref<200x128xf32, #tpu.memory_space<vmem>>, vector<200x64xf32>
    tpu.vector_store %arg6[%swap3A_807, %swap3A_808], %add3A_806 {strides = array<i32>} : memref<200x128xf32, #tpu.memory_space<vmem>>, vector<200x64xf32>,
    return
  }
  func.func @transform_0(%arg0: i32) -> (i32, i32) {
    %c0_i32 = arith.constant 0 : i32
    %c0_i32_0 = arith.constant 0 : i32
    return %arg0, %c0_i32 : i32, i32
  }
  func.func @transform_1(%arg0: i32) -> (i32, i32, i32) {
    %c0_i32 = arith.constant 0 : i32
    %c0_i32_0 = arith.constant 0 : i32
    %c0_i32_1 = arith.constant 0 : i32
    return %c0_i32, %arg0, %c0_i32_0 : i32, i32, i32
  }
  func.func @transform_2(%arg0: i32) -> (i32, i32, i32) {
    %c0_i32 = arith.constant 0 : i32
    %c0_i32_0 = arith.constant 0 : i32
    %c0_i32_1 = arith.constant 0 : i32
    return %c0_i32, %arg0, %c0_i32_0 : i32, i32, i32
  }
  func.func @transform_3(%arg0: i32) -> (i32, i32, i32, i32) {
    %c0_i32 = arith.constant 0 : i32
    %c0_i32_0 = arith.constant 0 : i32
    %c0_i32_1 = arith.constant 0 : i32
    %c0_i32_2 = arith.constant 0 : i32
    return %c0_i32, %c0_i32_0, %arg0, %c0_i32_1 : i32, i32, i32, i32
  }
  func.func @transform_4(%arg0: i32) -> (i32, i32) {
    %c0_i32 = arith.constant 0 : i32
    %c0_i32_0 = arith.constant 0 : i32
    %c0_i32_1 = arith.constant 0 : i32
    return %c0_i32, %c0_i32_0 : i32, i32
  }
  func.func @transform_5(%arg0: i32) -> (i32, i32) {
    %c0_i32 = arith.constant 0 : i32
    %c0_i32_0 = arith.constant 0 : i32
    return %arg0, %c0_i32 : i32, i32
  }
}

module attributes {stable_mosaic.version = 14 : i64} {
  func.func @_bn_body(%arg0: memref<10000x128xf32, #tpu.memory_space<vmem>>, %arg1: memref<10000x128xf32, #tpu.memory_space<vmem>>, %arg2: memref<1x128xf32, #tpu.memory_space<vmem>>, %arg3: memref<1x128xf32, #tpu.memory_space<vmem>>, %arg4: memref<128x10000xf32, #tpu.memory_space<vmem>>) attributes {dimension_semantics = [], scalar_prefetch = 0 : i64, scratch_operands = 0 : i64, tpu.core_type = #tpu.core_type<tc>} {
    %get3A = arith.constant 0 : index
    %get3A_0 = arith.constant 0 : index
    %get3A_1 = vector.load %arg0[%get3A, %get3A_0] : memref<10000x128xf32, #tpu.memory_space<vmem>>, vector<10000x128xf32>
    %get3A_2 = arith.constant 0 : index
    %get3A_3 = arith.constant 0 : index
    %get3A_4 = vector.load %arg1[%get3A_2, %get3A_3] : memref<10000x128xf32, #tpu.memory_space<vmem>>, vector<10000x128xf32>
    %max3A = arith.maximumf %get3A_1, %get3A_4 : vector<10000x128xf32>
    %reduce_sum3A = arith.constant dense<0.000000e+00> : vector<128xf32>
    %reduce_sum3A_5 = vector.multi_reduction <add>, %max3A, %reduce_sum3A [0] : vector<10000x128xf32> to vector<128xf32>
    %broadcast_in_dim3A = vector.shape_cast %reduce_sum3A_5 : vector<128xf32> to vector<1x128xf32>
    %div3A = arith.constant 1.000000e+04 : f32
    %div3A_6 = vector.broadcast %div3A : f32 to vector<1x128xf32>
    %div3A_7 = arith.divf %broadcast_in_dim3A, %div3A_6 : vector<1x128xf32>
    %sub3A = vector.broadcast %div3A_7 : vector<1x128xf32> to vector<10000x128xf32>
    %sub3A_8 = arith.subf %max3A, %sub3A : vector<10000x128xf32>
    %mul3A = arith.mulf %sub3A_8, %sub3A_8 : vector<10000x128xf32>
    %reduce_sum3A_9 = arith.constant dense<0.000000e+00> : vector<128xf32>
    %reduce_sum3A_10 = vector.multi_reduction <add>, %mul3A, %reduce_sum3A_9 [0] : vector<10000x128xf32> to vector<128xf32>
    %broadcast_in_dim3A_11 = vector.shape_cast %reduce_sum3A_10 : vector<128xf32> to vector<1x128xf32>
    %div3A_12 = arith.constant 1.000000e+04 : f32
    %div3A_13 = vector.broadcast %div3A_12 : f32 to vector<1x128xf32>
    %div3A_14 = arith.divf %broadcast_in_dim3A_11, %div3A_13 : vector<1x128xf32>
    %add3A = arith.constant 9.99999974E-6 : f32
    %add3A_15 = vector.broadcast %add3A : f32 to vector<1x128xf32>
    %add3A_16 = arith.addf %div3A_14, %add3A_15 : vector<1x128xf32>
    %rsqrt3A = math.rsqrt %add3A_16 : vector<1x128xf32>
    %mul3A_17 = vector.broadcast %rsqrt3A : vector<1x128xf32> to vector<10000x128xf32>
    %mul3A_18 = arith.mulf %sub3A_8, %mul3A_17 : vector<10000x128xf32>
    %get3A_19 = arith.constant 0 : index
    %get3A_20 = arith.constant 0 : index
    %get3A_21 = vector.load %arg2[%get3A_19, %get3A_20] : memref<1x128xf32, #tpu.memory_space<vmem>>, vector<1x128xf32>
    %mul3A_22 = vector.broadcast %get3A_21 : vector<1x128xf32> to vector<10000x128xf32>
    %mul3A_23 = arith.mulf %mul3A_18, %mul3A_22 : vector<10000x128xf32>
    %get3A_24 = arith.constant 0 : index
    %get3A_25 = arith.constant 0 : index
    %get3A_26 = vector.load %arg3[%get3A_24, %get3A_25] : memref<1x128xf32, #tpu.memory_space<vmem>>, vector<1x128xf32>
    %add3A_27 = vector.broadcast %get3A_26 : vector<1x128xf32> to vector<10000x128xf32>
    %add3A_28 = arith.addf %mul3A_23, %add3A_27 : vector<10000x128xf32>
    %max3A_29 = arith.constant 0.000000e+00 : f32
    %max3A_30 = vector.broadcast %max3A_29 : f32 to vector<10000x128xf32>
    %max3A_31 = arith.maximumf %add3A_28, %max3A_30 : vector<10000x128xf32>
    %transpose3A = tpu.transpose %max3A_31, [1, 0] : vector<10000x128xf32> -> vector<128x10000xf32>
    %swap3A = arith.constant 0 : index
    %swap3A_32 = arith.constant 0 : index
    %swap3A_33 = vector.load %arg4[%swap3A, %swap3A_32] : memref<128x10000xf32, #tpu.memory_space<vmem>>, vector<128x10000xf32>
    tpu.vector_store %arg4[%swap3A, %swap3A_32], %transpose3A {strides = array<i32>} : memref<128x10000xf32, #tpu.memory_space<vmem>>, vector<128x10000xf32>,
    return
  }
}

</mosaic_0001>

<sc_bundles>
// kernel: kernel.11.cloned.1.call-start
scs
__scs_entry_jumppad:
0x0: {  	(pc) =	sbr.rel $0x88, $3  }
0x1: {  	(tag) =	ssettag $0x0;
	lr =	simm.s32 $0x1  }
0x2: {  	[smem:$0x3F99] =	sst lr;
	_ =	strace $0xD0000000  }
0x3: {  	_ = 	snop  }
0x4: {  	_ = 	snop  }
0x5: {  	_ = 	snop  }
0x6: {  	_ = 	snop  }
0x7: {  	_ = 	snop  }
__scs_overlays_trampoline_lowered:
0x8: {  	[smem:$0x3FA8] =	sst s0  }
0x9: {  	[smem:$0x3FA9] =	sst s1  }
0xa: {  	[smem:$0x3FAA] =	sst s2  }
0xb: {  	[smem:$0x3FAB] =	sst s3  }
0xc: {  	[smem:$0x3FAC] =	sst s4  }
0xd: {  	[smem:$0x3FAD] =	sst s5  }
0xe: {  	[smem:$0x3FAE] =	sst s6  }
0xf: {  	[smem:$0x3FAF] =	sst s7  }
0x10: {  	[smem:$0x3FB0] =	sst s8  }
0x11: {  	[smem:$0x3FB1] =	sst s9;
	s0 =	simm.s32 @!p0 $0x0  }
0x12: {  	s1 =	sld [smem:$0x3F97];
	s0 =	simm.s32 @p0 $0x1  }
0x13: {  	[smem:$0x3FB2] =	sst s0;
	s0 =	simm.s32 @!p1 $0x0  }
0x14: {  	s2 =	sld [smem:$0x3F96];
	s0 =	simm.s32 @p1 $0x1  }
0x15: {  	[smem:$0x3FB3] =	sst s0;
	s0 =	simm.s32 @!p2 $0x0  }
0x16: {  	s3 =	sld [smem:$0x3FDB];
	s0 =	simm.s32 @p2 $0x1  }
0x17: {  	s4 =	simm.s32 $0x1BF5;
	[smem:$0x3FB5] =	sst s0  }
0x18: {  	s0 =	sld [smem:$0x3F98];
	_ =	swait.ge [sflag:s4], $0x0  }
0x19: {  	s7 =	sld [smem:$0x3F99]  }
0x1a: {  	s8 =	sadd.s32 $0xFFFFE003, lr  }
0x1b: {  	s9 =	sadd.s32 $0xFFFFFEF7, lr;
	s5 =	simm.s32 $0xFFFFFFFF;
	p2 =	slt.u32 s8, $0xFFFFF086  }
0x1c: {  	p1 =	slt.u32 s9, $0xF7A;
	s5 =	simm.s32 @!p2 $0x0  }
0x1d: {  	s5 =	simm.s32 @p1 $0x1;
	p0 =	seq.s32 s7, s2  }
0x1e: {  	s7 =	smul.u32 @!p0 $0xF7A, s2;
	p2 =	seq.s32 @!p0 s5, $0x0  }
0x1f: {  	s9 =	smul.u32 $0xF7A, s1;
	s8 =	simm.s32 @!p0 $0x1BF5;
	p2 =	por !p2, p0  }
0x20: {  	[sflag:s8] =	ssyncset.s32 @!p0 $0xFFFFF086;
	s6 =	sadd.s32 @!p0 s3, s7;
	s7 =	simm.s32 @!p0 $0x108  }
0x21: {  	s3 =	sadd.s32 s3, s9;
	s6 =	sadd.s32 @!p0 $0x88, s6;
	s7 =	simm.s32 @p2 $0x1082  }
0x22: {  	[simem:s7], [sflag:s8] =	dma.local @!p0 [hbm:s6], $0xF7A  }
0x23: {  	s9 =	sor.u32 $0xD0000000, s2;
	s6 =	simm.s32 $0x108;
	_ =	swait.ge @!p0 [sflag:s8], $0x0  }
0x24: {  	s3 =	sadd.s32 $0x88, s3;
	s6 =	simm.s32 @!p1 $0x1082;
	[sflag:s4] =	ssyncset.s32 $0xFFFFF086  }
0x25: {  	[simem:s6], [sflag:s4] =	dma.local [hbm:s3], $0xF7A  }
0x26: {  	[smem:$0x3F99] =	sst s1;
	(tag) =	ssettag s2;
	_ =	strace s9  }
0x27: {  	s1 =	sld [smem:$0x3FA9]  }
0x28: {  	s2 =	sld [smem:$0x3FAA]  }
0x29: {  	s4 =	sld [smem:$0x3FAC]  }
0x2a: {  	p0 =	seq.s32 s5, $0x0;
	s5 =	sld [smem:$0x3FAD]  }
0x2b: {  	s6 =	sld [smem:$0x3FAE]  }
0x2c: {  	s7 =	sld [smem:$0x3FAF]  }
0x2d: {  	s3 =	simm.s32 $0x108;
	s8 =	sld [smem:$0x3FB0]  }
0x2e: {  	s3 =	simm.s32 @!p0 $0x1082;
	s9 =	sld [smem:$0x3FB1]  }
0x2f: {  	lr =	sadd.s32 s0, s3;
	s0 =	sld [smem:$0x3FA8]  }
0x30: {  	s3 =	sld [smem:$0x3FAB]  }
0x31: {  	[smem:$0x3FB4] =	sst s10  }
0x32: {  	s10 =	sld [smem:$0x3FB2];
	_ =	sdelay $0x3  }
0x33: {  	p0 =	seq.s32 s10, $0x1;
	s10 =	sld [smem:$0x3FB4];
	_ =	sdelay $0x3  }
0x34: {  	[smem:$0x3FB4] =	sst s10  }
0x35: {  	s10 =	sld [smem:$0x3FB3];
	_ =	sdelay $0x3  }
0x36: {  	p1 =	seq.s32 s10, $0x1;
	s10 =	sld [smem:$0x3FB4];
	_ =	sdelay $0x3  }
0x37: {  	[smem:$0x3FB4] =	sst s10  }
0x38: {  	s10 =	sld [smem:$0x3FB5]  }
0x39: {  	_ = 	snop;
	(pc) =	sbr.ind lr, $3  }
0x3a: {  	_ = 	snop  }
0x3b: {  	_ = 	snop  }
0x3c: {  	p2 =	seq.s32 s10, $0x1;
	s10 =	sld [smem:$0x3FB4]  }
0x3d: {  	_ =	shalt  }
0x3e: {  	_ =	shalt  }
0x3f: {  	_ =	shalt  }
0x40: {  	_ =	shalt  }
0x41: {  	_ =	shalt  }
0x42: {  	_ =	shalt  }
0x43: {  	_ =	shalt  }
0x44: {  	_ =	shalt  }
0x45: {  	_ =	shalt  }
0x46: {  	_ =	shalt  }
0x47: {  	_ =	shalt  }
0x48: {  	_ =	shalt  }
0x49: {  	_ =	shalt  }
0x4a: {  	_ =	shalt  }
0x4b: {  	_ =	shalt  }
0x4c: {  	_ =	shalt  }
0x4d: {  	_ =	shalt  }
0x4e: {  	_ =	shalt  }
0x4f: {  	_ =	shalt  }
0x50: {  	_ =	shalt  }
0x51: {  	_ =	shalt  }
0x52: {  	_ =	shalt  }
0x53: {  	_ =	shalt  }
0x54: {  	_ =	shalt  }
0x55: {  	_ =	shalt  }
0x56: {  	_ =	shalt  }
0x57: {  	_ =	shalt  }
0x58: {  	_ =	shalt  }
0x59: {  	_ =	shalt  }
0x5a: {  	_ =	shalt  }
0x5b: {  	_ =	shalt  }
0x5c: {  	_ =	shalt  }
0x5d: {  	_ =	shalt  }
0x5e: {  	_ =	shalt  }
0x5f: {  	_ =	shalt  }
0x60: {  	_ =	shalt  }
0x61: {  	_ =	shalt  }
0x62: {  	_ =	shalt  }
0x63: {  	_ =	shalt  }
0x64: {  	_ =	shalt  }
0x65: {  	_ =	shalt  }
0x66: {  	_ =	shalt  }
0x67: {  	_ =	shalt  }
0x68: {  	_ =	shalt  }
0x69: {  	_ =	shalt  }
0x6a: {  	_ =	shalt  }
0x6b: {  	_ =	shalt  }
0x6c: {  	_ =	shalt  }
0x6d: {  	_ =	shalt  }
0x6e: {  	_ =	shalt  }
0x6f: {  	_ =	shalt  }
0x70: {  	_ =	shalt  }
0x71: {  	_ =	shalt  }
0x72: {  	_ =	shalt  }
0x73: {  	_ =	shalt  }
0x74: {  	_ =	shalt  }
0x75: {  	_ =	shalt  }
0x76: {  	_ =	shalt  }
0x77: {  	_ =	shalt  }
0x78: {  	_ =	shalt  }
0x79: {  	_ =	shalt  }
0x7a: {  	_ =	shalt  }
0x7b: {  	_ =	shalt  }
0x7c: {  	_ =	shalt  }
0x7d: {  	_ =	shalt  }
0x7e: {  	_ =	shalt  }
0x7f: {  	_ =	shalt  }
0x80: {  	_ =	shalt  }
0x81: {  	_ =	shalt  }
0x82: {  	_ =	shalt  }
0x83: {  	_ =	shalt  }
0x84: {  	_ =	shalt  }
0x85: {  	_ =	shalt  }
0x86: {  	_ =	shalt  }
0x87: {  	_ =	shalt  }
.Lfunc_end0:
.L_simem_size_0:
called_computation.1_lowered:
.L_overlay_start_0:
0x88: {  	s2 =	sld [smem:$0x3FD9]  }
0x89: {  	s3 =	sld [smem:$0x3FFE];
	_ =	sdelay $0x1  }
0x8a: {  	s1 =	srdreg.scid  }
0x8b: {  	s0 =	sand.u32 $0x1, s1  }
0x8c: {  	s17 =	sshll.u32 s0, $0xA;
	s2 =	sadd.s32 s3, s2  }
0x8d: {  	s2 =	sadd.s32 s2, s17  }
0x8e: {  	[smem:$0x3FC0] =	sst s2  }
0x8f: {  	_ = 	snop  }
0x90: {  	s2 =	sld [smem:$0x3FD0];
	(tm) =	ssettm $0x1  }
0x91: {  	s18 =	sld [smem:$0x3FFB];
	_ =	sdelay $0x3  }
0x92: {  	_ =	strace s18  }
0x93: {  	s3 =	sld [smem:$0x3FFC];
	_ =	sdelay $0x3  }
0x94: {  	_ =	strace s3  }
0x95: {  	s3 =	sld [smem:$0x3FFD];
	_ =	sdelay $0x3  }
0x96: {  	_ =	strace s3  }
0x97: {  	_ =	strace $0x8FFFFFFF  }
0x98: {  	s19 =	sld [smem:$0x3FDB];
	_ =	sdelay $0x1  }
0x99: {  	s4 =	simm.s32 $_scs_section_size  }
0x9a: {  	s5 =	simm.s32 $_size__tile_overlayer_lowered;
	s6 =	simm.s32 $_tile_overlayer_lowered  }
0x9b: {  	s22 =	simm.s32 $0x1BFF;
	s21 =	sshll.u32 s6, $0x1;
	s3 =	sadd.s32 s4, s19  }
0x9c: {  	s7 =	simm.s32 $0x0;
	s20 =	sshll.u32 s5, $0x1;
	s5 =	sadd.s32 s21, s3  }
0x9d: {  	[timem:s7], [sflag:s22] =	dma.local [hbm:s5], s20  }
0x9e: {  	_ =	swait.ge [sflag:s22], s20  }
0x9f: {  	s4 =	ssub.s32 $0x0, s20;
	[sflag:s22] =	ssyncset.done $0x0  }
0xa0: {  	[sflag:s22] =	ssyncadd.s32 s4;
	_ =	sdelay $0x1  }
0xa1: {  	s23 =	simm.s32 $0x1B8B  }
0xa2: {  	_ =	swait.ge [sflag:s23], $0x1  }
0xa3: {  	[sflag:s23] =	ssyncset.done $0x0  }
0xa4: {  	s25 =	simm.s32 $0x1B8E;
	s24 =	sld [smem:$0x3FFE];
	[sflag:s23] =	ssyncadd.s32 $0xFFFFFFFF  }
0xa5: {  	s26 =	simm.s32 $execute0_lowered;
	[smem:$0x3FD2] =	sst s25  }
0xa6: {  	s5 =	sshll.u32 s26, $0x1;
	_ =	strace $0x80000046;
	[dreg:$0x1] =	wrdreg $0xFFFFFFFF  }
0xa7: {  	s28 =	simm.s32 $_size_execute0_lowered;
	s3 =	sadd.s32 s3, s5;
	[dreg:$0x0] =	wrdreg $0x0  }
0xa8: {  	s5 =	sshll.u32 s28, $0x1;
	[dreg:$0x2] =	wrdreg s3  }
0xa9: {  	[dreg:$0x3] =	wrdreg s5  }
0xaa: {  	[dreg:$0x4] =	wrdreg $0xC0  }
0xab: {  	_ =	task [dreg:s7], $0x5FFFF  }
0xac: {  	[dreg:$0x1] =	wrdreg $0xFFFFFFFF  }
0xad: {  	[dreg:$0x0] =	wrdreg $0x60  }
0xae: {  	[dreg:$0x2] =	wrdreg s2  }
0xaf: {  	[dreg:$0x3] =	wrdreg s24  }
0xb0: {  	[dreg:$0x4] =	wrdreg $0xA  }
0xb1: {  	_ =	task.clear_ibuf [dreg:s7], $0x5FFFF;
	_ =	strace $0x90000046  }
0xb2: {  	s29 =	simm.s32 $0xA;
	_ =	strace $0x80000048  }
0xb3: {  	_ =	swait.ge [sflag:s29], $0x1  }
0xb4: {  	[sflag:s29] =	ssyncadd.s32 $0xFFFFFFFF  }
0xb5: {  	_ =	strace $0x90000048  }
0xb6: {  	_ =	sfence  }
0xb7: {  	s30 =	sld [smem:$0x0];
	_ =	sdelay $0x2  }
0xb8: {  	s31 =	sshll.u32 s1, $0xD;
	s1 =	sshrl.u32 s1, $0x2  }
0xb9: {  	s3 =	sand.u32 $0x4000, s31;
	s1 =	sadd.s32 s1, s30  }
0xba: {  	s0 =	sor.u32 s3, s0;
	s1 =	sshll.u32 s1, $0x11  }
0xbb: {  	s0 =	sor.u32 s1, s0  }
0xbc: {  	s0 =	sadd.s32 $0x8F2B, s0  }
0xbd: {  	[sflag:s0] =	ssyncadd.remote.s32 $0x1  }
0xbe: {  	_ =	sfence.sel $0xFFFF  }
0xbf: {  	[dreg:$0x0] =	wrdreg $0xFFFFFFFF;
	(pc) =	sbr.abs _section_cstart, $3  }
0xc0: {  	[dreg:$0x1] =	wrdreg $0xFFFFFFFF  }
0xc1: {  	_ =	task.clear_ibuf [dreg:s7], $0x2FFFF;
	_ =	strace $0x9FFFFFFF  }
0xc2: {  	(tm) =	ssettm $0x7FFFFFFF  }
0xc3: {  	_ =	shalt  }
tec
execute0_lowered:
.L_overlay_start_1:
0x0: {  	(tag) =	ssettag $0x1  }
0x1: {  	s2 =	rddreg [dreg:$0x0]  }
0x2: {  	s1 =	srdreg.scid;
	s0 =	stileid.u32  }
0x3: {  	s5 =	rddreg [dreg:$0x1];
	s3 =	simm.s32 $0x0;
	s10 =	simm.s32 $0x78  }
0x4: {  	s11 =	simm.s32 $0xA00;
	s12 =	simm.s32 $0xBE00;
	s13 =	simm.s32 $0x4600  }
0x5: {  	s14 =	simm.s32 $0xFA00;
	s15 =	simm.s32 $0x1;
	s16 =	simm.s32 $0x8200  }
0x6: {  	s17 =	simm.s32 $0x13600;
	s18 =	simm.s32 $0x2;
	s19 =	simm.s32 $0x3  }
0x7: {  	s20 =	simm.s32 $0x4;
	s21 =	simm.s32 $0x5;
	s22 =	simm.s32 $0x6  }
0x8: {  	s6 =	sand.u32 $0x1, s1;
	s4 =	sshll.u32 s0, $0x1;
	s8 =	smul.u32 $0x13B00, s0  }
0x9: {  	s4 =	sor.u32 s6, s4;
	s9 =	ssub.s32 $0x2, s6;
	s6 =	smul.u32 $0x9D80, s6  }
0xa: {  	s23 =	simm.s32 $0x0;
	[smem:$0x7FF] =	sst s3;
	s7 =	smul.u32 $0x9D8, s4  }
.Ltmp0:
0xb: {  	s1 =	rddreg [dreg:$0x2];
	_ =	strace $0x80000047;
	(pc) =	sbr.rel .LBB2_1-.Ltmp0, $4  }
0xc: {  	s4 =	sadd.s32 $0xA1800, s5;
	s8 =	sadd.s32 s8, s5;
	s31 =	sshrl.u32 s9, $0x1  }
0xd: {  	s9 =	ssub.s32 s9, s31;
	s8 =	sadd.s32 s6, s8;
	s7 =	sshrl.u32 s7, $0x3  }
0xe: {  	s6 =	smax.u32 s9, $0x1;
	s9 =	simm.s32 $0x7;
	s7 =	sadd.s32 s7, s5  }
0xf: {  	s5 =	sadd.s32 $0x2C00, s7;
	s7 =	sadd.s32 $0xC8A00, s8;
	s8 =	sadd.s32 $0x203A00, s8  }
.LBB2_4:
0x10: {  	_ =	swait.ge [sflag:s20], $0x3C00  }
0x11: {  	[sflag:s20] =	ssyncset.done $0x0  }
0x12: {  	[sflag:s20] =	ssyncadd.s32 $0xFFFFC400  }
0x13: {  	_ =	swait.ge [sflag:s20], $0x3C00  }
0x14: {  	[sflag:s20] =	ssyncset.done $0x0  }
0x15: {  	[sflag:s20] =	ssyncadd.s32 $0xFFFFC400  }
0x16: {  	_ =	swait.ge [sflag:s21], $0x3C00  }
0x17: {  	[sflag:s21] =	ssyncset.done $0x0  }
0x18: {  	[sflag:s21] =	ssyncadd.s32 $0xFFFFC400  }
0x19: {  	_ =	swait.ge [sflag:s21], $0x3C00  }
0x1a: {  	[sflag:s21] =	ssyncset.done $0x0  }
0x1b: {  	s23 =	sadd.s32 $0x1, s23;
	[sflag:s21] =	ssyncadd.s32 $0xFFFFC400  }
0x1c: {  	p0 =	sne.s32 s23, s6;
	_ =	swait.ge [sflag:s22], $0x3C00  }
.Ltmp1:
0x1d: {  	[sflag:s22] =	ssyncset.done $0x0;
	(pc) =	sbr.rel @!p0 .LBB2_5-.Ltmp1, $4  }
0x1e: {  	[sflag:s22] =	ssyncadd.s32 $0xFFFFC400  }
0x1f: {  	_ =	swait.ge [sflag:s22], $0x3C00  }
0x20: {  	[sflag:s22] =	ssyncset.done $0x0  }
0x21: {  	[sflag:s22] =	ssyncadd.s32 $0xFFFFC400  }
.LBB2_1:
0x22: {  	[tilespmem:s3], [sflag:$0x7] =	stream.linear.gather [hbm4b:s5+s3], $0x9D8, $0x38;
	[tilespmem:$0x17200] =	vst v63  }
0x23: {  	_ =	swait.ge [sflag:s9], $0x9D8  }
0x24: {  	[sflag:s9] =	ssyncset.done $0x0  }
0x25: {  	[sflag:s9] =	ssyncadd.s32 $0xFFFFF628  }
0x26: {  	[tilespmem:s11], [sflag:$0x1] =	stream.indirect.gather [hbm4b:s2+s10], $0x80, s3, s10, $0xb8;
	[tilespmem:$0x17200] =	vst v63  }
0x27: {  	_ = 	snop  }
0x28: {  	[tilespmem:s12], [sflag:$0x1] =	stream.indirect.gather [hbm4b:s4+s10], $0x80, s3, s10, $0xb8;
	[tilespmem:$0x17200] =	vst v63  }
0x29: {  	_ = 	snop  }
0x2a: {  	[tilespmem:s13], [sflag:$0x2] =	stream.indirect.gather [hbm4b:s2+s10], $0x80, s10, s10, $0xb8;
	[tilespmem:$0x17200] =	vst v63  }
0x2b: {  	s24 =	simm.s32 $0x1E0;
	s25 =	simm.s32 $0x0  }
0x2c: {  	[tilespmem:s14], [sflag:$0x2] =	stream.indirect.gather [hbm4b:s4+s10], $0x80, s10, s10, $0xb8;
	[tilespmem:$0x17200] =	vst v63  }
.LBB2_2:
0x2d: {  	_ =	swait.ge [sflag:s15], $0x3C00  }
0x2e: {  	[sflag:s15] =	ssyncset.done $0x0  }
0x2f: {  	[sflag:s15] =	ssyncadd.s32 $0xFFFFC400  }
0x30: {  	_ =	swait.ge [sflag:s15], $0x3C00  }
0x31: {  	[sflag:s15] =	ssyncset.done $0x0  }
0x32: {  	s26 =	sadd.s32 s25, s7;
	p0 =	seq.s32 s25, $0x0;
	[sflag:s15] =	ssyncadd.s32 $0xFFFFC400  }
0x33: {  	[hbm4b:s26+s3] =	stream.linear.scatter [tilespmem:s11], [sflag:$0x4], $0x3C00, $0x38;
	[tilespmem:$0x17200] =	vst v63  }
0x34: {  	s28 =	sadd.s32 s25, s8;
	s29 =	simm.s32 @!p0 $0x6  }
0x35: {  	[hbm4b:s28+s3] =	stream.linear.scatter [tilespmem:s12], [sflag:$0x4], $0x3C00, $0x38;
	[tilespmem:$0x17200] =	vst v63  }
0x36: {  	_ =	swait.ge @!p0 [sflag:s29], $0x3C00  }
0x37: {  	[sflag:s29] =	ssyncset.done @!p0 $0x0  }
0x38: {  	[sflag:s29] =	ssyncadd.s32 @!p0 $0xFFFFC400  }
0x39: {  	_ =	swait.ge @!p0 [sflag:s29], $0x3C00  }
0x3a: {  	[sflag:s29] =	ssyncset.done @!p0 $0x0  }
0x3b: {  	s30 =	sadd.s32 $0xFFFFFF10, s24;
	[sflag:s29] =	ssyncadd.s32 @!p0 $0xFFFFC400  }
0x3c: {  	[tilespmem:s16], [sflag:$0x3] =	stream.indirect.gather [hbm4b:s2+s10], $0x80, s30, s10, $0xb8;
	[tilespmem:$0x17200] =	vst v63  }
0x3d: {  	_ = 	snop  }
0x3e: {  	[tilespmem:s17], [sflag:$0x3] =	stream.indirect.gather [hbm4b:s4+s10], $0x80, s30, s10, $0xb8;
	[tilespmem:$0x17200] =	vst v63  }
0x3f: {  	_ =	swait.ge [sflag:s18], $0x3C00  }
0x40: {  	[sflag:s18] =	ssyncset.done $0x0  }
0x41: {  	[sflag:s18] =	ssyncadd.s32 $0xFFFFC400  }
0x42: {  	_ =	swait.ge [sflag:s18], $0x3C00  }
0x43: {  	[sflag:s18] =	ssyncset.done $0x0  }
0x44: {  	s31 =	sadd.s32 $0x780, s26;
	p0 =	seq.s32 s25, $0x8700;
	[sflag:s18] =	ssyncadd.s32 $0xFFFFC400  }
0x45: {  	[hbm4b:s31+s3] =	stream.linear.scatter [tilespmem:s13], [sflag:$0x5], $0x3C00, $0x38;
	[tilespmem:$0x17200] =	vst v63  }
0x46: {  	s29 =	simm.s32 @!p0 $0x4;
	s30 =	sadd.s32 $0x780, s28  }
0x47: {  	[hbm4b:s30+s3] =	stream.linear.scatter [tilespmem:s14], [sflag:$0x5], $0x3C00, $0x38;
	[tilespmem:$0x17200] =	vst v63  }
0x48: {  	_ =	swait.ge @!p0 [sflag:s29], $0x3C00  }
0x49: {  	[sflag:s29] =	ssyncset.done @!p0 $0x0  }
0x4a: {  	[sflag:s29] =	ssyncadd.s32 @!p0 $0xFFFFC400  }
0x4b: {  	_ =	swait.ge @!p0 [sflag:s29], $0x3C00  }
0x4c: {  	s31 =	simm.s32 @!p0 $0xA00;
	[sflag:s29] =	ssyncset.done @!p0 $0x0  }
0x4d: {  	s30 =	simm.s32 @!p0 $0x78;
	[sflag:s29] =	ssyncadd.s32 @!p0 $0xFFFFC400;
	s29 =	sadd.s32 @!p0 $0xFFFFFF88, s24  }
0x4e: {  	[tilespmem:s31], [sflag:$0x1] =	stream.indirect.gather @!p0 [hbm4b:s2+s30], $0x80, s29, s30, $0xb8;
	[tilespmem:$0x17200] =	vst v63  }
0x4f: {  	s31 =	simm.s32 @!p0 $0xBE00  }
0x50: {  	[tilespmem:s31], [sflag:$0x1] =	stream.indirect.gather @!p0 [hbm4b:s4+s30], $0x80, s29, s30, $0xb8;
	[tilespmem:$0x17200] =	vst v63  }
0x51: {  	_ =	swait.ge [sflag:s19], $0x3C00  }
0x52: {  	[sflag:s19] =	ssyncset.done $0x0  }
0x53: {  	[sflag:s19] =	ssyncadd.s32 $0xFFFFC400  }
0x54: {  	_ =	swait.ge [sflag:s19], $0x3C00  }
.Ltmp2:
0x55: {  	[sflag:s19] =	ssyncset.done $0x0;
	(pc) =	sbr.rel @p0 .LBB2_4-.Ltmp2, $4  }
0x56: {  	s26 =	sadd.s32 $0xF00, s26;
	[sflag:s19] =	ssyncadd.s32 $0xFFFFC400  }
0x57: {  	[hbm4b:s26+s3] =	stream.linear.scatter [tilespmem:s16], [sflag:$0x6], $0x3C00, $0x38;
	[tilespmem:$0x17200] =	vst v63  }
0x58: {  	s31 =	sadd.s32 $0xF00, s28  }
0x59: {  	[hbm4b:s31+s3] =	stream.linear.scatter [tilespmem:s17], [sflag:$0x6], $0x3C00, $0x38;
	[tilespmem:$0x17200] =	vst v63  }
0x5a: {  	_ =	swait.ge [sflag:s21], $0x3C00  }
0x5b: {  	[sflag:s21] =	ssyncset.done $0x0  }
0x5c: {  	[sflag:s21] =	ssyncadd.s32 $0xFFFFC400  }
0x5d: {  	_ =	swait.ge [sflag:s21], $0x3C00  }
0x5e: {  	[sflag:s21] =	ssyncset.done $0x0  }
.Ltmp3:
0x5f: {  	[sflag:s21] =	ssyncadd.s32 $0xFFFFC400;
	(pc) =	sbr.rel .LBB2_2-.Ltmp3, $4  }
0x60: {  	[tilespmem:s13], [sflag:$0x2] =	stream.indirect.gather [hbm4b:s2+s10], $0x80, s24, s10, $0xb8;
	[tilespmem:$0x17200] =	vst v63  }
0x61: {  	_ = 	snop  }
0x62: {  	[tilespmem:s14], [sflag:$0x2] =	stream.indirect.gather [hbm4b:s4+s10], $0x80, s24, s10, $0xb8;
	[tilespmem:$0x17200] =	vst v63  }
0x63: {  	s25 =	sadd.s32 $0x1680, s25;
	s24 =	sadd.s32 $0x168, s24  }
.LBB2_5:
0x64: {  	_ =	sfence.sel $0x180000  }
0x65: {  	[bflag:$0x0] =	sbarrier.arrive $0xFFFF  }
0x66: {  	p0 =	sne.s32 s0, $0x0;
	_ =	strace $0x90000047  }
0x67: {  	s0 =	sadd.s32 @!p0 $0x100000, s1;
	[bflag:$0x2] =	sbarrier.arrive $0xFFFF  }
0x68: {  	[sflag:s0] =	ssyncadd.tile.s32 @!p0 $0x1;
	_ =	shalt  }
.Lfunc_end2:
_tile_overlayer_lowered:
.L_overlay_start_2:
0x69: {  	(tag) =	ssettag $0x2  }
0x6a: {  	s0 =	rddreg [dreg:$0x0];
	s2 =	stileid.u32  }
0x6b: {  	s1 =	rddreg [dreg:$0x1];
	p0 =	sne.s32 s2, $0x0  }
0x6c: {  	s3 =	rddreg [dreg:$0x2];
	[bflag:$0x3] =	sbarrier.arrive $0xFFFF;
	s2 =	simm.s32 @!p0 $0x1C07  }
0x6d: {  	[timem:s3], [sflag:s2] =	dma.local @!p0 [hbm:s0], s1  }
0x6e: {  	s0 =	simm.s32 @!p0 $0x7  }
0x6f: {  	_ =	swait.ge @!p0 [sflag:s0], s1  }
0x70: {  	s1 =	ssub.s32 @!p0 $0x0, s1;
	[sflag:s0] =	ssyncset.done @!p0 $0x0  }
0x71: {  	[sflag:s0] =	ssyncadd.s32 @!p0 s1  }
0x72: {  	[bflag:$0x3] =	sbarrier.arrive $0xFFFF  }
0x73: {  	_ =	shalt  }

// kernel: kernel.8.cloned.1.call-start
scs
__scs_entry_jumppad:
0x0: {  	(pc) =	sbr.rel $0x88, $3  }
0x1: {  	(tag) =	ssettag $0x0;
	lr =	simm.s32 $0x1  }
0x2: {  	[smem:$0x3F99] =	sst lr;
	_ =	strace $0xD0000000  }
0x3: {  	_ = 	snop  }
0x4: {  	_ = 	snop  }
0x5: {  	_ = 	snop  }
0x6: {  	_ = 	snop  }
0x7: {  	_ = 	snop  }
__scs_overlays_trampoline_lowered:
0x8: {  	[smem:$0x3FA8] =	sst s0  }
0x9: {  	[smem:$0x3FA9] =	sst s1  }
0xa: {  	[smem:$0x3FAA] =	sst s2  }
0xb: {  	[smem:$0x3FAB] =	sst s3  }
0xc: {  	[smem:$0x3FAC] =	sst s4  }
0xd: {  	[smem:$0x3FAD] =	sst s5  }
0xe: {  	[smem:$0x3FAE] =	sst s6  }
0xf: {  	[smem:$0x3FAF] =	sst s7  }
0x10: {  	[smem:$0x3FB0] =	sst s8  }
0x11: {  	[smem:$0x3FB1] =	sst s9;
	s0 =	simm.s32 @!p0 $0x0  }
0x12: {  	s1 =	sld [smem:$0x3F97];
	s0 =	simm.s32 @p0 $0x1  }
0x13: {  	[smem:$0x3FB2] =	sst s0;
	s0 =	simm.s32 @!p1 $0x0  }
0x14: {  	s2 =	sld [smem:$0x3F96];
	s0 =	simm.s32 @p1 $0x1  }
0x15: {  	[smem:$0x3FB3] =	sst s0;
	s0 =	simm.s32 @!p2 $0x0  }
0x16: {  	s3 =	sld [smem:$0x3FDB];
	s0 =	simm.s32 @p2 $0x1  }
0x17: {  	s4 =	simm.s32 $0x1BF5;
	[smem:$0x3FB5] =	sst s0  }
0x18: {  	s0 =	sld [smem:$0x3F98];
	_ =	swait.ge [sflag:s4], $0x0  }
0x19: {  	s7 =	sld [smem:$0x3F99]  }
0x1a: {  	s8 =	sadd.s32 $0xFFFFE003, lr  }
0x1b: {  	s9 =	sadd.s32 $0xFFFFFEF7, lr;
	s5 =	simm.s32 $0xFFFFFFFF;
	p2 =	slt.u32 s8, $0xFFFFF086  }
0x1c: {  	p1 =	slt.u32 s9, $0xF7A;
	s5 =	simm.s32 @!p2 $0x0  }
0x1d: {  	s5 =	simm.s32 @p1 $0x1;
	p0 =	seq.s32 s7, s2  }
0x1e: {  	s7 =	smul.u32 @!p0 $0xF7A, s2;
	p2 =	seq.s32 @!p0 s5, $0x0  }
0x1f: {  	s9 =	smul.u32 $0xF7A, s1;
	s8 =	simm.s32 @!p0 $0x1BF5;
	p2 =	por !p2, p0  }
0x20: {  	[sflag:s8] =	ssyncset.s32 @!p0 $0xFFFFF086;
	s6 =	sadd.s32 @!p0 s3, s7;
	s7 =	simm.s32 @!p0 $0x108  }
0x21: {  	s3 =	sadd.s32 s3, s9;
	s6 =	sadd.s32 @!p0 $0x88, s6;
	s7 =	simm.s32 @p2 $0x1082  }
0x22: {  	[simem:s7], [sflag:s8] =	dma.local @!p0 [hbm:s6], $0xF7A  }
0x23: {  	s9 =	sor.u32 $0xD0000000, s2;
	s6 =	simm.s32 $0x108;
	_ =	swait.ge @!p0 [sflag:s8], $0x0  }
0x24: {  	s3 =	sadd.s32 $0x88, s3;
	s6 =	simm.s32 @!p1 $0x1082;
	[sflag:s4] =	ssyncset.s32 $0xFFFFF086  }
0x25: {  	[simem:s6], [sflag:s4] =	dma.local [hbm:s3], $0xF7A  }
0x26: {  	[smem:$0x3F99] =	sst s1;
	(tag) =	ssettag s2;
	_ =	strace s9  }
0x27: {  	s1 =	sld [smem:$0x3FA9]  }
0x28: {  	s2 =	sld [smem:$0x3FAA]  }
0x29: {  	s4 =	sld [smem:$0x3FAC]  }
0x2a: {  	p0 =	seq.s32 s5, $0x0;
	s5 =	sld [smem:$0x3FAD]  }
0x2b: {  	s6 =	sld [smem:$0x3FAE]  }
0x2c: {  	s7 =	sld [smem:$0x3FAF]  }
0x2d: {  	s3 =	simm.s32 $0x108;
	s8 =	sld [smem:$0x3FB0]  }
0x2e: {  	s3 =	simm.s32 @!p0 $0x1082;
	s9 =	sld [smem:$0x3FB1]  }
0x2f: {  	lr =	sadd.s32 s0, s3;
	s0 =	sld [smem:$0x3FA8]  }
0x30: {  	s3 =	sld [smem:$0x3FAB]  }
0x31: {  	[smem:$0x3FB4] =	sst s10  }
0x32: {  	s10 =	sld [smem:$0x3FB2];
	_ =	sdelay $0x3  }
0x33: {  	p0 =	seq.s32 s10, $0x1;
	s10 =	sld [smem:$0x3FB4];
	_ =	sdelay $0x3  }
0x34: {  	[smem:$0x3FB4] =	sst s10  }
0x35: {  	s10 =	sld [smem:$0x3FB3];
	_ =	sdelay $0x3  }
0x36: {  	p1 =	seq.s32 s10, $0x1;
	s10 =	sld [smem:$0x3FB4];
	_ =	sdelay $0x3  }
0x37: {  	[smem:$0x3FB4] =	sst s10  }
0x38: {  	s10 =	sld [smem:$0x3FB5]  }
0x39: {  	_ = 	snop;
	(pc) =	sbr.ind lr, $3  }
0x3a: {  	_ = 	snop  }
0x3b: {  	_ = 	snop  }
0x3c: {  	p2 =	seq.s32 s10, $0x1;
	s10 =	sld [smem:$0x3FB4]  }
0x3d: {  	_ =	shalt  }
0x3e: {  	_ =	shalt  }
0x3f: {  	_ =	shalt  }
0x40: {  	_ =	shalt  }
0x41: {  	_ =	shalt  }
0x42: {  	_ =	shalt  }
0x43: {  	_ =	shalt  }
0x44: {  	_ =	shalt  }
0x45: {  	_ =	shalt  }
0x46: {  	_ =	shalt  }
0x47: {  	_ =	shalt  }
0x48: {  	_ =	shalt  }
0x49: {  	_ =	shalt  }
0x4a: {  	_ =	shalt  }
0x4b: {  	_ =	shalt  }
0x4c: {  	_ =	shalt  }
0x4d: {  	_ =	shalt  }
0x4e: {  	_ =	shalt  }
0x4f: {  	_ =	shalt  }
0x50: {  	_ =	shalt  }
0x51: {  	_ =	shalt  }
0x52: {  	_ =	shalt  }
0x53: {  	_ =	shalt  }
0x54: {  	_ =	shalt  }
0x55: {  	_ =	shalt  }
0x56: {  	_ =	shalt  }
0x57: {  	_ =	shalt  }
0x58: {  	_ =	shalt  }
0x59: {  	_ =	shalt  }
0x5a: {  	_ =	shalt  }
0x5b: {  	_ =	shalt  }
0x5c: {  	_ =	shalt  }
0x5d: {  	_ =	shalt  }
0x5e: {  	_ =	shalt  }
0x5f: {  	_ =	shalt  }
0x60: {  	_ =	shalt  }
0x61: {  	_ =	shalt  }
0x62: {  	_ =	shalt  }
0x63: {  	_ =	shalt  }
0x64: {  	_ =	shalt  }
0x65: {  	_ =	shalt  }
0x66: {  	_ =	shalt  }
0x67: {  	_ =	shalt  }
0x68: {  	_ =	shalt  }
0x69: {  	_ =	shalt  }
0x6a: {  	_ =	shalt  }
0x6b: {  	_ =	shalt  }
0x6c: {  	_ =	shalt  }
0x6d: {  	_ =	shalt  }
0x6e: {  	_ =	shalt  }
0x6f: {  	_ =	shalt  }
0x70: {  	_ =	shalt  }
0x71: {  	_ =	shalt  }
0x72: {  	_ =	shalt  }
0x73: {  	_ =	shalt  }
0x74: {  	_ =	shalt  }
0x75: {  	_ =	shalt  }
0x76: {  	_ =	shalt  }
0x77: {  	_ =	shalt  }
0x78: {  	_ =	shalt  }
0x79: {  	_ =	shalt  }
0x7a: {  	_ =	shalt  }
0x7b: {  	_ =	shalt  }
0x7c: {  	_ =	shalt  }
0x7d: {  	_ =	shalt  }
0x7e: {  	_ =	shalt  }
0x7f: {  	_ =	shalt  }
0x80: {  	_ =	shalt  }
0x81: {  	_ =	shalt  }
0x82: {  	_ =	shalt  }
0x83: {  	_ =	shalt  }
0x84: {  	_ =	shalt  }
0x85: {  	_ =	shalt  }
0x86: {  	_ =	shalt  }
0x87: {  	_ =	shalt  }
.Lfunc_end0:
.L_simem_size_0:
called_computation_lowered:
.L_overlay_start_0:
0x88: {  	s2 =	sld [smem:$0x3FD9]  }
0x89: {  	s3 =	sld [smem:$0x3FFE];
	_ =	sdelay $0x1  }
0x8a: {  	s1 =	srdreg.scid  }
0x8b: {  	s0 =	sand.u32 $0x1, s1  }
0x8c: {  	s17 =	sshll.u32 s0, $0xA;
	s2 =	sadd.s32 s3, s2  }
0x8d: {  	s2 =	sadd.s32 s2, s17  }
0x8e: {  	[smem:$0x3FC0] =	sst s2  }
0x8f: {  	_ = 	snop  }
0x90: {  	s18 =	sld [smem:$0x3FD0];
	(tm) =	ssettm $0x1  }
0x91: {  	s19 =	sld [smem:$0x3FFB];
	_ =	sdelay $0x3  }
0x92: {  	_ =	strace s19  }
0x93: {  	s2 =	sld [smem:$0x3FFC];
	_ =	sdelay $0x3  }
0x94: {  	_ =	strace s2  }
0x95: {  	s2 =	sld [smem:$0x3FFD];
	_ =	sdelay $0x3  }
0x96: {  	_ =	strace s2  }
0x97: {  	_ =	strace $0x8FFFFFFF  }
0x98: {  	s20 =	sld [smem:$0x3FDB];
	_ =	sdelay $0x1  }
0x99: {  	s4 =	simm.s32 $_scs_section_size  }
0x9a: {  	s5 =	simm.s32 $_size__tile_overlayer_lowered;
	s6 =	simm.s32 $_tile_overlayer_lowered  }
0x9b: {  	s7 =	simm.s32 $0x1BFF;
	s21 =	sshll.u32 s6, $0x1;
	s4 =	sadd.s32 s4, s20  }
0x9c: {  	s22 =	simm.s32 $0x0;
	s5 =	sshll.u32 s5, $0x1;
	s6 =	sadd.s32 s21, s4  }
0x9d: {  	[timem:s22], [sflag:s7] =	dma.local [hbm:s6], s5  }
0x9e: {  	_ =	swait.ge [sflag:s7], s5  }
0x9f: {  	s5 =	ssub.s32 $0x0, s5;
	[sflag:s7] =	ssyncset.done $0x0  }
0xa0: {  	[sflag:s7] =	ssyncadd.s32 s5;
	_ =	sdelay $0x1  }
0xa1: {  	s23 =	simm.s32 $0x1B8B  }
0xa2: {  	_ =	swait.ge [sflag:s23], $0x1  }
0xa3: {  	[sflag:s23] =	ssyncset.done $0x0  }
0xa4: {  	[sflag:s23] =	ssyncadd.s32 $0xFFFFFFFF  }
0xa5: {  	s5 =	sld [smem:$0x0]  }
0xa6: {  	s6 =	sand.u32 $0xFFFFFFFE, s1  }
0xa7: {  	p0 =	sne.s32 s1, s6  }
0xa8: {  	s6 =	sshll.u32 @p0 s6, $0xE  }
0xa9: {  	s6 =	sadd.s32 @p0 $0x11B8D, s6;
	s7 =	sshll.u32 @p0 s5, $0x11  }
0xaa: {  	s6 =	sor.u32 @p0 s7, s6  }
0xab: {  	[sflag:s6] =	ssyncadd.remote.s32 @p0 $0x1;
	_ =	sdelay $0x1  }
0xac: {  	s6 =	simm.s32 @p0 $0x1B8D  }
0xad: {  	_ =	swait.eq @p0 [sflag:s6], $0x1  }
0xae: {  	[sflag:s6] =	ssyncadd.s32 @p0 $0xFFFFFFFF  }
0xaf: {  	s7 =	sshll.u32 @!p0 s1, $0xE  }
0xb0: {  	s7 =	sor.u32 @!p0 $0x4000, s7;
	s6 =	simm.s32 @!p0 $0x1B8D  }
0xb1: {  	s5 =	sshll.u32 @!p0 s5, $0x11;
	s7 =	sadd.s32 @!p0 $0x11B8D, s7;
	_ =	swait.eq @!p0 [sflag:s6], $0x1  }
0xb2: {  	s5 =	sor.u32 @!p0 s5, s7;
	[sflag:s6] =	ssyncadd.s32 @!p0 $0xFFFFFFFF  }
0xb3: {  	s25 =	simm.s32 $0x1B8E;
	s24 =	sld [smem:$0x3FFE];
	[sflag:s5] =	ssyncadd.remote.s32 @!p0 $0x1  }
0xb4: {  	s26 =	simm.s32 $execute0_lowered;
	[smem:$0x3FD2] =	sst s25  }
0xb5: {  	s6 =	sshll.u32 s26, $0x1;
	_ =	strace $0x80000049;
	[dreg:$0x1] =	wrdreg $0xFFFFFFFF  }
0xb6: {  	s28 =	simm.s32 $_size_execute0_lowered;
	s4 =	sadd.s32 s4, s6;
	[dreg:$0x0] =	wrdreg $0x0  }
0xb7: {  	s6 =	sshll.u32 s28, $0x1;
	[dreg:$0x2] =	wrdreg s4  }
0xb8: {  	[dreg:$0x3] =	wrdreg s6  }
0xb9: {  	[dreg:$0x4] =	wrdreg $0xC0  }
0xba: {  	_ =	task [dreg:s22], $0x5FFFF  }
0xbb: {  	[dreg:$0x1] =	wrdreg $0xFFFFFFFF  }
0xbc: {  	[dreg:$0x0] =	wrdreg $0x60  }
0xbd: {  	[dreg:$0x2] =	wrdreg s18  }
0xbe: {  	[dreg:$0x3] =	wrdreg s24  }
0xbf: {  	[dreg:$0x4] =	wrdreg $0x9  }
0xc0: {  	_ =	task.clear_ibuf [dreg:s22], $0x5FFFF;
	_ =	strace $0x90000049  }
0xc1: {  	s29 =	simm.s32 $0x9;
	_ =	strace $0x8000004B  }
0xc2: {  	_ =	swait.ge [sflag:s29], $0x1  }
0xc3: {  	[sflag:s29] =	ssyncadd.s32 $0xFFFFFFFF  }
0xc4: {  	_ =	strace $0x9000004B  }
0xc5: {  	_ =	sfence  }
0xc6: {  	s30 =	sld [smem:$0x0];
	_ =	sdelay $0x2  }
0xc7: {  	s31 =	sshll.u32 s1, $0xD;
	s1 =	sshrl.u32 s1, $0x2  }
0xc8: {  	s4 =	sand.u32 $0x4000, s31;
	s1 =	sadd.s32 s1, s30  }
0xc9: {  	s0 =	sor.u32 s4, s0;
	s1 =	sshll.u32 s1, $0x11  }
0xca: {  	s0 =	sor.u32 s1, s0  }
0xcb: {  	s0 =	sadd.s32 $0x8F2B, s0  }
0xcc: {  	[sflag:s0] =	ssyncadd.remote.s32 $0x1  }
0xcd: {  	_ =	sfence.sel $0xFFFF  }
0xce: {  	[dreg:$0x0] =	wrdreg $0xFFFFFFFF;
	(pc) =	sbr.abs _section_cstart, $3  }
0xcf: {  	[dreg:$0x1] =	wrdreg $0xFFFFFFFF  }
0xd0: {  	_ =	task.clear_ibuf [dreg:s22], $0x2FFFF;
	_ =	strace $0x9FFFFFFF  }
0xd1: {  	(tm) =	ssettm $0x7FFFFFFF  }
tec
execute0_lowered:
.L_overlay_start_1:
0x0: {  	(tag) =	ssettag $0x1  }
0x1: {  	s2 =	rddreg [dreg:$0x0]  }
0x2: {  	s1 =	srdreg.scid;
	s0 =	stileid.u32  }
0x3: {  	s5 =	rddreg [dreg:$0x1];
	s3 =	simm.s32 $0x0;
	s10 =	simm.s32 $0x78  }
0x4: {  	s11 =	simm.s32 $0xA00;
	s12 =	simm.s32 $0xBE00;
	s13 =	simm.s32 $0x4600  }
0x5: {  	s14 =	simm.s32 $0xFA00;
	s15 =	simm.s32 $0x1;
	s16 =	simm.s32 $0x8200  }
0x6: {  	s17 =	simm.s32 $0x13600;
	s18 =	simm.s32 $0x2;
	s19 =	simm.s32 $0x3  }
0x7: {  	s20 =	simm.s32 $0x4;
	s21 =	simm.s32 $0x5;
	s22 =	simm.s32 $0x6  }
0x8: {  	s6 =	sand.u32 $0x1, s1;
	s4 =	sshll.u32 s0, $0x1;
	s8 =	smul.u32 $0x13B00, s0  }
0x9: {  	s4 =	sor.u32 s6, s4;
	s9 =	ssub.s32 $0x2, s6;
	s6 =	smul.u32 $0x9D80, s6  }
0xa: {  	s23 =	simm.s32 $0x0;
	[smem:$0x7FF] =	sst s3;
	s7 =	smul.u32 $0x9D8, s4  }
.Ltmp0:
0xb: {  	s1 =	rddreg [dreg:$0x2];
	_ =	strace $0x8000004A;
	(pc) =	sbr.rel .LBB2_1-.Ltmp0, $4  }
0xc: {  	s4 =	sadd.s32 $0xA1800, s5;
	s31 =	sshrl.u32 s9, $0x1;
	s7 =	sshrl.u32 s7, $0x3  }
0xd: {  	s8 =	sadd.s32 s8, s5;
	s9 =	ssub.s32 s9, s31;
	s7 =	sadd.s32 s7, s5  }
0xe: {  	s8 =	sadd.s32 s6, s8;
	s6 =	smax.u32 s9, $0x1;
	s5 =	sadd.s32 $0x33EA00, s7  }
0xf: {  	s9 =	simm.s32 $0x7;
	s7 =	sadd.s32 $0x341200, s8;
	s8 =	sadd.s32 $0x47C200, s8  }
.LBB2_4:
0x10: {  	_ =	swait.ge [sflag:s20], $0x3C00  }
0x11: {  	[sflag:s20] =	ssyncset.done $0x0  }
0x12: {  	[sflag:s20] =	ssyncadd.s32 $0xFFFFC400  }
0x13: {  	_ =	swait.ge [sflag:s20], $0x3C00  }
0x14: {  	[sflag:s20] =	ssyncset.done $0x0  }
0x15: {  	[sflag:s20] =	ssyncadd.s32 $0xFFFFC400  }
0x16: {  	_ =	swait.ge [sflag:s21], $0x3C00  }
0x17: {  	[sflag:s21] =	ssyncset.done $0x0  }
0x18: {  	[sflag:s21] =	ssyncadd.s32 $0xFFFFC400  }
0x19: {  	_ =	swait.ge [sflag:s21], $0x3C00  }
0x1a: {  	[sflag:s21] =	ssyncset.done $0x0  }
0x1b: {  	s23 =	sadd.s32 $0x1, s23;
	[sflag:s21] =	ssyncadd.s32 $0xFFFFC400  }
0x1c: {  	p0 =	sne.s32 s23, s6;
	_ =	swait.ge [sflag:s22], $0x3C00  }
.Ltmp1:
0x1d: {  	[sflag:s22] =	ssyncset.done $0x0;
	(pc) =	sbr.rel @!p0 .LBB2_5-.Ltmp1, $4  }
0x1e: {  	[sflag:s22] =	ssyncadd.s32 $0xFFFFC400  }
0x1f: {  	_ =	swait.ge [sflag:s22], $0x3C00  }
0x20: {  	[sflag:s22] =	ssyncset.done $0x0  }
0x21: {  	[sflag:s22] =	ssyncadd.s32 $0xFFFFC400  }
.LBB2_1:
0x22: {  	[tilespmem:s3], [sflag:$0x7] =	stream.linear.gather [hbm4b:s5+s3], $0x9D8, $0x38;
	[tilespmem:$0x17200] =	vst v63  }
0x23: {  	_ =	swait.ge [sflag:s9], $0x9D8  }
0x24: {  	[sflag:s9] =	ssyncset.done $0x0  }
0x25: {  	[sflag:s9] =	ssyncadd.s32 $0xFFFFF628  }
0x26: {  	[tilespmem:s11], [sflag:$0x1] =	stream.indirect.gather [hbm4b:s2+s10], $0x80, s3, s10, $0xb8;
	[tilespmem:$0x17200] =	vst v63  }
0x27: {  	_ = 	snop  }
0x28: {  	[tilespmem:s12], [sflag:$0x1] =	stream.indirect.gather [hbm4b:s4+s10], $0x80, s3, s10, $0xb8;
	[tilespmem:$0x17200] =	vst v63  }
0x29: {  	_ = 	snop  }
0x2a: {  	[tilespmem:s13], [sflag:$0x2] =	stream.indirect.gather [hbm4b:s2+s10], $0x80, s10, s10, $0xb8;
	[tilespmem:$0x17200] =	vst v63  }
0x2b: {  	s24 =	simm.s32 $0x1E0;
	s25 =	simm.s32 $0x0  }
0x2c: {  	[tilespmem:s14], [sflag:$0x2] =	stream.indirect.gather [hbm4b:s4+s10], $0x80, s10, s10, $0xb8;
	[tilespmem:$0x17200] =	vst v63  }
.LBB2_2:
0x2d: {  	_ =	swait.ge [sflag:s15], $0x3C00  }
0x2e: {  	[sflag:s15] =	ssyncset.done $0x0  }
0x2f: {  	[sflag:s15] =	ssyncadd.s32 $0xFFFFC400  }
0x30: {  	_ =	swait.ge [sflag:s15], $0x3C00  }
0x31: {  	[sflag:s15] =	ssyncset.done $0x0  }
0x32: {  	s26 =	sadd.s32 s25, s7;
	p0 =	seq.s32 s25, $0x0;
	[sflag:s15] =	ssyncadd.s32 $0xFFFFC400  }
0x33: {  	[hbm4b:s26+s3] =	stream.linear.scatter [tilespmem:s11], [sflag:$0x4], $0x3C00, $0x38;
	[tilespmem:$0x17200] =	vst v63  }
0x34: {  	s28 =	sadd.s32 s25, s8;
	s29 =	simm.s32 @!p0 $0x6  }
0x35: {  	[hbm4b:s28+s3] =	stream.linear.scatter [tilespmem:s12], [sflag:$0x4], $0x3C00, $0x38;
	[tilespmem:$0x17200] =	vst v63  }
0x36: {  	_ =	swait.ge @!p0 [sflag:s29], $0x3C00  }
0x37: {  	[sflag:s29] =	ssyncset.done @!p0 $0x0  }
0x38: {  	[sflag:s29] =	ssyncadd.s32 @!p0 $0xFFFFC400  }
0x39: {  	_ =	swait.ge @!p0 [sflag:s29], $0x3C00  }
0x3a: {  	[sflag:s29] =	ssyncset.done @!p0 $0x0  }
0x3b: {  	s30 =	sadd.s32 $0xFFFFFF10, s24;
	[sflag:s29] =	ssyncadd.s32 @!p0 $0xFFFFC400  }
0x3c: {  	[tilespmem:s16], [sflag:$0x3] =	stream.indirect.gather [hbm4b:s2+s10], $0x80, s30, s10, $0xb8;
	[tilespmem:$0x17200] =	vst v63  }
0x3d: {  	_ = 	snop  }
0x3e: {  	[tilespmem:s17], [sflag:$0x3] =	stream.indirect.gather [hbm4b:s4+s10], $0x80, s30, s10, $0xb8;
	[tilespmem:$0x17200] =	vst v63  }
0x3f: {  	_ =	swait.ge [sflag:s18], $0x3C00  }
0x40: {  	[sflag:s18] =	ssyncset.done $0x0  }
0x41: {  	[sflag:s18] =	ssyncadd.s32 $0xFFFFC400  }
0x42: {  	_ =	swait.ge [sflag:s18], $0x3C00  }
0x43: {  	[sflag:s18] =	ssyncset.done $0x0  }
0x44: {  	s31 =	sadd.s32 $0x780, s26;
	p0 =	seq.s32 s25, $0x8700;
	[sflag:s18] =	ssyncadd.s32 $0xFFFFC400  }
0x45: {  	[hbm4b:s31+s3] =	stream.linear.scatter [tilespmem:s13], [sflag:$0x5], $0x3C00, $0x38;
	[tilespmem:$0x17200] =	vst v63  }
0x46: {  	s29 =	simm.s32 @!p0 $0x4;
	s30 =	sadd.s32 $0x780, s28  }
0x47: {  	[hbm4b:s30+s3] =	stream.linear.scatter [tilespmem:s14], [sflag:$0x5], $0x3C00, $0x38;
	[tilespmem:$0x17200] =	vst v63  }
0x48: {  	_ =	swait.ge @!p0 [sflag:s29], $0x3C00  }
0x49: {  	[sflag:s29] =	ssyncset.done @!p0 $0x0  }
0x4a: {  	[sflag:s29] =	ssyncadd.s32 @!p0 $0xFFFFC400  }
0x4b: {  	_ =	swait.ge @!p0 [sflag:s29], $0x3C00  }
0x4c: {  	s31 =	simm.s32 @!p0 $0xA00;
	[sflag:s29] =	ssyncset.done @!p0 $0x0  }
0x4d: {  	s30 =	simm.s32 @!p0 $0x78;
	[sflag:s29] =	ssyncadd.s32 @!p0 $0xFFFFC400;
	s29 =	sadd.s32 @!p0 $0xFFFFFF88, s24  }
0x4e: {  	[tilespmem:s31], [sflag:$0x1] =	stream.indirect.gather @!p0 [hbm4b:s2+s30], $0x80, s29, s30, $0xb8;
	[tilespmem:$0x17200] =	vst v63  }
0x4f: {  	s31 =	simm.s32 @!p0 $0xBE00  }
0x50: {  	[tilespmem:s31], [sflag:$0x1] =	stream.indirect.gather @!p0 [hbm4b:s4+s30], $0x80, s29, s30, $0xb8;
	[tilespmem:$0x17200] =	vst v63  }
0x51: {  	_ =	swait.ge [sflag:s19], $0x3C00  }
0x52: {  	[sflag:s19] =	ssyncset.done $0x0  }
0x53: {  	[sflag:s19] =	ssyncadd.s32 $0xFFFFC400  }
0x54: {  	_ =	swait.ge [sflag:s19], $0x3C00  }
.Ltmp2:
0x55: {  	[sflag:s19] =	ssyncset.done $0x0;
	(pc) =	sbr.rel @p0 .LBB2_4-.Ltmp2, $4  }
0x56: {  	s26 =	sadd.s32 $0xF00, s26;
	[sflag:s19] =	ssyncadd.s32 $0xFFFFC400  }
0x57: {  	[hbm4b:s26+s3] =	stream.linear.scatter [tilespmem:s16], [sflag:$0x6], $0x3C00, $0x38;
	[tilespmem:$0x17200] =	vst v63  }
0x58: {  	s31 =	sadd.s32 $0xF00, s28  }
0x59: {  	[hbm4b:s31+s3] =	stream.linear.scatter [tilespmem:s17], [sflag:$0x6], $0x3C00, $0x38;
	[tilespmem:$0x17200] =	vst v63  }
0x5a: {  	_ =	swait.ge [sflag:s21], $0x3C00  }
0x5b: {  	[sflag:s21] =	ssyncset.done $0x0  }
0x5c: {  	[sflag:s21] =	ssyncadd.s32 $0xFFFFC400  }
0x5d: {  	_ =	swait.ge [sflag:s21], $0x3C00  }
0x5e: {  	[sflag:s21] =	ssyncset.done $0x0  }
.Ltmp3:
0x5f: {  	[sflag:s21] =	ssyncadd.s32 $0xFFFFC400;
	(pc) =	sbr.rel .LBB2_2-.Ltmp3, $4  }
0x60: {  	[tilespmem:s13], [sflag:$0x2] =	stream.indirect.gather [hbm4b:s2+s10], $0x80, s24, s10, $0xb8;
	[tilespmem:$0x17200] =	vst v63  }
0x61: {  	_ = 	snop  }
0x62: {  	[tilespmem:s14], [sflag:$0x2] =	stream.indirect.gather [hbm4b:s4+s10], $0x80, s24, s10, $0xb8;
	[tilespmem:$0x17200] =	vst v63  }
0x63: {  	s25 =	sadd.s32 $0x1680, s25;
	s24 =	sadd.s32 $0x168, s24  }
.LBB2_5:
0x64: {  	_ =	sfence.sel $0x180000  }
0x65: {  	[bflag:$0x0] =	sbarrier.arrive $0xFFFF  }
0x66: {  	p0 =	sne.s32 s0, $0x0;
	_ =	strace $0x9000004A  }
0x67: {  	s0 =	sadd.s32 @!p0 $0x100000, s1;
	[bflag:$0x2] =	sbarrier.arrive $0xFFFF  }
0x68: {  	[sflag:s0] =	ssyncadd.tile.s32 @!p0 $0x1;
	_ =	shalt  }
.Lfunc_end2:
_tile_overlayer_lowered:
.L_overlay_start_2:
0x69: {  	(tag) =	ssettag $0x2  }
0x6a: {  	s0 =	rddreg [dreg:$0x0];
	s2 =	stileid.u32  }
0x6b: {  	s1 =	rddreg [dreg:$0x1];
	p0 =	sne.s32 s2, $0x0  }
0x6c: {  	s3 =	rddreg [dreg:$0x2];
	[bflag:$0x3] =	sbarrier.arrive $0xFFFF;
	s2 =	simm.s32 @!p0 $0x1C07  }
0x6d: {  	[timem:s3], [sflag:s2] =	dma.local @!p0 [hbm:s0], s1  }
0x6e: {  	s0 =	simm.s32 @!p0 $0x7  }
0x6f: {  	_ =	swait.ge @!p0 [sflag:s0], s1  }
0x70: {  	s1 =	ssub.s32 @!p0 $0x0, s1;
	[sflag:s0] =	ssyncset.done @!p0 $0x0  }
0x71: {  	[sflag:s0] =	ssyncadd.s32 @!p0 s1  }
0x72: {  	[bflag:$0x3] =	sbarrier.arrive $0xFFFF  }
0x73: {  	_ =	shalt  }

</sc_bundles>
